<compile_context>
chip_gen: v7x
topology: tpu7x:2x2x1
jax: 0.10.2.dev20260603
libtpu: 0.0.44.dev20260713+nightly
codegen_flags: <defaults>
</compile_context>

<pallas_src>
import jax
import jax.numpy as jnp
from jax import lax
from jax.experimental import pallas as pl
from jax.experimental.pallas import tpu as pltpu
from jax.experimental.pallas import tpu_sc as plsc

N = 10000
C = 128
E = 320000
NLAYERS = 3

NC = 2
NS = 16
NW = NC * NS
CHUNK = 128
NCHUNKS = 79
EPW = NCHUNKS * CHUNK
EPAD = NW * EPW
NPAD = 10240
SUBROWS = 640
SINK = 10200



def _adj_body(u_hbm, row_hbm, col_hbm, out_hbm, rowi, coli, buf, acc, g0):
    c = lax.axis_index("c")
    s = lax.axis_index("s")
    wid = c * NS + s

    def zrow(i, _):
        for j in range(C // 16):
            buf[i, pl.ds(j * 16, 16)] = jnp.zeros((16,), jnp.float32)
        return 0

    lax.fori_loop(0, CHUNK, zrow, 0)
    zbase = s * SUBROWS
    for t in range(SUBROWS // CHUNK):
        pltpu.sync_copy(buf, acc.at[pl.ds(zbase + t * CHUNK, CHUNK)])

    pltpu.sync_copy(row_hbm.at[wid], rowi)
    pltpu.sync_copy(col_hbm.at[wid], coli)
    plsc.subcore_barrier()

    def body(j, _):
        pltpu.async_copy(u_hbm.at[rowi.at[j]], buf, g0).wait()
        pltpu.sync_copy(buf, acc.at[coli.at[j]], add=True)
        return 0

    lax.fori_loop(0, NCHUNKS, body, 0)
    plsc.subcore_barrier()

    for t in range(SUBROWS // CHUNK):
        off = zbase + t * CHUNK
        pltpu.sync_copy(acc.at[pl.ds(off, CHUNK)], buf)
        pltpu.sync_copy(buf, out_hbm.at[c, pl.ds(off, CHUNK)])


def _deg_body(row_hbm, out_hbm, rowi, ones, buf, acc):
    c = lax.axis_index("c")
    s = lax.axis_index("s")
    wid = c * NS + s

    for j in range(CHUNK // 16):
        ones[pl.ds(j * 16, 16)] = jnp.ones((16,), jnp.float32)

    def zchunk(i, _):
        buf[pl.ds(i * 16, 16)] = jnp.zeros((16,), jnp.float32)
        return 0

    lax.fori_loop(0, SUBROWS // 16, zchunk, 0)
    pltpu.sync_copy(buf, acc.at[pl.ds(s * SUBROWS, SUBROWS)])

    pltpu.sync_copy(row_hbm.at[wid], rowi)
    plsc.subcore_barrier()

    def body(j, _):
        pltpu.sync_copy(ones, acc.at[rowi.at[j]], add=True)
        return 0

    lax.fori_loop(0, NCHUNKS, body, 0)
    plsc.subcore_barrier()

    pltpu.sync_copy(acc.at[pl.ds(s * SUBROWS, SUBROWS)], buf)
    pltpu.sync_copy(buf, out_hbm.at[c, pl.ds(s * SUBROWS, SUBROWS)])


def _make_sc_kernels():
    mesh = plsc.VectorSubcoreMesh(core_axis_name="c", subcore_axis_name="s",
                                  num_cores=NC, num_subcores=NS)
    adj = pl.kernel(
        _adj_body,
        out_type=jax.ShapeDtypeStruct((NC, NPAD, C), jnp.float32),
        mesh=mesh,
        scratch_types=[
            pltpu.VMEM((NCHUNKS, CHUNK), jnp.int32),
            pltpu.VMEM((NCHUNKS, CHUNK), jnp.int32),
            pltpu.VMEM((CHUNK, C), jnp.float32),
            pltpu.MemorySpace.VMEM_SHARED((NPAD, C), jnp.float32),
            pltpu.SemaphoreType.DMA,
        ],
        name="sc_adj_accumulate",
    )
    deg = pl.kernel(
        _deg_body,
        out_type=jax.ShapeDtypeStruct((NC, NPAD), jnp.float32),
        mesh=mesh,
        scratch_types=[
            pltpu.VMEM((NCHUNKS, CHUNK), jnp.int32),
            pltpu.VMEM((CHUNK,), jnp.float32),
            pltpu.VMEM((SUBROWS,), jnp.float32),
            pltpu.MemorySpace.VMEM_SHARED((NPAD,), jnp.float32),
        ],
        name="sc_degree",
    )
    return adj, deg


_adj, _deg = _make_sc_kernels()



BLK = 2000
GRID = N // BLK
_P = lax.Precision.HIGHEST


def _dis_body(degp_ref, dis_ref):
    deg = degp_ref[0] + degp_ref[1]
    dis = jnp.where(deg > 0, lax.rsqrt(deg), 0.0)
    dis_ref[...] = dis[:N, None]


def _in_body(x_ref, w_ref, b_ref, dis_ref, h_ref, u_ref):
    h = jnp.dot(x_ref[...], w_ref[...], preferred_element_type=jnp.float32,
                precision=_P) + b_ref[...]
    h_ref[...] = h
    u_ref[...] = dis_ref[...] * h


def _mid_body(sp_ref, dis_ref, u_ref):
    dis = dis_ref[...]
    u_ref[...] = -(dis * dis) * (sp_ref[0] + sp_ref[1])


def _comb_body(h_ref, s1_ref, s2_ref, dis_ref, w_ref, b_ref, g_ref, bb_ref,
               hn_ref, un_ref):
    tx0 = h_ref[...]
    dis = dis_ref[...]
    tx1 = -dis * (s1_ref[0] + s1_ref[1])
    tx2 = -2.0 * dis * (s2_ref[0] + s2_ref[1]) - tx0
    w = w_ref[...]
    t = (jnp.dot(tx0, w[0], preferred_element_type=jnp.float32, precision=_P)
         + jnp.dot(tx1, w[1], preferred_element_type=jnp.float32, precision=_P)
         + jnp.dot(tx2, w[2], preferred_element_type=jnp.float32, precision=_P)
         + b_ref[...])
    t = jnp.maximum(t, 0.0) + tx0
    m = jnp.mean(t, axis=-1, keepdims=True)
    v = jnp.mean((t - m) ** 2, axis=-1, keepdims=True)
    hn = (t - m) * lax.rsqrt(v + 1e-5) * g_ref[...] + bb_ref[...]
    hn_ref[...] = hn
    un_ref[...] = dis * hn


def _out_body(h_ref, w_ref, b_ref, y_ref):
    y_ref[...] = jnp.dot(h_ref[...], w_ref[...],
                         preferred_element_type=jnp.float32,
                         precision=_P) + b_ref[...]


_rowblk = pl.BlockSpec((BLK, C), lambda i: (i, 0))
_wblk = pl.BlockSpec((C, C), lambda i: (0, 0))
_bblk = pl.BlockSpec((1, C), lambda i: (0, 0))
_pblk = pl.BlockSpec((2, BLK, C), lambda i: (0, i, 0))
_dblk = pl.BlockSpec((BLK, 1), lambda i: (i, 0))

_dis_call = pl.pallas_call(
    _dis_body,
    grid=(1,),
    in_specs=[pl.BlockSpec((2, NPAD), lambda i: (0, 0))],
    out_specs=[pl.BlockSpec((N, 1), lambda i: (0, 0))],
    out_shape=[jax.ShapeDtypeStruct((N, 1), jnp.float32)],
)

_in_call = pl.pallas_call(
    _in_body,
    grid=(GRID,),
    in_specs=[_rowblk, _wblk, _bblk, _dblk],
    out_specs=[_rowblk, _rowblk],
    out_shape=[jax.ShapeDtypeStruct((N, C), jnp.float32),
               jax.ShapeDtypeStruct((N, C), jnp.float32)],
)

_mid_call = pl.pallas_call(
    _mid_body,
    grid=(GRID,),
    in_specs=[_pblk, _dblk],
    out_specs=[_rowblk],
    out_shape=[jax.ShapeDtypeStruct((N, C), jnp.float32)],
)

_comb_call = pl.pallas_call(
    _comb_body,
    grid=(GRID,),
    in_specs=[_rowblk, _pblk, _pblk, _dblk,
              pl.BlockSpec((3, C, C), lambda i: (0, 0, 0)), _bblk, _bblk, _bblk],
    out_specs=[_rowblk, _rowblk],
    out_shape=[jax.ShapeDtypeStruct((N, C), jnp.float32),
               jax.ShapeDtypeStruct((N, C), jnp.float32)],
)

_out_call = pl.pallas_call(
    _out_body,
    grid=(GRID,),
    in_specs=[_rowblk, _wblk, _bblk],
    out_specs=_rowblk,
    out_shape=jax.ShapeDtypeStruct((N, C), jnp.float32),
)



def kernel(x, edge_index, batch, w_in, b_in, cheb_w, cheb_b, ln_g, ln_b,
           w_out, b_out):
    row = edge_index[0]
    col = edge_index[1]
    pad = EPAD - E
    rowp = jnp.concatenate(
        [row, jnp.zeros((pad,), jnp.int32)]).reshape(NW, NCHUNKS, CHUNK)
    colp = jnp.concatenate(
        [col, jnp.full((pad,), SINK, jnp.int32)]).reshape(NW, NCHUNKS, CHUNK)
    rowd = jnp.concatenate(
        [row, jnp.full((pad,), SINK, jnp.int32)]).reshape(NW, NCHUNKS, CHUNK)

    degp = _deg(rowd)
    (dis,) = _dis_call(degp)
    h, u = _in_call(x, w_in, b_in.reshape(1, C), dis)
    for i in range(NLAYERS):
        s1 = _adj(u, rowp, colp)
        (u1,) = _mid_call(s1, dis)
        s2 = _adj(u1, rowp, colp)
        h, u = _comb_call(h, s1, s2, dis, cheb_w[i], cheb_b[i].reshape(1, C),
                          ln_g[i].reshape(1, C), ln_b[i].reshape(1, C))
    return _out_call(h, w_out, b_out.reshape(1, C))

# --- scband reference (transcript-rebuilt; emitter-appended) ---
"""Pipeline reference for scband-spectral-gnn-53815940218921 (READ-ONLY COPY).

The authoritative reference and input builder live on the scoring server;
editing this copy changes nothing except your own understanding.
"""

import jax, jax.numpy as jnp
import numpy as np

N = 10000
E = 320000
IN_C = 128
HID = 128
OUT_C = 128
NUM_LAYERS = 3
K = 3


def setup_inputs(seed: int = 0) -> dict:
    key = jax.random.key(seed)
    ks = jax.random.split(key, 12)
    x = jax.random.normal(ks[0], (N, IN_C), dtype=jnp.float32)
    edge_index = jax.random.randint(ks[1], (2, E), 0, N, dtype=jnp.int32)
    batch = jnp.zeros((N,), dtype=jnp.int32)
    w_in = jax.random.normal(ks[2], (IN_C, HID), dtype=jnp.float32) * (1.0 / np.sqrt(IN_C))
    b_in = jnp.zeros((HID,), dtype=jnp.float32)
    cheb_w = jax.random.normal(ks[3], (NUM_LAYERS, K, HID, HID), dtype=jnp.float32) * (1.0 / np.sqrt(K * HID))
    cheb_b = jnp.zeros((NUM_LAYERS, HID), dtype=jnp.float32)
    ln_g = jnp.ones((NUM_LAYERS, HID), dtype=jnp.float32)
    ln_b = jnp.zeros((NUM_LAYERS, HID), dtype=jnp.float32)
    w_out = jax.random.normal(ks[4], (HID, OUT_C), dtype=jnp.float32) * (1.0 / np.sqrt(HID))
    b_out = jnp.zeros((OUT_C,), dtype=jnp.float32)
    return {"x": x, "edge_index": edge_index, "batch": batch, "w_in": w_in, "b_in": b_in,
            "cheb_w": cheb_w, "cheb_b": cheb_b, "ln_g": ln_g, "ln_b": ln_b,
            "w_out": w_out, "b_out": b_out}


def _layer_norm(h, g, b):
    m = jnp.mean(h, axis=-1, keepdims=True)
    v = jnp.var(h, axis=-1, keepdims=True)
    return (h - m) / jnp.sqrt(v + 1e-5) * g + b


def _cheb_conv(h, row, col, norm, W, b):
    # ChebConv with sym normalization, lambda_max=2.0 (PyG default assumption):
    # L_hat = (2/lambda_max) * (I - D^-1/2 A D^-1/2) - I = -D^-1/2 A D^-1/2
    def lhat(v):
        return jax.ops.segment_sum(norm[:, None] * jnp.take(v, row, axis=0), col, num_segments=N)
    Tx0 = h
    out = Tx0 @ W[0]
    Tx1 = lhat(Tx0)
    out = out + Tx1 @ W[1]
    for k in range(2, K):
        Tx2 = 2.0 * lhat(Tx1) - Tx0
        out = out + Tx2 @ W[k]
        Tx0, Tx1 = Tx1, Tx2
    return out + b


def reference(x, edge_index, batch, w_in, b_in, cheb_w, cheb_b, ln_g, ln_b, w_out, b_out):
    row = edge_index[0]
    col = edge_index[1]
    ew = jnp.ones((E,), dtype=jnp.float32)
    deg = jax.ops.segment_sum(ew, row, num_segments=N)
    dis = jnp.where(deg > 0, 1.0 / jnp.sqrt(deg), 0.0)
    lambda_max = 2.0
    norm = -(2.0 / lambda_max) * dis[row] * ew * dis[col]
    h = x @ w_in + b_in
    for i in range(NUM_LAYERS):
        identity = h
        h = _cheb_conv(h, row, col, norm, cheb_w[i], cheb_b[i])
        h = jax.nn.relu(h)
        # dropout is identity in eval mode
        h = h + identity
        h = _layer_norm(h, ln_g[i], ln_b[i])
    return h @ w_out + b_out

if __name__ == "__main__":
    import jax
    _d = setup_inputs()
    print(jax.jit(kernel)(*tuple(_d.values())))

</pallas_src>

<mosaic_0001>
#map = affine_map<(d0, d1) -> (0, 0, 0)>
#map1 = affine_map<(d0, d1) -> (0, 0)>
module attributes {stable_mosaic.version = 14 : i64} {
  func.func @sc_degree(%arg0: i32, %arg1: i32, %arg2: memref<32x79x128xi32, #tpu.memory_space<hbm>>, %arg3: memref<2x10240xf32, #tpu.memory_space<hbm>>, %arg4: memref<79x128xi32, #tpu.memory_space<vmem>>, %arg5: memref<128xf32, #tpu.memory_space<vmem>>, %arg6: memref<640xf32, #tpu.memory_space<vmem>>, %arg7: memref<10240xf32, #tpu.memory_space<vmem_shared>>) attributes {dimension_semantics = [#tpu.dimension_semantics<core_parallel>, #tpu.dimension_semantics<subcore_parallel>], iteration_bounds = array<i64: 2, 16>, scalar_prefetch = 0 : i64, scratch_operands = 4 : i64, tpu.core_type = #tpu.core_type<sc_vector_subcore>, window_params = [{transform_indices = #map}, {transform_indices = #map1}]} {
    %mul3A = arith.constant 16 : i32
    %mul3A_0 = arith.muli %arg0, %mul3A : i32
    %add3A = arith.addi %mul3A_0, %arg1 : i32
    %broadcast_in_dim3A = arith.constant 1.000000e+00 : f32
    %broadcast_in_dim3A_1 = vector.broadcast %broadcast_in_dim3A : f32 to vector<16xf32>
    %swap3A = arith.constant 0 : index
    %swap3A_2 = tpu.vector_load %arg5[%swap3A] {strides = array<i32>} : memref<128xf32, #tpu.memory_space<vmem>>, vector<16xf32>,
    %swap3A_3 = vector.shape_cast %swap3A_2 : vector<16xf32> to vector<16xf32>
    %swap3A_4 = vector.shape_cast %broadcast_in_dim3A_1 : vector<16xf32> to vector<16xf32>
    tpu.vector_store %arg5[%swap3A], %swap3A_4 {strides = array<i32>} : memref<128xf32, #tpu.memory_space<vmem>>, vector<16xf32>,
    %broadcast_in_dim3A_5 = arith.constant 1.000000e+00 : f32
    %broadcast_in_dim3A_6 = vector.broadcast %broadcast_in_dim3A_5 : f32 to vector<16xf32>
    %swap3A_7 = arith.constant 16 : index
    %swap3A_8 = tpu.vector_load %arg5[%swap3A_7] {strides = array<i32>} : memref<128xf32, #tpu.memory_space<vmem>>, vector<16xf32>,
    %swap3A_9 = vector.shape_cast %swap3A_8 : vector<16xf32> to vector<16xf32>
    %swap3A_10 = vector.shape_cast %broadcast_in_dim3A_6 : vector<16xf32> to vector<16xf32>
    tpu.vector_store %arg5[%swap3A_7], %swap3A_10 {strides = array<i32>} : memref<128xf32, #tpu.memory_space<vmem>>, vector<16xf32>,
    %broadcast_in_dim3A_11 = arith.constant 1.000000e+00 : f32
    %broadcast_in_dim3A_12 = vector.broadcast %broadcast_in_dim3A_11 : f32 to vector<16xf32>
    %swap3A_13 = arith.constant 32 : index
    %swap3A_14 = tpu.vector_load %arg5[%swap3A_13] {strides = array<i32>} : memref<128xf32, #tpu.memory_space<vmem>>, vector<16xf32>,
    %swap3A_15 = vector.shape_cast %swap3A_14 : vector<16xf32> to vector<16xf32>
    %swap3A_16 = vector.shape_cast %broadcast_in_dim3A_12 : vector<16xf32> to vector<16xf32>
    tpu.vector_store %arg5[%swap3A_13], %swap3A_16 {strides = array<i32>} : memref<128xf32, #tpu.memory_space<vmem>>, vector<16xf32>,
    %broadcast_in_dim3A_17 = arith.constant 1.000000e+00 : f32
    %broadcast_in_dim3A_18 = vector.broadcast %broadcast_in_dim3A_17 : f32 to vector<16xf32>
    %swap3A_19 = arith.constant 48 : index
    %swap3A_20 = tpu.vector_load %arg5[%swap3A_19] {strides = array<i32>} : memref<128xf32, #tpu.memory_space<vmem>>, vector<16xf32>,
    %swap3A_21 = vector.shape_cast %swap3A_20 : vector<16xf32> to vector<16xf32>
    %swap3A_22 = vector.shape_cast %broadcast_in_dim3A_18 : vector<16xf32> to vector<16xf32>
    tpu.vector_store %arg5[%swap3A_19], %swap3A_22 {strides = array<i32>} : memref<128xf32, #tpu.memory_space<vmem>>, vector<16xf32>,
    %broadcast_in_dim3A_23 = arith.constant 1.000000e+00 : f32
    %broadcast_in_dim3A_24 = vector.broadcast %broadcast_in_dim3A_23 : f32 to vector<16xf32>
    %swap3A_25 = arith.constant 64 : index
    %swap3A_26 = tpu.vector_load %arg5[%swap3A_25] {strides = array<i32>} : memref<128xf32, #tpu.memory_space<vmem>>, vector<16xf32>,
    %swap3A_27 = vector.shape_cast %swap3A_26 : vector<16xf32> to vector<16xf32>
    %swap3A_28 = vector.shape_cast %broadcast_in_dim3A_24 : vector<16xf32> to vector<16xf32>
    tpu.vector_store %arg5[%swap3A_25], %swap3A_28 {strides = array<i32>} : memref<128xf32, #tpu.memory_space<vmem>>, vector<16xf32>,
    %broadcast_in_dim3A_29 = arith.constant 1.000000e+00 : f32
    %broadcast_in_dim3A_30 = vector.broadcast %broadcast_in_dim3A_29 : f32 to vector<16xf32>
    %swap3A_31 = arith.constant 80 : index
    %swap3A_32 = tpu.vector_load %arg5[%swap3A_31] {strides = array<i32>} : memref<128xf32, #tpu.memory_space<vmem>>, vector<16xf32>,
    %swap3A_33 = vector.shape_cast %swap3A_32 : vector<16xf32> to vector<16xf32>
    %swap3A_34 = vector.shape_cast %broadcast_in_dim3A_30 : vector<16xf32> to vector<16xf32>
    tpu.vector_store %arg5[%swap3A_31], %swap3A_34 {strides = array<i32>} : memref<128xf32, #tpu.memory_space<vmem>>, vector<16xf32>,
    %broadcast_in_dim3A_35 = arith.constant 1.000000e+00 : f32
    %broadcast_in_dim3A_36 = vector.broadcast %broadcast_in_dim3A_35 : f32 to vector<16xf32>
    %swap3A_37 = arith.constant 96 : index
    %swap3A_38 = tpu.vector_load %arg5[%swap3A_37] {strides = array<i32>} : memref<128xf32, #tpu.memory_space<vmem>>, vector<16xf32>,
    %swap3A_39 = vector.shape_cast %swap3A_38 : vector<16xf32> to vector<16xf32>
    %swap3A_40 = vector.shape_cast %broadcast_in_dim3A_36 : vector<16xf32> to vector<16xf32>
    tpu.vector_store %arg5[%swap3A_37], %swap3A_40 {strides = array<i32>} : memref<128xf32, #tpu.memory_space<vmem>>, vector<16xf32>,
    %broadcast_in_dim3A_41 = arith.constant 1.000000e+00 : f32
    %broadcast_in_dim3A_42 = vector.broadcast %broadcast_in_dim3A_41 : f32 to vector<16xf32>
    %swap3A_43 = arith.constant 112 : index
    %swap3A_44 = tpu.vector_load %arg5[%swap3A_43] {strides = array<i32>} : memref<128xf32, #tpu.memory_space<vmem>>, vector<16xf32>,
    %swap3A_45 = vector.shape_cast %swap3A_44 : vector<16xf32> to vector<16xf32>
    %swap3A_46 = vector.shape_cast %broadcast_in_dim3A_42 : vector<16xf32> to vector<16xf32>
    tpu.vector_store %arg5[%swap3A_43], %swap3A_46 {strides = array<i32>} : memref<128xf32, #tpu.memory_space<vmem>>, vector<16xf32>,
    %scan3A = arith.constant 0 : i32
    %scan3A_47 = arith.constant 0 : i32
    %scan3A_48 = arith.constant 40 : i32
    %scan3A_49 = arith.addi %scan3A_47, %scan3A_48 : i32
    %scan3A_50 = arith.constant 1 : i32
    %scan3A_51 = scf.for %scan3A_67 = %scan3A_47 to %scan3A_49 step %scan3A_50 iter_args(%scan3A_68 = %scan3A) -> (i32)  : i32 {
      %broadcast_in_dim3A_69 = arith.constant 0.000000e+00 : f32
      %broadcast_in_dim3A_70 = vector.broadcast %broadcast_in_dim3A_69 : f32 to vector<16xf32>
      %mul3A_71 = arith.constant 16 : i32
      %mul3A_72 = arith.muli %scan3A_67, %mul3A_71 : i32
      %swap3A_73 = arith.index_cast %mul3A_72 : i32 to index
      %swap3A_74 = tpu.vector_load %arg6[%swap3A_73] {strides = array<i32>} : memref<640xf32, #tpu.memory_space<vmem>>, vector<16xf32>,
      %swap3A_75 = vector.shape_cast %swap3A_74 : vector<16xf32> to vector<16xf32>
      %swap3A_76 = vector.shape_cast %broadcast_in_dim3A_70 : vector<16xf32> to vector<16xf32>
      tpu.vector_store %arg6[%swap3A_73], %swap3A_76 {strides = array<i32>} : memref<640xf32, #tpu.memory_space<vmem>>, vector<16xf32>,
      %scan3A_77 = arith.constant 0 : i32
      scf.yield %scan3A_77 : i32
    }
    %scan3A_52 = arith.constant 40 : i32
    %mul3A_53 = arith.constant 640 : i32
    %mul3A_54 = arith.muli %arg1, %mul3A_53 : i32
    "tpu.region"() ({
      %run_scoped3A = tpu.sem_alloc : memref<!tpu.dma_semaphore, #tpu.memory_space<semaphore_mem>>
      %dma_start3A = tpu.memref_slice %arg7[%mul3A_54] : memref<10240xf32, #tpu.memory_space<vmem_shared>> -> memref<640xf32, #tpu.memory_space<vmem_shared>>
      %dma_start3A_67 = tpu.memref_slice %arg7[%mul3A_54] : memref<10240xf32, #tpu.memory_space<vmem_shared>> -> memref<640xf32, #tpu.memory_space<vmem_shared>>
      tpu.enqueue_dma source(%arg6 : memref<640xf32, #tpu.memory_space<vmem>>) target(%dma_start3A_67 : memref<640xf32, #tpu.memory_space<vmem_shared>>) target_semaphore(%run_scoped3A : memref<!tpu.dma_semaphore, #tpu.memory_space<semaphore_mem>>)
      %dma_wait3A = tpu.memref_slice %arg7[%mul3A_54] : memref<10240xf32, #tpu.memory_space<vmem_shared>> -> memref<640xf32, #tpu.memory_space<vmem_shared>>
      %dma_wait3A_68 = tpu.memref_slice %arg7[%mul3A_54] : memref<10240xf32, #tpu.memory_space<vmem_shared>> -> memref<640xf32, #tpu.memory_space<vmem_shared>>
      tpu.wait_dma2 semaphore(%run_scoped3A : memref<!tpu.dma_semaphore, #tpu.memory_space<semaphore_mem>>) src(%arg6 : memref<640xf32, #tpu.memory_space<vmem>>) dst(%dma_wait3A_68 : memref<640xf32, #tpu.memory_space<vmem_shared>>)
      tpu.yield
    }) : () -> ()
    "tpu.region"() ({
      %run_scoped3A = tpu.sem_alloc : memref<!tpu.dma_semaphore, #tpu.memory_space<semaphore_mem>>
      %dma_start3A = arith.constant 0 : i32
      %dma_start3A_67 = arith.constant 0 : i32
      %dma_start3A_68 = tpu.memref_slice %arg2[%add3A, %dma_start3A, %dma_start3A_67] : memref<32x79x128xi32, #tpu.memory_space<hbm>> -> memref<1x79x128xi32, #tpu.memory_space<hbm>>
      %dma_start3A_69 = tpu.memref_squeeze %dma_start3A_68 : memref<1x79x128xi32, #tpu.memory_space<hbm>> -> memref<79x128xi32, #tpu.memory_space<hbm>>
      %dma_start3A_70 = arith.constant 0 : i32
      %dma_start3A_71 = arith.constant 0 : i32
      %dma_start3A_72 = tpu.memref_slice %arg2[%add3A, %dma_start3A_70, %dma_start3A_71] : memref<32x79x128xi32, #tpu.memory_space<hbm>> -> memref<1x79x128xi32, #tpu.memory_space<hbm>>
      %dma_start3A_73 = tpu.memref_squeeze %dma_start3A_72 : memref<1x79x128xi32, #tpu.memory_space<hbm>> -> memref<79x128xi32, #tpu.memory_space<hbm>>
      tpu.enqueue_dma source(%dma_start3A_73 : memref<79x128xi32, #tpu.memory_space<hbm>>) target(%arg4 : memref<79x128xi32, #tpu.memory_space<vmem>>) target_semaphore(%run_scoped3A : memref<!tpu.dma_semaphore, #tpu.memory_space<semaphore_mem>>)
      %dma_wait3A = arith.constant 0 : i32
      %dma_wait3A_74 = arith.constant 0 : i32
      %dma_wait3A_75 = tpu.memref_slice %arg2[%add3A, %dma_wait3A, %dma_wait3A_74] : memref<32x79x128xi32, #tpu.memory_space<hbm>> -> memref<1x79x128xi32, #tpu.memory_space<hbm>>
      %dma_wait3A_76 = tpu.memref_squeeze %dma_wait3A_75 : memref<1x79x128xi32, #tpu.memory_space<hbm>> -> memref<79x128xi32, #tpu.memory_space<hbm>>
      %dma_wait3A_77 = arith.constant 0 : i32
      %dma_wait3A_78 = arith.constant 0 : i32
      %dma_wait3A_79 = tpu.memref_slice %arg2[%add3A, %dma_wait3A_77, %dma_wait3A_78] : memref<32x79x128xi32, #tpu.memory_space<hbm>> -> memref<1x79x128xi32, #tpu.memory_space<hbm>>
      %dma_wait3A_80 = tpu.memref_squeeze %dma_wait3A_79 : memref<1x79x128xi32, #tpu.memory_space<hbm>> -> memref<79x128xi32, #tpu.memory_space<hbm>>
      tpu.wait_dma2 semaphore(%run_scoped3A : memref<!tpu.dma_semaphore, #tpu.memory_space<semaphore_mem>>) src(%dma_wait3A_80 : memref<79x128xi32, #tpu.memory_space<hbm>>) dst(%arg4 : memref<79x128xi32, #tpu.memory_space<vmem>>)
      tpu.yield
    }) : () -> ()
    %barrier3A = arith.constant 0 : index
    tpu.barrier barrier_id(%barrier3A)
    %scan3A_55 = arith.constant 0 : i32
    %scan3A_56 = arith.constant 0 : i32
    %scan3A_57 = arith.constant 79 : i32
    %scan3A_58 = arith.addi %scan3A_56, %scan3A_57 : i32
    %scan3A_59 = arith.constant 1 : i32
    %scan3A_60 = scf.for %scan3A_67 = %scan3A_56 to %scan3A_58 step %scan3A_59 iter_args(%scan3A_68 = %scan3A_55) -> (i32)  : i32 {
      "tpu.region"() ({
        %run_scoped3A = tpu.sem_alloc : memref<!tpu.dma_semaphore, #tpu.memory_space<semaphore_mem>>
        %dma_start3A = arith.constant 0 : i32
        %dma_start3A_70 = tpu.memref_slice %arg4[%scan3A_67, %dma_start3A] : memref<79x128xi32, #tpu.memory_space<vmem>> -> memref<1x128xi32, #tpu.memory_space<vmem>>
        %dma_start3A_71 = tpu.memref_squeeze %dma_start3A_70 : memref<1x128xi32, #tpu.memory_space<vmem>> -> memref<128xi32, #tpu.memory_space<vmem>>
        %dma_start3A_72 = arith.constant 0 : i32
        %dma_start3A_73 = tpu.memref_slice %arg7[%dma_start3A_72] : memref<10240xf32, #tpu.memory_space<vmem_shared>> -> memref<10240xf32, #tpu.memory_space<vmem_shared>>
        tpu.enqueue_indirect_dma source(%arg5 : memref<128xf32, #tpu.memory_space<vmem>>) target(%dma_start3A_73 : memref<10240xf32, #tpu.memory_space<vmem_shared>>) offsets(%dma_start3A_71 : memref<128xi32, #tpu.memory_space<vmem>>) semaphore(%run_scoped3A : memref<!tpu.dma_semaphore, #tpu.memory_space<semaphore_mem>>) {add = true}
        %dma_wait3A = arith.constant 0 : i32
        %dma_wait3A_74 = tpu.memref_slice %arg4[%scan3A_67, %dma_wait3A] : memref<79x128xi32, #tpu.memory_space<vmem>> -> memref<1x128xi32, #tpu.memory_space<vmem>>
        %dma_wait3A_75 = tpu.memref_squeeze %dma_wait3A_74 : memref<1x128xi32, #tpu.memory_space<vmem>> -> memref<128xi32, #tpu.memory_space<vmem>>
        %dma_wait3A_76 = arith.constant 0 : i32
        %dma_wait3A_77 = tpu.memref_slice %arg7[%dma_wait3A_76] : memref<10240xf32, #tpu.memory_space<vmem_shared>> -> memref<10240xf32, #tpu.memory_space<vmem_shared>>
        tpu.wait_indirect_dma semaphore(%run_scoped3A : memref<!tpu.dma_semaphore, #tpu.memory_space<semaphore_mem>>) src(%arg5 : memref<128xf32, #tpu.memory_space<vmem>>) dst(%dma_wait3A_77 : memref<10240xf32, #tpu.memory_space<vmem_shared>>)
        tpu.yield
      }) : () -> ()
      %scan3A_69 = arith.constant 0 : i32
      scf.yield %scan3A_69 : i32
    }
    %scan3A_61 = arith.constant 79 : i32
    %barrier3A_62 = arith.constant 0 : index
    tpu.barrier barrier_id(%barrier3A_62)
    %mul3A_63 = arith.constant 640 : i32
    %mul3A_64 = arith.muli %arg1, %mul3A_63 : i32
    "tpu.region"() ({
      %run_scoped3A = tpu.sem_alloc : memref<!tpu.dma_semaphore, #tpu.memory_space<semaphore_mem>>
      %dma_start3A = tpu.memref_slice %arg7[%mul3A_64] : memref<10240xf32, #tpu.memory_space<vmem_shared>> -> memref<640xf32, #tpu.memory_space<vmem_shared>>
      %dma_start3A_67 = tpu.memref_slice %arg7[%mul3A_64] : memref<10240xf32, #tpu.memory_space<vmem_shared>> -> memref<640xf32, #tpu.memory_space<vmem_shared>>
      tpu.enqueue_dma source(%dma_start3A_67 : memref<640xf32, #tpu.memory_space<vmem_shared>>) target(%arg6 : memref<640xf32, #tpu.memory_space<vmem>>) target_semaphore(%run_scoped3A : memref<!tpu.dma_semaphore, #tpu.memory_space<semaphore_mem>>)
      %dma_wait3A = tpu.memref_slice %arg7[%mul3A_64] : memref<10240xf32, #tpu.memory_space<vmem_shared>> -> memref<640xf32, #tpu.memory_space<vmem_shared>>
      %dma_wait3A_68 = tpu.memref_slice %arg7[%mul3A_64] : memref<10240xf32, #tpu.memory_space<vmem_shared>> -> memref<640xf32, #tpu.memory_space<vmem_shared>>
      tpu.wait_dma2 semaphore(%run_scoped3A : memref<!tpu.dma_semaphore, #tpu.memory_space<semaphore_mem>>) src(%dma_wait3A_68 : memref<640xf32, #tpu.memory_space<vmem_shared>>) dst(%arg6 : memref<640xf32, #tpu.memory_space<vmem>>)
      tpu.yield
    }) : () -> ()
    %mul3A_65 = arith.constant 640 : i32
    %mul3A_66 = arith.muli %arg1, %mul3A_65 : i32
    "tpu.region"() ({
      %run_scoped3A = tpu.sem_alloc : memref<!tpu.dma_semaphore, #tpu.memory_space<semaphore_mem>>
      %dma_start3A = tpu.memref_slice %arg3[%arg0, %mul3A_66] : memref<2x10240xf32, #tpu.memory_space<hbm>> -> memref<1x640xf32, #tpu.memory_space<hbm>>
      %dma_start3A_67 = tpu.memref_squeeze %dma_start3A : memref<1x640xf32, #tpu.memory_space<hbm>> -> memref<640xf32, #tpu.memory_space<hbm>>
      %dma_start3A_68 = tpu.memref_slice %arg3[%arg0, %mul3A_66] : memref<2x10240xf32, #tpu.memory_space<hbm>> -> memref<1x640xf32, #tpu.memory_space<hbm>>
      %dma_start3A_69 = tpu.memref_squeeze %dma_start3A_68 : memref<1x640xf32, #tpu.memory_space<hbm>> -> memref<640xf32, #tpu.memory_space<hbm>>
      tpu.enqueue_dma source(%arg6 : memref<640xf32, #tpu.memory_space<vmem>>) target(%dma_start3A_69 : memref<640xf32, #tpu.memory_space<hbm>>) target_semaphore(%run_scoped3A : memref<!tpu.dma_semaphore, #tpu.memory_space<semaphore_mem>>)
      %dma_wait3A = tpu.memref_slice %arg3[%arg0, %mul3A_66] : memref<2x10240xf32, #tpu.memory_space<hbm>> -> memref<1x640xf32, #tpu.memory_space<hbm>>
      %dma_wait3A_70 = tpu.memref_squeeze %dma_wait3A : memref<1x640xf32, #tpu.memory_space<hbm>> -> memref<640xf32, #tpu.memory_space<hbm>>
      %dma_wait3A_71 = tpu.memref_slice %arg3[%arg0, %mul3A_66] : memref<2x10240xf32, #tpu.memory_space<hbm>> -> memref<1x640xf32, #tpu.memory_space<hbm>>
      %dma_wait3A_72 = tpu.memref_squeeze %dma_wait3A_71 : memref<1x640xf32, #tpu.memory_space<hbm>> -> memref<640xf32, #tpu.memory_space<hbm>>
      tpu.wait_dma2 semaphore(%run_scoped3A : memref<!tpu.dma_semaphore, #tpu.memory_space<semaphore_mem>>) src(%arg6 : memref<640xf32, #tpu.memory_space<vmem>>) dst(%dma_wait3A_72 : memref<640xf32, #tpu.memory_space<hbm>>)
      tpu.yield
    }) : () -> ()
    return
  }
}

#map = affine_map<(d0, d1) -> (0, 0)>
#map1 = affine_map<(d0, d1) -> (0, 0, 0)>
module attributes {stable_mosaic.version = 14 : i64} {
  func.func @sc_adj_accumulate(%arg0: i32, %arg1: i32, %arg2: memref<10000x128xf32, #tpu.memory_space<hbm>>, %arg3: memref<32x79x128xi32, #tpu.memory_space<hbm>>, %arg4: memref<32x79x128xi32, #tpu.memory_space<hbm>>, %arg5: memref<2x10240x128xf32, #tpu.memory_space<hbm>>, %arg6: memref<79x128xi32, #tpu.memory_space<vmem>>, %arg7: memref<79x128xi32, #tpu.memory_space<vmem>>, %arg8: memref<128x128xf32, #tpu.memory_space<vmem>>, %arg9: memref<10240x128xf32, #tpu.memory_space<vmem_shared>>, %arg10: memref<!tpu.dma_semaphore, #tpu.memory_space<semaphore_mem>>) attributes {dimension_semantics = [#tpu.dimension_semantics<core_parallel>, #tpu.dimension_semantics<subcore_parallel>], iteration_bounds = array<i64: 2, 16>, scalar_prefetch = 0 : i64, scratch_operands = 5 : i64, tpu.core_type = #tpu.core_type<sc_vector_subcore>, window_params = [{transform_indices = #map}, {transform_indices = #map1}, {transform_indices = #map1}, {transform_indices = #map1}]} {
    %mul3A = arith.constant 16 : i32
    %mul3A_0 = arith.muli %arg0, %mul3A : i32
    %add3A = arith.addi %mul3A_0, %arg1 : i32
    %scan3A = arith.constant 0 : i32
    %scan3A_1 = arith.constant 0 : i32
    %scan3A_2 = arith.constant 128 : i32
    %scan3A_3 = arith.addi %scan3A_1, %scan3A_2 : i32
    %scan3A_4 = arith.constant 1 : i32
    %scan3A_5 = scf.for %scan3A_37 = %scan3A_1 to %scan3A_3 step %scan3A_4 iter_args(%scan3A_38 = %scan3A) -> (i32)  : i32 {
      %broadcast_in_dim3A = arith.constant 0.000000e+00 : f32
      %broadcast_in_dim3A_39 = vector.broadcast %broadcast_in_dim3A : f32 to vector<16xf32>
      %swap3A = arith.index_cast %scan3A_37 : i32 to index
      %swap3A_40 = arith.constant 0 : index
      %swap3A_41 = tpu.vector_load %arg8[%swap3A, %swap3A_40] {strides = array<i32>} : memref<128x128xf32, #tpu.memory_space<vmem>>, vector<1x16xf32>,
      %swap3A_42 = vector.shape_cast %swap3A_41 : vector<1x16xf32> to vector<16xf32>
      %swap3A_43 = vector.shape_cast %broadcast_in_dim3A_39 : vector<16xf32> to vector<1x16xf32>
      tpu.vector_store %arg8[%swap3A, %swap3A_40], %swap3A_43 {strides = array<i32>} : memref<128x128xf32, #tpu.memory_space<vmem>>, vector<1x16xf32>,
      %broadcast_in_dim3A_44 = arith.constant 0.000000e+00 : f32
      %broadcast_in_dim3A_45 = vector.broadcast %broadcast_in_dim3A_44 : f32 to vector<16xf32>
      %swap3A_46 = arith.index_cast %scan3A_37 : i32 to index
      %swap3A_47 = arith.constant 16 : index
      %swap3A_48 = tpu.vector_load %arg8[%swap3A_46, %swap3A_47] {strides = array<i32>} : memref<128x128xf32, #tpu.memory_space<vmem>>, vector<1x16xf32>,
      %swap3A_49 = vector.shape_cast %swap3A_48 : vector<1x16xf32> to vector<16xf32>
      %swap3A_50 = vector.shape_cast %broadcast_in_dim3A_45 : vector<16xf32> to vector<1x16xf32>
      tpu.vector_store %arg8[%swap3A_46, %swap3A_47], %swap3A_50 {strides = array<i32>} : memref<128x128xf32, #tpu.memory_space<vmem>>, vector<1x16xf32>,
      %broadcast_in_dim3A_51 = arith.constant 0.000000e+00 : f32
      %broadcast_in_dim3A_52 = vector.broadcast %broadcast_in_dim3A_51 : f32 to vector<16xf32>
      %swap3A_53 = arith.index_cast %scan3A_37 : i32 to index
      %swap3A_54 = arith.constant 32 : index
      %swap3A_55 = tpu.vector_load %arg8[%swap3A_53, %swap3A_54] {strides = array<i32>} : memref<128x128xf32, #tpu.memory_space<vmem>>, vector<1x16xf32>,
      %swap3A_56 = vector.shape_cast %swap3A_55 : vector<1x16xf32> to vector<16xf32>
      %swap3A_57 = vector.shape_cast %broadcast_in_dim3A_52 : vector<16xf32> to vector<1x16xf32>
      tpu.vector_store %arg8[%swap3A_53, %swap3A_54], %swap3A_57 {strides = array<i32>} : memref<128x128xf32, #tpu.memory_space<vmem>>, vector<1x16xf32>,
      %broadcast_in_dim3A_58 = arith.constant 0.000000e+00 : f32
      %broadcast_in_dim3A_59 = vector.broadcast %broadcast_in_dim3A_58 : f32 to vector<16xf32>
      %swap3A_60 = arith.index_cast %scan3A_37 : i32 to index
      %swap3A_61 = arith.constant 48 : index
      %swap3A_62 = tpu.vector_load %arg8[%swap3A_60, %swap3A_61] {strides = array<i32>} : memref<128x128xf32, #tpu.memory_space<vmem>>, vector<1x16xf32>,
      %swap3A_63 = vector.shape_cast %swap3A_62 : vector<1x16xf32> to vector<16xf32>
      %swap3A_64 = vector.shape_cast %broadcast_in_dim3A_59 : vector<16xf32> to vector<1x16xf32>
      tpu.vector_store %arg8[%swap3A_60, %swap3A_61], %swap3A_64 {strides = array<i32>} : memref<128x128xf32, #tpu.memory_space<vmem>>, vector<1x16xf32>,
      %broadcast_in_dim3A_65 = arith.constant 0.000000e+00 : f32
      %broadcast_in_dim3A_66 = vector.broadcast %broadcast_in_dim3A_65 : f32 to vector<16xf32>
      %swap3A_67 = arith.index_cast %scan3A_37 : i32 to index
      %swap3A_68 = arith.constant 64 : index
      %swap3A_69 = tpu.vector_load %arg8[%swap3A_67, %swap3A_68] {strides = array<i32>} : memref<128x128xf32, #tpu.memory_space<vmem>>, vector<1x16xf32>,
      %swap3A_70 = vector.shape_cast %swap3A_69 : vector<1x16xf32> to vector<16xf32>
      %swap3A_71 = vector.shape_cast %broadcast_in_dim3A_66 : vector<16xf32> to vector<1x16xf32>
      tpu.vector_store %arg8[%swap3A_67, %swap3A_68], %swap3A_71 {strides = array<i32>} : memref<128x128xf32, #tpu.memory_space<vmem>>, vector<1x16xf32>,
      %broadcast_in_dim3A_72 = arith.constant 0.000000e+00 : f32
      %broadcast_in_dim3A_73 = vector.broadcast %broadcast_in_dim3A_72 : f32 to vector<16xf32>
      %swap3A_74 = arith.index_cast %scan3A_37 : i32 to index
      %swap3A_75 = arith.constant 80 : index
      %swap3A_76 = tpu.vector_load %arg8[%swap3A_74, %swap3A_75] {strides = array<i32>} : memref<128x128xf32, #tpu.memory_space<vmem>>, vector<1x16xf32>,
      %swap3A_77 = vector.shape_cast %swap3A_76 : vector<1x16xf32> to vector<16xf32>
      %swap3A_78 = vector.shape_cast %broadcast_in_dim3A_73 : vector<16xf32> to vector<1x16xf32>
      tpu.vector_store %arg8[%swap3A_74, %swap3A_75], %swap3A_78 {strides = array<i32>} : memref<128x128xf32, #tpu.memory_space<vmem>>, vector<1x16xf32>,
      %broadcast_in_dim3A_79 = arith.constant 0.000000e+00 : f32
      %broadcast_in_dim3A_80 = vector.broadcast %broadcast_in_dim3A_79 : f32 to vector<16xf32>
      %swap3A_81 = arith.index_cast %scan3A_37 : i32 to index
      %swap3A_82 = arith.constant 96 : index
      %swap3A_83 = tpu.vector_load %arg8[%swap3A_81, %swap3A_82] {strides = array<i32>} : memref<128x128xf32, #tpu.memory_space<vmem>>, vector<1x16xf32>,
      %swap3A_84 = vector.shape_cast %swap3A_83 : vector<1x16xf32> to vector<16xf32>
      %swap3A_85 = vector.shape_cast %broadcast_in_dim3A_80 : vector<16xf32> to vector<1x16xf32>
      tpu.vector_store %arg8[%swap3A_81, %swap3A_82], %swap3A_85 {strides = array<i32>} : memref<128x128xf32, #tpu.memory_space<vmem>>, vector<1x16xf32>,
      %broadcast_in_dim3A_86 = arith.constant 0.000000e+00 : f32
      %broadcast_in_dim3A_87 = vector.broadcast %broadcast_in_dim3A_86 : f32 to vector<16xf32>
      %swap3A_88 = arith.index_cast %scan3A_37 : i32 to index
      %swap3A_89 = arith.constant 112 : index
      %swap3A_90 = tpu.vector_load %arg8[%swap3A_88, %swap3A_89] {strides = array<i32>} : memref<128x128xf32, #tpu.memory_space<vmem>>, vector<1x16xf32>,
      %swap3A_91 = vector.shape_cast %swap3A_90 : vector<1x16xf32> to vector<16xf32>
      %swap3A_92 = vector.shape_cast %broadcast_in_dim3A_87 : vector<16xf32> to vector<1x16xf32>
      tpu.vector_store %arg8[%swap3A_88, %swap3A_89], %swap3A_92 {strides = array<i32>} : memref<128x128xf32, #tpu.memory_space<vmem>>, vector<1x16xf32>,
      %scan3A_93 = arith.constant 0 : i32
      scf.yield %scan3A_93 : i32
    }
    %scan3A_6 = arith.constant 128 : i32
    %mul3A_7 = arith.constant 640 : i32
    %mul3A_8 = arith.muli %arg1, %mul3A_7 : i32
    %add3A_9 = arith.constant 0 : i32
    %add3A_10 = arith.addi %mul3A_8, %add3A_9 : i32
    "tpu.region"() ({
      %run_scoped3A = tpu.sem_alloc : memref<!tpu.dma_semaphore, #tpu.memory_space<semaphore_mem>>
      %dma_start3A = arith.constant 0 : i32
      %dma_start3A_37 = tpu.memref_slice %arg9[%add3A_10, %dma_start3A] : memref<10240x128xf32, #tpu.memory_space<vmem_shared>> -> memref<128x128xf32, #tpu.memory_space<vmem_shared>>
      %dma_start3A_38 = arith.constant 0 : i32
      %dma_start3A_39 = tpu.memref_slice %arg9[%add3A_10, %dma_start3A_38] : memref<10240x128xf32, #tpu.memory_space<vmem_shared>> -> memref<128x128xf32, #tpu.memory_space<vmem_shared>>
      tpu.enqueue_dma source(%arg8 : memref<128x128xf32, #tpu.memory_space<vmem>>) target(%dma_start3A_39 : memref<128x128xf32, #tpu.memory_space<vmem_shared>>) target_semaphore(%run_scoped3A : memref<!tpu.dma_semaphore, #tpu.memory_space<semaphore_mem>>)
      %dma_wait3A = arith.constant 0 : i32
      %dma_wait3A_40 = tpu.memref_slice %arg9[%add3A_10, %dma_wait3A] : memref<10240x128xf32, #tpu.memory_space<vmem_shared>> -> memref<128x128xf32, #tpu.memory_space<vmem_shared>>
      %dma_wait3A_41 = arith.constant 0 : i32
      %dma_wait3A_42 = tpu.memref_slice %arg9[%add3A_10, %dma_wait3A_41] : memref<10240x128xf32, #tpu.memory_space<vmem_shared>> -> memref<128x128xf32, #tpu.memory_space<vmem_shared>>
      tpu.wait_dma2 semaphore(%run_scoped3A : memref<!tpu.dma_semaphore, #tpu.memory_space<semaphore_mem>>) src(%arg8 : memref<128x128xf32, #tpu.memory_space<vmem>>) dst(%dma_wait3A_42 : memref<128x128xf32, #tpu.memory_space<vmem_shared>>)
      tpu.yield
    }) : () -> ()
    %add3A_11 = arith.constant 128 : i32
    %add3A_12 = arith.addi %mul3A_8, %add3A_11 : i32
    "tpu.region"() ({
      %run_scoped3A = tpu.sem_alloc : memref<!tpu.dma_semaphore, #tpu.memory_space<semaphore_mem>>
      %dma_start3A = arith.constant 0 : i32
      %dma_start3A_37 = tpu.memref_slice %arg9[%add3A_12, %dma_start3A] : memref<10240x128xf32, #tpu.memory_space<vmem_shared>> -> memref<128x128xf32, #tpu.memory_space<vmem_shared>>
      %dma_start3A_38 = arith.constant 0 : i32
      %dma_start3A_39 = tpu.memref_slice %arg9[%add3A_12, %dma_start3A_38] : memref<10240x128xf32, #tpu.memory_space<vmem_shared>> -> memref<128x128xf32, #tpu.memory_space<vmem_shared>>
      tpu.enqueue_dma source(%arg8 : memref<128x128xf32, #tpu.memory_space<vmem>>) target(%dma_start3A_39 : memref<128x128xf32, #tpu.memory_space<vmem_shared>>) target_semaphore(%run_scoped3A : memref<!tpu.dma_semaphore, #tpu.memory_space<semaphore_mem>>)
      %dma_wait3A = arith.constant 0 : i32
      %dma_wait3A_40 = tpu.memref_slice %arg9[%add3A_12, %dma_wait3A] : memref<10240x128xf32, #tpu.memory_space<vmem_shared>> -> memref<128x128xf32, #tpu.memory_space<vmem_shared>>
      %dma_wait3A_41 = arith.constant 0 : i32
      %dma_wait3A_42 = tpu.memref_slice %arg9[%add3A_12, %dma_wait3A_41] : memref<10240x128xf32, #tpu.memory_space<vmem_shared>> -> memref<128x128xf32, #tpu.memory_space<vmem_shared>>
      tpu.wait_dma2 semaphore(%run_scoped3A : memref<!tpu.dma_semaphore, #tpu.memory_space<semaphore_mem>>) src(%arg8 : memref<128x128xf32, #tpu.memory_space<vmem>>) dst(%dma_wait3A_42 : memref<128x128xf32, #tpu.memory_space<vmem_shared>>)
      tpu.yield
    }) : () -> ()
    %add3A_13 = arith.constant 256 : i32
    %add3A_14 = arith.addi %mul3A_8, %add3A_13 : i32
    "tpu.region"() ({
      %run_scoped3A = tpu.sem_alloc : memref<!tpu.dma_semaphore, #tpu.memory_space<semaphore_mem>>
      %dma_start3A = arith.constant 0 : i32
      %dma_start3A_37 = tpu.memref_slice %arg9[%add3A_14, %dma_start3A] : memref<10240x128xf32, #tpu.memory_space<vmem_shared>> -> memref<128x128xf32, #tpu.memory_space<vmem_shared>>
      %dma_start3A_38 = arith.constant 0 : i32
      %dma_start3A_39 = tpu.memref_slice %arg9[%add3A_14, %dma_start3A_38] : memref<10240x128xf32, #tpu.memory_space<vmem_shared>> -> memref<128x128xf32, #tpu.memory_space<vmem_shared>>
      tpu.enqueue_dma source(%arg8 : memref<128x128xf32, #tpu.memory_space<vmem>>) target(%dma_start3A_39 : memref<128x128xf32, #tpu.memory_space<vmem_shared>>) target_semaphore(%run_scoped3A : memref<!tpu.dma_semaphore, #tpu.memory_space<semaphore_mem>>)
      %dma_wait3A = arith.constant 0 : i32
      %dma_wait3A_40 = tpu.memref_slice %arg9[%add3A_14, %dma_wait3A] : memref<10240x128xf32, #tpu.memory_space<vmem_shared>> -> memref<128x128xf32, #tpu.memory_space<vmem_shared>>
      %dma_wait3A_41 = arith.constant 0 : i32
      %dma_wait3A_42 = tpu.memref_slice %arg9[%add3A_14, %dma_wait3A_41] : memref<10240x128xf32, #tpu.memory_space<vmem_shared>> -> memref<128x128xf32, #tpu.memory_space<vmem_shared>>
      tpu.wait_dma2 semaphore(%run_scoped3A : memref<!tpu.dma_semaphore, #tpu.memory_space<semaphore_mem>>) src(%arg8 : memref<128x128xf32, #tpu.memory_space<vmem>>) dst(%dma_wait3A_42 : memref<128x128xf32, #tpu.memory_space<vmem_shared>>)
      tpu.yield
    }) : () -> ()
    %add3A_15 = arith.constant 384 : i32
    %add3A_16 = arith.addi %mul3A_8, %add3A_15 : i32
    "tpu.region"() ({
      %run_scoped3A = tpu.sem_alloc : memref<!tpu.dma_semaphore, #tpu.memory_space<semaphore_mem>>
      %dma_start3A = arith.constant 0 : i32
      %dma_start3A_37 = tpu.memref_slice %arg9[%add3A_16, %dma_start3A] : memref<10240x128xf32, #tpu.memory_space<vmem_shared>> -> memref<128x128xf32, #tpu.memory_space<vmem_shared>>
      %dma_start3A_38 = arith.constant 0 : i32
      %dma_start3A_39 = tpu.memref_slice %arg9[%add3A_16, %dma_start3A_38] : memref<10240x128xf32, #tpu.memory_space<vmem_shared>> -> memref<128x128xf32, #tpu.memory_space<vmem_shared>>
      tpu.enqueue_dma source(%arg8 : memref<128x128xf32, #tpu.memory_space<vmem>>) target(%dma_start3A_39 : memref<128x128xf32, #tpu.memory_space<vmem_shared>>) target_semaphore(%run_scoped3A : memref<!tpu.dma_semaphore, #tpu.memory_space<semaphore_mem>>)
      %dma_wait3A = arith.constant 0 : i32
      %dma_wait3A_40 = tpu.memref_slice %arg9[%add3A_16, %dma_wait3A] : memref<10240x128xf32, #tpu.memory_space<vmem_shared>> -> memref<128x128xf32, #tpu.memory_space<vmem_shared>>
      %dma_wait3A_41 = arith.constant 0 : i32
      %dma_wait3A_42 = tpu.memref_slice %arg9[%add3A_16, %dma_wait3A_41] : memref<10240x128xf32, #tpu.memory_space<vmem_shared>> -> memref<128x128xf32, #tpu.memory_space<vmem_shared>>
      tpu.wait_dma2 semaphore(%run_scoped3A : memref<!tpu.dma_semaphore, #tpu.memory_space<semaphore_mem>>) src(%arg8 : memref<128x128xf32, #tpu.memory_space<vmem>>) dst(%dma_wait3A_42 : memref<128x128xf32, #tpu.memory_space<vmem_shared>>)
      tpu.yield
    }) : () -> ()
    %add3A_17 = arith.constant 512 : i32
    %add3A_18 = arith.addi %mul3A_8, %add3A_17 : i32
    "tpu.region"() ({
      %run_scoped3A = tpu.sem_alloc : memref<!tpu.dma_semaphore, #tpu.memory_space<semaphore_mem>>
      %dma_start3A = arith.constant 0 : i32
      %dma_start3A_37 = tpu.memref_slice %arg9[%add3A_18, %dma_start3A] : memref<10240x128xf32, #tpu.memory_space<vmem_shared>> -> memref<128x128xf32, #tpu.memory_space<vmem_shared>>
      %dma_start3A_38 = arith.constant 0 : i32
      %dma_start3A_39 = tpu.memref_slice %arg9[%add3A_18, %dma_start3A_38] : memref<10240x128xf32, #tpu.memory_space<vmem_shared>> -> memref<128x128xf32, #tpu.memory_space<vmem_shared>>
      tpu.enqueue_dma source(%arg8 : memref<128x128xf32, #tpu.memory_space<vmem>>) target(%dma_start3A_39 : memref<128x128xf32, #tpu.memory_space<vmem_shared>>) target_semaphore(%run_scoped3A : memref<!tpu.dma_semaphore, #tpu.memory_space<semaphore_mem>>)
      %dma_wait3A = arith.constant 0 : i32
      %dma_wait3A_40 = tpu.memref_slice %arg9[%add3A_18, %dma_wait3A] : memref<10240x128xf32, #tpu.memory_space<vmem_shared>> -> memref<128x128xf32, #tpu.memory_space<vmem_shared>>
      %dma_wait3A_41 = arith.constant 0 : i32
      %dma_wait3A_42 = tpu.memref_slice %arg9[%add3A_18, %dma_wait3A_41] : memref<10240x128xf32, #tpu.memory_space<vmem_shared>> -> memref<128x128xf32, #tpu.memory_space<vmem_shared>>
      tpu.wait_dma2 semaphore(%run_scoped3A : memref<!tpu.dma_semaphore, #tpu.memory_space<semaphore_mem>>) src(%arg8 : memref<128x128xf32, #tpu.memory_space<vmem>>) dst(%dma_wait3A_42 : memref<128x128xf32, #tpu.memory_space<vmem_shared>>)
      tpu.yield
    }) : () -> ()
    "tpu.region"() ({
      %run_scoped3A = tpu.sem_alloc : memref<!tpu.dma_semaphore, #tpu.memory_space<semaphore_mem>>
      %dma_start3A = arith.constant 0 : i32
      %dma_start3A_37 = arith.constant 0 : i32
      %dma_start3A_38 = tpu.memref_slice %arg3[%add3A, %dma_start3A, %dma_start3A_37] : memref<32x79x128xi32, #tpu.memory_space<hbm>> -> memref<1x79x128xi32, #tpu.memory_space<hbm>>
      %dma_start3A_39 = tpu.memref_squeeze %dma_start3A_38 : memref<1x79x128xi32, #tpu.memory_space<hbm>> -> memref<79x128xi32, #tpu.memory_space<hbm>>
      %dma_start3A_40 = arith.constant 0 : i32
      %dma_start3A_41 = arith.constant 0 : i32
      %dma_start3A_42 = tpu.memref_slice %arg3[%add3A, %dma_start3A_40, %dma_start3A_41] : memref<32x79x128xi32, #tpu.memory_space<hbm>> -> memref<1x79x128xi32, #tpu.memory_space<hbm>>
      %dma_start3A_43 = tpu.memref_squeeze %dma_start3A_42 : memref<1x79x128xi32, #tpu.memory_space<hbm>> -> memref<79x128xi32, #tpu.memory_space<hbm>>
      tpu.enqueue_dma source(%dma_start3A_43 : memref<79x128xi32, #tpu.memory_space<hbm>>) target(%arg6 : memref<79x128xi32, #tpu.memory_space<vmem>>) target_semaphore(%run_scoped3A : memref<!tpu.dma_semaphore, #tpu.memory_space<semaphore_mem>>)
      %dma_wait3A = arith.constant 0 : i32
      %dma_wait3A_44 = arith.constant 0 : i32
      %dma_wait3A_45 = tpu.memref_slice %arg3[%add3A, %dma_wait3A, %dma_wait3A_44] : memref<32x79x128xi32, #tpu.memory_space<hbm>> -> memref<1x79x128xi32, #tpu.memory_space<hbm>>
      %dma_wait3A_46 = tpu.memref_squeeze %dma_wait3A_45 : memref<1x79x128xi32, #tpu.memory_space<hbm>> -> memref<79x128xi32, #tpu.memory_space<hbm>>
      %dma_wait3A_47 = arith.constant 0 : i32
      %dma_wait3A_48 = arith.constant 0 : i32
      %dma_wait3A_49 = tpu.memref_slice %arg3[%add3A, %dma_wait3A_47, %dma_wait3A_48] : memref<32x79x128xi32, #tpu.memory_space<hbm>> -> memref<1x79x128xi32, #tpu.memory_space<hbm>>
      %dma_wait3A_50 = tpu.memref_squeeze %dma_wait3A_49 : memref<1x79x128xi32, #tpu.memory_space<hbm>> -> memref<79x128xi32, #tpu.memory_space<hbm>>
      tpu.wait_dma2 semaphore(%run_scoped3A : memref<!tpu.dma_semaphore, #tpu.memory_space<semaphore_mem>>) src(%dma_wait3A_50 : memref<79x128xi32, #tpu.memory_space<hbm>>) dst(%arg6 : memref<79x128xi32, #tpu.memory_space<vmem>>)
      tpu.yield
    }) : () -> ()
    "tpu.region"() ({
      %run_scoped3A = tpu.sem_alloc : memref<!tpu.dma_semaphore, #tpu.memory_space<semaphore_mem>>
      %dma_start3A = arith.constant 0 : i32
      %dma_start3A_37 = arith.constant 0 : i32
      %dma_start3A_38 = tpu.memref_slice %arg4[%add3A, %dma_start3A, %dma_start3A_37] : memref<32x79x128xi32, #tpu.memory_space<hbm>> -> memref<1x79x128xi32, #tpu.memory_space<hbm>>
      %dma_start3A_39 = tpu.memref_squeeze %dma_start3A_38 : memref<1x79x128xi32, #tpu.memory_space<hbm>> -> memref<79x128xi32, #tpu.memory_space<hbm>>
      %dma_start3A_40 = arith.constant 0 : i32
      %dma_start3A_41 = arith.constant 0 : i32
      %dma_start3A_42 = tpu.memref_slice %arg4[%add3A, %dma_start3A_40, %dma_start3A_41] : memref<32x79x128xi32, #tpu.memory_space<hbm>> -> memref<1x79x128xi32, #tpu.memory_space<hbm>>
      %dma_start3A_43 = tpu.memref_squeeze %dma_start3A_42 : memref<1x79x128xi32, #tpu.memory_space<hbm>> -> memref<79x128xi32, #tpu.memory_space<hbm>>
      tpu.enqueue_dma source(%dma_start3A_43 : memref<79x128xi32, #tpu.memory_space<hbm>>) target(%arg7 : memref<79x128xi32, #tpu.memory_space<vmem>>) target_semaphore(%run_scoped3A : memref<!tpu.dma_semaphore, #tpu.memory_space<semaphore_mem>>)
      %dma_wait3A = arith.constant 0 : i32
      %dma_wait3A_44 = arith.constant 0 : i32
      %dma_wait3A_45 = tpu.memref_slice %arg4[%add3A, %dma_wait3A, %dma_wait3A_44] : memref<32x79x128xi32, #tpu.memory_space<hbm>> -> memref<1x79x128xi32, #tpu.memory_space<hbm>>
      %dma_wait3A_46 = tpu.memref_squeeze %dma_wait3A_45 : memref<1x79x128xi32, #tpu.memory_space<hbm>> -> memref<79x128xi32, #tpu.memory_space<hbm>>
      %dma_wait3A_47 = arith.constant 0 : i32
      %dma_wait3A_48 = arith.constant 0 : i32
      %dma_wait3A_49 = tpu.memref_slice %arg4[%add3A, %dma_wait3A_47, %dma_wait3A_48] : memref<32x79x128xi32, #tpu.memory_space<hbm>> -> memref<1x79x128xi32, #tpu.memory_space<hbm>>
      %dma_wait3A_50 = tpu.memref_squeeze %dma_wait3A_49 : memref<1x79x128xi32, #tpu.memory_space<hbm>> -> memref<79x128xi32, #tpu.memory_space<hbm>>
      tpu.wait_dma2 semaphore(%run_scoped3A : memref<!tpu.dma_semaphore, #tpu.memory_space<semaphore_mem>>) src(%dma_wait3A_50 : memref<79x128xi32, #tpu.memory_space<hbm>>) dst(%arg7 : memref<79x128xi32, #tpu.memory_space<vmem>>)
      tpu.yield
    }) : () -> ()
    %barrier3A = arith.constant 0 : index
    tpu.barrier barrier_id(%barrier3A)
    %scan3A_19 = arith.constant 0 : i32
    %scan3A_20 = arith.constant 0 : i32
    %scan3A_21 = arith.constant 79 : i32
    %scan3A_22 = arith.addi %scan3A_20, %scan3A_21 : i32
    %scan3A_23 = arith.constant 1 : i32
    %scan3A_24 = scf.for %scan3A_37 = %scan3A_20 to %scan3A_22 step %scan3A_23 iter_args(%scan3A_38 = %scan3A_19) -> (i32)  : i32 {
      %dma_start3A = arith.constant 0 : i32
      %dma_start3A_39 = tpu.memref_slice %arg6[%scan3A_37, %dma_start3A] : memref<79x128xi32, #tpu.memory_space<vmem>> -> memref<1x128xi32, #tpu.memory_space<vmem>>
      %dma_start3A_40 = tpu.memref_squeeze %dma_start3A_39 : memref<1x128xi32, #tpu.memory_space<vmem>> -> memref<128xi32, #tpu.memory_space<vmem>>
      %dma_start3A_41 = arith.constant 0 : i32
      %dma_start3A_42 = arith.constant 0 : i32
      %dma_start3A_43 = tpu.memref_slice %arg2[%dma_start3A_41, %dma_start3A_42] : memref<10000x128xf32, #tpu.memory_space<hbm>> -> memref<10000x128xf32, #tpu.memory_space<hbm>>
      tpu.enqueue_indirect_dma source(%dma_start3A_43 : memref<10000x128xf32, #tpu.memory_space<hbm>>) target(%arg8 : memref<128x128xf32, #tpu.memory_space<vmem>>) offsets(%dma_start3A_40 : memref<128xi32, #tpu.memory_space<vmem>>) semaphore(%arg10 : memref<!tpu.dma_semaphore, #tpu.memory_space<semaphore_mem>>)
      %dma_wait3A = arith.constant 0 : i32
      %dma_wait3A_44 = tpu.memref_slice %arg6[%scan3A_37, %dma_wait3A] : memref<79x128xi32, #tpu.memory_space<vmem>> -> memref<1x128xi32, #tpu.memory_space<vmem>>
      %dma_wait3A_45 = tpu.memref_squeeze %dma_wait3A_44 : memref<1x128xi32, #tpu.memory_space<vmem>> -> memref<128xi32, #tpu.memory_space<vmem>>
      %dma_wait3A_46 = arith.constant 0 : i32
      %dma_wait3A_47 = arith.constant 0 : i32
      %dma_wait3A_48 = tpu.memref_slice %arg2[%dma_wait3A_46, %dma_wait3A_47] : memref<10000x128xf32, #tpu.memory_space<hbm>> -> memref<10000x128xf32, #tpu.memory_space<hbm>>
      tpu.wait_indirect_dma semaphore(%arg10 : memref<!tpu.dma_semaphore, #tpu.memory_space<semaphore_mem>>) src(%dma_wait3A_48 : memref<10000x128xf32, #tpu.memory_space<hbm>>) dst(%arg8 : memref<128x128xf32, #tpu.memory_space<vmem>>)
      "tpu.region"() ({
        %run_scoped3A = tpu.sem_alloc : memref<!tpu.dma_semaphore, #tpu.memory_space<semaphore_mem>>
        %dma_start3A_50 = arith.constant 0 : i32
        %dma_start3A_51 = tpu.memref_slice %arg7[%scan3A_37, %dma_start3A_50] : memref<79x128xi32, #tpu.memory_space<vmem>> -> memref<1x128xi32, #tpu.memory_space<vmem>>
        %dma_start3A_52 = tpu.memref_squeeze %dma_start3A_51 : memref<1x128xi32, #tpu.memory_space<vmem>> -> memref<128xi32, #tpu.memory_space<vmem>>
        %dma_start3A_53 = arith.constant 0 : i32
        %dma_start3A_54 = arith.constant 0 : i32
        %dma_start3A_55 = tpu.memref_slice %arg9[%dma_start3A_53, %dma_start3A_54] : memref<10240x128xf32, #tpu.memory_space<vmem_shared>> -> memref<10240x128xf32, #tpu.memory_space<vmem_shared>>
        tpu.enqueue_indirect_dma source(%arg8 : memref<128x128xf32, #tpu.memory_space<vmem>>) target(%dma_start3A_55 : memref<10240x128xf32, #tpu.memory_space<vmem_shared>>) offsets(%dma_start3A_52 : memref<128xi32, #tpu.memory_space<vmem>>) semaphore(%run_scoped3A : memref<!tpu.dma_semaphore, #tpu.memory_space<semaphore_mem>>) {add = true}
        %dma_wait3A_56 = arith.constant 0 : i32
        %dma_wait3A_57 = tpu.memref_slice %arg7[%scan3A_37, %dma_wait3A_56] : memref<79x128xi32, #tpu.memory_space<vmem>> -> memref<1x128xi32, #tpu.memory_space<vmem>>
        %dma_wait3A_58 = tpu.memref_squeeze %dma_wait3A_57 : memref<1x128xi32, #tpu.memory_space<vmem>> -> memref<128xi32, #tpu.memory_space<vmem>>
        %dma_wait3A_59 = arith.constant 0 : i32
        %dma_wait3A_60 = arith.constant 0 : i32
        %dma_wait3A_61 = tpu.memref_slice %arg9[%dma_wait3A_59, %dma_wait3A_60] : memref<10240x128xf32, #tpu.memory_space<vmem_shared>> -> memref<10240x128xf32, #tpu.memory_space<vmem_shared>>
        tpu.wait_indirect_dma semaphore(%run_scoped3A : memref<!tpu.dma_semaphore, #tpu.memory_space<semaphore_mem>>) src(%arg8 : memref<128x128xf32, #tpu.memory_space<vmem>>) dst(%dma_wait3A_61 : memref<10240x128xf32, #tpu.memory_space<vmem_shared>>)
        tpu.yield
      }) : () -> ()
      %scan3A_49 = arith.constant 0 : i32
      scf.yield %scan3A_49 : i32
    }
    %scan3A_25 = arith.constant 79 : i32
    %barrier3A_26 = arith.constant 0 : index
    tpu.barrier barrier_id(%barrier3A_26)
    %add3A_27 = arith.constant 0 : i32
    %add3A_28 = arith.addi %mul3A_8, %add3A_27 : i32
    "tpu.region"() ({
      %run_scoped3A = tpu.sem_alloc : memref<!tpu.dma_semaphore, #tpu.memory_space<semaphore_mem>>
      %dma_start3A = arith.constant 0 : i32
      %dma_start3A_37 = tpu.memref_slice %arg9[%add3A_28, %dma_start3A] : memref<10240x128xf32, #tpu.memory_space<vmem_shared>> -> memref<128x128xf32, #tpu.memory_space<vmem_shared>>
      %dma_start3A_38 = arith.constant 0 : i32
      %dma_start3A_39 = tpu.memref_slice %arg9[%add3A_28, %dma_start3A_38] : memref<10240x128xf32, #tpu.memory_space<vmem_shared>> -> memref<128x128xf32, #tpu.memory_space<vmem_shared>>
      tpu.enqueue_dma source(%dma_start3A_39 : memref<128x128xf32, #tpu.memory_space<vmem_shared>>) target(%arg8 : memref<128x128xf32, #tpu.memory_space<vmem>>) target_semaphore(%run_scoped3A : memref<!tpu.dma_semaphore, #tpu.memory_space<semaphore_mem>>)
      %dma_wait3A = arith.constant 0 : i32
      %dma_wait3A_40 = tpu.memref_slice %arg9[%add3A_28, %dma_wait3A] : memref<10240x128xf32, #tpu.memory_space<vmem_shared>> -> memref<128x128xf32, #tpu.memory_space<vmem_shared>>
      %dma_wait3A_41 = arith.constant 0 : i32
      %dma_wait3A_42 = tpu.memref_slice %arg9[%add3A_28, %dma_wait3A_41] : memref<10240x128xf32, #tpu.memory_space<vmem_shared>> -> memref<128x128xf32, #tpu.memory_space<vmem_shared>>
      tpu.wait_dma2 semaphore(%run_scoped3A : memref<!tpu.dma_semaphore, #tpu.memory_space<semaphore_mem>>) src(%dma_wait3A_42 : memref<128x128xf32, #tpu.memory_space<vmem_shared>>) dst(%arg8 : memref<128x128xf32, #tpu.memory_space<vmem>>)
      tpu.yield
    }) : () -> ()
    "tpu.region"() ({
      %run_scoped3A = tpu.sem_alloc : memref<!tpu.dma_semaphore, #tpu.memory_space<semaphore_mem>>
      %dma_start3A = arith.constant 0 : i32
      %dma_start3A_37 = tpu.memref_slice %arg5[%arg0, %add3A_28, %dma_start3A] : memref<2x10240x128xf32, #tpu.memory_space<hbm>> -> memref<1x128x128xf32, #tpu.memory_space<hbm>>
      %dma_start3A_38 = tpu.memref_squeeze %dma_start3A_37 : memref<1x128x128xf32, #tpu.memory_space<hbm>> -> memref<128x128xf32, #tpu.memory_space<hbm>>
      %dma_start3A_39 = arith.constant 0 : i32
      %dma_start3A_40 = tpu.memref_slice %arg5[%arg0, %add3A_28, %dma_start3A_39] : memref<2x10240x128xf32, #tpu.memory_space<hbm>> -> memref<1x128x128xf32, #tpu.memory_space<hbm>>
      %dma_start3A_41 = tpu.memref_squeeze %dma_start3A_40 : memref<1x128x128xf32, #tpu.memory_space<hbm>> -> memref<128x128xf32, #tpu.memory_space<hbm>>
      tpu.enqueue_dma source(%arg8 : memref<128x128xf32, #tpu.memory_space<vmem>>) target(%dma_start3A_41 : memref<128x128xf32, #tpu.memory_space<hbm>>) target_semaphore(%run_scoped3A : memref<!tpu.dma_semaphore, #tpu.memory_space<semaphore_mem>>)
      %dma_wait3A = arith.constant 0 : i32
      %dma_wait3A_42 = tpu.memref_slice %arg5[%arg0, %add3A_28, %dma_wait3A] : memref<2x10240x128xf32, #tpu.memory_space<hbm>> -> memref<1x128x128xf32, #tpu.memory_space<hbm>>
      %dma_wait3A_43 = tpu.memref_squeeze %dma_wait3A_42 : memref<1x128x128xf32, #tpu.memory_space<hbm>> -> memref<128x128xf32, #tpu.memory_space<hbm>>
      %dma_wait3A_44 = arith.constant 0 : i32
      %dma_wait3A_45 = tpu.memref_slice %arg5[%arg0, %add3A_28, %dma_wait3A_44] : memref<2x10240x128xf32, #tpu.memory_space<hbm>> -> memref<1x128x128xf32, #tpu.memory_space<hbm>>
      %dma_wait3A_46 = tpu.memref_squeeze %dma_wait3A_45 : memref<1x128x128xf32, #tpu.memory_space<hbm>> -> memref<128x128xf32, #tpu.memory_space<hbm>>
      tpu.wait_dma2 semaphore(%run_scoped3A : memref<!tpu.dma_semaphore, #tpu.memory_space<semaphore_mem>>) src(%arg8 : memref<128x128xf32, #tpu.memory_space<vmem>>) dst(%dma_wait3A_46 : memref<128x128xf32, #tpu.memory_space<hbm>>)
      tpu.yield
    }) : () -> ()
    %add3A_29 = arith.constant 128 : i32
    %add3A_30 = arith.addi %mul3A_8, %add3A_29 : i32
    "tpu.region"() ({
      %run_scoped3A = tpu.sem_alloc : memref<!tpu.dma_semaphore, #tpu.memory_space<semaphore_mem>>
      %dma_start3A = arith.constant 0 : i32
      %dma_start3A_37 = tpu.memref_slice %arg9[%add3A_30, %dma_start3A] : memref<10240x128xf32, #tpu.memory_space<vmem_shared>> -> memref<128x128xf32, #tpu.memory_space<vmem_shared>>
      %dma_start3A_38 = arith.constant 0 : i32
      %dma_start3A_39 = tpu.memref_slice %arg9[%add3A_30, %dma_start3A_38] : memref<10240x128xf32, #tpu.memory_space<vmem_shared>> -> memref<128x128xf32, #tpu.memory_space<vmem_shared>>
      tpu.enqueue_dma source(%dma_start3A_39 : memref<128x128xf32, #tpu.memory_space<vmem_shared>>) target(%arg8 : memref<128x128xf32, #tpu.memory_space<vmem>>) target_semaphore(%run_scoped3A : memref<!tpu.dma_semaphore, #tpu.memory_space<semaphore_mem>>)
      %dma_wait3A = arith.constant 0 : i32
      %dma_wait3A_40 = tpu.memref_slice %arg9[%add3A_30, %dma_wait3A] : memref<10240x128xf32, #tpu.memory_space<vmem_shared>> -> memref<128x128xf32, #tpu.memory_space<vmem_shared>>
      %dma_wait3A_41 = arith.constant 0 : i32
      %dma_wait3A_42 = tpu.memref_slice %arg9[%add3A_30, %dma_wait3A_41] : memref<10240x128xf32, #tpu.memory_space<vmem_shared>> -> memref<128x128xf32, #tpu.memory_space<vmem_shared>>
      tpu.wait_dma2 semaphore(%run_scoped3A : memref<!tpu.dma_semaphore, #tpu.memory_space<semaphore_mem>>) src(%dma_wait3A_42 : memref<128x128xf32, #tpu.memory_space<vmem_shared>>) dst(%arg8 : memref<128x128xf32, #tpu.memory_space<vmem>>)
      tpu.yield
    }) : () -> ()
    "tpu.region"() ({
      %run_scoped3A = tpu.sem_alloc : memref<!tpu.dma_semaphore, #tpu.memory_space<semaphore_mem>>
      %dma_start3A = arith.constant 0 : i32
      %dma_start3A_37 = tpu.memref_slice %arg5[%arg0, %add3A_30, %dma_start3A] : memref<2x10240x128xf32, #tpu.memory_space<hbm>> -> memref<1x128x128xf32, #tpu.memory_space<hbm>>
      %dma_start3A_38 = tpu.memref_squeeze %dma_start3A_37 : memref<1x128x128xf32, #tpu.memory_space<hbm>> -> memref<128x128xf32, #tpu.memory_space<hbm>>
      %dma_start3A_39 = arith.constant 0 : i32
      %dma_start3A_40 = tpu.memref_slice %arg5[%arg0, %add3A_30, %dma_start3A_39] : memref<2x10240x128xf32, #tpu.memory_space<hbm>> -> memref<1x128x128xf32, #tpu.memory_space<hbm>>
      %dma_start3A_41 = tpu.memref_squeeze %dma_start3A_40 : memref<1x128x128xf32, #tpu.memory_space<hbm>> -> memref<128x128xf32, #tpu.memory_space<hbm>>
      tpu.enqueue_dma source(%arg8 : memref<128x128xf32, #tpu.memory_space<vmem>>) target(%dma_start3A_41 : memref<128x128xf32, #tpu.memory_space<hbm>>) target_semaphore(%run_scoped3A : memref<!tpu.dma_semaphore, #tpu.memory_space<semaphore_mem>>)
      %dma_wait3A = arith.constant 0 : i32
      %dma_wait3A_42 = tpu.memref_slice %arg5[%arg0, %add3A_30, %dma_wait3A] : memref<2x10240x128xf32, #tpu.memory_space<hbm>> -> memref<1x128x128xf32, #tpu.memory_space<hbm>>
      %dma_wait3A_43 = tpu.memref_squeeze %dma_wait3A_42 : memref<1x128x128xf32, #tpu.memory_space<hbm>> -> memref<128x128xf32, #tpu.memory_space<hbm>>
      %dma_wait3A_44 = arith.constant 0 : i32
      %dma_wait3A_45 = tpu.memref_slice %arg5[%arg0, %add3A_30, %dma_wait3A_44] : memref<2x10240x128xf32, #tpu.memory_space<hbm>> -> memref<1x128x128xf32, #tpu.memory_space<hbm>>
      %dma_wait3A_46 = tpu.memref_squeeze %dma_wait3A_45 : memref<1x128x128xf32, #tpu.memory_space<hbm>> -> memref<128x128xf32, #tpu.memory_space<hbm>>
      tpu.wait_dma2 semaphore(%run_scoped3A : memref<!tpu.dma_semaphore, #tpu.memory_space<semaphore_mem>>) src(%arg8 : memref<128x128xf32, #tpu.memory_space<vmem>>) dst(%dma_wait3A_46 : memref<128x128xf32, #tpu.memory_space<hbm>>)
      tpu.yield
    }) : () -> ()
    %add3A_31 = arith.constant 256 : i32
    %add3A_32 = arith.addi %mul3A_8, %add3A_31 : i32
    "tpu.region"() ({
      %run_scoped3A = tpu.sem_alloc : memref<!tpu.dma_semaphore, #tpu.memory_space<semaphore_mem>>
      %dma_start3A = arith.constant 0 : i32
      %dma_start3A_37 = tpu.memref_slice %arg9[%add3A_32, %dma_start3A] : memref<10240x128xf32, #tpu.memory_space<vmem_shared>> -> memref<128x128xf32, #tpu.memory_space<vmem_shared>>
      %dma_start3A_38 = arith.constant 0 : i32
      %dma_start3A_39 = tpu.memref_slice %arg9[%add3A_32, %dma_start3A_38] : memref<10240x128xf32, #tpu.memory_space<vmem_shared>> -> memref<128x128xf32, #tpu.memory_space<vmem_shared>>
      tpu.enqueue_dma source(%dma_start3A_39 : memref<128x128xf32, #tpu.memory_space<vmem_shared>>) target(%arg8 : memref<128x128xf32, #tpu.memory_space<vmem>>) target_semaphore(%run_scoped3A : memref<!tpu.dma_semaphore, #tpu.memory_space<semaphore_mem>>)
      %dma_wait3A = arith.constant 0 : i32
      %dma_wait3A_40 = tpu.memref_slice %arg9[%add3A_32, %dma_wait3A] : memref<10240x128xf32, #tpu.memory_space<vmem_shared>> -> memref<128x128xf32, #tpu.memory_space<vmem_shared>>
      %dma_wait3A_41 = arith.constant 0 : i32
      %dma_wait3A_42 = tpu.memref_slice %arg9[%add3A_32, %dma_wait3A_41] : memref<10240x128xf32, #tpu.memory_space<vmem_shared>> -> memref<128x128xf32, #tpu.memory_space<vmem_shared>>
      tpu.wait_dma2 semaphore(%run_scoped3A : memref<!tpu.dma_semaphore, #tpu.memory_space<semaphore_mem>>) src(%dma_wait3A_42 : memref<128x128xf32, #tpu.memory_space<vmem_shared>>) dst(%arg8 : memref<128x128xf32, #tpu.memory_space<vmem>>)
      tpu.yield
    }) : () -> ()
    "tpu.region"() ({
      %run_scoped3A = tpu.sem_alloc : memref<!tpu.dma_semaphore, #tpu.memory_space<semaphore_mem>>
      %dma_start3A = arith.constant 0 : i32
      %dma_start3A_37 = tpu.memref_slice %arg5[%arg0, %add3A_32, %dma_start3A] : memref<2x10240x128xf32, #tpu.memory_space<hbm>> -> memref<1x128x128xf32, #tpu.memory_space<hbm>>
      %dma_start3A_38 = tpu.memref_squeeze %dma_start3A_37 : memref<1x128x128xf32, #tpu.memory_space<hbm>> -> memref<128x128xf32, #tpu.memory_space<hbm>>
      %dma_start3A_39 = arith.constant 0 : i32
      %dma_start3A_40 = tpu.memref_slice %arg5[%arg0, %add3A_32, %dma_start3A_39] : memref<2x10240x128xf32, #tpu.memory_space<hbm>> -> memref<1x128x128xf32, #tpu.memory_space<hbm>>
      %dma_start3A_41 = tpu.memref_squeeze %dma_start3A_40 : memref<1x128x128xf32, #tpu.memory_space<hbm>> -> memref<128x128xf32, #tpu.memory_space<hbm>>
      tpu.enqueue_dma source(%arg8 : memref<128x128xf32, #tpu.memory_space<vmem>>) target(%dma_start3A_41 : memref<128x128xf32, #tpu.memory_space<hbm>>) target_semaphore(%run_scoped3A : memref<!tpu.dma_semaphore, #tpu.memory_space<semaphore_mem>>)
      %dma_wait3A = arith.constant 0 : i32
      %dma_wait3A_42 = tpu.memref_slice %arg5[%arg0, %add3A_32, %dma_wait3A] : memref<2x10240x128xf32, #tpu.memory_space<hbm>> -> memref<1x128x128xf32, #tpu.memory_space<hbm>>
      %dma_wait3A_43 = tpu.memref_squeeze %dma_wait3A_42 : memref<1x128x128xf32, #tpu.memory_space<hbm>> -> memref<128x128xf32, #tpu.memory_space<hbm>>
      %dma_wait3A_44 = arith.constant 0 : i32
      %dma_wait3A_45 = tpu.memref_slice %arg5[%arg0, %add3A_32, %dma_wait3A_44] : memref<2x10240x128xf32, #tpu.memory_space<hbm>> -> memref<1x128x128xf32, #tpu.memory_space<hbm>>
      %dma_wait3A_46 = tpu.memref_squeeze %dma_wait3A_45 : memref<1x128x128xf32, #tpu.memory_space<hbm>> -> memref<128x128xf32, #tpu.memory_space<hbm>>
      tpu.wait_dma2 semaphore(%run_scoped3A : memref<!tpu.dma_semaphore, #tpu.memory_space<semaphore_mem>>) src(%arg8 : memref<128x128xf32, #tpu.memory_space<vmem>>) dst(%dma_wait3A_46 : memref<128x128xf32, #tpu.memory_space<hbm>>)
      tpu.yield
    }) : () -> ()
    %add3A_33 = arith.constant 384 : i32
    %add3A_34 = arith.addi %mul3A_8, %add3A_33 : i32
    "tpu.region"() ({
      %run_scoped3A = tpu.sem_alloc : memref<!tpu.dma_semaphore, #tpu.memory_space<semaphore_mem>>
      %dma_start3A = arith.constant 0 : i32
      %dma_start3A_37 = tpu.memref_slice %arg9[%add3A_34, %dma_start3A] : memref<10240x128xf32, #tpu.memory_space<vmem_shared>> -> memref<128x128xf32, #tpu.memory_space<vmem_shared>>
      %dma_start3A_38 = arith.constant 0 : i32
      %dma_start3A_39 = tpu.memref_slice %arg9[%add3A_34, %dma_start3A_38] : memref<10240x128xf32, #tpu.memory_space<vmem_shared>> -> memref<128x128xf32, #tpu.memory_space<vmem_shared>>
      tpu.enqueue_dma source(%dma_start3A_39 : memref<128x128xf32, #tpu.memory_space<vmem_shared>>) target(%arg8 : memref<128x128xf32, #tpu.memory_space<vmem>>) target_semaphore(%run_scoped3A : memref<!tpu.dma_semaphore, #tpu.memory_space<semaphore_mem>>)
      %dma_wait3A = arith.constant 0 : i32
      %dma_wait3A_40 = tpu.memref_slice %arg9[%add3A_34, %dma_wait3A] : memref<10240x128xf32, #tpu.memory_space<vmem_shared>> -> memref<128x128xf32, #tpu.memory_space<vmem_shared>>
      %dma_wait3A_41 = arith.constant 0 : i32
      %dma_wait3A_42 = tpu.memref_slice %arg9[%add3A_34, %dma_wait3A_41] : memref<10240x128xf32, #tpu.memory_space<vmem_shared>> -> memref<128x128xf32, #tpu.memory_space<vmem_shared>>
      tpu.wait_dma2 semaphore(%run_scoped3A : memref<!tpu.dma_semaphore, #tpu.memory_space<semaphore_mem>>) src(%dma_wait3A_42 : memref<128x128xf32, #tpu.memory_space<vmem_shared>>) dst(%arg8 : memref<128x128xf32, #tpu.memory_space<vmem>>)
      tpu.yield
    }) : () -> ()
    "tpu.region"() ({
      %run_scoped3A = tpu.sem_alloc : memref<!tpu.dma_semaphore, #tpu.memory_space<semaphore_mem>>
      %dma_start3A = arith.constant 0 : i32
      %dma_start3A_37 = tpu.memref_slice %arg5[%arg0, %add3A_34, %dma_start3A] : memref<2x10240x128xf32, #tpu.memory_space<hbm>> -> memref<1x128x128xf32, #tpu.memory_space<hbm>>
      %dma_start3A_38 = tpu.memref_squeeze %dma_start3A_37 : memref<1x128x128xf32, #tpu.memory_space<hbm>> -> memref<128x128xf32, #tpu.memory_space<hbm>>
      %dma_start3A_39 = arith.constant 0 : i32
      %dma_start3A_40 = tpu.memref_slice %arg5[%arg0, %add3A_34, %dma_start3A_39] : memref<2x10240x128xf32, #tpu.memory_space<hbm>> -> memref<1x128x128xf32, #tpu.memory_space<hbm>>
      %dma_start3A_41 = tpu.memref_squeeze %dma_start3A_40 : memref<1x128x128xf32, #tpu.memory_space<hbm>> -> memref<128x128xf32, #tpu.memory_space<hbm>>
      tpu.enqueue_dma source(%arg8 : memref<128x128xf32, #tpu.memory_space<vmem>>) target(%dma_start3A_41 : memref<128x128xf32, #tpu.memory_space<hbm>>) target_semaphore(%run_scoped3A : memref<!tpu.dma_semaphore, #tpu.memory_space<semaphore_mem>>)
      %dma_wait3A = arith.constant 0 : i32
      %dma_wait3A_42 = tpu.memref_slice %arg5[%arg0, %add3A_34, %dma_wait3A] : memref<2x10240x128xf32, #tpu.memory_space<hbm>> -> memref<1x128x128xf32, #tpu.memory_space<hbm>>
      %dma_wait3A_43 = tpu.memref_squeeze %dma_wait3A_42 : memref<1x128x128xf32, #tpu.memory_space<hbm>> -> memref<128x128xf32, #tpu.memory_space<hbm>>
      %dma_wait3A_44 = arith.constant 0 : i32
      %dma_wait3A_45 = tpu.memref_slice %arg5[%arg0, %add3A_34, %dma_wait3A_44] : memref<2x10240x128xf32, #tpu.memory_space<hbm>> -> memref<1x128x128xf32, #tpu.memory_space<hbm>>
      %dma_wait3A_46 = tpu.memref_squeeze %dma_wait3A_45 : memref<1x128x128xf32, #tpu.memory_space<hbm>> -> memref<128x128xf32, #tpu.memory_space<hbm>>
      tpu.wait_dma2 semaphore(%run_scoped3A : memref<!tpu.dma_semaphore, #tpu.memory_space<semaphore_mem>>) src(%arg8 : memref<128x128xf32, #tpu.memory_space<vmem>>) dst(%dma_wait3A_46 : memref<128x128xf32, #tpu.memory_space<hbm>>)
      tpu.yield
    }) : () -> ()
    %add3A_35 = arith.constant 512 : i32
    %add3A_36 = arith.addi %mul3A_8, %add3A_35 : i32
    "tpu.region"() ({
      %run_scoped3A = tpu.sem_alloc : memref<!tpu.dma_semaphore, #tpu.memory_space<semaphore_mem>>
      %dma_start3A = arith.constant 0 : i32
      %dma_start3A_37 = tpu.memref_slice %arg9[%add3A_36, %dma_start3A] : memref<10240x128xf32, #tpu.memory_space<vmem_shared>> -> memref<128x128xf32, #tpu.memory_space<vmem_shared>>
      %dma_start3A_38 = arith.constant 0 : i32
      %dma_start3A_39 = tpu.memref_slice %arg9[%add3A_36, %dma_start3A_38] : memref<10240x128xf32, #tpu.memory_space<vmem_shared>> -> memref<128x128xf32, #tpu.memory_space<vmem_shared>>
      tpu.enqueue_dma source(%dma_start3A_39 : memref<128x128xf32, #tpu.memory_space<vmem_shared>>) target(%arg8 : memref<128x128xf32, #tpu.memory_space<vmem>>) target_semaphore(%run_scoped3A : memref<!tpu.dma_semaphore, #tpu.memory_space<semaphore_mem>>)
      %dma_wait3A = arith.constant 0 : i32
      %dma_wait3A_40 = tpu.memref_slice %arg9[%add3A_36, %dma_wait3A] : memref<10240x128xf32, #tpu.memory_space<vmem_shared>> -> memref<128x128xf32, #tpu.memory_space<vmem_shared>>
      %dma_wait3A_41 = arith.constant 0 : i32
      %dma_wait3A_42 = tpu.memref_slice %arg9[%add3A_36, %dma_wait3A_41] : memref<10240x128xf32, #tpu.memory_space<vmem_shared>> -> memref<128x128xf32, #tpu.memory_space<vmem_shared>>
      tpu.wait_dma2 semaphore(%run_scoped3A : memref<!tpu.dma_semaphore, #tpu.memory_space<semaphore_mem>>) src(%dma_wait3A_42 : memref<128x128xf32, #tpu.memory_space<vmem_shared>>) dst(%arg8 : memref<128x128xf32, #tpu.memory_space<vmem>>)
      tpu.yield
    }) : () -> ()
    "tpu.region"() ({
      %run_scoped3A = tpu.sem_alloc : memref<!tpu.dma_semaphore, #tpu.memory_space<semaphore_mem>>
      %dma_start3A = arith.constant 0 : i32
      %dma_start3A_37 = tpu.memref_slice %arg5[%arg0, %add3A_36, %dma_start3A] : memref<2x10240x128xf32, #tpu.memory_space<hbm>> -> memref<1x128x128xf32, #tpu.memory_space<hbm>>
      %dma_start3A_38 = tpu.memref_squeeze %dma_start3A_37 : memref<1x128x128xf32, #tpu.memory_space<hbm>> -> memref<128x128xf32, #tpu.memory_space<hbm>>
      %dma_start3A_39 = arith.constant 0 : i32
      %dma_start3A_40 = tpu.memref_slice %arg5[%arg0, %add3A_36, %dma_start3A_39] : memref<2x10240x128xf32, #tpu.memory_space<hbm>> -> memref<1x128x128xf32, #tpu.memory_space<hbm>>
      %dma_start3A_41 = tpu.memref_squeeze %dma_start3A_40 : memref<1x128x128xf32, #tpu.memory_space<hbm>> -> memref<128x128xf32, #tpu.memory_space<hbm>>
      tpu.enqueue_dma source(%arg8 : memref<128x128xf32, #tpu.memory_space<vmem>>) target(%dma_start3A_41 : memref<128x128xf32, #tpu.memory_space<hbm>>) target_semaphore(%run_scoped3A : memref<!tpu.dma_semaphore, #tpu.memory_space<semaphore_mem>>)
      %dma_wait3A = arith.constant 0 : i32
      %dma_wait3A_42 = tpu.memref_slice %arg5[%arg0, %add3A_36, %dma_wait3A] : memref<2x10240x128xf32, #tpu.memory_space<hbm>> -> memref<1x128x128xf32, #tpu.memory_space<hbm>>
      %dma_wait3A_43 = tpu.memref_squeeze %dma_wait3A_42 : memref<1x128x128xf32, #tpu.memory_space<hbm>> -> memref<128x128xf32, #tpu.memory_space<hbm>>
      %dma_wait3A_44 = arith.constant 0 : i32
      %dma_wait3A_45 = tpu.memref_slice %arg5[%arg0, %add3A_36, %dma_wait3A_44] : memref<2x10240x128xf32, #tpu.memory_space<hbm>> -> memref<1x128x128xf32, #tpu.memory_space<hbm>>
      %dma_wait3A_46 = tpu.memref_squeeze %dma_wait3A_45 : memref<1x128x128xf32, #tpu.memory_space<hbm>> -> memref<128x128xf32, #tpu.memory_space<hbm>>
      tpu.wait_dma2 semaphore(%run_scoped3A : memref<!tpu.dma_semaphore, #tpu.memory_space<semaphore_mem>>) src(%arg8 : memref<128x128xf32, #tpu.memory_space<vmem>>) dst(%dma_wait3A_46 : memref<128x128xf32, #tpu.memory_space<hbm>>)
      tpu.yield
    }) : () -> ()
    return
  }
}

#map = affine_map<(d0, d1) -> (0, 0)>
#map1 = affine_map<(d0, d1) -> (0, 0, 0)>
module attributes {stable_mosaic.version = 14 : i64} {
  func.func @sc_adj_accumulate(%arg0: i32, %arg1: i32, %arg2: memref<10000x128xf32, #tpu.memory_space<hbm>>, %arg3: memref<32x79x128xi32, #tpu.memory_space<hbm>>, %arg4: memref<32x79x128xi32, #tpu.memory_space<hbm>>, %arg5: memref<2x10240x128xf32, #tpu.memory_space<hbm>>, %arg6: memref<79x128xi32, #tpu.memory_space<vmem>>, %arg7: memref<79x128xi32, #tpu.memory_space<vmem>>, %arg8: memref<128x128xf32, #tpu.memory_space<vmem>>, %arg9: memref<10240x128xf32, #tpu.memory_space<vmem_shared>>, %arg10: memref<!tpu.dma_semaphore, #tpu.memory_space<semaphore_mem>>) attributes {dimension_semantics = [#tpu.dimension_semantics<core_parallel>, #tpu.dimension_semantics<subcore_parallel>], iteration_bounds = array<i64: 2, 16>, scalar_prefetch = 0 : i64, scratch_operands = 5 : i64, tpu.core_type = #tpu.core_type<sc_vector_subcore>, window_params = [{transform_indices = #map}, {transform_indices = #map1}, {transform_indices = #map1}, {transform_indices = #map1}]} {
    %mul3A = arith.constant 16 : i32
    %mul3A_0 = arith.muli %arg0, %mul3A : i32
    %add3A = arith.addi %mul3A_0, %arg1 : i32
    %scan3A = arith.constant 0 : i32
    %scan3A_1 = arith.constant 0 : i32
    %scan3A_2 = arith.constant 128 : i32
    %scan3A_3 = arith.addi %scan3A_1, %scan3A_2 : i32
    %scan3A_4 = arith.constant 1 : i32
    %scan3A_5 = scf.for %scan3A_37 = %scan3A_1 to %scan3A_3 step %scan3A_4 iter_args(%scan3A_38 = %scan3A) -> (i32)  : i32 {
      %broadcast_in_dim3A = arith.constant 0.000000e+00 : f32
      %broadcast_in_dim3A_39 = vector.broadcast %broadcast_in_dim3A : f32 to vector<16xf32>
      %swap3A = arith.index_cast %scan3A_37 : i32 to index
      %swap3A_40 = arith.constant 0 : index
      %swap3A_41 = tpu.vector_load %arg8[%swap3A, %swap3A_40] {strides = array<i32>} : memref<128x128xf32, #tpu.memory_space<vmem>>, vector<1x16xf32>,
      %swap3A_42 = vector.shape_cast %swap3A_41 : vector<1x16xf32> to vector<16xf32>
      %swap3A_43 = vector.shape_cast %broadcast_in_dim3A_39 : vector<16xf32> to vector<1x16xf32>
      tpu.vector_store %arg8[%swap3A, %swap3A_40], %swap3A_43 {strides = array<i32>} : memref<128x128xf32, #tpu.memory_space<vmem>>, vector<1x16xf32>,
      %broadcast_in_dim3A_44 = arith.constant 0.000000e+00 : f32
      %broadcast_in_dim3A_45 = vector.broadcast %broadcast_in_dim3A_44 : f32 to vector<16xf32>
      %swap3A_46 = arith.index_cast %scan3A_37 : i32 to index
      %swap3A_47 = arith.constant 16 : index
      %swap3A_48 = tpu.vector_load %arg8[%swap3A_46, %swap3A_47] {strides = array<i32>} : memref<128x128xf32, #tpu.memory_space<vmem>>, vector<1x16xf32>,
      %swap3A_49 = vector.shape_cast %swap3A_48 : vector<1x16xf32> to vector<16xf32>
      %swap3A_50 = vector.shape_cast %broadcast_in_dim3A_45 : vector<16xf32> to vector<1x16xf32>
      tpu.vector_store %arg8[%swap3A_46, %swap3A_47], %swap3A_50 {strides = array<i32>} : memref<128x128xf32, #tpu.memory_space<vmem>>, vector<1x16xf32>,
      %broadcast_in_dim3A_51 = arith.constant 0.000000e+00 : f32
      %broadcast_in_dim3A_52 = vector.broadcast %broadcast_in_dim3A_51 : f32 to vector<16xf32>
      %swap3A_53 = arith.index_cast %scan3A_37 : i32 to index
      %swap3A_54 = arith.constant 32 : index
      %swap3A_55 = tpu.vector_load %arg8[%swap3A_53, %swap3A_54] {strides = array<i32>} : memref<128x128xf32, #tpu.memory_space<vmem>>, vector<1x16xf32>,
      %swap3A_56 = vector.shape_cast %swap3A_55 : vector<1x16xf32> to vector<16xf32>
      %swap3A_57 = vector.shape_cast %broadcast_in_dim3A_52 : vector<16xf32> to vector<1x16xf32>
      tpu.vector_store %arg8[%swap3A_53, %swap3A_54], %swap3A_57 {strides = array<i32>} : memref<128x128xf32, #tpu.memory_space<vmem>>, vector<1x16xf32>,
      %broadcast_in_dim3A_58 = arith.constant 0.000000e+00 : f32
      %broadcast_in_dim3A_59 = vector.broadcast %broadcast_in_dim3A_58 : f32 to vector<16xf32>
      %swap3A_60 = arith.index_cast %scan3A_37 : i32 to index
      %swap3A_61 = arith.constant 48 : index
      %swap3A_62 = tpu.vector_load %arg8[%swap3A_60, %swap3A_61] {strides = array<i32>} : memref<128x128xf32, #tpu.memory_space<vmem>>, vector<1x16xf32>,
      %swap3A_63 = vector.shape_cast %swap3A_62 : vector<1x16xf32> to vector<16xf32>
      %swap3A_64 = vector.shape_cast %broadcast_in_dim3A_59 : vector<16xf32> to vector<1x16xf32>
      tpu.vector_store %arg8[%swap3A_60, %swap3A_61], %swap3A_64 {strides = array<i32>} : memref<128x128xf32, #tpu.memory_space<vmem>>, vector<1x16xf32>,
      %broadcast_in_dim3A_65 = arith.constant 0.000000e+00 : f32
      %broadcast_in_dim3A_66 = vector.broadcast %broadcast_in_dim3A_65 : f32 to vector<16xf32>
      %swap3A_67 = arith.index_cast %scan3A_37 : i32 to index
      %swap3A_68 = arith.constant 64 : index
      %swap3A_69 = tpu.vector_load %arg8[%swap3A_67, %swap3A_68] {strides = array<i32>} : memref<128x128xf32, #tpu.memory_space<vmem>>, vector<1x16xf32>,
      %swap3A_70 = vector.shape_cast %swap3A_69 : vector<1x16xf32> to vector<16xf32>
      %swap3A_71 = vector.shape_cast %broadcast_in_dim3A_66 : vector<16xf32> to vector<1x16xf32>
      tpu.vector_store %arg8[%swap3A_67, %swap3A_68], %swap3A_71 {strides = array<i32>} : memref<128x128xf32, #tpu.memory_space<vmem>>, vector<1x16xf32>,
      %broadcast_in_dim3A_72 = arith.constant 0.000000e+00 : f32
      %broadcast_in_dim3A_73 = vector.broadcast %broadcast_in_dim3A_72 : f32 to vector<16xf32>
      %swap3A_74 = arith.index_cast %scan3A_37 : i32 to index
      %swap3A_75 = arith.constant 80 : index
      %swap3A_76 = tpu.vector_load %arg8[%swap3A_74, %swap3A_75] {strides = array<i32>} : memref<128x128xf32, #tpu.memory_space<vmem>>, vector<1x16xf32>,
      %swap3A_77 = vector.shape_cast %swap3A_76 : vector<1x16xf32> to vector<16xf32>
      %swap3A_78 = vector.shape_cast %broadcast_in_dim3A_73 : vector<16xf32> to vector<1x16xf32>
      tpu.vector_store %arg8[%swap3A_74, %swap3A_75], %swap3A_78 {strides = array<i32>} : memref<128x128xf32, #tpu.memory_space<vmem>>, vector<1x16xf32>,
      %broadcast_in_dim3A_79 = arith.constant 0.000000e+00 : f32
      %broadcast_in_dim3A_80 = vector.broadcast %broadcast_in_dim3A_79 : f32 to vector<16xf32>
      %swap3A_81 = arith.index_cast %scan3A_37 : i32 to index
      %swap3A_82 = arith.constant 96 : index
      %swap3A_83 = tpu.vector_load %arg8[%swap3A_81, %swap3A_82] {strides = array<i32>} : memref<128x128xf32, #tpu.memory_space<vmem>>, vector<1x16xf32>,
      %swap3A_84 = vector.shape_cast %swap3A_83 : vector<1x16xf32> to vector<16xf32>
      %swap3A_85 = vector.shape_cast %broadcast_in_dim3A_80 : vector<16xf32> to vector<1x16xf32>
      tpu.vector_store %arg8[%swap3A_81, %swap3A_82], %swap3A_85 {strides = array<i32>} : memref<128x128xf32, #tpu.memory_space<vmem>>, vector<1x16xf32>,
      %broadcast_in_dim3A_86 = arith.constant 0.000000e+00 : f32
      %broadcast_in_dim3A_87 = vector.broadcast %broadcast_in_dim3A_86 : f32 to vector<16xf32>
      %swap3A_88 = arith.index_cast %scan3A_37 : i32 to index
      %swap3A_89 = arith.constant 112 : index
      %swap3A_90 = tpu.vector_load %arg8[%swap3A_88, %swap3A_89] {strides = array<i32>} : memref<128x128xf32, #tpu.memory_space<vmem>>, vector<1x16xf32>,
      %swap3A_91 = vector.shape_cast %swap3A_90 : vector<1x16xf32> to vector<16xf32>
      %swap3A_92 = vector.shape_cast %broadcast_in_dim3A_87 : vector<16xf32> to vector<1x16xf32>
      tpu.vector_store %arg8[%swap3A_88, %swap3A_89], %swap3A_92 {strides = array<i32>} : memref<128x128xf32, #tpu.memory_space<vmem>>, vector<1x16xf32>,
      %scan3A_93 = arith.constant 0 : i32
      scf.yield %scan3A_93 : i32
    }
    %scan3A_6 = arith.constant 128 : i32
    %mul3A_7 = arith.constant 640 : i32
    %mul3A_8 = arith.muli %arg1, %mul3A_7 : i32
    %add3A_9 = arith.constant 0 : i32
    %add3A_10 = arith.addi %mul3A_8, %add3A_9 : i32
    "tpu.region"() ({
      %run_scoped3A = tpu.sem_alloc : memref<!tpu.dma_semaphore, #tpu.memory_space<semaphore_mem>>
      %dma_start3A = arith.constant 0 : i32
      %dma_start3A_37 = tpu.memref_slice %arg9[%add3A_10, %dma_start3A] : memref<10240x128xf32, #tpu.memory_space<vmem_shared>> -> memref<128x128xf32, #tpu.memory_space<vmem_shared>>
      %dma_start3A_38 = arith.constant 0 : i32
      %dma_start3A_39 = tpu.memref_slice %arg9[%add3A_10, %dma_start3A_38] : memref<10240x128xf32, #tpu.memory_space<vmem_shared>> -> memref<128x128xf32, #tpu.memory_space<vmem_shared>>
      tpu.enqueue_dma source(%arg8 : memref<128x128xf32, #tpu.memory_space<vmem>>) target(%dma_start3A_39 : memref<128x128xf32, #tpu.memory_space<vmem_shared>>) target_semaphore(%run_scoped3A : memref<!tpu.dma_semaphore, #tpu.memory_space<semaphore_mem>>)
      %dma_wait3A = arith.constant 0 : i32
      %dma_wait3A_40 = tpu.memref_slice %arg9[%add3A_10, %dma_wait3A] : memref<10240x128xf32, #tpu.memory_space<vmem_shared>> -> memref<128x128xf32, #tpu.memory_space<vmem_shared>>
      %dma_wait3A_41 = arith.constant 0 : i32
      %dma_wait3A_42 = tpu.memref_slice %arg9[%add3A_10, %dma_wait3A_41] : memref<10240x128xf32, #tpu.memory_space<vmem_shared>> -> memref<128x128xf32, #tpu.memory_space<vmem_shared>>
      tpu.wait_dma2 semaphore(%run_scoped3A : memref<!tpu.dma_semaphore, #tpu.memory_space<semaphore_mem>>) src(%arg8 : memref<128x128xf32, #tpu.memory_space<vmem>>) dst(%dma_wait3A_42 : memref<128x128xf32, #tpu.memory_space<vmem_shared>>)
      tpu.yield
    }) : () -> ()
    %add3A_11 = arith.constant 128 : i32
    %add3A_12 = arith.addi %mul3A_8, %add3A_11 : i32
    "tpu.region"() ({
      %run_scoped3A = tpu.sem_alloc : memref<!tpu.dma_semaphore, #tpu.memory_space<semaphore_mem>>
      %dma_start3A = arith.constant 0 : i32
      %dma_start3A_37 = tpu.memref_slice %arg9[%add3A_12, %dma_start3A] : memref<10240x128xf32, #tpu.memory_space<vmem_shared>> -> memref<128x128xf32, #tpu.memory_space<vmem_shared>>
      %dma_start3A_38 = arith.constant 0 : i32
      %dma_start3A_39 = tpu.memref_slice %arg9[%add3A_12, %dma_start3A_38] : memref<10240x128xf32, #tpu.memory_space<vmem_shared>> -> memref<128x128xf32, #tpu.memory_space<vmem_shared>>
      tpu.enqueue_dma source(%arg8 : memref<128x128xf32, #tpu.memory_space<vmem>>) target(%dma_start3A_39 : memref<128x128xf32, #tpu.memory_space<vmem_shared>>) target_semaphore(%run_scoped3A : memref<!tpu.dma_semaphore, #tpu.memory_space<semaphore_mem>>)
      %dma_wait3A = arith.constant 0 : i32
      %dma_wait3A_40 = tpu.memref_slice %arg9[%add3A_12, %dma_wait3A] : memref<10240x128xf32, #tpu.memory_space<vmem_shared>> -> memref<128x128xf32, #tpu.memory_space<vmem_shared>>
      %dma_wait3A_41 = arith.constant 0 : i32
      %dma_wait3A_42 = tpu.memref_slice %arg9[%add3A_12, %dma_wait3A_41] : memref<10240x128xf32, #tpu.memory_space<vmem_shared>> -> memref<128x128xf32, #tpu.memory_space<vmem_shared>>
      tpu.wait_dma2 semaphore(%run_scoped3A : memref<!tpu.dma_semaphore, #tpu.memory_space<semaphore_mem>>) src(%arg8 : memref<128x128xf32, #tpu.memory_space<vmem>>) dst(%dma_wait3A_42 : memref<128x128xf32, #tpu.memory_space<vmem_shared>>)
      tpu.yield
    }) : () -> ()
    %add3A_13 = arith.constant 256 : i32
    %add3A_14 = arith.addi %mul3A_8, %add3A_13 : i32
    "tpu.region"() ({
      %run_scoped3A = tpu.sem_alloc : memref<!tpu.dma_semaphore, #tpu.memory_space<semaphore_mem>>
      %dma_start3A = arith.constant 0 : i32
      %dma_start3A_37 = tpu.memref_slice %arg9[%add3A_14, %dma_start3A] : memref<10240x128xf32, #tpu.memory_space<vmem_shared>> -> memref<128x128xf32, #tpu.memory_space<vmem_shared>>
      %dma_start3A_38 = arith.constant 0 : i32
      %dma_start3A_39 = tpu.memref_slice %arg9[%add3A_14, %dma_start3A_38] : memref<10240x128xf32, #tpu.memory_space<vmem_shared>> -> memref<128x128xf32, #tpu.memory_space<vmem_shared>>
      tpu.enqueue_dma source(%arg8 : memref<128x128xf32, #tpu.memory_space<vmem>>) target(%dma_start3A_39 : memref<128x128xf32, #tpu.memory_space<vmem_shared>>) target_semaphore(%run_scoped3A : memref<!tpu.dma_semaphore, #tpu.memory_space<semaphore_mem>>)
      %dma_wait3A = arith.constant 0 : i32
      %dma_wait3A_40 = tpu.memref_slice %arg9[%add3A_14, %dma_wait3A] : memref<10240x128xf32, #tpu.memory_space<vmem_shared>> -> memref<128x128xf32, #tpu.memory_space<vmem_shared>>
      %dma_wait3A_41 = arith.constant 0 : i32
      %dma_wait3A_42 = tpu.memref_slice %arg9[%add3A_14, %dma_wait3A_41] : memref<10240x128xf32, #tpu.memory_space<vmem_shared>> -> memref<128x128xf32, #tpu.memory_space<vmem_shared>>
      tpu.wait_dma2 semaphore(%run_scoped3A : memref<!tpu.dma_semaphore, #tpu.memory_space<semaphore_mem>>) src(%arg8 : memref<128x128xf32, #tpu.memory_space<vmem>>) dst(%dma_wait3A_42 : memref<128x128xf32, #tpu.memory_space<vmem_shared>>)
      tpu.yield
    }) : () -> ()
    %add3A_15 = arith.constant 384 : i32
    %add3A_16 = arith.addi %mul3A_8, %add3A_15 : i32
    "tpu.region"() ({
      %run_scoped3A = tpu.sem_alloc : memref<!tpu.dma_semaphore, #tpu.memory_space<semaphore_mem>>
      %dma_start3A = arith.constant 0 : i32
      %dma_start3A_37 = tpu.memref_slice %arg9[%add3A_16, %dma_start3A] : memref<10240x128xf32, #tpu.memory_space<vmem_shared>> -> memref<128x128xf32, #tpu.memory_space<vmem_shared>>
      %dma_start3A_38 = arith.constant 0 : i32
      %dma_start3A_39 = tpu.memref_slice %arg9[%add3A_16, %dma_start3A_38] : memref<10240x128xf32, #tpu.memory_space<vmem_shared>> -> memref<128x128xf32, #tpu.memory_space<vmem_shared>>
      tpu.enqueue_dma source(%arg8 : memref<128x128xf32, #tpu.memory_space<vmem>>) target(%dma_start3A_39 : memref<128x128xf32, #tpu.memory_space<vmem_shared>>) target_semaphore(%run_scoped3A : memref<!tpu.dma_semaphore, #tpu.memory_space<semaphore_mem>>)
      %dma_wait3A = arith.constant 0 : i32
      %dma_wait3A_40 = tpu.memref_slice %arg9[%add3A_16, %dma_wait3A] : memref<10240x128xf32, #tpu.memory_space<vmem_shared>> -> memref<128x128xf32, #tpu.memory_space<vmem_shared>>
      %dma_wait3A_41 = arith.constant 0 : i32
      %dma_wait3A_42 = tpu.memref_slice %arg9[%add3A_16, %dma_wait3A_41] : memref<10240x128xf32, #tpu.memory_space<vmem_shared>> -> memref<128x128xf32, #tpu.memory_space<vmem_shared>>
      tpu.wait_dma2 semaphore(%run_scoped3A : memref<!tpu.dma_semaphore, #tpu.memory_space<semaphore_mem>>) src(%arg8 : memref<128x128xf32, #tpu.memory_space<vmem>>) dst(%dma_wait3A_42 : memref<128x128xf32, #tpu.memory_space<vmem_shared>>)
      tpu.yield
    }) : () -> ()
    %add3A_17 = arith.constant 512 : i32
    %add3A_18 = arith.addi %mul3A_8, %add3A_17 : i32
    "tpu.region"() ({
      %run_scoped3A = tpu.sem_alloc : memref<!tpu.dma_semaphore, #tpu.memory_space<semaphore_mem>>
      %dma_start3A = arith.constant 0 : i32
      %dma_start3A_37 = tpu.memref_slice %arg9[%add3A_18, %dma_start3A] : memref<10240x128xf32, #tpu.memory_space<vmem_shared>> -> memref<128x128xf32, #tpu.memory_space<vmem_shared>>
      %dma_start3A_38 = arith.constant 0 : i32
      %dma_start3A_39 = tpu.memref_slice %arg9[%add3A_18, %dma_start3A_38] : memref<10240x128xf32, #tpu.memory_space<vmem_shared>> -> memref<128x128xf32, #tpu.memory_space<vmem_shared>>
      tpu.enqueue_dma source(%arg8 : memref<128x128xf32, #tpu.memory_space<vmem>>) target(%dma_start3A_39 : memref<128x128xf32, #tpu.memory_space<vmem_shared>>) target_semaphore(%run_scoped3A : memref<!tpu.dma_semaphore, #tpu.memory_space<semaphore_mem>>)
      %dma_wait3A = arith.constant 0 : i32
      %dma_wait3A_40 = tpu.memref_slice %arg9[%add3A_18, %dma_wait3A] : memref<10240x128xf32, #tpu.memory_space<vmem_shared>> -> memref<128x128xf32, #tpu.memory_space<vmem_shared>>
      %dma_wait3A_41 = arith.constant 0 : i32
      %dma_wait3A_42 = tpu.memref_slice %arg9[%add3A_18, %dma_wait3A_41] : memref<10240x128xf32, #tpu.memory_space<vmem_shared>> -> memref<128x128xf32, #tpu.memory_space<vmem_shared>>
      tpu.wait_dma2 semaphore(%run_scoped3A : memref<!tpu.dma_semaphore, #tpu.memory_space<semaphore_mem>>) src(%arg8 : memref<128x128xf32, #tpu.memory_space<vmem>>) dst(%dma_wait3A_42 : memref<128x128xf32, #tpu.memory_space<vmem_shared>>)
      tpu.yield
    }) : () -> ()
    "tpu.region"() ({
      %run_scoped3A = tpu.sem_alloc : memref<!tpu.dma_semaphore, #tpu.memory_space<semaphore_mem>>
      %dma_start3A = arith.constant 0 : i32
      %dma_start3A_37 = arith.constant 0 : i32
      %dma_start3A_38 = tpu.memref_slice %arg3[%add3A, %dma_start3A, %dma_start3A_37] : memref<32x79x128xi32, #tpu.memory_space<hbm>> -> memref<1x79x128xi32, #tpu.memory_space<hbm>>
      %dma_start3A_39 = tpu.memref_squeeze %dma_start3A_38 : memref<1x79x128xi32, #tpu.memory_space<hbm>> -> memref<79x128xi32, #tpu.memory_space<hbm>>
      %dma_start3A_40 = arith.constant 0 : i32
      %dma_start3A_41 = arith.constant 0 : i32
      %dma_start3A_42 = tpu.memref_slice %arg3[%add3A, %dma_start3A_40, %dma_start3A_41] : memref<32x79x128xi32, #tpu.memory_space<hbm>> -> memref<1x79x128xi32, #tpu.memory_space<hbm>>
      %dma_start3A_43 = tpu.memref_squeeze %dma_start3A_42 : memref<1x79x128xi32, #tpu.memory_space<hbm>> -> memref<79x128xi32, #tpu.memory_space<hbm>>
      tpu.enqueue_dma source(%dma_start3A_43 : memref<79x128xi32, #tpu.memory_space<hbm>>) target(%arg6 : memref<79x128xi32, #tpu.memory_space<vmem>>) target_semaphore(%run_scoped3A : memref<!tpu.dma_semaphore, #tpu.memory_space<semaphore_mem>>)
      %dma_wait3A = arith.constant 0 : i32
      %dma_wait3A_44 = arith.constant 0 : i32
      %dma_wait3A_45 = tpu.memref_slice %arg3[%add3A, %dma_wait3A, %dma_wait3A_44] : memref<32x79x128xi32, #tpu.memory_space<hbm>> -> memref<1x79x128xi32, #tpu.memory_space<hbm>>
      %dma_wait3A_46 = tpu.memref_squeeze %dma_wait3A_45 : memref<1x79x128xi32, #tpu.memory_space<hbm>> -> memref<79x128xi32, #tpu.memory_space<hbm>>
      %dma_wait3A_47 = arith.constant 0 : i32
      %dma_wait3A_48 = arith.constant 0 : i32
      %dma_wait3A_49 = tpu.memref_slice %arg3[%add3A, %dma_wait3A_47, %dma_wait3A_48] : memref<32x79x128xi32, #tpu.memory_space<hbm>> -> memref<1x79x128xi32, #tpu.memory_space<hbm>>
      %dma_wait3A_50 = tpu.memref_squeeze %dma_wait3A_49 : memref<1x79x128xi32, #tpu.memory_space<hbm>> -> memref<79x128xi32, #tpu.memory_space<hbm>>
      tpu.wait_dma2 semaphore(%run_scoped3A : memref<!tpu.dma_semaphore, #tpu.memory_space<semaphore_mem>>) src(%dma_wait3A_50 : memref<79x128xi32, #tpu.memory_space<hbm>>) dst(%arg6 : memref<79x128xi32, #tpu.memory_space<vmem>>)
      tpu.yield
    }) : () -> ()
    "tpu.region"() ({
      %run_scoped3A = tpu.sem_alloc : memref<!tpu.dma_semaphore, #tpu.memory_space<semaphore_mem>>
      %dma_start3A = arith.constant 0 : i32
      %dma_start3A_37 = arith.constant 0 : i32
      %dma_start3A_38 = tpu.memref_slice %arg4[%add3A, %dma_start3A, %dma_start3A_37] : memref<32x79x128xi32, #tpu.memory_space<hbm>> -> memref<1x79x128xi32, #tpu.memory_space<hbm>>
      %dma_start3A_39 = tpu.memref_squeeze %dma_start3A_38 : memref<1x79x128xi32, #tpu.memory_space<hbm>> -> memref<79x128xi32, #tpu.memory_space<hbm>>
      %dma_start3A_40 = arith.constant 0 : i32
      %dma_start3A_41 = arith.constant 0 : i32
      %dma_start3A_42 = tpu.memref_slice %arg4[%add3A, %dma_start3A_40, %dma_start3A_41] : memref<32x79x128xi32, #tpu.memory_space<hbm>> -> memref<1x79x128xi32, #tpu.memory_space<hbm>>
      %dma_start3A_43 = tpu.memref_squeeze %dma_start3A_42 : memref<1x79x128xi32, #tpu.memory_space<hbm>> -> memref<79x128xi32, #tpu.memory_space<hbm>>
      tpu.enqueue_dma source(%dma_start3A_43 : memref<79x128xi32, #tpu.memory_space<hbm>>) target(%arg7 : memref<79x128xi32, #tpu.memory_space<vmem>>) target_semaphore(%run_scoped3A : memref<!tpu.dma_semaphore, #tpu.memory_space<semaphore_mem>>)
      %dma_wait3A = arith.constant 0 : i32
      %dma_wait3A_44 = arith.constant 0 : i32
      %dma_wait3A_45 = tpu.memref_slice %arg4[%add3A, %dma_wait3A, %dma_wait3A_44] : memref<32x79x128xi32, #tpu.memory_space<hbm>> -> memref<1x79x128xi32, #tpu.memory_space<hbm>>
      %dma_wait3A_46 = tpu.memref_squeeze %dma_wait3A_45 : memref<1x79x128xi32, #tpu.memory_space<hbm>> -> memref<79x128xi32, #tpu.memory_space<hbm>>
      %dma_wait3A_47 = arith.constant 0 : i32
      %dma_wait3A_48 = arith.constant 0 : i32
      %dma_wait3A_49 = tpu.memref_slice %arg4[%add3A, %dma_wait3A_47, %dma_wait3A_48] : memref<32x79x128xi32, #tpu.memory_space<hbm>> -> memref<1x79x128xi32, #tpu.memory_space<hbm>>
      %dma_wait3A_50 = tpu.memref_squeeze %dma_wait3A_49 : memref<1x79x128xi32, #tpu.memory_space<hbm>> -> memref<79x128xi32, #tpu.memory_space<hbm>>
      tpu.wait_dma2 semaphore(%run_scoped3A : memref<!tpu.dma_semaphore, #tpu.memory_space<semaphore_mem>>) src(%dma_wait3A_50 : memref<79x128xi32, #tpu.memory_space<hbm>>) dst(%arg7 : memref<79x128xi32, #tpu.memory_space<vmem>>)
      tpu.yield
    }) : () -> ()
    %barrier3A = arith.constant 0 : index
    tpu.barrier barrier_id(%barrier3A)
    %scan3A_19 = arith.constant 0 : i32
    %scan3A_20 = arith.constant 0 : i32
    %scan3A_21 = arith.constant 79 : i32
    %scan3A_22 = arith.addi %scan3A_20, %scan3A_21 : i32
    %scan3A_23 = arith.constant 1 : i32
    %scan3A_24 = scf.for %scan3A_37 = %scan3A_20 to %scan3A_22 step %scan3A_23 iter_args(%scan3A_38 = %scan3A_19) -> (i32)  : i32 {
      %dma_start3A = arith.constant 0 : i32
      %dma_start3A_39 = tpu.memref_slice %arg6[%scan3A_37, %dma_start3A] : memref<79x128xi32, #tpu.memory_space<vmem>> -> memref<1x128xi32, #tpu.memory_space<vmem>>
      %dma_start3A_40 = tpu.memref_squeeze %dma_start3A_39 : memref<1x128xi32, #tpu.memory_space<vmem>> -> memref<128xi32, #tpu.memory_space<vmem>>
      %dma_start3A_41 = arith.constant 0 : i32
      %dma_start3A_42 = arith.constant 0 : i32
      %dma_start3A_43 = tpu.memref_slice %arg2[%dma_start3A_41, %dma_start3A_42] : memref<10000x128xf32, #tpu.memory_space<hbm>> -> memref<10000x128xf32, #tpu.memory_space<hbm>>
      tpu.enqueue_indirect_dma source(%dma_start3A_43 : memref<10000x128xf32, #tpu.memory_space<hbm>>) target(%arg8 : memref<128x128xf32, #tpu.memory_space<vmem>>) offsets(%dma_start3A_40 : memref<128xi32, #tpu.memory_space<vmem>>) semaphore(%arg10 : memref<!tpu.dma_semaphore, #tpu.memory_space<semaphore_mem>>)
      %dma_wait3A = arith.constant 0 : i32
      %dma_wait3A_44 = tpu.memref_slice %arg6[%scan3A_37, %dma_wait3A] : memref<79x128xi32, #tpu.memory_space<vmem>> -> memref<1x128xi32, #tpu.memory_space<vmem>>
      %dma_wait3A_45 = tpu.memref_squeeze %dma_wait3A_44 : memref<1x128xi32, #tpu.memory_space<vmem>> -> memref<128xi32, #tpu.memory_space<vmem>>
      %dma_wait3A_46 = arith.constant 0 : i32
      %dma_wait3A_47 = arith.constant 0 : i32
      %dma_wait3A_48 = tpu.memref_slice %arg2[%dma_wait3A_46, %dma_wait3A_47] : memref<10000x128xf32, #tpu.memory_space<hbm>> -> memref<10000x128xf32, #tpu.memory_space<hbm>>
      tpu.wait_indirect_dma semaphore(%arg10 : memref<!tpu.dma_semaphore, #tpu.memory_space<semaphore_mem>>) src(%dma_wait3A_48 : memref<10000x128xf32, #tpu.memory_space<hbm>>) dst(%arg8 : memref<128x128xf32, #tpu.memory_space<vmem>>)
      "tpu.region"() ({
        %run_scoped3A = tpu.sem_alloc : memref<!tpu.dma_semaphore, #tpu.memory_space<semaphore_mem>>
        %dma_start3A_50 = arith.constant 0 : i32
        %dma_start3A_51 = tpu.memref_slice %arg7[%scan3A_37, %dma_start3A_50] : memref<79x128xi32, #tpu.memory_space<vmem>> -> memref<1x128xi32, #tpu.memory_space<vmem>>
        %dma_start3A_52 = tpu.memref_squeeze %dma_start3A_51 : memref<1x128xi32, #tpu.memory_space<vmem>> -> memref<128xi32, #tpu.memory_space<vmem>>
        %dma_start3A_53 = arith.constant 0 : i32
        %dma_start3A_54 = arith.constant 0 : i32
        %dma_start3A_55 = tpu.memref_slice %arg9[%dma_start3A_53, %dma_start3A_54] : memref<10240x128xf32, #tpu.memory_space<vmem_shared>> -> memref<10240x128xf32, #tpu.memory_space<vmem_shared>>
        tpu.enqueue_indirect_dma source(%arg8 : memref<128x128xf32, #tpu.memory_space<vmem>>) target(%dma_start3A_55 : memref<10240x128xf32, #tpu.memory_space<vmem_shared>>) offsets(%dma_start3A_52 : memref<128xi32, #tpu.memory_space<vmem>>) semaphore(%run_scoped3A : memref<!tpu.dma_semaphore, #tpu.memory_space<semaphore_mem>>) {add = true}
        %dma_wait3A_56 = arith.constant 0 : i32
        %dma_wait3A_57 = tpu.memref_slice %arg7[%scan3A_37, %dma_wait3A_56] : memref<79x128xi32, #tpu.memory_space<vmem>> -> memref<1x128xi32, #tpu.memory_space<vmem>>
        %dma_wait3A_58 = tpu.memref_squeeze %dma_wait3A_57 : memref<1x128xi32, #tpu.memory_space<vmem>> -> memref<128xi32, #tpu.memory_space<vmem>>
        %dma_wait3A_59 = arith.constant 0 : i32
        %dma_wait3A_60 = arith.constant 0 : i32
        %dma_wait3A_61 = tpu.memref_slice %arg9[%dma_wait3A_59, %dma_wait3A_60] : memref<10240x128xf32, #tpu.memory_space<vmem_shared>> -> memref<10240x128xf32, #tpu.memory_space<vmem_shared>>
        tpu.wait_indirect_dma semaphore(%run_scoped3A : memref<!tpu.dma_semaphore, #tpu.memory_space<semaphore_mem>>) src(%arg8 : memref<128x128xf32, #tpu.memory_space<vmem>>) dst(%dma_wait3A_61 : memref<10240x128xf32, #tpu.memory_space<vmem_shared>>)
        tpu.yield
      }) : () -> ()
      %scan3A_49 = arith.constant 0 : i32
      scf.yield %scan3A_49 : i32
    }
    %scan3A_25 = arith.constant 79 : i32
    %barrier3A_26 = arith.constant 0 : index
    tpu.barrier barrier_id(%barrier3A_26)
    %add3A_27 = arith.constant 0 : i32
    %add3A_28 = arith.addi %mul3A_8, %add3A_27 : i32
    "tpu.region"() ({
      %run_scoped3A = tpu.sem_alloc : memref<!tpu.dma_semaphore, #tpu.memory_space<semaphore_mem>>
      %dma_start3A = arith.constant 0 : i32
      %dma_start3A_37 = tpu.memref_slice %arg9[%add3A_28, %dma_start3A] : memref<10240x128xf32, #tpu.memory_space<vmem_shared>> -> memref<128x128xf32, #tpu.memory_space<vmem_shared>>
      %dma_start3A_38 = arith.constant 0 : i32
      %dma_start3A_39 = tpu.memref_slice %arg9[%add3A_28, %dma_start3A_38] : memref<10240x128xf32, #tpu.memory_space<vmem_shared>> -> memref<128x128xf32, #tpu.memory_space<vmem_shared>>
      tpu.enqueue_dma source(%dma_start3A_39 : memref<128x128xf32, #tpu.memory_space<vmem_shared>>) target(%arg8 : memref<128x128xf32, #tpu.memory_space<vmem>>) target_semaphore(%run_scoped3A : memref<!tpu.dma_semaphore, #tpu.memory_space<semaphore_mem>>)
      %dma_wait3A = arith.constant 0 : i32
      %dma_wait3A_40 = tpu.memref_slice %arg9[%add3A_28, %dma_wait3A] : memref<10240x128xf32, #tpu.memory_space<vmem_shared>> -> memref<128x128xf32, #tpu.memory_space<vmem_shared>>
      %dma_wait3A_41 = arith.constant 0 : i32
      %dma_wait3A_42 = tpu.memref_slice %arg9[%add3A_28, %dma_wait3A_41] : memref<10240x128xf32, #tpu.memory_space<vmem_shared>> -> memref<128x128xf32, #tpu.memory_space<vmem_shared>>
      tpu.wait_dma2 semaphore(%run_scoped3A : memref<!tpu.dma_semaphore, #tpu.memory_space<semaphore_mem>>) src(%dma_wait3A_42 : memref<128x128xf32, #tpu.memory_space<vmem_shared>>) dst(%arg8 : memref<128x128xf32, #tpu.memory_space<vmem>>)
      tpu.yield
    }) : () -> ()
    "tpu.region"() ({
      %run_scoped3A = tpu.sem_alloc : memref<!tpu.dma_semaphore, #tpu.memory_space<semaphore_mem>>
      %dma_start3A = arith.constant 0 : i32
      %dma_start3A_37 = tpu.memref_slice %arg5[%arg0, %add3A_28, %dma_start3A] : memref<2x10240x128xf32, #tpu.memory_space<hbm>> -> memref<1x128x128xf32, #tpu.memory_space<hbm>>
      %dma_start3A_38 = tpu.memref_squeeze %dma_start3A_37 : memref<1x128x128xf32, #tpu.memory_space<hbm>> -> memref<128x128xf32, #tpu.memory_space<hbm>>
      %dma_start3A_39 = arith.constant 0 : i32
      %dma_start3A_40 = tpu.memref_slice %arg5[%arg0, %add3A_28, %dma_start3A_39] : memref<2x10240x128xf32, #tpu.memory_space<hbm>> -> memref<1x128x128xf32, #tpu.memory_space<hbm>>
      %dma_start3A_41 = tpu.memref_squeeze %dma_start3A_40 : memref<1x128x128xf32, #tpu.memory_space<hbm>> -> memref<128x128xf32, #tpu.memory_space<hbm>>
      tpu.enqueue_dma source(%arg8 : memref<128x128xf32, #tpu.memory_space<vmem>>) target(%dma_start3A_41 : memref<128x128xf32, #tpu.memory_space<hbm>>) target_semaphore(%run_scoped3A : memref<!tpu.dma_semaphore, #tpu.memory_space<semaphore_mem>>)
      %dma_wait3A = arith.constant 0 : i32
      %dma_wait3A_42 = tpu.memref_slice %arg5[%arg0, %add3A_28, %dma_wait3A] : memref<2x10240x128xf32, #tpu.memory_space<hbm>> -> memref<1x128x128xf32, #tpu.memory_space<hbm>>
      %dma_wait3A_43 = tpu.memref_squeeze %dma_wait3A_42 : memref<1x128x128xf32, #tpu.memory_space<hbm>> -> memref<128x128xf32, #tpu.memory_space<hbm>>
      %dma_wait3A_44 = arith.constant 0 : i32
      %dma_wait3A_45 = tpu.memref_slice %arg5[%arg0, %add3A_28, %dma_wait3A_44] : memref<2x10240x128xf32, #tpu.memory_space<hbm>> -> memref<1x128x128xf32, #tpu.memory_space<hbm>>
      %dma_wait3A_46 = tpu.memref_squeeze %dma_wait3A_45 : memref<1x128x128xf32, #tpu.memory_space<hbm>> -> memref<128x128xf32, #tpu.memory_space<hbm>>
      tpu.wait_dma2 semaphore(%run_scoped3A : memref<!tpu.dma_semaphore, #tpu.memory_space<semaphore_mem>>) src(%arg8 : memref<128x128xf32, #tpu.memory_space<vmem>>) dst(%dma_wait3A_46 : memref<128x128xf32, #tpu.memory_space<hbm>>)
      tpu.yield
    }) : () -> ()
    %add3A_29 = arith.constant 128 : i32
    %add3A_30 = arith.addi %mul3A_8, %add3A_29 : i32
    "tpu.region"() ({
      %run_scoped3A = tpu.sem_alloc : memref<!tpu.dma_semaphore, #tpu.memory_space<semaphore_mem>>
      %dma_start3A = arith.constant 0 : i32
      %dma_start3A_37 = tpu.memref_slice %arg9[%add3A_30, %dma_start3A] : memref<10240x128xf32, #tpu.memory_space<vmem_shared>> -> memref<128x128xf32, #tpu.memory_space<vmem_shared>>
      %dma_start3A_38 = arith.constant 0 : i32
      %dma_start3A_39 = tpu.memref_slice %arg9[%add3A_30, %dma_start3A_38] : memref<10240x128xf32, #tpu.memory_space<vmem_shared>> -> memref<128x128xf32, #tpu.memory_space<vmem_shared>>
      tpu.enqueue_dma source(%dma_start3A_39 : memref<128x128xf32, #tpu.memory_space<vmem_shared>>) target(%arg8 : memref<128x128xf32, #tpu.memory_space<vmem>>) target_semaphore(%run_scoped3A : memref<!tpu.dma_semaphore, #tpu.memory_space<semaphore_mem>>)
      %dma_wait3A = arith.constant 0 : i32
      %dma_wait3A_40 = tpu.memref_slice %arg9[%add3A_30, %dma_wait3A] : memref<10240x128xf32, #tpu.memory_space<vmem_shared>> -> memref<128x128xf32, #tpu.memory_space<vmem_shared>>
      %dma_wait3A_41 = arith.constant 0 : i32
      %dma_wait3A_42 = tpu.memref_slice %arg9[%add3A_30, %dma_wait3A_41] : memref<10240x128xf32, #tpu.memory_space<vmem_shared>> -> memref<128x128xf32, #tpu.memory_space<vmem_shared>>
      tpu.wait_dma2 semaphore(%run_scoped3A : memref<!tpu.dma_semaphore, #tpu.memory_space<semaphore_mem>>) src(%dma_wait3A_42 : memref<128x128xf32, #tpu.memory_space<vmem_shared>>) dst(%arg8 : memref<128x128xf32, #tpu.memory_space<vmem>>)
      tpu.yield
    }) : () -> ()
    "tpu.region"() ({
      %run_scoped3A = tpu.sem_alloc : memref<!tpu.dma_semaphore, #tpu.memory_space<semaphore_mem>>
      %dma_start3A = arith.constant 0 : i32
      %dma_start3A_37 = tpu.memref_slice %arg5[%arg0, %add3A_30, %dma_start3A] : memref<2x10240x128xf32, #tpu.memory_space<hbm>> -> memref<1x128x128xf32, #tpu.memory_space<hbm>>
      %dma_start3A_38 = tpu.memref_squeeze %dma_start3A_37 : memref<1x128x128xf32, #tpu.memory_space<hbm>> -> memref<128x128xf32, #tpu.memory_space<hbm>>
      %dma_start3A_39 = arith.constant 0 : i32
      %dma_start3A_40 = tpu.memref_slice %arg5[%arg0, %add3A_30, %dma_start3A_39] : memref<2x10240x128xf32, #tpu.memory_space<hbm>> -> memref<1x128x128xf32, #tpu.memory_space<hbm>>
      %dma_start3A_41 = tpu.memref_squeeze %dma_start3A_40 : memref<1x128x128xf32, #tpu.memory_space<hbm>> -> memref<128x128xf32, #tpu.memory_space<hbm>>
      tpu.enqueue_dma source(%arg8 : memref<128x128xf32, #tpu.memory_space<vmem>>) target(%dma_start3A_41 : memref<128x128xf32, #tpu.memory_space<hbm>>) target_semaphore(%run_scoped3A : memref<!tpu.dma_semaphore, #tpu.memory_space<semaphore_mem>>)
      %dma_wait3A = arith.constant 0 : i32
      %dma_wait3A_42 = tpu.memref_slice %arg5[%arg0, %add3A_30, %dma_wait3A] : memref<2x10240x128xf32, #tpu.memory_space<hbm>> -> memref<1x128x128xf32, #tpu.memory_space<hbm>>
      %dma_wait3A_43 = tpu.memref_squeeze %dma_wait3A_42 : memref<1x128x128xf32, #tpu.memory_space<hbm>> -> memref<128x128xf32, #tpu.memory_space<hbm>>
      %dma_wait3A_44 = arith.constant 0 : i32
      %dma_wait3A_45 = tpu.memref_slice %arg5[%arg0, %add3A_30, %dma_wait3A_44] : memref<2x10240x128xf32, #tpu.memory_space<hbm>> -> memref<1x128x128xf32, #tpu.memory_space<hbm>>
      %dma_wait3A_46 = tpu.memref_squeeze %dma_wait3A_45 : memref<1x128x128xf32, #tpu.memory_space<hbm>> -> memref<128x128xf32, #tpu.memory_space<hbm>>
      tpu.wait_dma2 semaphore(%run_scoped3A : memref<!tpu.dma_semaphore, #tpu.memory_space<semaphore_mem>>) src(%arg8 : memref<128x128xf32, #tpu.memory_space<vmem>>) dst(%dma_wait3A_46 : memref<128x128xf32, #tpu.memory_space<hbm>>)
      tpu.yield
    }) : () -> ()
    %add3A_31 = arith.constant 256 : i32
    %add3A_32 = arith.addi %mul3A_8, %add3A_31 : i32
    "tpu.region"() ({
      %run_scoped3A = tpu.sem_alloc : memref<!tpu.dma_semaphore, #tpu.memory_space<semaphore_mem>>
      %dma_start3A = arith.constant 0 : i32
      %dma_start3A_37 = tpu.memref_slice %arg9[%add3A_32, %dma_start3A] : memref<10240x128xf32, #tpu.memory_space<vmem_shared>> -> memref<128x128xf32, #tpu.memory_space<vmem_shared>>
      %dma_start3A_38 = arith.constant 0 : i32
      %dma_start3A_39 = tpu.memref_slice %arg9[%add3A_32, %dma_start3A_38] : memref<10240x128xf32, #tpu.memory_space<vmem_shared>> -> memref<128x128xf32, #tpu.memory_space<vmem_shared>>
      tpu.enqueue_dma source(%dma_start3A_39 : memref<128x128xf32, #tpu.memory_space<vmem_shared>>) target(%arg8 : memref<128x128xf32, #tpu.memory_space<vmem>>) target_semaphore(%run_scoped3A : memref<!tpu.dma_semaphore, #tpu.memory_space<semaphore_mem>>)
      %dma_wait3A = arith.constant 0 : i32
      %dma_wait3A_40 = tpu.memref_slice %arg9[%add3A_32, %dma_wait3A] : memref<10240x128xf32, #tpu.memory_space<vmem_shared>> -> memref<128x128xf32, #tpu.memory_space<vmem_shared>>
      %dma_wait3A_41 = arith.constant 0 : i32
      %dma_wait3A_42 = tpu.memref_slice %arg9[%add3A_32, %dma_wait3A_41] : memref<10240x128xf32, #tpu.memory_space<vmem_shared>> -> memref<128x128xf32, #tpu.memory_space<vmem_shared>>
      tpu.wait_dma2 semaphore(%run_scoped3A : memref<!tpu.dma_semaphore, #tpu.memory_space<semaphore_mem>>) src(%dma_wait3A_42 : memref<128x128xf32, #tpu.memory_space<vmem_shared>>) dst(%arg8 : memref<128x128xf32, #tpu.memory_space<vmem>>)
      tpu.yield
    }) : () -> ()
    "tpu.region"() ({
      %run_scoped3A = tpu.sem_alloc : memref<!tpu.dma_semaphore, #tpu.memory_space<semaphore_mem>>
      %dma_start3A = arith.constant 0 : i32
      %dma_start3A_37 = tpu.memref_slice %arg5[%arg0, %add3A_32, %dma_start3A] : memref<2x10240x128xf32, #tpu.memory_space<hbm>> -> memref<1x128x128xf32, #tpu.memory_space<hbm>>
      %dma_start3A_38 = tpu.memref_squeeze %dma_start3A_37 : memref<1x128x128xf32, #tpu.memory_space<hbm>> -> memref<128x128xf32, #tpu.memory_space<hbm>>
      %dma_start3A_39 = arith.constant 0 : i32
      %dma_start3A_40 = tpu.memref_slice %arg5[%arg0, %add3A_32, %dma_start3A_39] : memref<2x10240x128xf32, #tpu.memory_space<hbm>> -> memref<1x128x128xf32, #tpu.memory_space<hbm>>
      %dma_start3A_41 = tpu.memref_squeeze %dma_start3A_40 : memref<1x128x128xf32, #tpu.memory_space<hbm>> -> memref<128x128xf32, #tpu.memory_space<hbm>>
      tpu.enqueue_dma source(%arg8 : memref<128x128xf32, #tpu.memory_space<vmem>>) target(%dma_start3A_41 : memref<128x128xf32, #tpu.memory_space<hbm>>) target_semaphore(%run_scoped3A : memref<!tpu.dma_semaphore, #tpu.memory_space<semaphore_mem>>)
      %dma_wait3A = arith.constant 0 : i32
      %dma_wait3A_42 = tpu.memref_slice %arg5[%arg0, %add3A_32, %dma_wait3A] : memref<2x10240x128xf32, #tpu.memory_space<hbm>> -> memref<1x128x128xf32, #tpu.memory_space<hbm>>
      %dma_wait3A_43 = tpu.memref_squeeze %dma_wait3A_42 : memref<1x128x128xf32, #tpu.memory_space<hbm>> -> memref<128x128xf32, #tpu.memory_space<hbm>>
      %dma_wait3A_44 = arith.constant 0 : i32
      %dma_wait3A_45 = tpu.memref_slice %arg5[%arg0, %add3A_32, %dma_wait3A_44] : memref<2x10240x128xf32, #tpu.memory_space<hbm>> -> memref<1x128x128xf32, #tpu.memory_space<hbm>>
      %dma_wait3A_46 = tpu.memref_squeeze %dma_wait3A_45 : memref<1x128x128xf32, #tpu.memory_space<hbm>> -> memref<128x128xf32, #tpu.memory_space<hbm>>
      tpu.wait_dma2 semaphore(%run_scoped3A : memref<!tpu.dma_semaphore, #tpu.memory_space<semaphore_mem>>) src(%arg8 : memref<128x128xf32, #tpu.memory_space<vmem>>) dst(%dma_wait3A_46 : memref<128x128xf32, #tpu.memory_space<hbm>>)
      tpu.yield
    }) : () -> ()
    %add3A_33 = arith.constant 384 : i32
    %add3A_34 = arith.addi %mul3A_8, %add3A_33 : i32
    "tpu.region"() ({
      %run_scoped3A = tpu.sem_alloc : memref<!tpu.dma_semaphore, #tpu.memory_space<semaphore_mem>>
      %dma_start3A = arith.constant 0 : i32
      %dma_start3A_37 = tpu.memref_slice %arg9[%add3A_34, %dma_start3A] : memref<10240x128xf32, #tpu.memory_space<vmem_shared>> -> memref<128x128xf32, #tpu.memory_space<vmem_shared>>
      %dma_start3A_38 = arith.constant 0 : i32
      %dma_start3A_39 = tpu.memref_slice %arg9[%add3A_34, %dma_start3A_38] : memref<10240x128xf32, #tpu.memory_space<vmem_shared>> -> memref<128x128xf32, #tpu.memory_space<vmem_shared>>
      tpu.enqueue_dma source(%dma_start3A_39 : memref<128x128xf32, #tpu.memory_space<vmem_shared>>) target(%arg8 : memref<128x128xf32, #tpu.memory_space<vmem>>) target_semaphore(%run_scoped3A : memref<!tpu.dma_semaphore, #tpu.memory_space<semaphore_mem>>)
      %dma_wait3A = arith.constant 0 : i32
      %dma_wait3A_40 = tpu.memref_slice %arg9[%add3A_34, %dma_wait3A] : memref<10240x128xf32, #tpu.memory_space<vmem_shared>> -> memref<128x128xf32, #tpu.memory_space<vmem_shared>>
      %dma_wait3A_41 = arith.constant 0 : i32
      %dma_wait3A_42 = tpu.memref_slice %arg9[%add3A_34, %dma_wait3A_41] : memref<10240x128xf32, #tpu.memory_space<vmem_shared>> -> memref<128x128xf32, #tpu.memory_space<vmem_shared>>
      tpu.wait_dma2 semaphore(%run_scoped3A : memref<!tpu.dma_semaphore, #tpu.memory_space<semaphore_mem>>) src(%dma_wait3A_42 : memref<128x128xf32, #tpu.memory_space<vmem_shared>>) dst(%arg8 : memref<128x128xf32, #tpu.memory_space<vmem>>)
      tpu.yield
    }) : () -> ()
    "tpu.region"() ({
      %run_scoped3A = tpu.sem_alloc : memref<!tpu.dma_semaphore, #tpu.memory_space<semaphore_mem>>
      %dma_start3A = arith.constant 0 : i32
      %dma_start3A_37 = tpu.memref_slice %arg5[%arg0, %add3A_34, %dma_start3A] : memref<2x10240x128xf32, #tpu.memory_space<hbm>> -> memref<1x128x128xf32, #tpu.memory_space<hbm>>
      %dma_start3A_38 = tpu.memref_squeeze %dma_start3A_37 : memref<1x128x128xf32, #tpu.memory_space<hbm>> -> memref<128x128xf32, #tpu.memory_space<hbm>>
      %dma_start3A_39 = arith.constant 0 : i32
      %dma_start3A_40 = tpu.memref_slice %arg5[%arg0, %add3A_34, %dma_start3A_39] : memref<2x10240x128xf32, #tpu.memory_space<hbm>> -> memref<1x128x128xf32, #tpu.memory_space<hbm>>
      %dma_start3A_41 = tpu.memref_squeeze %dma_start3A_40 : memref<1x128x128xf32, #tpu.memory_space<hbm>> -> memref<128x128xf32, #tpu.memory_space<hbm>>
      tpu.enqueue_dma source(%arg8 : memref<128x128xf32, #tpu.memory_space<vmem>>) target(%dma_start3A_41 : memref<128x128xf32, #tpu.memory_space<hbm>>) target_semaphore(%run_scoped3A : memref<!tpu.dma_semaphore, #tpu.memory_space<semaphore_mem>>)
      %dma_wait3A = arith.constant 0 : i32
      %dma_wait3A_42 = tpu.memref_slice %arg5[%arg0, %add3A_34, %dma_wait3A] : memref<2x10240x128xf32, #tpu.memory_space<hbm>> -> memref<1x128x128xf32, #tpu.memory_space<hbm>>
      %dma_wait3A_43 = tpu.memref_squeeze %dma_wait3A_42 : memref<1x128x128xf32, #tpu.memory_space<hbm>> -> memref<128x128xf32, #tpu.memory_space<hbm>>
      %dma_wait3A_44 = arith.constant 0 : i32
      %dma_wait3A_45 = tpu.memref_slice %arg5[%arg0, %add3A_34, %dma_wait3A_44] : memref<2x10240x128xf32, #tpu.memory_space<hbm>> -> memref<1x128x128xf32, #tpu.memory_space<hbm>>
      %dma_wait3A_46 = tpu.memref_squeeze %dma_wait3A_45 : memref<1x128x128xf32, #tpu.memory_space<hbm>> -> memref<128x128xf32, #tpu.memory_space<hbm>>
      tpu.wait_dma2 semaphore(%run_scoped3A : memref<!tpu.dma_semaphore, #tpu.memory_space<semaphore_mem>>) src(%arg8 : memref<128x128xf32, #tpu.memory_space<vmem>>) dst(%dma_wait3A_46 : memref<128x128xf32, #tpu.memory_space<hbm>>)
      tpu.yield
    }) : () -> ()
    %add3A_35 = arith.constant 512 : i32
    %add3A_36 = arith.addi %mul3A_8, %add3A_35 : i32
    "tpu.region"() ({
      %run_scoped3A = tpu.sem_alloc : memref<!tpu.dma_semaphore, #tpu.memory_space<semaphore_mem>>
      %dma_start3A = arith.constant 0 : i32
      %dma_start3A_37 = tpu.memref_slice %arg9[%add3A_36, %dma_start3A] : memref<10240x128xf32, #tpu.memory_space<vmem_shared>> -> memref<128x128xf32, #tpu.memory_space<vmem_shared>>
      %dma_start3A_38 = arith.constant 0 : i32
      %dma_start3A_39 = tpu.memref_slice %arg9[%add3A_36, %dma_start3A_38] : memref<10240x128xf32, #tpu.memory_space<vmem_shared>> -> memref<128x128xf32, #tpu.memory_space<vmem_shared>>
      tpu.enqueue_dma source(%dma_start3A_39 : memref<128x128xf32, #tpu.memory_space<vmem_shared>>) target(%arg8 : memref<128x128xf32, #tpu.memory_space<vmem>>) target_semaphore(%run_scoped3A : memref<!tpu.dma_semaphore, #tpu.memory_space<semaphore_mem>>)
      %dma_wait3A = arith.constant 0 : i32
      %dma_wait3A_40 = tpu.memref_slice %arg9[%add3A_36, %dma_wait3A] : memref<10240x128xf32, #tpu.memory_space<vmem_shared>> -> memref<128x128xf32, #tpu.memory_space<vmem_shared>>
      %dma_wait3A_41 = arith.constant 0 : i32
      %dma_wait3A_42 = tpu.memref_slice %arg9[%add3A_36, %dma_wait3A_41] : memref<10240x128xf32, #tpu.memory_space<vmem_shared>> -> memref<128x128xf32, #tpu.memory_space<vmem_shared>>
      tpu.wait_dma2 semaphore(%run_scoped3A : memref<!tpu.dma_semaphore, #tpu.memory_space<semaphore_mem>>) src(%dma_wait3A_42 : memref<128x128xf32, #tpu.memory_space<vmem_shared>>) dst(%arg8 : memref<128x128xf32, #tpu.memory_space<vmem>>)
      tpu.yield
    }) : () -> ()
    "tpu.region"() ({
      %run_scoped3A = tpu.sem_alloc : memref<!tpu.dma_semaphore, #tpu.memory_space<semaphore_mem>>
      %dma_start3A = arith.constant 0 : i32
      %dma_start3A_37 = tpu.memref_slice %arg5[%arg0, %add3A_36, %dma_start3A] : memref<2x10240x128xf32, #tpu.memory_space<hbm>> -> memref<1x128x128xf32, #tpu.memory_space<hbm>>
      %dma_start3A_38 = tpu.memref_squeeze %dma_start3A_37 : memref<1x128x128xf32, #tpu.memory_space<hbm>> -> memref<128x128xf32, #tpu.memory_space<hbm>>
      %dma_start3A_39 = arith.constant 0 : i32
      %dma_start3A_40 = tpu.memref_slice %arg5[%arg0, %add3A_36, %dma_start3A_39] : memref<2x10240x128xf32, #tpu.memory_space<hbm>> -> memref<1x128x128xf32, #tpu.memory_space<hbm>>
      %dma_start3A_41 = tpu.memref_squeeze %dma_start3A_40 : memref<1x128x128xf32, #tpu.memory_space<hbm>> -> memref<128x128xf32, #tpu.memory_space<hbm>>
      tpu.enqueue_dma source(%arg8 : memref<128x128xf32, #tpu.memory_space<vmem>>) target(%dma_start3A_41 : memref<128x128xf32, #tpu.memory_space<hbm>>) target_semaphore(%run_scoped3A : memref<!tpu.dma_semaphore, #tpu.memory_space<semaphore_mem>>)
      %dma_wait3A = arith.constant 0 : i32
      %dma_wait3A_42 = tpu.memref_slice %arg5[%arg0, %add3A_36, %dma_wait3A] : memref<2x10240x128xf32, #tpu.memory_space<hbm>> -> memref<1x128x128xf32, #tpu.memory_space<hbm>>
      %dma_wait3A_43 = tpu.memref_squeeze %dma_wait3A_42 : memref<1x128x128xf32, #tpu.memory_space<hbm>> -> memref<128x128xf32, #tpu.memory_space<hbm>>
      %dma_wait3A_44 = arith.constant 0 : i32
      %dma_wait3A_45 = tpu.memref_slice %arg5[%arg0, %add3A_36, %dma_wait3A_44] : memref<2x10240x128xf32, #tpu.memory_space<hbm>> -> memref<1x128x128xf32, #tpu.memory_space<hbm>>
      %dma_wait3A_46 = tpu.memref_squeeze %dma_wait3A_45 : memref<1x128x128xf32, #tpu.memory_space<hbm>> -> memref<128x128xf32, #tpu.memory_space<hbm>>
      tpu.wait_dma2 semaphore(%run_scoped3A : memref<!tpu.dma_semaphore, #tpu.memory_space<semaphore_mem>>) src(%arg8 : memref<128x128xf32, #tpu.memory_space<vmem>>) dst(%dma_wait3A_46 : memref<128x128xf32, #tpu.memory_space<hbm>>)
      tpu.yield
    }) : () -> ()
    return
  }
}

#map = affine_map<(d0, d1) -> (0, 0)>
#map1 = affine_map<(d0, d1) -> (0, 0, 0)>
module attributes {stable_mosaic.version = 14 : i64} {
  func.func @sc_adj_accumulate(%arg0: i32, %arg1: i32, %arg2: memref<10000x128xf32, #tpu.memory_space<hbm>>, %arg3: memref<32x79x128xi32, #tpu.memory_space<hbm>>, %arg4: memref<32x79x128xi32, #tpu.memory_space<hbm>>, %arg5: memref<2x10240x128xf32, #tpu.memory_space<hbm>>, %arg6: memref<79x128xi32, #tpu.memory_space<vmem>>, %arg7: memref<79x128xi32, #tpu.memory_space<vmem>>, %arg8: memref<128x128xf32, #tpu.memory_space<vmem>>, %arg9: memref<10240x128xf32, #tpu.memory_space<vmem_shared>>, %arg10: memref<!tpu.dma_semaphore, #tpu.memory_space<semaphore_mem>>) attributes {dimension_semantics = [#tpu.dimension_semantics<core_parallel>, #tpu.dimension_semantics<subcore_parallel>], iteration_bounds = array<i64: 2, 16>, scalar_prefetch = 0 : i64, scratch_operands = 5 : i64, tpu.core_type = #tpu.core_type<sc_vector_subcore>, window_params = [{transform_indices = #map}, {transform_indices = #map1}, {transform_indices = #map1}, {transform_indices = #map1}]} {
    %mul3A = arith.constant 16 : i32
    %mul3A_0 = arith.muli %arg0, %mul3A : i32
    %add3A = arith.addi %mul3A_0, %arg1 : i32
    %scan3A = arith.constant 0 : i32
    %scan3A_1 = arith.constant 0 : i32
    %scan3A_2 = arith.constant 128 : i32
    %scan3A_3 = arith.addi %scan3A_1, %scan3A_2 : i32
    %scan3A_4 = arith.constant 1 : i32
    %scan3A_5 = scf.for %scan3A_37 = %scan3A_1 to %scan3A_3 step %scan3A_4 iter_args(%scan3A_38 = %scan3A) -> (i32)  : i32 {
      %broadcast_in_dim3A = arith.constant 0.000000e+00 : f32
      %broadcast_in_dim3A_39 = vector.broadcast %broadcast_in_dim3A : f32 to vector<16xf32>
      %swap3A = arith.index_cast %scan3A_37 : i32 to index
      %swap3A_40 = arith.constant 0 : index
      %swap3A_41 = tpu.vector_load %arg8[%swap3A, %swap3A_40] {strides = array<i32>} : memref<128x128xf32, #tpu.memory_space<vmem>>, vector<1x16xf32>,
      %swap3A_42 = vector.shape_cast %swap3A_41 : vector<1x16xf32> to vector<16xf32>
      %swap3A_43 = vector.shape_cast %broadcast_in_dim3A_39 : vector<16xf32> to vector<1x16xf32>
      tpu.vector_store %arg8[%swap3A, %swap3A_40], %swap3A_43 {strides = array<i32>} : memref<128x128xf32, #tpu.memory_space<vmem>>, vector<1x16xf32>,
      %broadcast_in_dim3A_44 = arith.constant 0.000000e+00 : f32
      %broadcast_in_dim3A_45 = vector.broadcast %broadcast_in_dim3A_44 : f32 to vector<16xf32>
      %swap3A_46 = arith.index_cast %scan3A_37 : i32 to index
      %swap3A_47 = arith.constant 16 : index
      %swap3A_48 = tpu.vector_load %arg8[%swap3A_46, %swap3A_47] {strides = array<i32>} : memref<128x128xf32, #tpu.memory_space<vmem>>, vector<1x16xf32>,
      %swap3A_49 = vector.shape_cast %swap3A_48 : vector<1x16xf32> to vector<16xf32>
      %swap3A_50 = vector.shape_cast %broadcast_in_dim3A_45 : vector<16xf32> to vector<1x16xf32>
      tpu.vector_store %arg8[%swap3A_46, %swap3A_47], %swap3A_50 {strides = array<i32>} : memref<128x128xf32, #tpu.memory_space<vmem>>, vector<1x16xf32>,
      %broadcast_in_dim3A_51 = arith.constant 0.000000e+00 : f32
      %broadcast_in_dim3A_52 = vector.broadcast %broadcast_in_dim3A_51 : f32 to vector<16xf32>
      %swap3A_53 = arith.index_cast %scan3A_37 : i32 to index
      %swap3A_54 = arith.constant 32 : index
      %swap3A_55 = tpu.vector_load %arg8[%swap3A_53, %swap3A_54] {strides = array<i32>} : memref<128x128xf32, #tpu.memory_space<vmem>>, vector<1x16xf32>,
      %swap3A_56 = vector.shape_cast %swap3A_55 : vector<1x16xf32> to vector<16xf32>
      %swap3A_57 = vector.shape_cast %broadcast_in_dim3A_52 : vector<16xf32> to vector<1x16xf32>
      tpu.vector_store %arg8[%swap3A_53, %swap3A_54], %swap3A_57 {strides = array<i32>} : memref<128x128xf32, #tpu.memory_space<vmem>>, vector<1x16xf32>,
      %broadcast_in_dim3A_58 = arith.constant 0.000000e+00 : f32
      %broadcast_in_dim3A_59 = vector.broadcast %broadcast_in_dim3A_58 : f32 to vector<16xf32>
      %swap3A_60 = arith.index_cast %scan3A_37 : i32 to index
      %swap3A_61 = arith.constant 48 : index
      %swap3A_62 = tpu.vector_load %arg8[%swap3A_60, %swap3A_61] {strides = array<i32>} : memref<128x128xf32, #tpu.memory_space<vmem>>, vector<1x16xf32>,
      %swap3A_63 = vector.shape_cast %swap3A_62 : vector<1x16xf32> to vector<16xf32>
      %swap3A_64 = vector.shape_cast %broadcast_in_dim3A_59 : vector<16xf32> to vector<1x16xf32>
      tpu.vector_store %arg8[%swap3A_60, %swap3A_61], %swap3A_64 {strides = array<i32>} : memref<128x128xf32, #tpu.memory_space<vmem>>, vector<1x16xf32>,
      %broadcast_in_dim3A_65 = arith.constant 0.000000e+00 : f32
      %broadcast_in_dim3A_66 = vector.broadcast %broadcast_in_dim3A_65 : f32 to vector<16xf32>
      %swap3A_67 = arith.index_cast %scan3A_37 : i32 to index
      %swap3A_68 = arith.constant 64 : index
      %swap3A_69 = tpu.vector_load %arg8[%swap3A_67, %swap3A_68] {strides = array<i32>} : memref<128x128xf32, #tpu.memory_space<vmem>>, vector<1x16xf32>,
      %swap3A_70 = vector.shape_cast %swap3A_69 : vector<1x16xf32> to vector<16xf32>
      %swap3A_71 = vector.shape_cast %broadcast_in_dim3A_66 : vector<16xf32> to vector<1x16xf32>
      tpu.vector_store %arg8[%swap3A_67, %swap3A_68], %swap3A_71 {strides = array<i32>} : memref<128x128xf32, #tpu.memory_space<vmem>>, vector<1x16xf32>,
      %broadcast_in_dim3A_72 = arith.constant 0.000000e+00 : f32
      %broadcast_in_dim3A_73 = vector.broadcast %broadcast_in_dim3A_72 : f32 to vector<16xf32>
      %swap3A_74 = arith.index_cast %scan3A_37 : i32 to index
      %swap3A_75 = arith.constant 80 : index
      %swap3A_76 = tpu.vector_load %arg8[%swap3A_74, %swap3A_75] {strides = array<i32>} : memref<128x128xf32, #tpu.memory_space<vmem>>, vector<1x16xf32>,
      %swap3A_77 = vector.shape_cast %swap3A_76 : vector<1x16xf32> to vector<16xf32>
      %swap3A_78 = vector.shape_cast %broadcast_in_dim3A_73 : vector<16xf32> to vector<1x16xf32>
      tpu.vector_store %arg8[%swap3A_74, %swap3A_75], %swap3A_78 {strides = array<i32>} : memref<128x128xf32, #tpu.memory_space<vmem>>, vector<1x16xf32>,
      %broadcast_in_dim3A_79 = arith.constant 0.000000e+00 : f32
      %broadcast_in_dim3A_80 = vector.broadcast %broadcast_in_dim3A_79 : f32 to vector<16xf32>
      %swap3A_81 = arith.index_cast %scan3A_37 : i32 to index
      %swap3A_82 = arith.constant 96 : index
      %swap3A_83 = tpu.vector_load %arg8[%swap3A_81, %swap3A_82] {strides = array<i32>} : memref<128x128xf32, #tpu.memory_space<vmem>>, vector<1x16xf32>,
      %swap3A_84 = vector.shape_cast %swap3A_83 : vector<1x16xf32> to vector<16xf32>
      %swap3A_85 = vector.shape_cast %broadcast_in_dim3A_80 : vector<16xf32> to vector<1x16xf32>
      tpu.vector_store %arg8[%swap3A_81, %swap3A_82], %swap3A_85 {strides = array<i32>} : memref<128x128xf32, #tpu.memory_space<vmem>>, vector<1x16xf32>,
      %broadcast_in_dim3A_86 = arith.constant 0.000000e+00 : f32
      %broadcast_in_dim3A_87 = vector.broadcast %broadcast_in_dim3A_86 : f32 to vector<16xf32>
      %swap3A_88 = arith.index_cast %scan3A_37 : i32 to index
      %swap3A_89 = arith.constant 112 : index
      %swap3A_90 = tpu.vector_load %arg8[%swap3A_88, %swap3A_89] {strides = array<i32>} : memref<128x128xf32, #tpu.memory_space<vmem>>, vector<1x16xf32>,
      %swap3A_91 = vector.shape_cast %swap3A_90 : vector<1x16xf32> to vector<16xf32>
      %swap3A_92 = vector.shape_cast %broadcast_in_dim3A_87 : vector<16xf32> to vector<1x16xf32>
      tpu.vector_store %arg8[%swap3A_88, %swap3A_89], %swap3A_92 {strides = array<i32>} : memref<128x128xf32, #tpu.memory_space<vmem>>, vector<1x16xf32>,
      %scan3A_93 = arith.constant 0 : i32
      scf.yield %scan3A_93 : i32
    }
    %scan3A_6 = arith.constant 128 : i32
    %mul3A_7 = arith.constant 640 : i32
    %mul3A_8 = arith.muli %arg1, %mul3A_7 : i32
    %add3A_9 = arith.constant 0 : i32
    %add3A_10 = arith.addi %mul3A_8, %add3A_9 : i32
    "tpu.region"() ({
      %run_scoped3A = tpu.sem_alloc : memref<!tpu.dma_semaphore, #tpu.memory_space<semaphore_mem>>
      %dma_start3A = arith.constant 0 : i32
      %dma_start3A_37 = tpu.memref_slice %arg9[%add3A_10, %dma_start3A] : memref<10240x128xf32, #tpu.memory_space<vmem_shared>> -> memref<128x128xf32, #tpu.memory_space<vmem_shared>>
      %dma_start3A_38 = arith.constant 0 : i32
      %dma_start3A_39 = tpu.memref_slice %arg9[%add3A_10, %dma_start3A_38] : memref<10240x128xf32, #tpu.memory_space<vmem_shared>> -> memref<128x128xf32, #tpu.memory_space<vmem_shared>>
      tpu.enqueue_dma source(%arg8 : memref<128x128xf32, #tpu.memory_space<vmem>>) target(%dma_start3A_39 : memref<128x128xf32, #tpu.memory_space<vmem_shared>>) target_semaphore(%run_scoped3A : memref<!tpu.dma_semaphore, #tpu.memory_space<semaphore_mem>>)
      %dma_wait3A = arith.constant 0 : i32
      %dma_wait3A_40 = tpu.memref_slice %arg9[%add3A_10, %dma_wait3A] : memref<10240x128xf32, #tpu.memory_space<vmem_shared>> -> memref<128x128xf32, #tpu.memory_space<vmem_shared>>
      %dma_wait3A_41 = arith.constant 0 : i32
      %dma_wait3A_42 = tpu.memref_slice %arg9[%add3A_10, %dma_wait3A_41] : memref<10240x128xf32, #tpu.memory_space<vmem_shared>> -> memref<128x128xf32, #tpu.memory_space<vmem_shared>>
      tpu.wait_dma2 semaphore(%run_scoped3A : memref<!tpu.dma_semaphore, #tpu.memory_space<semaphore_mem>>) src(%arg8 : memref<128x128xf32, #tpu.memory_space<vmem>>) dst(%dma_wait3A_42 : memref<128x128xf32, #tpu.memory_space<vmem_shared>>)
      tpu.yield
    }) : () -> ()
    %add3A_11 = arith.constant 128 : i32
    %add3A_12 = arith.addi %mul3A_8, %add3A_11 : i32
    "tpu.region"() ({
      %run_scoped3A = tpu.sem_alloc : memref<!tpu.dma_semaphore, #tpu.memory_space<semaphore_mem>>
      %dma_start3A = arith.constant 0 : i32
      %dma_start3A_37 = tpu.memref_slice %arg9[%add3A_12, %dma_start3A] : memref<10240x128xf32, #tpu.memory_space<vmem_shared>> -> memref<128x128xf32, #tpu.memory_space<vmem_shared>>
      %dma_start3A_38 = arith.constant 0 : i32
      %dma_start3A_39 = tpu.memref_slice %arg9[%add3A_12, %dma_start3A_38] : memref<10240x128xf32, #tpu.memory_space<vmem_shared>> -> memref<128x128xf32, #tpu.memory_space<vmem_shared>>
      tpu.enqueue_dma source(%arg8 : memref<128x128xf32, #tpu.memory_space<vmem>>) target(%dma_start3A_39 : memref<128x128xf32, #tpu.memory_space<vmem_shared>>) target_semaphore(%run_scoped3A : memref<!tpu.dma_semaphore, #tpu.memory_space<semaphore_mem>>)
      %dma_wait3A = arith.constant 0 : i32
      %dma_wait3A_40 = tpu.memref_slice %arg9[%add3A_12, %dma_wait3A] : memref<10240x128xf32, #tpu.memory_space<vmem_shared>> -> memref<128x128xf32, #tpu.memory_space<vmem_shared>>
      %dma_wait3A_41 = arith.constant 0 : i32
      %dma_wait3A_42 = tpu.memref_slice %arg9[%add3A_12, %dma_wait3A_41] : memref<10240x128xf32, #tpu.memory_space<vmem_shared>> -> memref<128x128xf32, #tpu.memory_space<vmem_shared>>
      tpu.wait_dma2 semaphore(%run_scoped3A : memref<!tpu.dma_semaphore, #tpu.memory_space<semaphore_mem>>) src(%arg8 : memref<128x128xf32, #tpu.memory_space<vmem>>) dst(%dma_wait3A_42 : memref<128x128xf32, #tpu.memory_space<vmem_shared>>)
      tpu.yield
    }) : () -> ()
    %add3A_13 = arith.constant 256 : i32
    %add3A_14 = arith.addi %mul3A_8, %add3A_13 : i32
    "tpu.region"() ({
      %run_scoped3A = tpu.sem_alloc : memref<!tpu.dma_semaphore, #tpu.memory_space<semaphore_mem>>
      %dma_start3A = arith.constant 0 : i32
      %dma_start3A_37 = tpu.memref_slice %arg9[%add3A_14, %dma_start3A] : memref<10240x128xf32, #tpu.memory_space<vmem_shared>> -> memref<128x128xf32, #tpu.memory_space<vmem_shared>>
      %dma_start3A_38 = arith.constant 0 : i32
      %dma_start3A_39 = tpu.memref_slice %arg9[%add3A_14, %dma_start3A_38] : memref<10240x128xf32, #tpu.memory_space<vmem_shared>> -> memref<128x128xf32, #tpu.memory_space<vmem_shared>>
      tpu.enqueue_dma source(%arg8 : memref<128x128xf32, #tpu.memory_space<vmem>>) target(%dma_start3A_39 : memref<128x128xf32, #tpu.memory_space<vmem_shared>>) target_semaphore(%run_scoped3A : memref<!tpu.dma_semaphore, #tpu.memory_space<semaphore_mem>>)
      %dma_wait3A = arith.constant 0 : i32
      %dma_wait3A_40 = tpu.memref_slice %arg9[%add3A_14, %dma_wait3A] : memref<10240x128xf32, #tpu.memory_space<vmem_shared>> -> memref<128x128xf32, #tpu.memory_space<vmem_shared>>
      %dma_wait3A_41 = arith.constant 0 : i32
      %dma_wait3A_42 = tpu.memref_slice %arg9[%add3A_14, %dma_wait3A_41] : memref<10240x128xf32, #tpu.memory_space<vmem_shared>> -> memref<128x128xf32, #tpu.memory_space<vmem_shared>>
      tpu.wait_dma2 semaphore(%run_scoped3A : memref<!tpu.dma_semaphore, #tpu.memory_space<semaphore_mem>>) src(%arg8 : memref<128x128xf32, #tpu.memory_space<vmem>>) dst(%dma_wait3A_42 : memref<128x128xf32, #tpu.memory_space<vmem_shared>>)
      tpu.yield
    }) : () -> ()
    %add3A_15 = arith.constant 384 : i32
    %add3A_16 = arith.addi %mul3A_8, %add3A_15 : i32
    "tpu.region"() ({
      %run_scoped3A = tpu.sem_alloc : memref<!tpu.dma_semaphore, #tpu.memory_space<semaphore_mem>>
      %dma_start3A = arith.constant 0 : i32
      %dma_start3A_37 = tpu.memref_slice %arg9[%add3A_16, %dma_start3A] : memref<10240x128xf32, #tpu.memory_space<vmem_shared>> -> memref<128x128xf32, #tpu.memory_space<vmem_shared>>
      %dma_start3A_38 = arith.constant 0 : i32
      %dma_start3A_39 = tpu.memref_slice %arg9[%add3A_16, %dma_start3A_38] : memref<10240x128xf32, #tpu.memory_space<vmem_shared>> -> memref<128x128xf32, #tpu.memory_space<vmem_shared>>
      tpu.enqueue_dma source(%arg8 : memref<128x128xf32, #tpu.memory_space<vmem>>) target(%dma_start3A_39 : memref<128x128xf32, #tpu.memory_space<vmem_shared>>) target_semaphore(%run_scoped3A : memref<!tpu.dma_semaphore, #tpu.memory_space<semaphore_mem>>)
      %dma_wait3A = arith.constant 0 : i32
      %dma_wait3A_40 = tpu.memref_slice %arg9[%add3A_16, %dma_wait3A] : memref<10240x128xf32, #tpu.memory_space<vmem_shared>> -> memref<128x128xf32, #tpu.memory_space<vmem_shared>>
      %dma_wait3A_41 = arith.constant 0 : i32
      %dma_wait3A_42 = tpu.memref_slice %arg9[%add3A_16, %dma_wait3A_41] : memref<10240x128xf32, #tpu.memory_space<vmem_shared>> -> memref<128x128xf32, #tpu.memory_space<vmem_shared>>
      tpu.wait_dma2 semaphore(%run_scoped3A : memref<!tpu.dma_semaphore, #tpu.memory_space<semaphore_mem>>) src(%arg8 : memref<128x128xf32, #tpu.memory_space<vmem>>) dst(%dma_wait3A_42 : memref<128x128xf32, #tpu.memory_space<vmem_shared>>)
      tpu.yield
    }) : () -> ()
    %add3A_17 = arith.constant 512 : i32
    %add3A_18 = arith.addi %mul3A_8, %add3A_17 : i32
    "tpu.region"() ({
      %run_scoped3A = tpu.sem_alloc : memref<!tpu.dma_semaphore, #tpu.memory_space<semaphore_mem>>
      %dma_start3A = arith.constant 0 : i32
      %dma_start3A_37 = tpu.memref_slice %arg9[%add3A_18, %dma_start3A] : memref<10240x128xf32, #tpu.memory_space<vmem_shared>> -> memref<128x128xf32, #tpu.memory_space<vmem_shared>>
      %dma_start3A_38 = arith.constant 0 : i32
      %dma_start3A_39 = tpu.memref_slice %arg9[%add3A_18, %dma_start3A_38] : memref<10240x128xf32, #tpu.memory_space<vmem_shared>> -> memref<128x128xf32, #tpu.memory_space<vmem_shared>>
      tpu.enqueue_dma source(%arg8 : memref<128x128xf32, #tpu.memory_space<vmem>>) target(%dma_start3A_39 : memref<128x128xf32, #tpu.memory_space<vmem_shared>>) target_semaphore(%run_scoped3A : memref<!tpu.dma_semaphore, #tpu.memory_space<semaphore_mem>>)
      %dma_wait3A = arith.constant 0 : i32
      %dma_wait3A_40 = tpu.memref_slice %arg9[%add3A_18, %dma_wait3A] : memref<10240x128xf32, #tpu.memory_space<vmem_shared>> -> memref<128x128xf32, #tpu.memory_space<vmem_shared>>
      %dma_wait3A_41 = arith.constant 0 : i32
      %dma_wait3A_42 = tpu.memref_slice %arg9[%add3A_18, %dma_wait3A_41] : memref<10240x128xf32, #tpu.memory_space<vmem_shared>> -> memref<128x128xf32, #tpu.memory_space<vmem_shared>>
      tpu.wait_dma2 semaphore(%run_scoped3A : memref<!tpu.dma_semaphore, #tpu.memory_space<semaphore_mem>>) src(%arg8 : memref<128x128xf32, #tpu.memory_space<vmem>>) dst(%dma_wait3A_42 : memref<128x128xf32, #tpu.memory_space<vmem_shared>>)
      tpu.yield
    }) : () -> ()
    "tpu.region"() ({
      %run_scoped3A = tpu.sem_alloc : memref<!tpu.dma_semaphore, #tpu.memory_space<semaphore_mem>>
      %dma_start3A = arith.constant 0 : i32
      %dma_start3A_37 = arith.constant 0 : i32
      %dma_start3A_38 = tpu.memref_slice %arg3[%add3A, %dma_start3A, %dma_start3A_37] : memref<32x79x128xi32, #tpu.memory_space<hbm>> -> memref<1x79x128xi32, #tpu.memory_space<hbm>>
      %dma_start3A_39 = tpu.memref_squeeze %dma_start3A_38 : memref<1x79x128xi32, #tpu.memory_space<hbm>> -> memref<79x128xi32, #tpu.memory_space<hbm>>
      %dma_start3A_40 = arith.constant 0 : i32
      %dma_start3A_41 = arith.constant 0 : i32
      %dma_start3A_42 = tpu.memref_slice %arg3[%add3A, %dma_start3A_40, %dma_start3A_41] : memref<32x79x128xi32, #tpu.memory_space<hbm>> -> memref<1x79x128xi32, #tpu.memory_space<hbm>>
      %dma_start3A_43 = tpu.memref_squeeze %dma_start3A_42 : memref<1x79x128xi32, #tpu.memory_space<hbm>> -> memref<79x128xi32, #tpu.memory_space<hbm>>
      tpu.enqueue_dma source(%dma_start3A_43 : memref<79x128xi32, #tpu.memory_space<hbm>>) target(%arg6 : memref<79x128xi32, #tpu.memory_space<vmem>>) target_semaphore(%run_scoped3A : memref<!tpu.dma_semaphore, #tpu.memory_space<semaphore_mem>>)
      %dma_wait3A = arith.constant 0 : i32
      %dma_wait3A_44 = arith.constant 0 : i32
      %dma_wait3A_45 = tpu.memref_slice %arg3[%add3A, %dma_wait3A, %dma_wait3A_44] : memref<32x79x128xi32, #tpu.memory_space<hbm>> -> memref<1x79x128xi32, #tpu.memory_space<hbm>>
      %dma_wait3A_46 = tpu.memref_squeeze %dma_wait3A_45 : memref<1x79x128xi32, #tpu.memory_space<hbm>> -> memref<79x128xi32, #tpu.memory_space<hbm>>
      %dma_wait3A_47 = arith.constant 0 : i32
      %dma_wait3A_48 = arith.constant 0 : i32
      %dma_wait3A_49 = tpu.memref_slice %arg3[%add3A, %dma_wait3A_47, %dma_wait3A_48] : memref<32x79x128xi32, #tpu.memory_space<hbm>> -> memref<1x79x128xi32, #tpu.memory_space<hbm>>
      %dma_wait3A_50 = tpu.memref_squeeze %dma_wait3A_49 : memref<1x79x128xi32, #tpu.memory_space<hbm>> -> memref<79x128xi32, #tpu.memory_space<hbm>>
      tpu.wait_dma2 semaphore(%run_scoped3A : memref<!tpu.dma_semaphore, #tpu.memory_space<semaphore_mem>>) src(%dma_wait3A_50 : memref<79x128xi32, #tpu.memory_space<hbm>>) dst(%arg6 : memref<79x128xi32, #tpu.memory_space<vmem>>)
      tpu.yield
    }) : () -> ()
    "tpu.region"() ({
      %run_scoped3A = tpu.sem_alloc : memref<!tpu.dma_semaphore, #tpu.memory_space<semaphore_mem>>
      %dma_start3A = arith.constant 0 : i32
      %dma_start3A_37 = arith.constant 0 : i32
      %dma_start3A_38 = tpu.memref_slice %arg4[%add3A, %dma_start3A, %dma_start3A_37] : memref<32x79x128xi32, #tpu.memory_space<hbm>> -> memref<1x79x128xi32, #tpu.memory_space<hbm>>
      %dma_start3A_39 = tpu.memref_squeeze %dma_start3A_38 : memref<1x79x128xi32, #tpu.memory_space<hbm>> -> memref<79x128xi32, #tpu.memory_space<hbm>>
      %dma_start3A_40 = arith.constant 0 : i32
      %dma_start3A_41 = arith.constant 0 : i32
      %dma_start3A_42 = tpu.memref_slice %arg4[%add3A, %dma_start3A_40, %dma_start3A_41] : memref<32x79x128xi32, #tpu.memory_space<hbm>> -> memref<1x79x128xi32, #tpu.memory_space<hbm>>
      %dma_start3A_43 = tpu.memref_squeeze %dma_start3A_42 : memref<1x79x128xi32, #tpu.memory_space<hbm>> -> memref<79x128xi32, #tpu.memory_space<hbm>>
      tpu.enqueue_dma source(%dma_start3A_43 : memref<79x128xi32, #tpu.memory_space<hbm>>) target(%arg7 : memref<79x128xi32, #tpu.memory_space<vmem>>) target_semaphore(%run_scoped3A : memref<!tpu.dma_semaphore, #tpu.memory_space<semaphore_mem>>)
      %dma_wait3A = arith.constant 0 : i32
      %dma_wait3A_44 = arith.constant 0 : i32
      %dma_wait3A_45 = tpu.memref_slice %arg4[%add3A, %dma_wait3A, %dma_wait3A_44] : memref<32x79x128xi32, #tpu.memory_space<hbm>> -> memref<1x79x128xi32, #tpu.memory_space<hbm>>
      %dma_wait3A_46 = tpu.memref_squeeze %dma_wait3A_45 : memref<1x79x128xi32, #tpu.memory_space<hbm>> -> memref<79x128xi32, #tpu.memory_space<hbm>>
      %dma_wait3A_47 = arith.constant 0 : i32
      %dma_wait3A_48 = arith.constant 0 : i32
      %dma_wait3A_49 = tpu.memref_slice %arg4[%add3A, %dma_wait3A_47, %dma_wait3A_48] : memref<32x79x128xi32, #tpu.memory_space<hbm>> -> memref<1x79x128xi32, #tpu.memory_space<hbm>>
      %dma_wait3A_50 = tpu.memref_squeeze %dma_wait3A_49 : memref<1x79x128xi32, #tpu.memory_space<hbm>> -> memref<79x128xi32, #tpu.memory_space<hbm>>
      tpu.wait_dma2 semaphore(%run_scoped3A : memref<!tpu.dma_semaphore, #tpu.memory_space<semaphore_mem>>) src(%dma_wait3A_50 : memref<79x128xi32, #tpu.memory_space<hbm>>) dst(%arg7 : memref<79x128xi32, #tpu.memory_space<vmem>>)
      tpu.yield
    }) : () -> ()
    %barrier3A = arith.constant 0 : index
    tpu.barrier barrier_id(%barrier3A)
    %scan3A_19 = arith.constant 0 : i32
    %scan3A_20 = arith.constant 0 : i32
    %scan3A_21 = arith.constant 79 : i32
    %scan3A_22 = arith.addi %scan3A_20, %scan3A_21 : i32
    %scan3A_23 = arith.constant 1 : i32
    %scan3A_24 = scf.for %scan3A_37 = %scan3A_20 to %scan3A_22 step %scan3A_23 iter_args(%scan3A_38 = %scan3A_19) -> (i32)  : i32 {
      %dma_start3A = arith.constant 0 : i32
      %dma_start3A_39 = tpu.memref_slice %arg6[%scan3A_37, %dma_start3A] : memref<79x128xi32, #tpu.memory_space<vmem>> -> memref<1x128xi32, #tpu.memory_space<vmem>>
      %dma_start3A_40 = tpu.memref_squeeze %dma_start3A_39 : memref<1x128xi32, #tpu.memory_space<vmem>> -> memref<128xi32, #tpu.memory_space<vmem>>
      %dma_start3A_41 = arith.constant 0 : i32
      %dma_start3A_42 = arith.constant 0 : i32
      %dma_start3A_43 = tpu.memref_slice %arg2[%dma_start3A_41, %dma_start3A_42] : memref<10000x128xf32, #tpu.memory_space<hbm>> -> memref<10000x128xf32, #tpu.memory_space<hbm>>
      tpu.enqueue_indirect_dma source(%dma_start3A_43 : memref<10000x128xf32, #tpu.memory_space<hbm>>) target(%arg8 : memref<128x128xf32, #tpu.memory_space<vmem>>) offsets(%dma_start3A_40 : memref<128xi32, #tpu.memory_space<vmem>>) semaphore(%arg10 : memref<!tpu.dma_semaphore, #tpu.memory_space<semaphore_mem>>)
      %dma_wait3A = arith.constant 0 : i32
      %dma_wait3A_44 = tpu.memref_slice %arg6[%scan3A_37, %dma_wait3A] : memref<79x128xi32, #tpu.memory_space<vmem>> -> memref<1x128xi32, #tpu.memory_space<vmem>>
      %dma_wait3A_45 = tpu.memref_squeeze %dma_wait3A_44 : memref<1x128xi32, #tpu.memory_space<vmem>> -> memref<128xi32, #tpu.memory_space<vmem>>
      %dma_wait3A_46 = arith.constant 0 : i32
      %dma_wait3A_47 = arith.constant 0 : i32
      %dma_wait3A_48 = tpu.memref_slice %arg2[%dma_wait3A_46, %dma_wait3A_47] : memref<10000x128xf32, #tpu.memory_space<hbm>> -> memref<10000x128xf32, #tpu.memory_space<hbm>>
      tpu.wait_indirect_dma semaphore(%arg10 : memref<!tpu.dma_semaphore, #tpu.memory_space<semaphore_mem>>) src(%dma_wait3A_48 : memref<10000x128xf32, #tpu.memory_space<hbm>>) dst(%arg8 : memref<128x128xf32, #tpu.memory_space<vmem>>)
      "tpu.region"() ({
        %run_scoped3A = tpu.sem_alloc : memref<!tpu.dma_semaphore, #tpu.memory_space<semaphore_mem>>
        %dma_start3A_50 = arith.constant 0 : i32
        %dma_start3A_51 = tpu.memref_slice %arg7[%scan3A_37, %dma_start3A_50] : memref<79x128xi32, #tpu.memory_space<vmem>> -> memref<1x128xi32, #tpu.memory_space<vmem>>
        %dma_start3A_52 = tpu.memref_squeeze %dma_start3A_51 : memref<1x128xi32, #tpu.memory_space<vmem>> -> memref<128xi32, #tpu.memory_space<vmem>>
        %dma_start3A_53 = arith.constant 0 : i32
        %dma_start3A_54 = arith.constant 0 : i32
        %dma_start3A_55 = tpu.memref_slice %arg9[%dma_start3A_53, %dma_start3A_54] : memref<10240x128xf32, #tpu.memory_space<vmem_shared>> -> memref<10240x128xf32, #tpu.memory_space<vmem_shared>>
        tpu.enqueue_indirect_dma source(%arg8 : memref<128x128xf32, #tpu.memory_space<vmem>>) target(%dma_start3A_55 : memref<10240x128xf32, #tpu.memory_space<vmem_shared>>) offsets(%dma_start3A_52 : memref<128xi32, #tpu.memory_space<vmem>>) semaphore(%run_scoped3A : memref<!tpu.dma_semaphore, #tpu.memory_space<semaphore_mem>>) {add = true}
        %dma_wait3A_56 = arith.constant 0 : i32
        %dma_wait3A_57 = tpu.memref_slice %arg7[%scan3A_37, %dma_wait3A_56] : memref<79x128xi32, #tpu.memory_space<vmem>> -> memref<1x128xi32, #tpu.memory_space<vmem>>
        %dma_wait3A_58 = tpu.memref_squeeze %dma_wait3A_57 : memref<1x128xi32, #tpu.memory_space<vmem>> -> memref<128xi32, #tpu.memory_space<vmem>>
        %dma_wait3A_59 = arith.constant 0 : i32
        %dma_wait3A_60 = arith.constant 0 : i32
        %dma_wait3A_61 = tpu.memref_slice %arg9[%dma_wait3A_59, %dma_wait3A_60] : memref<10240x128xf32, #tpu.memory_space<vmem_shared>> -> memref<10240x128xf32, #tpu.memory_space<vmem_shared>>
        tpu.wait_indirect_dma semaphore(%run_scoped3A : memref<!tpu.dma_semaphore, #tpu.memory_space<semaphore_mem>>) src(%arg8 : memref<128x128xf32, #tpu.memory_space<vmem>>) dst(%dma_wait3A_61 : memref<10240x128xf32, #tpu.memory_space<vmem_shared>>)
        tpu.yield
      }) : () -> ()
      %scan3A_49 = arith.constant 0 : i32
      scf.yield %scan3A_49 : i32
    }
    %scan3A_25 = arith.constant 79 : i32
    %barrier3A_26 = arith.constant 0 : index
    tpu.barrier barrier_id(%barrier3A_26)
    %add3A_27 = arith.constant 0 : i32
    %add3A_28 = arith.addi %mul3A_8, %add3A_27 : i32
    "tpu.region"() ({
      %run_scoped3A = tpu.sem_alloc : memref<!tpu.dma_semaphore, #tpu.memory_space<semaphore_mem>>
      %dma_start3A = arith.constant 0 : i32
      %dma_start3A_37 = tpu.memref_slice %arg9[%add3A_28, %dma_start3A] : memref<10240x128xf32, #tpu.memory_space<vmem_shared>> -> memref<128x128xf32, #tpu.memory_space<vmem_shared>>
      %dma_start3A_38 = arith.constant 0 : i32
      %dma_start3A_39 = tpu.memref_slice %arg9[%add3A_28, %dma_start3A_38] : memref<10240x128xf32, #tpu.memory_space<vmem_shared>> -> memref<128x128xf32, #tpu.memory_space<vmem_shared>>
      tpu.enqueue_dma source(%dma_start3A_39 : memref<128x128xf32, #tpu.memory_space<vmem_shared>>) target(%arg8 : memref<128x128xf32, #tpu.memory_space<vmem>>) target_semaphore(%run_scoped3A : memref<!tpu.dma_semaphore, #tpu.memory_space<semaphore_mem>>)
      %dma_wait3A = arith.constant 0 : i32
      %dma_wait3A_40 = tpu.memref_slice %arg9[%add3A_28, %dma_wait3A] : memref<10240x128xf32, #tpu.memory_space<vmem_shared>> -> memref<128x128xf32, #tpu.memory_space<vmem_shared>>
      %dma_wait3A_41 = arith.constant 0 : i32
      %dma_wait3A_42 = tpu.memref_slice %arg9[%add3A_28, %dma_wait3A_41] : memref<10240x128xf32, #tpu.memory_space<vmem_shared>> -> memref<128x128xf32, #tpu.memory_space<vmem_shared>>
      tpu.wait_dma2 semaphore(%run_scoped3A : memref<!tpu.dma_semaphore, #tpu.memory_space<semaphore_mem>>) src(%dma_wait3A_42 : memref<128x128xf32, #tpu.memory_space<vmem_shared>>) dst(%arg8 : memref<128x128xf32, #tpu.memory_space<vmem>>)
      tpu.yield
    }) : () -> ()
    "tpu.region"() ({
      %run_scoped3A = tpu.sem_alloc : memref<!tpu.dma_semaphore, #tpu.memory_space<semaphore_mem>>
      %dma_start3A = arith.constant 0 : i32
      %dma_start3A_37 = tpu.memref_slice %arg5[%arg0, %add3A_28, %dma_start3A] : memref<2x10240x128xf32, #tpu.memory_space<hbm>> -> memref<1x128x128xf32, #tpu.memory_space<hbm>>
      %dma_start3A_38 = tpu.memref_squeeze %dma_start3A_37 : memref<1x128x128xf32, #tpu.memory_space<hbm>> -> memref<128x128xf32, #tpu.memory_space<hbm>>
      %dma_start3A_39 = arith.constant 0 : i32
      %dma_start3A_40 = tpu.memref_slice %arg5[%arg0, %add3A_28, %dma_start3A_39] : memref<2x10240x128xf32, #tpu.memory_space<hbm>> -> memref<1x128x128xf32, #tpu.memory_space<hbm>>
      %dma_start3A_41 = tpu.memref_squeeze %dma_start3A_40 : memref<1x128x128xf32, #tpu.memory_space<hbm>> -> memref<128x128xf32, #tpu.memory_space<hbm>>
      tpu.enqueue_dma source(%arg8 : memref<128x128xf32, #tpu.memory_space<vmem>>) target(%dma_start3A_41 : memref<128x128xf32, #tpu.memory_space<hbm>>) target_semaphore(%run_scoped3A : memref<!tpu.dma_semaphore, #tpu.memory_space<semaphore_mem>>)
      %dma_wait3A = arith.constant 0 : i32
      %dma_wait3A_42 = tpu.memref_slice %arg5[%arg0, %add3A_28, %dma_wait3A] : memref<2x10240x128xf32, #tpu.memory_space<hbm>> -> memref<1x128x128xf32, #tpu.memory_space<hbm>>
      %dma_wait3A_43 = tpu.memref_squeeze %dma_wait3A_42 : memref<1x128x128xf32, #tpu.memory_space<hbm>> -> memref<128x128xf32, #tpu.memory_space<hbm>>
      %dma_wait3A_44 = arith.constant 0 : i32
      %dma_wait3A_45 = tpu.memref_slice %arg5[%arg0, %add3A_28, %dma_wait3A_44] : memref<2x10240x128xf32, #tpu.memory_space<hbm>> -> memref<1x128x128xf32, #tpu.memory_space<hbm>>
      %dma_wait3A_46 = tpu.memref_squeeze %dma_wait3A_45 : memref<1x128x128xf32, #tpu.memory_space<hbm>> -> memref<128x128xf32, #tpu.memory_space<hbm>>
      tpu.wait_dma2 semaphore(%run_scoped3A : memref<!tpu.dma_semaphore, #tpu.memory_space<semaphore_mem>>) src(%arg8 : memref<128x128xf32, #tpu.memory_space<vmem>>) dst(%dma_wait3A_46 : memref<128x128xf32, #tpu.memory_space<hbm>>)
      tpu.yield
    }) : () -> ()
    %add3A_29 = arith.constant 128 : i32
    %add3A_30 = arith.addi %mul3A_8, %add3A_29 : i32
    "tpu.region"() ({
      %run_scoped3A = tpu.sem_alloc : memref<!tpu.dma_semaphore, #tpu.memory_space<semaphore_mem>>
      %dma_start3A = arith.constant 0 : i32
      %dma_start3A_37 = tpu.memref_slice %arg9[%add3A_30, %dma_start3A] : memref<10240x128xf32, #tpu.memory_space<vmem_shared>> -> memref<128x128xf32, #tpu.memory_space<vmem_shared>>
      %dma_start3A_38 = arith.constant 0 : i32
      %dma_start3A_39 = tpu.memref_slice %arg9[%add3A_30, %dma_start3A_38] : memref<10240x128xf32, #tpu.memory_space<vmem_shared>> -> memref<128x128xf32, #tpu.memory_space<vmem_shared>>
      tpu.enqueue_dma source(%dma_start3A_39 : memref<128x128xf32, #tpu.memory_space<vmem_shared>>) target(%arg8 : memref<128x128xf32, #tpu.memory_space<vmem>>) target_semaphore(%run_scoped3A : memref<!tpu.dma_semaphore, #tpu.memory_space<semaphore_mem>>)
      %dma_wait3A = arith.constant 0 : i32
      %dma_wait3A_40 = tpu.memref_slice %arg9[%add3A_30, %dma_wait3A] : memref<10240x128xf32, #tpu.memory_space<vmem_shared>> -> memref<128x128xf32, #tpu.memory_space<vmem_shared>>
      %dma_wait3A_41 = arith.constant 0 : i32
      %dma_wait3A_42 = tpu.memref_slice %arg9[%add3A_30, %dma_wait3A_41] : memref<10240x128xf32, #tpu.memory_space<vmem_shared>> -> memref<128x128xf32, #tpu.memory_space<vmem_shared>>
      tpu.wait_dma2 semaphore(%run_scoped3A : memref<!tpu.dma_semaphore, #tpu.memory_space<semaphore_mem>>) src(%dma_wait3A_42 : memref<128x128xf32, #tpu.memory_space<vmem_shared>>) dst(%arg8 : memref<128x128xf32, #tpu.memory_space<vmem>>)
      tpu.yield
    }) : () -> ()
    "tpu.region"() ({
      %run_scoped3A = tpu.sem_alloc : memref<!tpu.dma_semaphore, #tpu.memory_space<semaphore_mem>>
      %dma_start3A = arith.constant 0 : i32
      %dma_start3A_37 = tpu.memref_slice %arg5[%arg0, %add3A_30, %dma_start3A] : memref<2x10240x128xf32, #tpu.memory_space<hbm>> -> memref<1x128x128xf32, #tpu.memory_space<hbm>>
      %dma_start3A_38 = tpu.memref_squeeze %dma_start3A_37 : memref<1x128x128xf32, #tpu.memory_space<hbm>> -> memref<128x128xf32, #tpu.memory_space<hbm>>
      %dma_start3A_39 = arith.constant 0 : i32
      %dma_start3A_40 = tpu.memref_slice %arg5[%arg0, %add3A_30, %dma_start3A_39] : memref<2x10240x128xf32, #tpu.memory_space<hbm>> -> memref<1x128x128xf32, #tpu.memory_space<hbm>>
      %dma_start3A_41 = tpu.memref_squeeze %dma_start3A_40 : memref<1x128x128xf32, #tpu.memory_space<hbm>> -> memref<128x128xf32, #tpu.memory_space<hbm>>
      tpu.enqueue_dma source(%arg8 : memref<128x128xf32, #tpu.memory_space<vmem>>) target(%dma_start3A_41 : memref<128x128xf32, #tpu.memory_space<hbm>>) target_semaphore(%run_scoped3A : memref<!tpu.dma_semaphore, #tpu.memory_space<semaphore_mem>>)
      %dma_wait3A = arith.constant 0 : i32
      %dma_wait3A_42 = tpu.memref_slice %arg5[%arg0, %add3A_30, %dma_wait3A] : memref<2x10240x128xf32, #tpu.memory_space<hbm>> -> memref<1x128x128xf32, #tpu.memory_space<hbm>>
      %dma_wait3A_43 = tpu.memref_squeeze %dma_wait3A_42 : memref<1x128x128xf32, #tpu.memory_space<hbm>> -> memref<128x128xf32, #tpu.memory_space<hbm>>
      %dma_wait3A_44 = arith.constant 0 : i32
      %dma_wait3A_45 = tpu.memref_slice %arg5[%arg0, %add3A_30, %dma_wait3A_44] : memref<2x10240x128xf32, #tpu.memory_space<hbm>> -> memref<1x128x128xf32, #tpu.memory_space<hbm>>
      %dma_wait3A_46 = tpu.memref_squeeze %dma_wait3A_45 : memref<1x128x128xf32, #tpu.memory_space<hbm>> -> memref<128x128xf32, #tpu.memory_space<hbm>>
      tpu.wait_dma2 semaphore(%run_scoped3A : memref<!tpu.dma_semaphore, #tpu.memory_space<semaphore_mem>>) src(%arg8 : memref<128x128xf32, #tpu.memory_space<vmem>>) dst(%dma_wait3A_46 : memref<128x128xf32, #tpu.memory_space<hbm>>)
      tpu.yield
    }) : () -> ()
    %add3A_31 = arith.constant 256 : i32
    %add3A_32 = arith.addi %mul3A_8, %add3A_31 : i32
    "tpu.region"() ({
      %run_scoped3A = tpu.sem_alloc : memref<!tpu.dma_semaphore, #tpu.memory_space<semaphore_mem>>
      %dma_start3A = arith.constant 0 : i32
      %dma_start3A_37 = tpu.memref_slice %arg9[%add3A_32, %dma_start3A] : memref<10240x128xf32, #tpu.memory_space<vmem_shared>> -> memref<128x128xf32, #tpu.memory_space<vmem_shared>>
      %dma_start3A_38 = arith.constant 0 : i32
      %dma_start3A_39 = tpu.memref_slice %arg9[%add3A_32, %dma_start3A_38] : memref<10240x128xf32, #tpu.memory_space<vmem_shared>> -> memref<128x128xf32, #tpu.memory_space<vmem_shared>>
      tpu.enqueue_dma source(%dma_start3A_39 : memref<128x128xf32, #tpu.memory_space<vmem_shared>>) target(%arg8 : memref<128x128xf32, #tpu.memory_space<vmem>>) target_semaphore(%run_scoped3A : memref<!tpu.dma_semaphore, #tpu.memory_space<semaphore_mem>>)
      %dma_wait3A = arith.constant 0 : i32
      %dma_wait3A_40 = tpu.memref_slice %arg9[%add3A_32, %dma_wait3A] : memref<10240x128xf32, #tpu.memory_space<vmem_shared>> -> memref<128x128xf32, #tpu.memory_space<vmem_shared>>
      %dma_wait3A_41 = arith.constant 0 : i32
      %dma_wait3A_42 = tpu.memref_slice %arg9[%add3A_32, %dma_wait3A_41] : memref<10240x128xf32, #tpu.memory_space<vmem_shared>> -> memref<128x128xf32, #tpu.memory_space<vmem_shared>>
      tpu.wait_dma2 semaphore(%run_scoped3A : memref<!tpu.dma_semaphore, #tpu.memory_space<semaphore_mem>>) src(%dma_wait3A_42 : memref<128x128xf32, #tpu.memory_space<vmem_shared>>) dst(%arg8 : memref<128x128xf32, #tpu.memory_space<vmem>>)
      tpu.yield
    }) : () -> ()
    "tpu.region"() ({
      %run_scoped3A = tpu.sem_alloc : memref<!tpu.dma_semaphore, #tpu.memory_space<semaphore_mem>>
      %dma_start3A = arith.constant 0 : i32
      %dma_start3A_37 = tpu.memref_slice %arg5[%arg0, %add3A_32, %dma_start3A] : memref<2x10240x128xf32, #tpu.memory_space<hbm>> -> memref<1x128x128xf32, #tpu.memory_space<hbm>>
      %dma_start3A_38 = tpu.memref_squeeze %dma_start3A_37 : memref<1x128x128xf32, #tpu.memory_space<hbm>> -> memref<128x128xf32, #tpu.memory_space<hbm>>
      %dma_start3A_39 = arith.constant 0 : i32
      %dma_start3A_40 = tpu.memref_slice %arg5[%arg0, %add3A_32, %dma_start3A_39] : memref<2x10240x128xf32, #tpu.memory_space<hbm>> -> memref<1x128x128xf32, #tpu.memory_space<hbm>>
      %dma_start3A_41 = tpu.memref_squeeze %dma_start3A_40 : memref<1x128x128xf32, #tpu.memory_space<hbm>> -> memref<128x128xf32, #tpu.memory_space<hbm>>
      tpu.enqueue_dma source(%arg8 : memref<128x128xf32, #tpu.memory_space<vmem>>) target(%dma_start3A_41 : memref<128x128xf32, #tpu.memory_space<hbm>>) target_semaphore(%run_scoped3A : memref<!tpu.dma_semaphore, #tpu.memory_space<semaphore_mem>>)
      %dma_wait3A = arith.constant 0 : i32
      %dma_wait3A_42 = tpu.memref_slice %arg5[%arg0, %add3A_32, %dma_wait3A] : memref<2x10240x128xf32, #tpu.memory_space<hbm>> -> memref<1x128x128xf32, #tpu.memory_space<hbm>>
      %dma_wait3A_43 = tpu.memref_squeeze %dma_wait3A_42 : memref<1x128x128xf32, #tpu.memory_space<hbm>> -> memref<128x128xf32, #tpu.memory_space<hbm>>
      %dma_wait3A_44 = arith.constant 0 : i32
      %dma_wait3A_45 = tpu.memref_slice %arg5[%arg0, %add3A_32, %dma_wait3A_44] : memref<2x10240x128xf32, #tpu.memory_space<hbm>> -> memref<1x128x128xf32, #tpu.memory_space<hbm>>
      %dma_wait3A_46 = tpu.memref_squeeze %dma_wait3A_45 : memref<1x128x128xf32, #tpu.memory_space<hbm>> -> memref<128x128xf32, #tpu.memory_space<hbm>>
      tpu.wait_dma2 semaphore(%run_scoped3A : memref<!tpu.dma_semaphore, #tpu.memory_space<semaphore_mem>>) src(%arg8 : memref<128x128xf32, #tpu.memory_space<vmem>>) dst(%dma_wait3A_46 : memref<128x128xf32, #tpu.memory_space<hbm>>)
      tpu.yield
    }) : () -> ()
    %add3A_33 = arith.constant 384 : i32
    %add3A_34 = arith.addi %mul3A_8, %add3A_33 : i32
    "tpu.region"() ({
      %run_scoped3A = tpu.sem_alloc : memref<!tpu.dma_semaphore, #tpu.memory_space<semaphore_mem>>
      %dma_start3A = arith.constant 0 : i32
      %dma_start3A_37 = tpu.memref_slice %arg9[%add3A_34, %dma_start3A] : memref<10240x128xf32, #tpu.memory_space<vmem_shared>> -> memref<128x128xf32, #tpu.memory_space<vmem_shared>>
      %dma_start3A_38 = arith.constant 0 : i32
      %dma_start3A_39 = tpu.memref_slice %arg9[%add3A_34, %dma_start3A_38] : memref<10240x128xf32, #tpu.memory_space<vmem_shared>> -> memref<128x128xf32, #tpu.memory_space<vmem_shared>>
      tpu.enqueue_dma source(%dma_start3A_39 : memref<128x128xf32, #tpu.memory_space<vmem_shared>>) target(%arg8 : memref<128x128xf32, #tpu.memory_space<vmem>>) target_semaphore(%run_scoped3A : memref<!tpu.dma_semaphore, #tpu.memory_space<semaphore_mem>>)
      %dma_wait3A = arith.constant 0 : i32
      %dma_wait3A_40 = tpu.memref_slice %arg9[%add3A_34, %dma_wait3A] : memref<10240x128xf32, #tpu.memory_space<vmem_shared>> -> memref<128x128xf32, #tpu.memory_space<vmem_shared>>
      %dma_wait3A_41 = arith.constant 0 : i32
      %dma_wait3A_42 = tpu.memref_slice %arg9[%add3A_34, %dma_wait3A_41] : memref<10240x128xf32, #tpu.memory_space<vmem_shared>> -> memref<128x128xf32, #tpu.memory_space<vmem_shared>>
      tpu.wait_dma2 semaphore(%run_scoped3A : memref<!tpu.dma_semaphore, #tpu.memory_space<semaphore_mem>>) src(%dma_wait3A_42 : memref<128x128xf32, #tpu.memory_space<vmem_shared>>) dst(%arg8 : memref<128x128xf32, #tpu.memory_space<vmem>>)
      tpu.yield
    }) : () -> ()
    "tpu.region"() ({
      %run_scoped3A = tpu.sem_alloc : memref<!tpu.dma_semaphore, #tpu.memory_space<semaphore_mem>>
      %dma_start3A = arith.constant 0 : i32
      %dma_start3A_37 = tpu.memref_slice %arg5[%arg0, %add3A_34, %dma_start3A] : memref<2x10240x128xf32, #tpu.memory_space<hbm>> -> memref<1x128x128xf32, #tpu.memory_space<hbm>>
      %dma_start3A_38 = tpu.memref_squeeze %dma_start3A_37 : memref<1x128x128xf32, #tpu.memory_space<hbm>> -> memref<128x128xf32, #tpu.memory_space<hbm>>
      %dma_start3A_39 = arith.constant 0 : i32
      %dma_start3A_40 = tpu.memref_slice %arg5[%arg0, %add3A_34, %dma_start3A_39] : memref<2x10240x128xf32, #tpu.memory_space<hbm>> -> memref<1x128x128xf32, #tpu.memory_space<hbm>>
      %dma_start3A_41 = tpu.memref_squeeze %dma_start3A_40 : memref<1x128x128xf32, #tpu.memory_space<hbm>> -> memref<128x128xf32, #tpu.memory_space<hbm>>
      tpu.enqueue_dma source(%arg8 : memref<128x128xf32, #tpu.memory_space<vmem>>) target(%dma_start3A_41 : memref<128x128xf32, #tpu.memory_space<hbm>>) target_semaphore(%run_scoped3A : memref<!tpu.dma_semaphore, #tpu.memory_space<semaphore_mem>>)
      %dma_wait3A = arith.constant 0 : i32
      %dma_wait3A_42 = tpu.memref_slice %arg5[%arg0, %add3A_34, %dma_wait3A] : memref<2x10240x128xf32, #tpu.memory_space<hbm>> -> memref<1x128x128xf32, #tpu.memory_space<hbm>>
      %dma_wait3A_43 = tpu.memref_squeeze %dma_wait3A_42 : memref<1x128x128xf32, #tpu.memory_space<hbm>> -> memref<128x128xf32, #tpu.memory_space<hbm>>
      %dma_wait3A_44 = arith.constant 0 : i32
      %dma_wait3A_45 = tpu.memref_slice %arg5[%arg0, %add3A_34, %dma_wait3A_44] : memref<2x10240x128xf32, #tpu.memory_space<hbm>> -> memref<1x128x128xf32, #tpu.memory_space<hbm>>
      %dma_wait3A_46 = tpu.memref_squeeze %dma_wait3A_45 : memref<1x128x128xf32, #tpu.memory_space<hbm>> -> memref<128x128xf32, #tpu.memory_space<hbm>>
      tpu.wait_dma2 semaphore(%run_scoped3A : memref<!tpu.dma_semaphore, #tpu.memory_space<semaphore_mem>>) src(%arg8 : memref<128x128xf32, #tpu.memory_space<vmem>>) dst(%dma_wait3A_46 : memref<128x128xf32, #tpu.memory_space<hbm>>)
      tpu.yield
    }) : () -> ()
    %add3A_35 = arith.constant 512 : i32
    %add3A_36 = arith.addi %mul3A_8, %add3A_35 : i32
    "tpu.region"() ({
      %run_scoped3A = tpu.sem_alloc : memref<!tpu.dma_semaphore, #tpu.memory_space<semaphore_mem>>
      %dma_start3A = arith.constant 0 : i32
      %dma_start3A_37 = tpu.memref_slice %arg9[%add3A_36, %dma_start3A] : memref<10240x128xf32, #tpu.memory_space<vmem_shared>> -> memref<128x128xf32, #tpu.memory_space<vmem_shared>>
      %dma_start3A_38 = arith.constant 0 : i32
      %dma_start3A_39 = tpu.memref_slice %arg9[%add3A_36, %dma_start3A_38] : memref<10240x128xf32, #tpu.memory_space<vmem_shared>> -> memref<128x128xf32, #tpu.memory_space<vmem_shared>>
      tpu.enqueue_dma source(%dma_start3A_39 : memref<128x128xf32, #tpu.memory_space<vmem_shared>>) target(%arg8 : memref<128x128xf32, #tpu.memory_space<vmem>>) target_semaphore(%run_scoped3A : memref<!tpu.dma_semaphore, #tpu.memory_space<semaphore_mem>>)
      %dma_wait3A = arith.constant 0 : i32
      %dma_wait3A_40 = tpu.memref_slice %arg9[%add3A_36, %dma_wait3A] : memref<10240x128xf32, #tpu.memory_space<vmem_shared>> -> memref<128x128xf32, #tpu.memory_space<vmem_shared>>
      %dma_wait3A_41 = arith.constant 0 : i32
      %dma_wait3A_42 = tpu.memref_slice %arg9[%add3A_36, %dma_wait3A_41] : memref<10240x128xf32, #tpu.memory_space<vmem_shared>> -> memref<128x128xf32, #tpu.memory_space<vmem_shared>>
      tpu.wait_dma2 semaphore(%run_scoped3A : memref<!tpu.dma_semaphore, #tpu.memory_space<semaphore_mem>>) src(%dma_wait3A_42 : memref<128x128xf32, #tpu.memory_space<vmem_shared>>) dst(%arg8 : memref<128x128xf32, #tpu.memory_space<vmem>>)
      tpu.yield
    }) : () -> ()
    "tpu.region"() ({
      %run_scoped3A = tpu.sem_alloc : memref<!tpu.dma_semaphore, #tpu.memory_space<semaphore_mem>>
      %dma_start3A = arith.constant 0 : i32
      %dma_start3A_37 = tpu.memref_slice %arg5[%arg0, %add3A_36, %dma_start3A] : memref<2x10240x128xf32, #tpu.memory_space<hbm>> -> memref<1x128x128xf32, #tpu.memory_space<hbm>>
      %dma_start3A_38 = tpu.memref_squeeze %dma_start3A_37 : memref<1x128x128xf32, #tpu.memory_space<hbm>> -> memref<128x128xf32, #tpu.memory_space<hbm>>
      %dma_start3A_39 = arith.constant 0 : i32
      %dma_start3A_40 = tpu.memref_slice %arg5[%arg0, %add3A_36, %dma_start3A_39] : memref<2x10240x128xf32, #tpu.memory_space<hbm>> -> memref<1x128x128xf32, #tpu.memory_space<hbm>>
      %dma_start3A_41 = tpu.memref_squeeze %dma_start3A_40 : memref<1x128x128xf32, #tpu.memory_space<hbm>> -> memref<128x128xf32, #tpu.memory_space<hbm>>
      tpu.enqueue_dma source(%arg8 : memref<128x128xf32, #tpu.memory_space<vmem>>) target(%dma_start3A_41 : memref<128x128xf32, #tpu.memory_space<hbm>>) target_semaphore(%run_scoped3A : memref<!tpu.dma_semaphore, #tpu.memory_space<semaphore_mem>>)
      %dma_wait3A = arith.constant 0 : i32
      %dma_wait3A_42 = tpu.memref_slice %arg5[%arg0, %add3A_36, %dma_wait3A] : memref<2x10240x128xf32, #tpu.memory_space<hbm>> -> memref<1x128x128xf32, #tpu.memory_space<hbm>>
      %dma_wait3A_43 = tpu.memref_squeeze %dma_wait3A_42 : memref<1x128x128xf32, #tpu.memory_space<hbm>> -> memref<128x128xf32, #tpu.memory_space<hbm>>
      %dma_wait3A_44 = arith.constant 0 : i32
      %dma_wait3A_45 = tpu.memref_slice %arg5[%arg0, %add3A_36, %dma_wait3A_44] : memref<2x10240x128xf32, #tpu.memory_space<hbm>> -> memref<1x128x128xf32, #tpu.memory_space<hbm>>
      %dma_wait3A_46 = tpu.memref_squeeze %dma_wait3A_45 : memref<1x128x128xf32, #tpu.memory_space<hbm>> -> memref<128x128xf32, #tpu.memory_space<hbm>>
      tpu.wait_dma2 semaphore(%run_scoped3A : memref<!tpu.dma_semaphore, #tpu.memory_space<semaphore_mem>>) src(%arg8 : memref<128x128xf32, #tpu.memory_space<vmem>>) dst(%dma_wait3A_46 : memref<128x128xf32, #tpu.memory_space<hbm>>)
      tpu.yield
    }) : () -> ()
    return
  }
}

#map = affine_map<(d0, d1) -> (0, 0)>
#map1 = affine_map<(d0, d1) -> (0, 0, 0)>
module attributes {stable_mosaic.version = 14 : i64} {
  func.func @sc_adj_accumulate(%arg0: i32, %arg1: i32, %arg2: memref<10000x128xf32, #tpu.memory_space<hbm>>, %arg3: memref<32x79x128xi32, #tpu.memory_space<hbm>>, %arg4: memref<32x79x128xi32, #tpu.memory_space<hbm>>, %arg5: memref<2x10240x128xf32, #tpu.memory_space<hbm>>, %arg6: memref<79x128xi32, #tpu.memory_space<vmem>>, %arg7: memref<79x128xi32, #tpu.memory_space<vmem>>, %arg8: memref<128x128xf32, #tpu.memory_space<vmem>>, %arg9: memref<10240x128xf32, #tpu.memory_space<vmem_shared>>, %arg10: memref<!tpu.dma_semaphore, #tpu.memory_space<semaphore_mem>>) attributes {dimension_semantics = [#tpu.dimension_semantics<core_parallel>, #tpu.dimension_semantics<subcore_parallel>], iteration_bounds = array<i64: 2, 16>, scalar_prefetch = 0 : i64, scratch_operands = 5 : i64, tpu.core_type = #tpu.core_type<sc_vector_subcore>, window_params = [{transform_indices = #map}, {transform_indices = #map1}, {transform_indices = #map1}, {transform_indices = #map1}]} {
    %mul3A = arith.constant 16 : i32
    %mul3A_0 = arith.muli %arg0, %mul3A : i32
    %add3A = arith.addi %mul3A_0, %arg1 : i32
    %scan3A = arith.constant 0 : i32
    %scan3A_1 = arith.constant 0 : i32
    %scan3A_2 = arith.constant 128 : i32
    %scan3A_3 = arith.addi %scan3A_1, %scan3A_2 : i32
    %scan3A_4 = arith.constant 1 : i32
    %scan3A_5 = scf.for %scan3A_37 = %scan3A_1 to %scan3A_3 step %scan3A_4 iter_args(%scan3A_38 = %scan3A) -> (i32)  : i32 {
      %broadcast_in_dim3A = arith.constant 0.000000e+00 : f32
      %broadcast_in_dim3A_39 = vector.broadcast %broadcast_in_dim3A : f32 to vector<16xf32>
      %swap3A = arith.index_cast %scan3A_37 : i32 to index
      %swap3A_40 = arith.constant 0 : index
      %swap3A_41 = tpu.vector_load %arg8[%swap3A, %swap3A_40] {strides = array<i32>} : memref<128x128xf32, #tpu.memory_space<vmem>>, vector<1x16xf32>,
      %swap3A_42 = vector.shape_cast %swap3A_41 : vector<1x16xf32> to vector<16xf32>
      %swap3A_43 = vector.shape_cast %broadcast_in_dim3A_39 : vector<16xf32> to vector<1x16xf32>
      tpu.vector_store %arg8[%swap3A, %swap3A_40], %swap3A_43 {strides = array<i32>} : memref<128x128xf32, #tpu.memory_space<vmem>>, vector<1x16xf32>,
      %broadcast_in_dim3A_44 = arith.constant 0.000000e+00 : f32
      %broadcast_in_dim3A_45 = vector.broadcast %broadcast_in_dim3A_44 : f32 to vector<16xf32>
      %swap3A_46 = arith.index_cast %scan3A_37 : i32 to index
      %swap3A_47 = arith.constant 16 : index
      %swap3A_48 = tpu.vector_load %arg8[%swap3A_46, %swap3A_47] {strides = array<i32>} : memref<128x128xf32, #tpu.memory_space<vmem>>, vector<1x16xf32>,
      %swap3A_49 = vector.shape_cast %swap3A_48 : vector<1x16xf32> to vector<16xf32>
      %swap3A_50 = vector.shape_cast %broadcast_in_dim3A_45 : vector<16xf32> to vector<1x16xf32>
      tpu.vector_store %arg8[%swap3A_46, %swap3A_47], %swap3A_50 {strides = array<i32>} : memref<128x128xf32, #tpu.memory_space<vmem>>, vector<1x16xf32>,
      %broadcast_in_dim3A_51 = arith.constant 0.000000e+00 : f32
      %broadcast_in_dim3A_52 = vector.broadcast %broadcast_in_dim3A_51 : f32 to vector<16xf32>
      %swap3A_53 = arith.index_cast %scan3A_37 : i32 to index
      %swap3A_54 = arith.constant 32 : index
      %swap3A_55 = tpu.vector_load %arg8[%swap3A_53, %swap3A_54] {strides = array<i32>} : memref<128x128xf32, #tpu.memory_space<vmem>>, vector<1x16xf32>,
      %swap3A_56 = vector.shape_cast %swap3A_55 : vector<1x16xf32> to vector<16xf32>
      %swap3A_57 = vector.shape_cast %broadcast_in_dim3A_52 : vector<16xf32> to vector<1x16xf32>
      tpu.vector_store %arg8[%swap3A_53, %swap3A_54], %swap3A_57 {strides = array<i32>} : memref<128x128xf32, #tpu.memory_space<vmem>>, vector<1x16xf32>,
      %broadcast_in_dim3A_58 = arith.constant 0.000000e+00 : f32
      %broadcast_in_dim3A_59 = vector.broadcast %broadcast_in_dim3A_58 : f32 to vector<16xf32>
      %swap3A_60 = arith.index_cast %scan3A_37 : i32 to index
      %swap3A_61 = arith.constant 48 : index
      %swap3A_62 = tpu.vector_load %arg8[%swap3A_60, %swap3A_61] {strides = array<i32>} : memref<128x128xf32, #tpu.memory_space<vmem>>, vector<1x16xf32>,
      %swap3A_63 = vector.shape_cast %swap3A_62 : vector<1x16xf32> to vector<16xf32>
      %swap3A_64 = vector.shape_cast %broadcast_in_dim3A_59 : vector<16xf32> to vector<1x16xf32>
      tpu.vector_store %arg8[%swap3A_60, %swap3A_61], %swap3A_64 {strides = array<i32>} : memref<128x128xf32, #tpu.memory_space<vmem>>, vector<1x16xf32>,
      %broadcast_in_dim3A_65 = arith.constant 0.000000e+00 : f32
      %broadcast_in_dim3A_66 = vector.broadcast %broadcast_in_dim3A_65 : f32 to vector<16xf32>
      %swap3A_67 = arith.index_cast %scan3A_37 : i32 to index
      %swap3A_68 = arith.constant 64 : index
      %swap3A_69 = tpu.vector_load %arg8[%swap3A_67, %swap3A_68] {strides = array<i32>} : memref<128x128xf32, #tpu.memory_space<vmem>>, vector<1x16xf32>,
      %swap3A_70 = vector.shape_cast %swap3A_69 : vector<1x16xf32> to vector<16xf32>
      %swap3A_71 = vector.shape_cast %broadcast_in_dim3A_66 : vector<16xf32> to vector<1x16xf32>
      tpu.vector_store %arg8[%swap3A_67, %swap3A_68], %swap3A_71 {strides = array<i32>} : memref<128x128xf32, #tpu.memory_space<vmem>>, vector<1x16xf32>,
      %broadcast_in_dim3A_72 = arith.constant 0.000000e+00 : f32
      %broadcast_in_dim3A_73 = vector.broadcast %broadcast_in_dim3A_72 : f32 to vector<16xf32>
      %swap3A_74 = arith.index_cast %scan3A_37 : i32 to index
      %swap3A_75 = arith.constant 80 : index
      %swap3A_76 = tpu.vector_load %arg8[%swap3A_74, %swap3A_75] {strides = array<i32>} : memref<128x128xf32, #tpu.memory_space<vmem>>, vector<1x16xf32>,
      %swap3A_77 = vector.shape_cast %swap3A_76 : vector<1x16xf32> to vector<16xf32>
      %swap3A_78 = vector.shape_cast %broadcast_in_dim3A_73 : vector<16xf32> to vector<1x16xf32>
      tpu.vector_store %arg8[%swap3A_74, %swap3A_75], %swap3A_78 {strides = array<i32>} : memref<128x128xf32, #tpu.memory_space<vmem>>, vector<1x16xf32>,
      %broadcast_in_dim3A_79 = arith.constant 0.000000e+00 : f32
      %broadcast_in_dim3A_80 = vector.broadcast %broadcast_in_dim3A_79 : f32 to vector<16xf32>
      %swap3A_81 = arith.index_cast %scan3A_37 : i32 to index
      %swap3A_82 = arith.constant 96 : index
      %swap3A_83 = tpu.vector_load %arg8[%swap3A_81, %swap3A_82] {strides = array<i32>} : memref<128x128xf32, #tpu.memory_space<vmem>>, vector<1x16xf32>,
      %swap3A_84 = vector.shape_cast %swap3A_83 : vector<1x16xf32> to vector<16xf32>
      %swap3A_85 = vector.shape_cast %broadcast_in_dim3A_80 : vector<16xf32> to vector<1x16xf32>
      tpu.vector_store %arg8[%swap3A_81, %swap3A_82], %swap3A_85 {strides = array<i32>} : memref<128x128xf32, #tpu.memory_space<vmem>>, vector<1x16xf32>,
      %broadcast_in_dim3A_86 = arith.constant 0.000000e+00 : f32
      %broadcast_in_dim3A_87 = vector.broadcast %broadcast_in_dim3A_86 : f32 to vector<16xf32>
      %swap3A_88 = arith.index_cast %scan3A_37 : i32 to index
      %swap3A_89 = arith.constant 112 : index
      %swap3A_90 = tpu.vector_load %arg8[%swap3A_88, %swap3A_89] {strides = array<i32>} : memref<128x128xf32, #tpu.memory_space<vmem>>, vector<1x16xf32>,
      %swap3A_91 = vector.shape_cast %swap3A_90 : vector<1x16xf32> to vector<16xf32>
      %swap3A_92 = vector.shape_cast %broadcast_in_dim3A_87 : vector<16xf32> to vector<1x16xf32>
      tpu.vector_store %arg8[%swap3A_88, %swap3A_89], %swap3A_92 {strides = array<i32>} : memref<128x128xf32, #tpu.memory_space<vmem>>, vector<1x16xf32>,
      %scan3A_93 = arith.constant 0 : i32
      scf.yield %scan3A_93 : i32
    }
    %scan3A_6 = arith.constant 128 : i32
    %mul3A_7 = arith.constant 640 : i32
    %mul3A_8 = arith.muli %arg1, %mul3A_7 : i32
    %add3A_9 = arith.constant 0 : i32
    %add3A_10 = arith.addi %mul3A_8, %add3A_9 : i32
    "tpu.region"() ({
      %run_scoped3A = tpu.sem_alloc : memref<!tpu.dma_semaphore, #tpu.memory_space<semaphore_mem>>
      %dma_start3A = arith.constant 0 : i32
      %dma_start3A_37 = tpu.memref_slice %arg9[%add3A_10, %dma_start3A] : memref<10240x128xf32, #tpu.memory_space<vmem_shared>> -> memref<128x128xf32, #tpu.memory_space<vmem_shared>>
      %dma_start3A_38 = arith.constant 0 : i32
      %dma_start3A_39 = tpu.memref_slice %arg9[%add3A_10, %dma_start3A_38] : memref<10240x128xf32, #tpu.memory_space<vmem_shared>> -> memref<128x128xf32, #tpu.memory_space<vmem_shared>>
      tpu.enqueue_dma source(%arg8 : memref<128x128xf32, #tpu.memory_space<vmem>>) target(%dma_start3A_39 : memref<128x128xf32, #tpu.memory_space<vmem_shared>>) target_semaphore(%run_scoped3A : memref<!tpu.dma_semaphore, #tpu.memory_space<semaphore_mem>>)
      %dma_wait3A = arith.constant 0 : i32
      %dma_wait3A_40 = tpu.memref_slice %arg9[%add3A_10, %dma_wait3A] : memref<10240x128xf32, #tpu.memory_space<vmem_shared>> -> memref<128x128xf32, #tpu.memory_space<vmem_shared>>
      %dma_wait3A_41 = arith.constant 0 : i32
      %dma_wait3A_42 = tpu.memref_slice %arg9[%add3A_10, %dma_wait3A_41] : memref<10240x128xf32, #tpu.memory_space<vmem_shared>> -> memref<128x128xf32, #tpu.memory_space<vmem_shared>>
      tpu.wait_dma2 semaphore(%run_scoped3A : memref<!tpu.dma_semaphore, #tpu.memory_space<semaphore_mem>>) src(%arg8 : memref<128x128xf32, #tpu.memory_space<vmem>>) dst(%dma_wait3A_42 : memref<128x128xf32, #tpu.memory_space<vmem_shared>>)
      tpu.yield
    }) : () -> ()
    %add3A_11 = arith.constant 128 : i32
    %add3A_12 = arith.addi %mul3A_8, %add3A_11 : i32
    "tpu.region"() ({
      %run_scoped3A = tpu.sem_alloc : memref<!tpu.dma_semaphore, #tpu.memory_space<semaphore_mem>>
      %dma_start3A = arith.constant 0 : i32
      %dma_start3A_37 = tpu.memref_slice %arg9[%add3A_12, %dma_start3A] : memref<10240x128xf32, #tpu.memory_space<vmem_shared>> -> memref<128x128xf32, #tpu.memory_space<vmem_shared>>
      %dma_start3A_38 = arith.constant 0 : i32
      %dma_start3A_39 = tpu.memref_slice %arg9[%add3A_12, %dma_start3A_38] : memref<10240x128xf32, #tpu.memory_space<vmem_shared>> -> memref<128x128xf32, #tpu.memory_space<vmem_shared>>
      tpu.enqueue_dma source(%arg8 : memref<128x128xf32, #tpu.memory_space<vmem>>) target(%dma_start3A_39 : memref<128x128xf32, #tpu.memory_space<vmem_shared>>) target_semaphore(%run_scoped3A : memref<!tpu.dma_semaphore, #tpu.memory_space<semaphore_mem>>)
      %dma_wait3A = arith.constant 0 : i32
      %dma_wait3A_40 = tpu.memref_slice %arg9[%add3A_12, %dma_wait3A] : memref<10240x128xf32, #tpu.memory_space<vmem_shared>> -> memref<128x128xf32, #tpu.memory_space<vmem_shared>>
      %dma_wait3A_41 = arith.constant 0 : i32
      %dma_wait3A_42 = tpu.memref_slice %arg9[%add3A_12, %dma_wait3A_41] : memref<10240x128xf32, #tpu.memory_space<vmem_shared>> -> memref<128x128xf32, #tpu.memory_space<vmem_shared>>
      tpu.wait_dma2 semaphore(%run_scoped3A : memref<!tpu.dma_semaphore, #tpu.memory_space<semaphore_mem>>) src(%arg8 : memref<128x128xf32, #tpu.memory_space<vmem>>) dst(%dma_wait3A_42 : memref<128x128xf32, #tpu.memory_space<vmem_shared>>)
      tpu.yield
    }) : () -> ()
    %add3A_13 = arith.constant 256 : i32
    %add3A_14 = arith.addi %mul3A_8, %add3A_13 : i32
    "tpu.region"() ({
      %run_scoped3A = tpu.sem_alloc : memref<!tpu.dma_semaphore, #tpu.memory_space<semaphore_mem>>
      %dma_start3A = arith.constant 0 : i32
      %dma_start3A_37 = tpu.memref_slice %arg9[%add3A_14, %dma_start3A] : memref<10240x128xf32, #tpu.memory_space<vmem_shared>> -> memref<128x128xf32, #tpu.memory_space<vmem_shared>>
      %dma_start3A_38 = arith.constant 0 : i32
      %dma_start3A_39 = tpu.memref_slice %arg9[%add3A_14, %dma_start3A_38] : memref<10240x128xf32, #tpu.memory_space<vmem_shared>> -> memref<128x128xf32, #tpu.memory_space<vmem_shared>>
      tpu.enqueue_dma source(%arg8 : memref<128x128xf32, #tpu.memory_space<vmem>>) target(%dma_start3A_39 : memref<128x128xf32, #tpu.memory_space<vmem_shared>>) target_semaphore(%run_scoped3A : memref<!tpu.dma_semaphore, #tpu.memory_space<semaphore_mem>>)
      %dma_wait3A = arith.constant 0 : i32
      %dma_wait3A_40 = tpu.memref_slice %arg9[%add3A_14, %dma_wait3A] : memref<10240x128xf32, #tpu.memory_space<vmem_shared>> -> memref<128x128xf32, #tpu.memory_space<vmem_shared>>
      %dma_wait3A_41 = arith.constant 0 : i32
      %dma_wait3A_42 = tpu.memref_slice %arg9[%add3A_14, %dma_wait3A_41] : memref<10240x128xf32, #tpu.memory_space<vmem_shared>> -> memref<128x128xf32, #tpu.memory_space<vmem_shared>>
      tpu.wait_dma2 semaphore(%run_scoped3A : memref<!tpu.dma_semaphore, #tpu.memory_space<semaphore_mem>>) src(%arg8 : memref<128x128xf32, #tpu.memory_space<vmem>>) dst(%dma_wait3A_42 : memref<128x128xf32, #tpu.memory_space<vmem_shared>>)
      tpu.yield
    }) : () -> ()
    %add3A_15 = arith.constant 384 : i32
    %add3A_16 = arith.addi %mul3A_8, %add3A_15 : i32
    "tpu.region"() ({
      %run_scoped3A = tpu.sem_alloc : memref<!tpu.dma_semaphore, #tpu.memory_space<semaphore_mem>>
      %dma_start3A = arith.constant 0 : i32
      %dma_start3A_37 = tpu.memref_slice %arg9[%add3A_16, %dma_start3A] : memref<10240x128xf32, #tpu.memory_space<vmem_shared>> -> memref<128x128xf32, #tpu.memory_space<vmem_shared>>
      %dma_start3A_38 = arith.constant 0 : i32
      %dma_start3A_39 = tpu.memref_slice %arg9[%add3A_16, %dma_start3A_38] : memref<10240x128xf32, #tpu.memory_space<vmem_shared>> -> memref<128x128xf32, #tpu.memory_space<vmem_shared>>
      tpu.enqueue_dma source(%arg8 : memref<128x128xf32, #tpu.memory_space<vmem>>) target(%dma_start3A_39 : memref<128x128xf32, #tpu.memory_space<vmem_shared>>) target_semaphore(%run_scoped3A : memref<!tpu.dma_semaphore, #tpu.memory_space<semaphore_mem>>)
      %dma_wait3A = arith.constant 0 : i32
      %dma_wait3A_40 = tpu.memref_slice %arg9[%add3A_16, %dma_wait3A] : memref<10240x128xf32, #tpu.memory_space<vmem_shared>> -> memref<128x128xf32, #tpu.memory_space<vmem_shared>>
      %dma_wait3A_41 = arith.constant 0 : i32
      %dma_wait3A_42 = tpu.memref_slice %arg9[%add3A_16, %dma_wait3A_41] : memref<10240x128xf32, #tpu.memory_space<vmem_shared>> -> memref<128x128xf32, #tpu.memory_space<vmem_shared>>
      tpu.wait_dma2 semaphore(%run_scoped3A : memref<!tpu.dma_semaphore, #tpu.memory_space<semaphore_mem>>) src(%arg8 : memref<128x128xf32, #tpu.memory_space<vmem>>) dst(%dma_wait3A_42 : memref<128x128xf32, #tpu.memory_space<vmem_shared>>)
      tpu.yield
    }) : () -> ()
    %add3A_17 = arith.constant 512 : i32
    %add3A_18 = arith.addi %mul3A_8, %add3A_17 : i32
    "tpu.region"() ({
      %run_scoped3A = tpu.sem_alloc : memref<!tpu.dma_semaphore, #tpu.memory_space<semaphore_mem>>
      %dma_start3A = arith.constant 0 : i32
      %dma_start3A_37 = tpu.memref_slice %arg9[%add3A_18, %dma_start3A] : memref<10240x128xf32, #tpu.memory_space<vmem_shared>> -> memref<128x128xf32, #tpu.memory_space<vmem_shared>>
      %dma_start3A_38 = arith.constant 0 : i32
      %dma_start3A_39 = tpu.memref_slice %arg9[%add3A_18, %dma_start3A_38] : memref<10240x128xf32, #tpu.memory_space<vmem_shared>> -> memref<128x128xf32, #tpu.memory_space<vmem_shared>>
      tpu.enqueue_dma source(%arg8 : memref<128x128xf32, #tpu.memory_space<vmem>>) target(%dma_start3A_39 : memref<128x128xf32, #tpu.memory_space<vmem_shared>>) target_semaphore(%run_scoped3A : memref<!tpu.dma_semaphore, #tpu.memory_space<semaphore_mem>>)
      %dma_wait3A = arith.constant 0 : i32
      %dma_wait3A_40 = tpu.memref_slice %arg9[%add3A_18, %dma_wait3A] : memref<10240x128xf32, #tpu.memory_space<vmem_shared>> -> memref<128x128xf32, #tpu.memory_space<vmem_shared>>
      %dma_wait3A_41 = arith.constant 0 : i32
      %dma_wait3A_42 = tpu.memref_slice %arg9[%add3A_18, %dma_wait3A_41] : memref<10240x128xf32, #tpu.memory_space<vmem_shared>> -> memref<128x128xf32, #tpu.memory_space<vmem_shared>>
      tpu.wait_dma2 semaphore(%run_scoped3A : memref<!tpu.dma_semaphore, #tpu.memory_space<semaphore_mem>>) src(%arg8 : memref<128x128xf32, #tpu.memory_space<vmem>>) dst(%dma_wait3A_42 : memref<128x128xf32, #tpu.memory_space<vmem_shared>>)
      tpu.yield
    }) : () -> ()
    "tpu.region"() ({
      %run_scoped3A = tpu.sem_alloc : memref<!tpu.dma_semaphore, #tpu.memory_space<semaphore_mem>>
      %dma_start3A = arith.constant 0 : i32
      %dma_start3A_37 = arith.constant 0 : i32
      %dma_start3A_38 = tpu.memref_slice %arg3[%add3A, %dma_start3A, %dma_start3A_37] : memref<32x79x128xi32, #tpu.memory_space<hbm>> -> memref<1x79x128xi32, #tpu.memory_space<hbm>>
      %dma_start3A_39 = tpu.memref_squeeze %dma_start3A_38 : memref<1x79x128xi32, #tpu.memory_space<hbm>> -> memref<79x128xi32, #tpu.memory_space<hbm>>
      %dma_start3A_40 = arith.constant 0 : i32
      %dma_start3A_41 = arith.constant 0 : i32
      %dma_start3A_42 = tpu.memref_slice %arg3[%add3A, %dma_start3A_40, %dma_start3A_41] : memref<32x79x128xi32, #tpu.memory_space<hbm>> -> memref<1x79x128xi32, #tpu.memory_space<hbm>>
      %dma_start3A_43 = tpu.memref_squeeze %dma_start3A_42 : memref<1x79x128xi32, #tpu.memory_space<hbm>> -> memref<79x128xi32, #tpu.memory_space<hbm>>
      tpu.enqueue_dma source(%dma_start3A_43 : memref<79x128xi32, #tpu.memory_space<hbm>>) target(%arg6 : memref<79x128xi32, #tpu.memory_space<vmem>>) target_semaphore(%run_scoped3A : memref<!tpu.dma_semaphore, #tpu.memory_space<semaphore_mem>>)
      %dma_wait3A = arith.constant 0 : i32
      %dma_wait3A_44 = arith.constant 0 : i32
      %dma_wait3A_45 = tpu.memref_slice %arg3[%add3A, %dma_wait3A, %dma_wait3A_44] : memref<32x79x128xi32, #tpu.memory_space<hbm>> -> memref<1x79x128xi32, #tpu.memory_space<hbm>>
      %dma_wait3A_46 = tpu.memref_squeeze %dma_wait3A_45 : memref<1x79x128xi32, #tpu.memory_space<hbm>> -> memref<79x128xi32, #tpu.memory_space<hbm>>
      %dma_wait3A_47 = arith.constant 0 : i32
      %dma_wait3A_48 = arith.constant 0 : i32
      %dma_wait3A_49 = tpu.memref_slice %arg3[%add3A, %dma_wait3A_47, %dma_wait3A_48] : memref<32x79x128xi32, #tpu.memory_space<hbm>> -> memref<1x79x128xi32, #tpu.memory_space<hbm>>
      %dma_wait3A_50 = tpu.memref_squeeze %dma_wait3A_49 : memref<1x79x128xi32, #tpu.memory_space<hbm>> -> memref<79x128xi32, #tpu.memory_space<hbm>>
      tpu.wait_dma2 semaphore(%run_scoped3A : memref<!tpu.dma_semaphore, #tpu.memory_space<semaphore_mem>>) src(%dma_wait3A_50 : memref<79x128xi32, #tpu.memory_space<hbm>>) dst(%arg6 : memref<79x128xi32, #tpu.memory_space<vmem>>)
      tpu.yield
    }) : () -> ()
    "tpu.region"() ({
      %run_scoped3A = tpu.sem_alloc : memref<!tpu.dma_semaphore, #tpu.memory_space<semaphore_mem>>
      %dma_start3A = arith.constant 0 : i32
      %dma_start3A_37 = arith.constant 0 : i32
      %dma_start3A_38 = tpu.memref_slice %arg4[%add3A, %dma_start3A, %dma_start3A_37] : memref<32x79x128xi32, #tpu.memory_space<hbm>> -> memref<1x79x128xi32, #tpu.memory_space<hbm>>
      %dma_start3A_39 = tpu.memref_squeeze %dma_start3A_38 : memref<1x79x128xi32, #tpu.memory_space<hbm>> -> memref<79x128xi32, #tpu.memory_space<hbm>>
      %dma_start3A_40 = arith.constant 0 : i32
      %dma_start3A_41 = arith.constant 0 : i32
      %dma_start3A_42 = tpu.memref_slice %arg4[%add3A, %dma_start3A_40, %dma_start3A_41] : memref<32x79x128xi32, #tpu.memory_space<hbm>> -> memref<1x79x128xi32, #tpu.memory_space<hbm>>
      %dma_start3A_43 = tpu.memref_squeeze %dma_start3A_42 : memref<1x79x128xi32, #tpu.memory_space<hbm>> -> memref<79x128xi32, #tpu.memory_space<hbm>>
      tpu.enqueue_dma source(%dma_start3A_43 : memref<79x128xi32, #tpu.memory_space<hbm>>) target(%arg7 : memref<79x128xi32, #tpu.memory_space<vmem>>) target_semaphore(%run_scoped3A : memref<!tpu.dma_semaphore, #tpu.memory_space<semaphore_mem>>)
      %dma_wait3A = arith.constant 0 : i32
      %dma_wait3A_44 = arith.constant 0 : i32
      %dma_wait3A_45 = tpu.memref_slice %arg4[%add3A, %dma_wait3A, %dma_wait3A_44] : memref<32x79x128xi32, #tpu.memory_space<hbm>> -> memref<1x79x128xi32, #tpu.memory_space<hbm>>
      %dma_wait3A_46 = tpu.memref_squeeze %dma_wait3A_45 : memref<1x79x128xi32, #tpu.memory_space<hbm>> -> memref<79x128xi32, #tpu.memory_space<hbm>>
      %dma_wait3A_47 = arith.constant 0 : i32
      %dma_wait3A_48 = arith.constant 0 : i32
      %dma_wait3A_49 = tpu.memref_slice %arg4[%add3A, %dma_wait3A_47, %dma_wait3A_48] : memref<32x79x128xi32, #tpu.memory_space<hbm>> -> memref<1x79x128xi32, #tpu.memory_space<hbm>>
      %dma_wait3A_50 = tpu.memref_squeeze %dma_wait3A_49 : memref<1x79x128xi32, #tpu.memory_space<hbm>> -> memref<79x128xi32, #tpu.memory_space<hbm>>
      tpu.wait_dma2 semaphore(%run_scoped3A : memref<!tpu.dma_semaphore, #tpu.memory_space<semaphore_mem>>) src(%dma_wait3A_50 : memref<79x128xi32, #tpu.memory_space<hbm>>) dst(%arg7 : memref<79x128xi32, #tpu.memory_space<vmem>>)
      tpu.yield
    }) : () -> ()
    %barrier3A = arith.constant 0 : index
    tpu.barrier barrier_id(%barrier3A)
    %scan3A_19 = arith.constant 0 : i32
    %scan3A_20 = arith.constant 0 : i32
    %scan3A_21 = arith.constant 79 : i32
    %scan3A_22 = arith.addi %scan3A_20, %scan3A_21 : i32
    %scan3A_23 = arith.constant 1 : i32
    %scan3A_24 = scf.for %scan3A_37 = %scan3A_20 to %scan3A_22 step %scan3A_23 iter_args(%scan3A_38 = %scan3A_19) -> (i32)  : i32 {
      %dma_start3A = arith.constant 0 : i32
      %dma_start3A_39 = tpu.memref_slice %arg6[%scan3A_37, %dma_start3A] : memref<79x128xi32, #tpu.memory_space<vmem>> -> memref<1x128xi32, #tpu.memory_space<vmem>>
      %dma_start3A_40 = tpu.memref_squeeze %dma_start3A_39 : memref<1x128xi32, #tpu.memory_space<vmem>> -> memref<128xi32, #tpu.memory_space<vmem>>
      %dma_start3A_41 = arith.constant 0 : i32
      %dma_start3A_42 = arith.constant 0 : i32
      %dma_start3A_43 = tpu.memref_slice %arg2[%dma_start3A_41, %dma_start3A_42] : memref<10000x128xf32, #tpu.memory_space<hbm>> -> memref<10000x128xf32, #tpu.memory_space<hbm>>
      tpu.enqueue_indirect_dma source(%dma_start3A_43 : memref<10000x128xf32, #tpu.memory_space<hbm>>) target(%arg8 : memref<128x128xf32, #tpu.memory_space<vmem>>) offsets(%dma_start3A_40 : memref<128xi32, #tpu.memory_space<vmem>>) semaphore(%arg10 : memref<!tpu.dma_semaphore, #tpu.memory_space<semaphore_mem>>)
      %dma_wait3A = arith.constant 0 : i32
      %dma_wait3A_44 = tpu.memref_slice %arg6[%scan3A_37, %dma_wait3A] : memref<79x128xi32, #tpu.memory_space<vmem>> -> memref<1x128xi32, #tpu.memory_space<vmem>>
      %dma_wait3A_45 = tpu.memref_squeeze %dma_wait3A_44 : memref<1x128xi32, #tpu.memory_space<vmem>> -> memref<128xi32, #tpu.memory_space<vmem>>
      %dma_wait3A_46 = arith.constant 0 : i32
      %dma_wait3A_47 = arith.constant 0 : i32
      %dma_wait3A_48 = tpu.memref_slice %arg2[%dma_wait3A_46, %dma_wait3A_47] : memref<10000x128xf32, #tpu.memory_space<hbm>> -> memref<10000x128xf32, #tpu.memory_space<hbm>>
      tpu.wait_indirect_dma semaphore(%arg10 : memref<!tpu.dma_semaphore, #tpu.memory_space<semaphore_mem>>) src(%dma_wait3A_48 : memref<10000x128xf32, #tpu.memory_space<hbm>>) dst(%arg8 : memref<128x128xf32, #tpu.memory_space<vmem>>)
      "tpu.region"() ({
        %run_scoped3A = tpu.sem_alloc : memref<!tpu.dma_semaphore, #tpu.memory_space<semaphore_mem>>
        %dma_start3A_50 = arith.constant 0 : i32
        %dma_start3A_51 = tpu.memref_slice %arg7[%scan3A_37, %dma_start3A_50] : memref<79x128xi32, #tpu.memory_space<vmem>> -> memref<1x128xi32, #tpu.memory_space<vmem>>
        %dma_start3A_52 = tpu.memref_squeeze %dma_start3A_51 : memref<1x128xi32, #tpu.memory_space<vmem>> -> memref<128xi32, #tpu.memory_space<vmem>>
        %dma_start3A_53 = arith.constant 0 : i32
        %dma_start3A_54 = arith.constant 0 : i32
        %dma_start3A_55 = tpu.memref_slice %arg9[%dma_start3A_53, %dma_start3A_54] : memref<10240x128xf32, #tpu.memory_space<vmem_shared>> -> memref<10240x128xf32, #tpu.memory_space<vmem_shared>>
        tpu.enqueue_indirect_dma source(%arg8 : memref<128x128xf32, #tpu.memory_space<vmem>>) target(%dma_start3A_55 : memref<10240x128xf32, #tpu.memory_space<vmem_shared>>) offsets(%dma_start3A_52 : memref<128xi32, #tpu.memory_space<vmem>>) semaphore(%run_scoped3A : memref<!tpu.dma_semaphore, #tpu.memory_space<semaphore_mem>>) {add = true}
        %dma_wait3A_56 = arith.constant 0 : i32
        %dma_wait3A_57 = tpu.memref_slice %arg7[%scan3A_37, %dma_wait3A_56] : memref<79x128xi32, #tpu.memory_space<vmem>> -> memref<1x128xi32, #tpu.memory_space<vmem>>
        %dma_wait3A_58 = tpu.memref_squeeze %dma_wait3A_57 : memref<1x128xi32, #tpu.memory_space<vmem>> -> memref<128xi32, #tpu.memory_space<vmem>>
        %dma_wait3A_59 = arith.constant 0 : i32
        %dma_wait3A_60 = arith.constant 0 : i32
        %dma_wait3A_61 = tpu.memref_slice %arg9[%dma_wait3A_59, %dma_wait3A_60] : memref<10240x128xf32, #tpu.memory_space<vmem_shared>> -> memref<10240x128xf32, #tpu.memory_space<vmem_shared>>
        tpu.wait_indirect_dma semaphore(%run_scoped3A : memref<!tpu.dma_semaphore, #tpu.memory_space<semaphore_mem>>) src(%arg8 : memref<128x128xf32, #tpu.memory_space<vmem>>) dst(%dma_wait3A_61 : memref<10240x128xf32, #tpu.memory_space<vmem_shared>>)
        tpu.yield
      }) : () -> ()
      %scan3A_49 = arith.constant 0 : i32
      scf.yield %scan3A_49 : i32
    }
    %scan3A_25 = arith.constant 79 : i32
    %barrier3A_26 = arith.constant 0 : index
    tpu.barrier barrier_id(%barrier3A_26)
    %add3A_27 = arith.constant 0 : i32
    %add3A_28 = arith.addi %mul3A_8, %add3A_27 : i32
    "tpu.region"() ({
      %run_scoped3A = tpu.sem_alloc : memref<!tpu.dma_semaphore, #tpu.memory_space<semaphore_mem>>
      %dma_start3A = arith.constant 0 : i32
      %dma_start3A_37 = tpu.memref_slice %arg9[%add3A_28, %dma_start3A] : memref<10240x128xf32, #tpu.memory_space<vmem_shared>> -> memref<128x128xf32, #tpu.memory_space<vmem_shared>>
      %dma_start3A_38 = arith.constant 0 : i32
      %dma_start3A_39 = tpu.memref_slice %arg9[%add3A_28, %dma_start3A_38] : memref<10240x128xf32, #tpu.memory_space<vmem_shared>> -> memref<128x128xf32, #tpu.memory_space<vmem_shared>>
      tpu.enqueue_dma source(%dma_start3A_39 : memref<128x128xf32, #tpu.memory_space<vmem_shared>>) target(%arg8 : memref<128x128xf32, #tpu.memory_space<vmem>>) target_semaphore(%run_scoped3A : memref<!tpu.dma_semaphore, #tpu.memory_space<semaphore_mem>>)
      %dma_wait3A = arith.constant 0 : i32
      %dma_wait3A_40 = tpu.memref_slice %arg9[%add3A_28, %dma_wait3A] : memref<10240x128xf32, #tpu.memory_space<vmem_shared>> -> memref<128x128xf32, #tpu.memory_space<vmem_shared>>
      %dma_wait3A_41 = arith.constant 0 : i32
      %dma_wait3A_42 = tpu.memref_slice %arg9[%add3A_28, %dma_wait3A_41] : memref<10240x128xf32, #tpu.memory_space<vmem_shared>> -> memref<128x128xf32, #tpu.memory_space<vmem_shared>>
      tpu.wait_dma2 semaphore(%run_scoped3A : memref<!tpu.dma_semaphore, #tpu.memory_space<semaphore_mem>>) src(%dma_wait3A_42 : memref<128x128xf32, #tpu.memory_space<vmem_shared>>) dst(%arg8 : memref<128x128xf32, #tpu.memory_space<vmem>>)
      tpu.yield
    }) : () -> ()
    "tpu.region"() ({
      %run_scoped3A = tpu.sem_alloc : memref<!tpu.dma_semaphore, #tpu.memory_space<semaphore_mem>>
      %dma_start3A = arith.constant 0 : i32
      %dma_start3A_37 = tpu.memref_slice %arg5[%arg0, %add3A_28, %dma_start3A] : memref<2x10240x128xf32, #tpu.memory_space<hbm>> -> memref<1x128x128xf32, #tpu.memory_space<hbm>>
      %dma_start3A_38 = tpu.memref_squeeze %dma_start3A_37 : memref<1x128x128xf32, #tpu.memory_space<hbm>> -> memref<128x128xf32, #tpu.memory_space<hbm>>
      %dma_start3A_39 = arith.constant 0 : i32
      %dma_start3A_40 = tpu.memref_slice %arg5[%arg0, %add3A_28, %dma_start3A_39] : memref<2x10240x128xf32, #tpu.memory_space<hbm>> -> memref<1x128x128xf32, #tpu.memory_space<hbm>>
      %dma_start3A_41 = tpu.memref_squeeze %dma_start3A_40 : memref<1x128x128xf32, #tpu.memory_space<hbm>> -> memref<128x128xf32, #tpu.memory_space<hbm>>
      tpu.enqueue_dma source(%arg8 : memref<128x128xf32, #tpu.memory_space<vmem>>) target(%dma_start3A_41 : memref<128x128xf32, #tpu.memory_space<hbm>>) target_semaphore(%run_scoped3A : memref<!tpu.dma_semaphore, #tpu.memory_space<semaphore_mem>>)
      %dma_wait3A = arith.constant 0 : i32
      %dma_wait3A_42 = tpu.memref_slice %arg5[%arg0, %add3A_28, %dma_wait3A] : memref<2x10240x128xf32, #tpu.memory_space<hbm>> -> memref<1x128x128xf32, #tpu.memory_space<hbm>>
      %dma_wait3A_43 = tpu.memref_squeeze %dma_wait3A_42 : memref<1x128x128xf32, #tpu.memory_space<hbm>> -> memref<128x128xf32, #tpu.memory_space<hbm>>
      %dma_wait3A_44 = arith.constant 0 : i32
      %dma_wait3A_45 = tpu.memref_slice %arg5[%arg0, %add3A_28, %dma_wait3A_44] : memref<2x10240x128xf32, #tpu.memory_space<hbm>> -> memref<1x128x128xf32, #tpu.memory_space<hbm>>
      %dma_wait3A_46 = tpu.memref_squeeze %dma_wait3A_45 : memref<1x128x128xf32, #tpu.memory_space<hbm>> -> memref<128x128xf32, #tpu.memory_space<hbm>>
      tpu.wait_dma2 semaphore(%run_scoped3A : memref<!tpu.dma_semaphore, #tpu.memory_space<semaphore_mem>>) src(%arg8 : memref<128x128xf32, #tpu.memory_space<vmem>>) dst(%dma_wait3A_46 : memref<128x128xf32, #tpu.memory_space<hbm>>)
      tpu.yield
    }) : () -> ()
    %add3A_29 = arith.constant 128 : i32
    %add3A_30 = arith.addi %mul3A_8, %add3A_29 : i32
    "tpu.region"() ({
      %run_scoped3A = tpu.sem_alloc : memref<!tpu.dma_semaphore, #tpu.memory_space<semaphore_mem>>
      %dma_start3A = arith.constant 0 : i32
      %dma_start3A_37 = tpu.memref_slice %arg9[%add3A_30, %dma_start3A] : memref<10240x128xf32, #tpu.memory_space<vmem_shared>> -> memref<128x128xf32, #tpu.memory_space<vmem_shared>>
      %dma_start3A_38 = arith.constant 0 : i32
      %dma_start3A_39 = tpu.memref_slice %arg9[%add3A_30, %dma_start3A_38] : memref<10240x128xf32, #tpu.memory_space<vmem_shared>> -> memref<128x128xf32, #tpu.memory_space<vmem_shared>>
      tpu.enqueue_dma source(%dma_start3A_39 : memref<128x128xf32, #tpu.memory_space<vmem_shared>>) target(%arg8 : memref<128x128xf32, #tpu.memory_space<vmem>>) target_semaphore(%run_scoped3A : memref<!tpu.dma_semaphore, #tpu.memory_space<semaphore_mem>>)
      %dma_wait3A = arith.constant 0 : i32
      %dma_wait3A_40 = tpu.memref_slice %arg9[%add3A_30, %dma_wait3A] : memref<10240x128xf32, #tpu.memory_space<vmem_shared>> -> memref<128x128xf32, #tpu.memory_space<vmem_shared>>
      %dma_wait3A_41 = arith.constant 0 : i32
      %dma_wait3A_42 = tpu.memref_slice %arg9[%add3A_30, %dma_wait3A_41] : memref<10240x128xf32, #tpu.memory_space<vmem_shared>> -> memref<128x128xf32, #tpu.memory_space<vmem_shared>>
      tpu.wait_dma2 semaphore(%run_scoped3A : memref<!tpu.dma_semaphore, #tpu.memory_space<semaphore_mem>>) src(%dma_wait3A_42 : memref<128x128xf32, #tpu.memory_space<vmem_shared>>) dst(%arg8 : memref<128x128xf32, #tpu.memory_space<vmem>>)
      tpu.yield
    }) : () -> ()
    "tpu.region"() ({
      %run_scoped3A = tpu.sem_alloc : memref<!tpu.dma_semaphore, #tpu.memory_space<semaphore_mem>>
      %dma_start3A = arith.constant 0 : i32
      %dma_start3A_37 = tpu.memref_slice %arg5[%arg0, %add3A_30, %dma_start3A] : memref<2x10240x128xf32, #tpu.memory_space<hbm>> -> memref<1x128x128xf32, #tpu.memory_space<hbm>>
      %dma_start3A_38 = tpu.memref_squeeze %dma_start3A_37 : memref<1x128x128xf32, #tpu.memory_space<hbm>> -> memref<128x128xf32, #tpu.memory_space<hbm>>
      %dma_start3A_39 = arith.constant 0 : i32
      %dma_start3A_40 = tpu.memref_slice %arg5[%arg0, %add3A_30, %dma_start3A_39] : memref<2x10240x128xf32, #tpu.memory_space<hbm>> -> memref<1x128x128xf32, #tpu.memory_space<hbm>>
      %dma_start3A_41 = tpu.memref_squeeze %dma_start3A_40 : memref<1x128x128xf32, #tpu.memory_space<hbm>> -> memref<128x128xf32, #tpu.memory_space<hbm>>
      tpu.enqueue_dma source(%arg8 : memref<128x128xf32, #tpu.memory_space<vmem>>) target(%dma_start3A_41 : memref<128x128xf32, #tpu.memory_space<hbm>>) target_semaphore(%run_scoped3A : memref<!tpu.dma_semaphore, #tpu.memory_space<semaphore_mem>>)
      %dma_wait3A = arith.constant 0 : i32
      %dma_wait3A_42 = tpu.memref_slice %arg5[%arg0, %add3A_30, %dma_wait3A] : memref<2x10240x128xf32, #tpu.memory_space<hbm>> -> memref<1x128x128xf32, #tpu.memory_space<hbm>>
      %dma_wait3A_43 = tpu.memref_squeeze %dma_wait3A_42 : memref<1x128x128xf32, #tpu.memory_space<hbm>> -> memref<128x128xf32, #tpu.memory_space<hbm>>
      %dma_wait3A_44 = arith.constant 0 : i32
      %dma_wait3A_45 = tpu.memref_slice %arg5[%arg0, %add3A_30, %dma_wait3A_44] : memref<2x10240x128xf32, #tpu.memory_space<hbm>> -> memref<1x128x128xf32, #tpu.memory_space<hbm>>
      %dma_wait3A_46 = tpu.memref_squeeze %dma_wait3A_45 : memref<1x128x128xf32, #tpu.memory_space<hbm>> -> memref<128x128xf32, #tpu.memory_space<hbm>>
      tpu.wait_dma2 semaphore(%run_scoped3A : memref<!tpu.dma_semaphore, #tpu.memory_space<semaphore_mem>>) src(%arg8 : memref<128x128xf32, #tpu.memory_space<vmem>>) dst(%dma_wait3A_46 : memref<128x128xf32, #tpu.memory_space<hbm>>)
      tpu.yield
    }) : () -> ()
    %add3A_31 = arith.constant 256 : i32
    %add3A_32 = arith.addi %mul3A_8, %add3A_31 : i32
    "tpu.region"() ({
      %run_scoped3A = tpu.sem_alloc : memref<!tpu.dma_semaphore, #tpu.memory_space<semaphore_mem>>
      %dma_start3A = arith.constant 0 : i32
      %dma_start3A_37 = tpu.memref_slice %arg9[%add3A_32, %dma_start3A] : memref<10240x128xf32, #tpu.memory_space<vmem_shared>> -> memref<128x128xf32, #tpu.memory_space<vmem_shared>>
      %dma_start3A_38 = arith.constant 0 : i32
      %dma_start3A_39 = tpu.memref_slice %arg9[%add3A_32, %dma_start3A_38] : memref<10240x128xf32, #tpu.memory_space<vmem_shared>> -> memref<128x128xf32, #tpu.memory_space<vmem_shared>>
      tpu.enqueue_dma source(%dma_start3A_39 : memref<128x128xf32, #tpu.memory_space<vmem_shared>>) target(%arg8 : memref<128x128xf32, #tpu.memory_space<vmem>>) target_semaphore(%run_scoped3A : memref<!tpu.dma_semaphore, #tpu.memory_space<semaphore_mem>>)
      %dma_wait3A = arith.constant 0 : i32
      %dma_wait3A_40 = tpu.memref_slice %arg9[%add3A_32, %dma_wait3A] : memref<10240x128xf32, #tpu.memory_space<vmem_shared>> -> memref<128x128xf32, #tpu.memory_space<vmem_shared>>
      %dma_wait3A_41 = arith.constant 0 : i32
      %dma_wait3A_42 = tpu.memref_slice %arg9[%add3A_32, %dma_wait3A_41] : memref<10240x128xf32, #tpu.memory_space<vmem_shared>> -> memref<128x128xf32, #tpu.memory_space<vmem_shared>>
      tpu.wait_dma2 semaphore(%run_scoped3A : memref<!tpu.dma_semaphore, #tpu.memory_space<semaphore_mem>>) src(%dma_wait3A_42 : memref<128x128xf32, #tpu.memory_space<vmem_shared>>) dst(%arg8 : memref<128x128xf32, #tpu.memory_space<vmem>>)
      tpu.yield
    }) : () -> ()
    "tpu.region"() ({
      %run_scoped3A = tpu.sem_alloc : memref<!tpu.dma_semaphore, #tpu.memory_space<semaphore_mem>>
      %dma_start3A = arith.constant 0 : i32
      %dma_start3A_37 = tpu.memref_slice %arg5[%arg0, %add3A_32, %dma_start3A] : memref<2x10240x128xf32, #tpu.memory_space<hbm>> -> memref<1x128x128xf32, #tpu.memory_space<hbm>>
      %dma_start3A_38 = tpu.memref_squeeze %dma_start3A_37 : memref<1x128x128xf32, #tpu.memory_space<hbm>> -> memref<128x128xf32, #tpu.memory_space<hbm>>
      %dma_start3A_39 = arith.constant 0 : i32
      %dma_start3A_40 = tpu.memref_slice %arg5[%arg0, %add3A_32, %dma_start3A_39] : memref<2x10240x128xf32, #tpu.memory_space<hbm>> -> memref<1x128x128xf32, #tpu.memory_space<hbm>>
      %dma_start3A_41 = tpu.memref_squeeze %dma_start3A_40 : memref<1x128x128xf32, #tpu.memory_space<hbm>> -> memref<128x128xf32, #tpu.memory_space<hbm>>
      tpu.enqueue_dma source(%arg8 : memref<128x128xf32, #tpu.memory_space<vmem>>) target(%dma_start3A_41 : memref<128x128xf32, #tpu.memory_space<hbm>>) target_semaphore(%run_scoped3A : memref<!tpu.dma_semaphore, #tpu.memory_space<semaphore_mem>>)
      %dma_wait3A = arith.constant 0 : i32
      %dma_wait3A_42 = tpu.memref_slice %arg5[%arg0, %add3A_32, %dma_wait3A] : memref<2x10240x128xf32, #tpu.memory_space<hbm>> -> memref<1x128x128xf32, #tpu.memory_space<hbm>>
      %dma_wait3A_43 = tpu.memref_squeeze %dma_wait3A_42 : memref<1x128x128xf32, #tpu.memory_space<hbm>> -> memref<128x128xf32, #tpu.memory_space<hbm>>
      %dma_wait3A_44 = arith.constant 0 : i32
      %dma_wait3A_45 = tpu.memref_slice %arg5[%arg0, %add3A_32, %dma_wait3A_44] : memref<2x10240x128xf32, #tpu.memory_space<hbm>> -> memref<1x128x128xf32, #tpu.memory_space<hbm>>
      %dma_wait3A_46 = tpu.memref_squeeze %dma_wait3A_45 : memref<1x128x128xf32, #tpu.memory_space<hbm>> -> memref<128x128xf32, #tpu.memory_space<hbm>>
      tpu.wait_dma2 semaphore(%run_scoped3A : memref<!tpu.dma_semaphore, #tpu.memory_space<semaphore_mem>>) src(%arg8 : memref<128x128xf32, #tpu.memory_space<vmem>>) dst(%dma_wait3A_46 : memref<128x128xf32, #tpu.memory_space<hbm>>)
      tpu.yield
    }) : () -> ()
    %add3A_33 = arith.constant 384 : i32
    %add3A_34 = arith.addi %mul3A_8, %add3A_33 : i32
    "tpu.region"() ({
      %run_scoped3A = tpu.sem_alloc : memref<!tpu.dma_semaphore, #tpu.memory_space<semaphore_mem>>
      %dma_start3A = arith.constant 0 : i32
      %dma_start3A_37 = tpu.memref_slice %arg9[%add3A_34, %dma_start3A] : memref<10240x128xf32, #tpu.memory_space<vmem_shared>> -> memref<128x128xf32, #tpu.memory_space<vmem_shared>>
      %dma_start3A_38 = arith.constant 0 : i32
      %dma_start3A_39 = tpu.memref_slice %arg9[%add3A_34, %dma_start3A_38] : memref<10240x128xf32, #tpu.memory_space<vmem_shared>> -> memref<128x128xf32, #tpu.memory_space<vmem_shared>>
      tpu.enqueue_dma source(%dma_start3A_39 : memref<128x128xf32, #tpu.memory_space<vmem_shared>>) target(%arg8 : memref<128x128xf32, #tpu.memory_space<vmem>>) target_semaphore(%run_scoped3A : memref<!tpu.dma_semaphore, #tpu.memory_space<semaphore_mem>>)
      %dma_wait3A = arith.constant 0 : i32
      %dma_wait3A_40 = tpu.memref_slice %arg9[%add3A_34, %dma_wait3A] : memref<10240x128xf32, #tpu.memory_space<vmem_shared>> -> memref<128x128xf32, #tpu.memory_space<vmem_shared>>
      %dma_wait3A_41 = arith.constant 0 : i32
      %dma_wait3A_42 = tpu.memref_slice %arg9[%add3A_34, %dma_wait3A_41] : memref<10240x128xf32, #tpu.memory_space<vmem_shared>> -> memref<128x128xf32, #tpu.memory_space<vmem_shared>>
      tpu.wait_dma2 semaphore(%run_scoped3A : memref<!tpu.dma_semaphore, #tpu.memory_space<semaphore_mem>>) src(%dma_wait3A_42 : memref<128x128xf32, #tpu.memory_space<vmem_shared>>) dst(%arg8 : memref<128x128xf32, #tpu.memory_space<vmem>>)
      tpu.yield
    }) : () -> ()
    "tpu.region"() ({
      %run_scoped3A = tpu.sem_alloc : memref<!tpu.dma_semaphore, #tpu.memory_space<semaphore_mem>>
      %dma_start3A = arith.constant 0 : i32
      %dma_start3A_37 = tpu.memref_slice %arg5[%arg0, %add3A_34, %dma_start3A] : memref<2x10240x128xf32, #tpu.memory_space<hbm>> -> memref<1x128x128xf32, #tpu.memory_space<hbm>>
      %dma_start3A_38 = tpu.memref_squeeze %dma_start3A_37 : memref<1x128x128xf32, #tpu.memory_space<hbm>> -> memref<128x128xf32, #tpu.memory_space<hbm>>
      %dma_start3A_39 = arith.constant 0 : i32
      %dma_start3A_40 = tpu.memref_slice %arg5[%arg0, %add3A_34, %dma_start3A_39] : memref<2x10240x128xf32, #tpu.memory_space<hbm>> -> memref<1x128x128xf32, #tpu.memory_space<hbm>>
      %dma_start3A_41 = tpu.memref_squeeze %dma_start3A_40 : memref<1x128x128xf32, #tpu.memory_space<hbm>> -> memref<128x128xf32, #tpu.memory_space<hbm>>
      tpu.enqueue_dma source(%arg8 : memref<128x128xf32, #tpu.memory_space<vmem>>) target(%dma_start3A_41 : memref<128x128xf32, #tpu.memory_space<hbm>>) target_semaphore(%run_scoped3A : memref<!tpu.dma_semaphore, #tpu.memory_space<semaphore_mem>>)
      %dma_wait3A = arith.constant 0 : i32
      %dma_wait3A_42 = tpu.memref_slice %arg5[%arg0, %add3A_34, %dma_wait3A] : memref<2x10240x128xf32, #tpu.memory_space<hbm>> -> memref<1x128x128xf32, #tpu.memory_space<hbm>>
      %dma_wait3A_43 = tpu.memref_squeeze %dma_wait3A_42 : memref<1x128x128xf32, #tpu.memory_space<hbm>> -> memref<128x128xf32, #tpu.memory_space<hbm>>
      %dma_wait3A_44 = arith.constant 0 : i32
      %dma_wait3A_45 = tpu.memref_slice %arg5[%arg0, %add3A_34, %dma_wait3A_44] : memref<2x10240x128xf32, #tpu.memory_space<hbm>> -> memref<1x128x128xf32, #tpu.memory_space<hbm>>
      %dma_wait3A_46 = tpu.memref_squeeze %dma_wait3A_45 : memref<1x128x128xf32, #tpu.memory_space<hbm>> -> memref<128x128xf32, #tpu.memory_space<hbm>>
      tpu.wait_dma2 semaphore(%run_scoped3A : memref<!tpu.dma_semaphore, #tpu.memory_space<semaphore_mem>>) src(%arg8 : memref<128x128xf32, #tpu.memory_space<vmem>>) dst(%dma_wait3A_46 : memref<128x128xf32, #tpu.memory_space<hbm>>)
      tpu.yield
    }) : () -> ()
    %add3A_35 = arith.constant 512 : i32
    %add3A_36 = arith.addi %mul3A_8, %add3A_35 : i32
    "tpu.region"() ({
      %run_scoped3A = tpu.sem_alloc : memref<!tpu.dma_semaphore, #tpu.memory_space<semaphore_mem>>
      %dma_start3A = arith.constant 0 : i32
      %dma_start3A_37 = tpu.memref_slice %arg9[%add3A_36, %dma_start3A] : memref<10240x128xf32, #tpu.memory_space<vmem_shared>> -> memref<128x128xf32, #tpu.memory_space<vmem_shared>>
      %dma_start3A_38 = arith.constant 0 : i32
      %dma_start3A_39 = tpu.memref_slice %arg9[%add3A_36, %dma_start3A_38] : memref<10240x128xf32, #tpu.memory_space<vmem_shared>> -> memref<128x128xf32, #tpu.memory_space<vmem_shared>>
      tpu.enqueue_dma source(%dma_start3A_39 : memref<128x128xf32, #tpu.memory_space<vmem_shared>>) target(%arg8 : memref<128x128xf32, #tpu.memory_space<vmem>>) target_semaphore(%run_scoped3A : memref<!tpu.dma_semaphore, #tpu.memory_space<semaphore_mem>>)
      %dma_wait3A = arith.constant 0 : i32
      %dma_wait3A_40 = tpu.memref_slice %arg9[%add3A_36, %dma_wait3A] : memref<10240x128xf32, #tpu.memory_space<vmem_shared>> -> memref<128x128xf32, #tpu.memory_space<vmem_shared>>
      %dma_wait3A_41 = arith.constant 0 : i32
      %dma_wait3A_42 = tpu.memref_slice %arg9[%add3A_36, %dma_wait3A_41] : memref<10240x128xf32, #tpu.memory_space<vmem_shared>> -> memref<128x128xf32, #tpu.memory_space<vmem_shared>>
      tpu.wait_dma2 semaphore(%run_scoped3A : memref<!tpu.dma_semaphore, #tpu.memory_space<semaphore_mem>>) src(%dma_wait3A_42 : memref<128x128xf32, #tpu.memory_space<vmem_shared>>) dst(%arg8 : memref<128x128xf32, #tpu.memory_space<vmem>>)
      tpu.yield
    }) : () -> ()
    "tpu.region"() ({
      %run_scoped3A = tpu.sem_alloc : memref<!tpu.dma_semaphore, #tpu.memory_space<semaphore_mem>>
      %dma_start3A = arith.constant 0 : i32
      %dma_start3A_37 = tpu.memref_slice %arg5[%arg0, %add3A_36, %dma_start3A] : memref<2x10240x128xf32, #tpu.memory_space<hbm>> -> memref<1x128x128xf32, #tpu.memory_space<hbm>>
      %dma_start3A_38 = tpu.memref_squeeze %dma_start3A_37 : memref<1x128x128xf32, #tpu.memory_space<hbm>> -> memref<128x128xf32, #tpu.memory_space<hbm>>
      %dma_start3A_39 = arith.constant 0 : i32
      %dma_start3A_40 = tpu.memref_slice %arg5[%arg0, %add3A_36, %dma_start3A_39] : memref<2x10240x128xf32, #tpu.memory_space<hbm>> -> memref<1x128x128xf32, #tpu.memory_space<hbm>>
      %dma_start3A_41 = tpu.memref_squeeze %dma_start3A_40 : memref<1x128x128xf32, #tpu.memory_space<hbm>> -> memref<128x128xf32, #tpu.memory_space<hbm>>
      tpu.enqueue_dma source(%arg8 : memref<128x128xf32, #tpu.memory_space<vmem>>) target(%dma_start3A_41 : memref<128x128xf32, #tpu.memory_space<hbm>>) target_semaphore(%run_scoped3A : memref<!tpu.dma_semaphore, #tpu.memory_space<semaphore_mem>>)
      %dma_wait3A = arith.constant 0 : i32
      %dma_wait3A_42 = tpu.memref_slice %arg5[%arg0, %add3A_36, %dma_wait3A] : memref<2x10240x128xf32, #tpu.memory_space<hbm>> -> memref<1x128x128xf32, #tpu.memory_space<hbm>>
      %dma_wait3A_43 = tpu.memref_squeeze %dma_wait3A_42 : memref<1x128x128xf32, #tpu.memory_space<hbm>> -> memref<128x128xf32, #tpu.memory_space<hbm>>
      %dma_wait3A_44 = arith.constant 0 : i32
      %dma_wait3A_45 = tpu.memref_slice %arg5[%arg0, %add3A_36, %dma_wait3A_44] : memref<2x10240x128xf32, #tpu.memory_space<hbm>> -> memref<1x128x128xf32, #tpu.memory_space<hbm>>
      %dma_wait3A_46 = tpu.memref_squeeze %dma_wait3A_45 : memref<1x128x128xf32, #tpu.memory_space<hbm>> -> memref<128x128xf32, #tpu.memory_space<hbm>>
      tpu.wait_dma2 semaphore(%run_scoped3A : memref<!tpu.dma_semaphore, #tpu.memory_space<semaphore_mem>>) src(%arg8 : memref<128x128xf32, #tpu.memory_space<vmem>>) dst(%dma_wait3A_46 : memref<128x128xf32, #tpu.memory_space<hbm>>)
      tpu.yield
    }) : () -> ()
    return
  }
}

#map = affine_map<(d0, d1) -> (0, 0)>
#map1 = affine_map<(d0, d1) -> (0, 0, 0)>
module attributes {stable_mosaic.version = 14 : i64} {
  func.func @sc_adj_accumulate(%arg0: i32, %arg1: i32, %arg2: memref<10000x128xf32, #tpu.memory_space<hbm>>, %arg3: memref<32x79x128xi32, #tpu.memory_space<hbm>>, %arg4: memref<32x79x128xi32, #tpu.memory_space<hbm>>, %arg5: memref<2x10240x128xf32, #tpu.memory_space<hbm>>, %arg6: memref<79x128xi32, #tpu.memory_space<vmem>>, %arg7: memref<79x128xi32, #tpu.memory_space<vmem>>, %arg8: memref<128x128xf32, #tpu.memory_space<vmem>>, %arg9: memref<10240x128xf32, #tpu.memory_space<vmem_shared>>, %arg10: memref<!tpu.dma_semaphore, #tpu.memory_space<semaphore_mem>>) attributes {dimension_semantics = [#tpu.dimension_semantics<core_parallel>, #tpu.dimension_semantics<subcore_parallel>], iteration_bounds = array<i64: 2, 16>, scalar_prefetch = 0 : i64, scratch_operands = 5 : i64, tpu.core_type = #tpu.core_type<sc_vector_subcore>, window_params = [{transform_indices = #map}, {transform_indices = #map1}, {transform_indices = #map1}, {transform_indices = #map1}]} {
    %mul3A = arith.constant 16 : i32
    %mul3A_0 = arith.muli %arg0, %mul3A : i32
    %add3A = arith.addi %mul3A_0, %arg1 : i32
    %scan3A = arith.constant 0 : i32
    %scan3A_1 = arith.constant 0 : i32
    %scan3A_2 = arith.constant 128 : i32
    %scan3A_3 = arith.addi %scan3A_1, %scan3A_2 : i32
    %scan3A_4 = arith.constant 1 : i32
    %scan3A_5 = scf.for %scan3A_37 = %scan3A_1 to %scan3A_3 step %scan3A_4 iter_args(%scan3A_38 = %scan3A) -> (i32)  : i32 {
      %broadcast_in_dim3A = arith.constant 0.000000e+00 : f32
      %broadcast_in_dim3A_39 = vector.broadcast %broadcast_in_dim3A : f32 to vector<16xf32>
      %swap3A = arith.index_cast %scan3A_37 : i32 to index
      %swap3A_40 = arith.constant 0 : index
      %swap3A_41 = tpu.vector_load %arg8[%swap3A, %swap3A_40] {strides = array<i32>} : memref<128x128xf32, #tpu.memory_space<vmem>>, vector<1x16xf32>,
      %swap3A_42 = vector.shape_cast %swap3A_41 : vector<1x16xf32> to vector<16xf32>
      %swap3A_43 = vector.shape_cast %broadcast_in_dim3A_39 : vector<16xf32> to vector<1x16xf32>
      tpu.vector_store %arg8[%swap3A, %swap3A_40], %swap3A_43 {strides = array<i32>} : memref<128x128xf32, #tpu.memory_space<vmem>>, vector<1x16xf32>,
      %broadcast_in_dim3A_44 = arith.constant 0.000000e+00 : f32
      %broadcast_in_dim3A_45 = vector.broadcast %broadcast_in_dim3A_44 : f32 to vector<16xf32>
      %swap3A_46 = arith.index_cast %scan3A_37 : i32 to index
      %swap3A_47 = arith.constant 16 : index
      %swap3A_48 = tpu.vector_load %arg8[%swap3A_46, %swap3A_47] {strides = array<i32>} : memref<128x128xf32, #tpu.memory_space<vmem>>, vector<1x16xf32>,
      %swap3A_49 = vector.shape_cast %swap3A_48 : vector<1x16xf32> to vector<16xf32>
      %swap3A_50 = vector.shape_cast %broadcast_in_dim3A_45 : vector<16xf32> to vector<1x16xf32>
      tpu.vector_store %arg8[%swap3A_46, %swap3A_47], %swap3A_50 {strides = array<i32>} : memref<128x128xf32, #tpu.memory_space<vmem>>, vector<1x16xf32>,
      %broadcast_in_dim3A_51 = arith.constant 0.000000e+00 : f32
      %broadcast_in_dim3A_52 = vector.broadcast %broadcast_in_dim3A_51 : f32 to vector<16xf32>
      %swap3A_53 = arith.index_cast %scan3A_37 : i32 to index
      %swap3A_54 = arith.constant 32 : index
      %swap3A_55 = tpu.vector_load %arg8[%swap3A_53, %swap3A_54] {strides = array<i32>} : memref<128x128xf32, #tpu.memory_space<vmem>>, vector<1x16xf32>,
      %swap3A_56 = vector.shape_cast %swap3A_55 : vector<1x16xf32> to vector<16xf32>
      %swap3A_57 = vector.shape_cast %broadcast_in_dim3A_52 : vector<16xf32> to vector<1x16xf32>
      tpu.vector_store %arg8[%swap3A_53, %swap3A_54], %swap3A_57 {strides = array<i32>} : memref<128x128xf32, #tpu.memory_space<vmem>>, vector<1x16xf32>,
      %broadcast_in_dim3A_58 = arith.constant 0.000000e+00 : f32
      %broadcast_in_dim3A_59 = vector.broadcast %broadcast_in_dim3A_58 : f32 to vector<16xf32>
      %swap3A_60 = arith.index_cast %scan3A_37 : i32 to index
      %swap3A_61 = arith.constant 48 : index
      %swap3A_62 = tpu.vector_load %arg8[%swap3A_60, %swap3A_61] {strides = array<i32>} : memref<128x128xf32, #tpu.memory_space<vmem>>, vector<1x16xf32>,
      %swap3A_63 = vector.shape_cast %swap3A_62 : vector<1x16xf32> to vector<16xf32>
      %swap3A_64 = vector.shape_cast %broadcast_in_dim3A_59 : vector<16xf32> to vector<1x16xf32>
      tpu.vector_store %arg8[%swap3A_60, %swap3A_61], %swap3A_64 {strides = array<i32>} : memref<128x128xf32, #tpu.memory_space<vmem>>, vector<1x16xf32>,
      %broadcast_in_dim3A_65 = arith.constant 0.000000e+00 : f32
      %broadcast_in_dim3A_66 = vector.broadcast %broadcast_in_dim3A_65 : f32 to vector<16xf32>
      %swap3A_67 = arith.index_cast %scan3A_37 : i32 to index
      %swap3A_68 = arith.constant 64 : index
      %swap3A_69 = tpu.vector_load %arg8[%swap3A_67, %swap3A_68] {strides = array<i32>} : memref<128x128xf32, #tpu.memory_space<vmem>>, vector<1x16xf32>,
      %swap3A_70 = vector.shape_cast %swap3A_69 : vector<1x16xf32> to vector<16xf32>
      %swap3A_71 = vector.shape_cast %broadcast_in_dim3A_66 : vector<16xf32> to vector<1x16xf32>
      tpu.vector_store %arg8[%swap3A_67, %swap3A_68], %swap3A_71 {strides = array<i32>} : memref<128x128xf32, #tpu.memory_space<vmem>>, vector<1x16xf32>,
      %broadcast_in_dim3A_72 = arith.constant 0.000000e+00 : f32
      %broadcast_in_dim3A_73 = vector.broadcast %broadcast_in_dim3A_72 : f32 to vector<16xf32>
      %swap3A_74 = arith.index_cast %scan3A_37 : i32 to index
      %swap3A_75 = arith.constant 80 : index
      %swap3A_76 = tpu.vector_load %arg8[%swap3A_74, %swap3A_75] {strides = array<i32>} : memref<128x128xf32, #tpu.memory_space<vmem>>, vector<1x16xf32>,
      %swap3A_77 = vector.shape_cast %swap3A_76 : vector<1x16xf32> to vector<16xf32>
      %swap3A_78 = vector.shape_cast %broadcast_in_dim3A_73 : vector<16xf32> to vector<1x16xf32>
      tpu.vector_store %arg8[%swap3A_74, %swap3A_75], %swap3A_78 {strides = array<i32>} : memref<128x128xf32, #tpu.memory_space<vmem>>, vector<1x16xf32>,
      %broadcast_in_dim3A_79 = arith.constant 0.000000e+00 : f32
      %broadcast_in_dim3A_80 = vector.broadcast %broadcast_in_dim3A_79 : f32 to vector<16xf32>
      %swap3A_81 = arith.index_cast %scan3A_37 : i32 to index
      %swap3A_82 = arith.constant 96 : index
      %swap3A_83 = tpu.vector_load %arg8[%swap3A_81, %swap3A_82] {strides = array<i32>} : memref<128x128xf32, #tpu.memory_space<vmem>>, vector<1x16xf32>,
      %swap3A_84 = vector.shape_cast %swap3A_83 : vector<1x16xf32> to vector<16xf32>
      %swap3A_85 = vector.shape_cast %broadcast_in_dim3A_80 : vector<16xf32> to vector<1x16xf32>
      tpu.vector_store %arg8[%swap3A_81, %swap3A_82], %swap3A_85 {strides = array<i32>} : memref<128x128xf32, #tpu.memory_space<vmem>>, vector<1x16xf32>,
      %broadcast_in_dim3A_86 = arith.constant 0.000000e+00 : f32
      %broadcast_in_dim3A_87 = vector.broadcast %broadcast_in_dim3A_86 : f32 to vector<16xf32>
      %swap3A_88 = arith.index_cast %scan3A_37 : i32 to index
      %swap3A_89 = arith.constant 112 : index
      %swap3A_90 = tpu.vector_load %arg8[%swap3A_88, %swap3A_89] {strides = array<i32>} : memref<128x128xf32, #tpu.memory_space<vmem>>, vector<1x16xf32>,
      %swap3A_91 = vector.shape_cast %swap3A_90 : vector<1x16xf32> to vector<16xf32>
      %swap3A_92 = vector.shape_cast %broadcast_in_dim3A_87 : vector<16xf32> to vector<1x16xf32>
      tpu.vector_store %arg8[%swap3A_88, %swap3A_89], %swap3A_92 {strides = array<i32>} : memref<128x128xf32, #tpu.memory_space<vmem>>, vector<1x16xf32>,
      %scan3A_93 = arith.constant 0 : i32
      scf.yield %scan3A_93 : i32
    }
    %scan3A_6 = arith.constant 128 : i32
    %mul3A_7 = arith.constant 640 : i32
    %mul3A_8 = arith.muli %arg1, %mul3A_7 : i32
    %add3A_9 = arith.constant 0 : i32
    %add3A_10 = arith.addi %mul3A_8, %add3A_9 : i32
    "tpu.region"() ({
      %run_scoped3A = tpu.sem_alloc : memref<!tpu.dma_semaphore, #tpu.memory_space<semaphore_mem>>
      %dma_start3A = arith.constant 0 : i32
      %dma_start3A_37 = tpu.memref_slice %arg9[%add3A_10, %dma_start3A] : memref<10240x128xf32, #tpu.memory_space<vmem_shared>> -> memref<128x128xf32, #tpu.memory_space<vmem_shared>>
      %dma_start3A_38 = arith.constant 0 : i32
      %dma_start3A_39 = tpu.memref_slice %arg9[%add3A_10, %dma_start3A_38] : memref<10240x128xf32, #tpu.memory_space<vmem_shared>> -> memref<128x128xf32, #tpu.memory_space<vmem_shared>>
      tpu.enqueue_dma source(%arg8 : memref<128x128xf32, #tpu.memory_space<vmem>>) target(%dma_start3A_39 : memref<128x128xf32, #tpu.memory_space<vmem_shared>>) target_semaphore(%run_scoped3A : memref<!tpu.dma_semaphore, #tpu.memory_space<semaphore_mem>>)
      %dma_wait3A = arith.constant 0 : i32
      %dma_wait3A_40 = tpu.memref_slice %arg9[%add3A_10, %dma_wait3A] : memref<10240x128xf32, #tpu.memory_space<vmem_shared>> -> memref<128x128xf32, #tpu.memory_space<vmem_shared>>
      %dma_wait3A_41 = arith.constant 0 : i32
      %dma_wait3A_42 = tpu.memref_slice %arg9[%add3A_10, %dma_wait3A_41] : memref<10240x128xf32, #tpu.memory_space<vmem_shared>> -> memref<128x128xf32, #tpu.memory_space<vmem_shared>>
      tpu.wait_dma2 semaphore(%run_scoped3A : memref<!tpu.dma_semaphore, #tpu.memory_space<semaphore_mem>>) src(%arg8 : memref<128x128xf32, #tpu.memory_space<vmem>>) dst(%dma_wait3A_42 : memref<128x128xf32, #tpu.memory_space<vmem_shared>>)
      tpu.yield
    }) : () -> ()
    %add3A_11 = arith.constant 128 : i32
    %add3A_12 = arith.addi %mul3A_8, %add3A_11 : i32
    "tpu.region"() ({
      %run_scoped3A = tpu.sem_alloc : memref<!tpu.dma_semaphore, #tpu.memory_space<semaphore_mem>>
      %dma_start3A = arith.constant 0 : i32
      %dma_start3A_37 = tpu.memref_slice %arg9[%add3A_12, %dma_start3A] : memref<10240x128xf32, #tpu.memory_space<vmem_shared>> -> memref<128x128xf32, #tpu.memory_space<vmem_shared>>
      %dma_start3A_38 = arith.constant 0 : i32
      %dma_start3A_39 = tpu.memref_slice %arg9[%add3A_12, %dma_start3A_38] : memref<10240x128xf32, #tpu.memory_space<vmem_shared>> -> memref<128x128xf32, #tpu.memory_space<vmem_shared>>
      tpu.enqueue_dma source(%arg8 : memref<128x128xf32, #tpu.memory_space<vmem>>) target(%dma_start3A_39 : memref<128x128xf32, #tpu.memory_space<vmem_shared>>) target_semaphore(%run_scoped3A : memref<!tpu.dma_semaphore, #tpu.memory_space<semaphore_mem>>)
      %dma_wait3A = arith.constant 0 : i32
      %dma_wait3A_40 = tpu.memref_slice %arg9[%add3A_12, %dma_wait3A] : memref<10240x128xf32, #tpu.memory_space<vmem_shared>> -> memref<128x128xf32, #tpu.memory_space<vmem_shared>>
      %dma_wait3A_41 = arith.constant 0 : i32
      %dma_wait3A_42 = tpu.memref_slice %arg9[%add3A_12, %dma_wait3A_41] : memref<10240x128xf32, #tpu.memory_space<vmem_shared>> -> memref<128x128xf32, #tpu.memory_space<vmem_shared>>
      tpu.wait_dma2 semaphore(%run_scoped3A : memref<!tpu.dma_semaphore, #tpu.memory_space<semaphore_mem>>) src(%arg8 : memref<128x128xf32, #tpu.memory_space<vmem>>) dst(%dma_wait3A_42 : memref<128x128xf32, #tpu.memory_space<vmem_shared>>)
      tpu.yield
    }) : () -> ()
    %add3A_13 = arith.constant 256 : i32
    %add3A_14 = arith.addi %mul3A_8, %add3A_13 : i32
    "tpu.region"() ({
      %run_scoped3A = tpu.sem_alloc : memref<!tpu.dma_semaphore, #tpu.memory_space<semaphore_mem>>
      %dma_start3A = arith.constant 0 : i32
      %dma_start3A_37 = tpu.memref_slice %arg9[%add3A_14, %dma_start3A] : memref<10240x128xf32, #tpu.memory_space<vmem_shared>> -> memref<128x128xf32, #tpu.memory_space<vmem_shared>>
      %dma_start3A_38 = arith.constant 0 : i32
      %dma_start3A_39 = tpu.memref_slice %arg9[%add3A_14, %dma_start3A_38] : memref<10240x128xf32, #tpu.memory_space<vmem_shared>> -> memref<128x128xf32, #tpu.memory_space<vmem_shared>>
      tpu.enqueue_dma source(%arg8 : memref<128x128xf32, #tpu.memory_space<vmem>>) target(%dma_start3A_39 : memref<128x128xf32, #tpu.memory_space<vmem_shared>>) target_semaphore(%run_scoped3A : memref<!tpu.dma_semaphore, #tpu.memory_space<semaphore_mem>>)
      %dma_wait3A = arith.constant 0 : i32
      %dma_wait3A_40 = tpu.memref_slice %arg9[%add3A_14, %dma_wait3A] : memref<10240x128xf32, #tpu.memory_space<vmem_shared>> -> memref<128x128xf32, #tpu.memory_space<vmem_shared>>
      %dma_wait3A_41 = arith.constant 0 : i32
      %dma_wait3A_42 = tpu.memref_slice %arg9[%add3A_14, %dma_wait3A_41] : memref<10240x128xf32, #tpu.memory_space<vmem_shared>> -> memref<128x128xf32, #tpu.memory_space<vmem_shared>>
      tpu.wait_dma2 semaphore(%run_scoped3A : memref<!tpu.dma_semaphore, #tpu.memory_space<semaphore_mem>>) src(%arg8 : memref<128x128xf32, #tpu.memory_space<vmem>>) dst(%dma_wait3A_42 : memref<128x128xf32, #tpu.memory_space<vmem_shared>>)
      tpu.yield
    }) : () -> ()
    %add3A_15 = arith.constant 384 : i32
    %add3A_16 = arith.addi %mul3A_8, %add3A_15 : i32
    "tpu.region"() ({
      %run_scoped3A = tpu.sem_alloc : memref<!tpu.dma_semaphore, #tpu.memory_space<semaphore_mem>>
      %dma_start3A = arith.constant 0 : i32
      %dma_start3A_37 = tpu.memref_slice %arg9[%add3A_16, %dma_start3A] : memref<10240x128xf32, #tpu.memory_space<vmem_shared>> -> memref<128x128xf32, #tpu.memory_space<vmem_shared>>
      %dma_start3A_38 = arith.constant 0 : i32
      %dma_start3A_39 = tpu.memref_slice %arg9[%add3A_16, %dma_start3A_38] : memref<10240x128xf32, #tpu.memory_space<vmem_shared>> -> memref<128x128xf32, #tpu.memory_space<vmem_shared>>
      tpu.enqueue_dma source(%arg8 : memref<128x128xf32, #tpu.memory_space<vmem>>) target(%dma_start3A_39 : memref<128x128xf32, #tpu.memory_space<vmem_shared>>) target_semaphore(%run_scoped3A : memref<!tpu.dma_semaphore, #tpu.memory_space<semaphore_mem>>)
      %dma_wait3A = arith.constant 0 : i32
      %dma_wait3A_40 = tpu.memref_slice %arg9[%add3A_16, %dma_wait3A] : memref<10240x128xf32, #tpu.memory_space<vmem_shared>> -> memref<128x128xf32, #tpu.memory_space<vmem_shared>>
      %dma_wait3A_41 = arith.constant 0 : i32
      %dma_wait3A_42 = tpu.memref_slice %arg9[%add3A_16, %dma_wait3A_41] : memref<10240x128xf32, #tpu.memory_space<vmem_shared>> -> memref<128x128xf32, #tpu.memory_space<vmem_shared>>
      tpu.wait_dma2 semaphore(%run_scoped3A : memref<!tpu.dma_semaphore, #tpu.memory_space<semaphore_mem>>) src(%arg8 : memref<128x128xf32, #tpu.memory_space<vmem>>) dst(%dma_wait3A_42 : memref<128x128xf32, #tpu.memory_space<vmem_shared>>)
      tpu.yield
    }) : () -> ()
    %add3A_17 = arith.constant 512 : i32
    %add3A_18 = arith.addi %mul3A_8, %add3A_17 : i32
    "tpu.region"() ({
      %run_scoped3A = tpu.sem_alloc : memref<!tpu.dma_semaphore, #tpu.memory_space<semaphore_mem>>
      %dma_start3A = arith.constant 0 : i32
      %dma_start3A_37 = tpu.memref_slice %arg9[%add3A_18, %dma_start3A] : memref<10240x128xf32, #tpu.memory_space<vmem_shared>> -> memref<128x128xf32, #tpu.memory_space<vmem_shared>>
      %dma_start3A_38 = arith.constant 0 : i32
      %dma_start3A_39 = tpu.memref_slice %arg9[%add3A_18, %dma_start3A_38] : memref<10240x128xf32, #tpu.memory_space<vmem_shared>> -> memref<128x128xf32, #tpu.memory_space<vmem_shared>>
      tpu.enqueue_dma source(%arg8 : memref<128x128xf32, #tpu.memory_space<vmem>>) target(%dma_start3A_39 : memref<128x128xf32, #tpu.memory_space<vmem_shared>>) target_semaphore(%run_scoped3A : memref<!tpu.dma_semaphore, #tpu.memory_space<semaphore_mem>>)
      %dma_wait3A = arith.constant 0 : i32
      %dma_wait3A_40 = tpu.memref_slice %arg9[%add3A_18, %dma_wait3A] : memref<10240x128xf32, #tpu.memory_space<vmem_shared>> -> memref<128x128xf32, #tpu.memory_space<vmem_shared>>
      %dma_wait3A_41 = arith.constant 0 : i32
      %dma_wait3A_42 = tpu.memref_slice %arg9[%add3A_18, %dma_wait3A_41] : memref<10240x128xf32, #tpu.memory_space<vmem_shared>> -> memref<128x128xf32, #tpu.memory_space<vmem_shared>>
      tpu.wait_dma2 semaphore(%run_scoped3A : memref<!tpu.dma_semaphore, #tpu.memory_space<semaphore_mem>>) src(%arg8 : memref<128x128xf32, #tpu.memory_space<vmem>>) dst(%dma_wait3A_42 : memref<128x128xf32, #tpu.memory_space<vmem_shared>>)
      tpu.yield
    }) : () -> ()
    "tpu.region"() ({
      %run_scoped3A = tpu.sem_alloc : memref<!tpu.dma_semaphore, #tpu.memory_space<semaphore_mem>>
      %dma_start3A = arith.constant 0 : i32
      %dma_start3A_37 = arith.constant 0 : i32
      %dma_start3A_38 = tpu.memref_slice %arg3[%add3A, %dma_start3A, %dma_start3A_37] : memref<32x79x128xi32, #tpu.memory_space<hbm>> -> memref<1x79x128xi32, #tpu.memory_space<hbm>>
      %dma_start3A_39 = tpu.memref_squeeze %dma_start3A_38 : memref<1x79x128xi32, #tpu.memory_space<hbm>> -> memref<79x128xi32, #tpu.memory_space<hbm>>
      %dma_start3A_40 = arith.constant 0 : i32
      %dma_start3A_41 = arith.constant 0 : i32
      %dma_start3A_42 = tpu.memref_slice %arg3[%add3A, %dma_start3A_40, %dma_start3A_41] : memref<32x79x128xi32, #tpu.memory_space<hbm>> -> memref<1x79x128xi32, #tpu.memory_space<hbm>>
      %dma_start3A_43 = tpu.memref_squeeze %dma_start3A_42 : memref<1x79x128xi32, #tpu.memory_space<hbm>> -> memref<79x128xi32, #tpu.memory_space<hbm>>
      tpu.enqueue_dma source(%dma_start3A_43 : memref<79x128xi32, #tpu.memory_space<hbm>>) target(%arg6 : memref<79x128xi32, #tpu.memory_space<vmem>>) target_semaphore(%run_scoped3A : memref<!tpu.dma_semaphore, #tpu.memory_space<semaphore_mem>>)
      %dma_wait3A = arith.constant 0 : i32
      %dma_wait3A_44 = arith.constant 0 : i32
      %dma_wait3A_45 = tpu.memref_slice %arg3[%add3A, %dma_wait3A, %dma_wait3A_44] : memref<32x79x128xi32, #tpu.memory_space<hbm>> -> memref<1x79x128xi32, #tpu.memory_space<hbm>>
      %dma_wait3A_46 = tpu.memref_squeeze %dma_wait3A_45 : memref<1x79x128xi32, #tpu.memory_space<hbm>> -> memref<79x128xi32, #tpu.memory_space<hbm>>
      %dma_wait3A_47 = arith.constant 0 : i32
      %dma_wait3A_48 = arith.constant 0 : i32
      %dma_wait3A_49 = tpu.memref_slice %arg3[%add3A, %dma_wait3A_47, %dma_wait3A_48] : memref<32x79x128xi32, #tpu.memory_space<hbm>> -> memref<1x79x128xi32, #tpu.memory_space<hbm>>
      %dma_wait3A_50 = tpu.memref_squeeze %dma_wait3A_49 : memref<1x79x128xi32, #tpu.memory_space<hbm>> -> memref<79x128xi32, #tpu.memory_space<hbm>>
      tpu.wait_dma2 semaphore(%run_scoped3A : memref<!tpu.dma_semaphore, #tpu.memory_space<semaphore_mem>>) src(%dma_wait3A_50 : memref<79x128xi32, #tpu.memory_space<hbm>>) dst(%arg6 : memref<79x128xi32, #tpu.memory_space<vmem>>)
      tpu.yield
    }) : () -> ()
    "tpu.region"() ({
      %run_scoped3A = tpu.sem_alloc : memref<!tpu.dma_semaphore, #tpu.memory_space<semaphore_mem>>
      %dma_start3A = arith.constant 0 : i32
      %dma_start3A_37 = arith.constant 0 : i32
      %dma_start3A_38 = tpu.memref_slice %arg4[%add3A, %dma_start3A, %dma_start3A_37] : memref<32x79x128xi32, #tpu.memory_space<hbm>> -> memref<1x79x128xi32, #tpu.memory_space<hbm>>
      %dma_start3A_39 = tpu.memref_squeeze %dma_start3A_38 : memref<1x79x128xi32, #tpu.memory_space<hbm>> -> memref<79x128xi32, #tpu.memory_space<hbm>>
      %dma_start3A_40 = arith.constant 0 : i32
      %dma_start3A_41 = arith.constant 0 : i32
      %dma_start3A_42 = tpu.memref_slice %arg4[%add3A, %dma_start3A_40, %dma_start3A_41] : memref<32x79x128xi32, #tpu.memory_space<hbm>> -> memref<1x79x128xi32, #tpu.memory_space<hbm>>
      %dma_start3A_43 = tpu.memref_squeeze %dma_start3A_42 : memref<1x79x128xi32, #tpu.memory_space<hbm>> -> memref<79x128xi32, #tpu.memory_space<hbm>>
      tpu.enqueue_dma source(%dma_start3A_43 : memref<79x128xi32, #tpu.memory_space<hbm>>) target(%arg7 : memref<79x128xi32, #tpu.memory_space<vmem>>) target_semaphore(%run_scoped3A : memref<!tpu.dma_semaphore, #tpu.memory_space<semaphore_mem>>)
      %dma_wait3A = arith.constant 0 : i32
      %dma_wait3A_44 = arith.constant 0 : i32
      %dma_wait3A_45 = tpu.memref_slice %arg4[%add3A, %dma_wait3A, %dma_wait3A_44] : memref<32x79x128xi32, #tpu.memory_space<hbm>> -> memref<1x79x128xi32, #tpu.memory_space<hbm>>
      %dma_wait3A_46 = tpu.memref_squeeze %dma_wait3A_45 : memref<1x79x128xi32, #tpu.memory_space<hbm>> -> memref<79x128xi32, #tpu.memory_space<hbm>>
      %dma_wait3A_47 = arith.constant 0 : i32
      %dma_wait3A_48 = arith.constant 0 : i32
      %dma_wait3A_49 = tpu.memref_slice %arg4[%add3A, %dma_wait3A_47, %dma_wait3A_48] : memref<32x79x128xi32, #tpu.memory_space<hbm>> -> memref<1x79x128xi32, #tpu.memory_space<hbm>>
      %dma_wait3A_50 = tpu.memref_squeeze %dma_wait3A_49 : memref<1x79x128xi32, #tpu.memory_space<hbm>> -> memref<79x128xi32, #tpu.memory_space<hbm>>
      tpu.wait_dma2 semaphore(%run_scoped3A : memref<!tpu.dma_semaphore, #tpu.memory_space<semaphore_mem>>) src(%dma_wait3A_50 : memref<79x128xi32, #tpu.memory_space<hbm>>) dst(%arg7 : memref<79x128xi32, #tpu.memory_space<vmem>>)
      tpu.yield
    }) : () -> ()
    %barrier3A = arith.constant 0 : index
    tpu.barrier barrier_id(%barrier3A)
    %scan3A_19 = arith.constant 0 : i32
    %scan3A_20 = arith.constant 0 : i32
    %scan3A_21 = arith.constant 79 : i32
    %scan3A_22 = arith.addi %scan3A_20, %scan3A_21 : i32
    %scan3A_23 = arith.constant 1 : i32
    %scan3A_24 = scf.for %scan3A_37 = %scan3A_20 to %scan3A_22 step %scan3A_23 iter_args(%scan3A_38 = %scan3A_19) -> (i32)  : i32 {
      %dma_start3A = arith.constant 0 : i32
      %dma_start3A_39 = tpu.memref_slice %arg6[%scan3A_37, %dma_start3A] : memref<79x128xi32, #tpu.memory_space<vmem>> -> memref<1x128xi32, #tpu.memory_space<vmem>>
      %dma_start3A_40 = tpu.memref_squeeze %dma_start3A_39 : memref<1x128xi32, #tpu.memory_space<vmem>> -> memref<128xi32, #tpu.memory_space<vmem>>
      %dma_start3A_41 = arith.constant 0 : i32
      %dma_start3A_42 = arith.constant 0 : i32
      %dma_start3A_43 = tpu.memref_slice %arg2[%dma_start3A_41, %dma_start3A_42] : memref<10000x128xf32, #tpu.memory_space<hbm>> -> memref<10000x128xf32, #tpu.memory_space<hbm>>
      tpu.enqueue_indirect_dma source(%dma_start3A_43 : memref<10000x128xf32, #tpu.memory_space<hbm>>) target(%arg8 : memref<128x128xf32, #tpu.memory_space<vmem>>) offsets(%dma_start3A_40 : memref<128xi32, #tpu.memory_space<vmem>>) semaphore(%arg10 : memref<!tpu.dma_semaphore, #tpu.memory_space<semaphore_mem>>)
      %dma_wait3A = arith.constant 0 : i32
      %dma_wait3A_44 = tpu.memref_slice %arg6[%scan3A_37, %dma_wait3A] : memref<79x128xi32, #tpu.memory_space<vmem>> -> memref<1x128xi32, #tpu.memory_space<vmem>>
      %dma_wait3A_45 = tpu.memref_squeeze %dma_wait3A_44 : memref<1x128xi32, #tpu.memory_space<vmem>> -> memref<128xi32, #tpu.memory_space<vmem>>
      %dma_wait3A_46 = arith.constant 0 : i32
      %dma_wait3A_47 = arith.constant 0 : i32
      %dma_wait3A_48 = tpu.memref_slice %arg2[%dma_wait3A_46, %dma_wait3A_47] : memref<10000x128xf32, #tpu.memory_space<hbm>> -> memref<10000x128xf32, #tpu.memory_space<hbm>>
      tpu.wait_indirect_dma semaphore(%arg10 : memref<!tpu.dma_semaphore, #tpu.memory_space<semaphore_mem>>) src(%dma_wait3A_48 : memref<10000x128xf32, #tpu.memory_space<hbm>>) dst(%arg8 : memref<128x128xf32, #tpu.memory_space<vmem>>)
      "tpu.region"() ({
        %run_scoped3A = tpu.sem_alloc : memref<!tpu.dma_semaphore, #tpu.memory_space<semaphore_mem>>
        %dma_start3A_50 = arith.constant 0 : i32
        %dma_start3A_51 = tpu.memref_slice %arg7[%scan3A_37, %dma_start3A_50] : memref<79x128xi32, #tpu.memory_space<vmem>> -> memref<1x128xi32, #tpu.memory_space<vmem>>
        %dma_start3A_52 = tpu.memref_squeeze %dma_start3A_51 : memref<1x128xi32, #tpu.memory_space<vmem>> -> memref<128xi32, #tpu.memory_space<vmem>>
        %dma_start3A_53 = arith.constant 0 : i32
        %dma_start3A_54 = arith.constant 0 : i32
        %dma_start3A_55 = tpu.memref_slice %arg9[%dma_start3A_53, %dma_start3A_54] : memref<10240x128xf32, #tpu.memory_space<vmem_shared>> -> memref<10240x128xf32, #tpu.memory_space<vmem_shared>>
        tpu.enqueue_indirect_dma source(%arg8 : memref<128x128xf32, #tpu.memory_space<vmem>>) target(%dma_start3A_55 : memref<10240x128xf32, #tpu.memory_space<vmem_shared>>) offsets(%dma_start3A_52 : memref<128xi32, #tpu.memory_space<vmem>>) semaphore(%run_scoped3A : memref<!tpu.dma_semaphore, #tpu.memory_space<semaphore_mem>>) {add = true}
        %dma_wait3A_56 = arith.constant 0 : i32
        %dma_wait3A_57 = tpu.memref_slice %arg7[%scan3A_37, %dma_wait3A_56] : memref<79x128xi32, #tpu.memory_space<vmem>> -> memref<1x128xi32, #tpu.memory_space<vmem>>
        %dma_wait3A_58 = tpu.memref_squeeze %dma_wait3A_57 : memref<1x128xi32, #tpu.memory_space<vmem>> -> memref<128xi32, #tpu.memory_space<vmem>>
        %dma_wait3A_59 = arith.constant 0 : i32
        %dma_wait3A_60 = arith.constant 0 : i32
        %dma_wait3A_61 = tpu.memref_slice %arg9[%dma_wait3A_59, %dma_wait3A_60] : memref<10240x128xf32, #tpu.memory_space<vmem_shared>> -> memref<10240x128xf32, #tpu.memory_space<vmem_shared>>
        tpu.wait_indirect_dma semaphore(%run_scoped3A : memref<!tpu.dma_semaphore, #tpu.memory_space<semaphore_mem>>) src(%arg8 : memref<128x128xf32, #tpu.memory_space<vmem>>) dst(%dma_wait3A_61 : memref<10240x128xf32, #tpu.memory_space<vmem_shared>>)
        tpu.yield
      }) : () -> ()
      %scan3A_49 = arith.constant 0 : i32
      scf.yield %scan3A_49 : i32
    }
    %scan3A_25 = arith.constant 79 : i32
    %barrier3A_26 = arith.constant 0 : index
    tpu.barrier barrier_id(%barrier3A_26)
    %add3A_27 = arith.constant 0 : i32
    %add3A_28 = arith.addi %mul3A_8, %add3A_27 : i32
    "tpu.region"() ({
      %run_scoped3A = tpu.sem_alloc : memref<!tpu.dma_semaphore, #tpu.memory_space<semaphore_mem>>
      %dma_start3A = arith.constant 0 : i32
      %dma_start3A_37 = tpu.memref_slice %arg9[%add3A_28, %dma_start3A] : memref<10240x128xf32, #tpu.memory_space<vmem_shared>> -> memref<128x128xf32, #tpu.memory_space<vmem_shared>>
      %dma_start3A_38 = arith.constant 0 : i32
      %dma_start3A_39 = tpu.memref_slice %arg9[%add3A_28, %dma_start3A_38] : memref<10240x128xf32, #tpu.memory_space<vmem_shared>> -> memref<128x128xf32, #tpu.memory_space<vmem_shared>>
      tpu.enqueue_dma source(%dma_start3A_39 : memref<128x128xf32, #tpu.memory_space<vmem_shared>>) target(%arg8 : memref<128x128xf32, #tpu.memory_space<vmem>>) target_semaphore(%run_scoped3A : memref<!tpu.dma_semaphore, #tpu.memory_space<semaphore_mem>>)
      %dma_wait3A = arith.constant 0 : i32
      %dma_wait3A_40 = tpu.memref_slice %arg9[%add3A_28, %dma_wait3A] : memref<10240x128xf32, #tpu.memory_space<vmem_shared>> -> memref<128x128xf32, #tpu.memory_space<vmem_shared>>
      %dma_wait3A_41 = arith.constant 0 : i32
      %dma_wait3A_42 = tpu.memref_slice %arg9[%add3A_28, %dma_wait3A_41] : memref<10240x128xf32, #tpu.memory_space<vmem_shared>> -> memref<128x128xf32, #tpu.memory_space<vmem_shared>>
      tpu.wait_dma2 semaphore(%run_scoped3A : memref<!tpu.dma_semaphore, #tpu.memory_space<semaphore_mem>>) src(%dma_wait3A_42 : memref<128x128xf32, #tpu.memory_space<vmem_shared>>) dst(%arg8 : memref<128x128xf32, #tpu.memory_space<vmem>>)
      tpu.yield
    }) : () -> ()
    "tpu.region"() ({
      %run_scoped3A = tpu.sem_alloc : memref<!tpu.dma_semaphore, #tpu.memory_space<semaphore_mem>>
      %dma_start3A = arith.constant 0 : i32
      %dma_start3A_37 = tpu.memref_slice %arg5[%arg0, %add3A_28, %dma_start3A] : memref<2x10240x128xf32, #tpu.memory_space<hbm>> -> memref<1x128x128xf32, #tpu.memory_space<hbm>>
      %dma_start3A_38 = tpu.memref_squeeze %dma_start3A_37 : memref<1x128x128xf32, #tpu.memory_space<hbm>> -> memref<128x128xf32, #tpu.memory_space<hbm>>
      %dma_start3A_39 = arith.constant 0 : i32
      %dma_start3A_40 = tpu.memref_slice %arg5[%arg0, %add3A_28, %dma_start3A_39] : memref<2x10240x128xf32, #tpu.memory_space<hbm>> -> memref<1x128x128xf32, #tpu.memory_space<hbm>>
      %dma_start3A_41 = tpu.memref_squeeze %dma_start3A_40 : memref<1x128x128xf32, #tpu.memory_space<hbm>> -> memref<128x128xf32, #tpu.memory_space<hbm>>
      tpu.enqueue_dma source(%arg8 : memref<128x128xf32, #tpu.memory_space<vmem>>) target(%dma_start3A_41 : memref<128x128xf32, #tpu.memory_space<hbm>>) target_semaphore(%run_scoped3A : memref<!tpu.dma_semaphore, #tpu.memory_space<semaphore_mem>>)
      %dma_wait3A = arith.constant 0 : i32
      %dma_wait3A_42 = tpu.memref_slice %arg5[%arg0, %add3A_28, %dma_wait3A] : memref<2x10240x128xf32, #tpu.memory_space<hbm>> -> memref<1x128x128xf32, #tpu.memory_space<hbm>>
      %dma_wait3A_43 = tpu.memref_squeeze %dma_wait3A_42 : memref<1x128x128xf32, #tpu.memory_space<hbm>> -> memref<128x128xf32, #tpu.memory_space<hbm>>
      %dma_wait3A_44 = arith.constant 0 : i32
      %dma_wait3A_45 = tpu.memref_slice %arg5[%arg0, %add3A_28, %dma_wait3A_44] : memref<2x10240x128xf32, #tpu.memory_space<hbm>> -> memref<1x128x128xf32, #tpu.memory_space<hbm>>
      %dma_wait3A_46 = tpu.memref_squeeze %dma_wait3A_45 : memref<1x128x128xf32, #tpu.memory_space<hbm>> -> memref<128x128xf32, #tpu.memory_space<hbm>>
      tpu.wait_dma2 semaphore(%run_scoped3A : memref<!tpu.dma_semaphore, #tpu.memory_space<semaphore_mem>>) src(%arg8 : memref<128x128xf32, #tpu.memory_space<vmem>>) dst(%dma_wait3A_46 : memref<128x128xf32, #tpu.memory_space<hbm>>)
      tpu.yield
    }) : () -> ()
    %add3A_29 = arith.constant 128 : i32
    %add3A_30 = arith.addi %mul3A_8, %add3A_29 : i32
    "tpu.region"() ({
      %run_scoped3A = tpu.sem_alloc : memref<!tpu.dma_semaphore, #tpu.memory_space<semaphore_mem>>
      %dma_start3A = arith.constant 0 : i32
      %dma_start3A_37 = tpu.memref_slice %arg9[%add3A_30, %dma_start3A] : memref<10240x128xf32, #tpu.memory_space<vmem_shared>> -> memref<128x128xf32, #tpu.memory_space<vmem_shared>>
      %dma_start3A_38 = arith.constant 0 : i32
      %dma_start3A_39 = tpu.memref_slice %arg9[%add3A_30, %dma_start3A_38] : memref<10240x128xf32, #tpu.memory_space<vmem_shared>> -> memref<128x128xf32, #tpu.memory_space<vmem_shared>>
      tpu.enqueue_dma source(%dma_start3A_39 : memref<128x128xf32, #tpu.memory_space<vmem_shared>>) target(%arg8 : memref<128x128xf32, #tpu.memory_space<vmem>>) target_semaphore(%run_scoped3A : memref<!tpu.dma_semaphore, #tpu.memory_space<semaphore_mem>>)
      %dma_wait3A = arith.constant 0 : i32
      %dma_wait3A_40 = tpu.memref_slice %arg9[%add3A_30, %dma_wait3A] : memref<10240x128xf32, #tpu.memory_space<vmem_shared>> -> memref<128x128xf32, #tpu.memory_space<vmem_shared>>
      %dma_wait3A_41 = arith.constant 0 : i32
      %dma_wait3A_42 = tpu.memref_slice %arg9[%add3A_30, %dma_wait3A_41] : memref<10240x128xf32, #tpu.memory_space<vmem_shared>> -> memref<128x128xf32, #tpu.memory_space<vmem_shared>>
      tpu.wait_dma2 semaphore(%run_scoped3A : memref<!tpu.dma_semaphore, #tpu.memory_space<semaphore_mem>>) src(%dma_wait3A_42 : memref<128x128xf32, #tpu.memory_space<vmem_shared>>) dst(%arg8 : memref<128x128xf32, #tpu.memory_space<vmem>>)
      tpu.yield
    }) : () -> ()
    "tpu.region"() ({
      %run_scoped3A = tpu.sem_alloc : memref<!tpu.dma_semaphore, #tpu.memory_space<semaphore_mem>>
      %dma_start3A = arith.constant 0 : i32
      %dma_start3A_37 = tpu.memref_slice %arg5[%arg0, %add3A_30, %dma_start3A] : memref<2x10240x128xf32, #tpu.memory_space<hbm>> -> memref<1x128x128xf32, #tpu.memory_space<hbm>>
      %dma_start3A_38 = tpu.memref_squeeze %dma_start3A_37 : memref<1x128x128xf32, #tpu.memory_space<hbm>> -> memref<128x128xf32, #tpu.memory_space<hbm>>
      %dma_start3A_39 = arith.constant 0 : i32
      %dma_start3A_40 = tpu.memref_slice %arg5[%arg0, %add3A_30, %dma_start3A_39] : memref<2x10240x128xf32, #tpu.memory_space<hbm>> -> memref<1x128x128xf32, #tpu.memory_space<hbm>>
      %dma_start3A_41 = tpu.memref_squeeze %dma_start3A_40 : memref<1x128x128xf32, #tpu.memory_space<hbm>> -> memref<128x128xf32, #tpu.memory_space<hbm>>
      tpu.enqueue_dma source(%arg8 : memref<128x128xf32, #tpu.memory_space<vmem>>) target(%dma_start3A_41 : memref<128x128xf32, #tpu.memory_space<hbm>>) target_semaphore(%run_scoped3A : memref<!tpu.dma_semaphore, #tpu.memory_space<semaphore_mem>>)
      %dma_wait3A = arith.constant 0 : i32
      %dma_wait3A_42 = tpu.memref_slice %arg5[%arg0, %add3A_30, %dma_wait3A] : memref<2x10240x128xf32, #tpu.memory_space<hbm>> -> memref<1x128x128xf32, #tpu.memory_space<hbm>>
      %dma_wait3A_43 = tpu.memref_squeeze %dma_wait3A_42 : memref<1x128x128xf32, #tpu.memory_space<hbm>> -> memref<128x128xf32, #tpu.memory_space<hbm>>
      %dma_wait3A_44 = arith.constant 0 : i32
      %dma_wait3A_45 = tpu.memref_slice %arg5[%arg0, %add3A_30, %dma_wait3A_44] : memref<2x10240x128xf32, #tpu.memory_space<hbm>> -> memref<1x128x128xf32, #tpu.memory_space<hbm>>
      %dma_wait3A_46 = tpu.memref_squeeze %dma_wait3A_45 : memref<1x128x128xf32, #tpu.memory_space<hbm>> -> memref<128x128xf32, #tpu.memory_space<hbm>>
      tpu.wait_dma2 semaphore(%run_scoped3A : memref<!tpu.dma_semaphore, #tpu.memory_space<semaphore_mem>>) src(%arg8 : memref<128x128xf32, #tpu.memory_space<vmem>>) dst(%dma_wait3A_46 : memref<128x128xf32, #tpu.memory_space<hbm>>)
      tpu.yield
    }) : () -> ()
    %add3A_31 = arith.constant 256 : i32
    %add3A_32 = arith.addi %mul3A_8, %add3A_31 : i32
    "tpu.region"() ({
      %run_scoped3A = tpu.sem_alloc : memref<!tpu.dma_semaphore, #tpu.memory_space<semaphore_mem>>
      %dma_start3A = arith.constant 0 : i32
      %dma_start3A_37 = tpu.memref_slice %arg9[%add3A_32, %dma_start3A] : memref<10240x128xf32, #tpu.memory_space<vmem_shared>> -> memref<128x128xf32, #tpu.memory_space<vmem_shared>>
      %dma_start3A_38 = arith.constant 0 : i32
      %dma_start3A_39 = tpu.memref_slice %arg9[%add3A_32, %dma_start3A_38] : memref<10240x128xf32, #tpu.memory_space<vmem_shared>> -> memref<128x128xf32, #tpu.memory_space<vmem_shared>>
      tpu.enqueue_dma source(%dma_start3A_39 : memref<128x128xf32, #tpu.memory_space<vmem_shared>>) target(%arg8 : memref<128x128xf32, #tpu.memory_space<vmem>>) target_semaphore(%run_scoped3A : memref<!tpu.dma_semaphore, #tpu.memory_space<semaphore_mem>>)
      %dma_wait3A = arith.constant 0 : i32
      %dma_wait3A_40 = tpu.memref_slice %arg9[%add3A_32, %dma_wait3A] : memref<10240x128xf32, #tpu.memory_space<vmem_shared>> -> memref<128x128xf32, #tpu.memory_space<vmem_shared>>
      %dma_wait3A_41 = arith.constant 0 : i32
      %dma_wait3A_42 = tpu.memref_slice %arg9[%add3A_32, %dma_wait3A_41] : memref<10240x128xf32, #tpu.memory_space<vmem_shared>> -> memref<128x128xf32, #tpu.memory_space<vmem_shared>>
      tpu.wait_dma2 semaphore(%run_scoped3A : memref<!tpu.dma_semaphore, #tpu.memory_space<semaphore_mem>>) src(%dma_wait3A_42 : memref<128x128xf32, #tpu.memory_space<vmem_shared>>) dst(%arg8 : memref<128x128xf32, #tpu.memory_space<vmem>>)
      tpu.yield
    }) : () -> ()
    "tpu.region"() ({
      %run_scoped3A = tpu.sem_alloc : memref<!tpu.dma_semaphore, #tpu.memory_space<semaphore_mem>>
      %dma_start3A = arith.constant 0 : i32
      %dma_start3A_37 = tpu.memref_slice %arg5[%arg0, %add3A_32, %dma_start3A] : memref<2x10240x128xf32, #tpu.memory_space<hbm>> -> memref<1x128x128xf32, #tpu.memory_space<hbm>>
      %dma_start3A_38 = tpu.memref_squeeze %dma_start3A_37 : memref<1x128x128xf32, #tpu.memory_space<hbm>> -> memref<128x128xf32, #tpu.memory_space<hbm>>
      %dma_start3A_39 = arith.constant 0 : i32
      %dma_start3A_40 = tpu.memref_slice %arg5[%arg0, %add3A_32, %dma_start3A_39] : memref<2x10240x128xf32, #tpu.memory_space<hbm>> -> memref<1x128x128xf32, #tpu.memory_space<hbm>>
      %dma_start3A_41 = tpu.memref_squeeze %dma_start3A_40 : memref<1x128x128xf32, #tpu.memory_space<hbm>> -> memref<128x128xf32, #tpu.memory_space<hbm>>
      tpu.enqueue_dma source(%arg8 : memref<128x128xf32, #tpu.memory_space<vmem>>) target(%dma_start3A_41 : memref<128x128xf32, #tpu.memory_space<hbm>>) target_semaphore(%run_scoped3A : memref<!tpu.dma_semaphore, #tpu.memory_space<semaphore_mem>>)
      %dma_wait3A = arith.constant 0 : i32
      %dma_wait3A_42 = tpu.memref_slice %arg5[%arg0, %add3A_32, %dma_wait3A] : memref<2x10240x128xf32, #tpu.memory_space<hbm>> -> memref<1x128x128xf32, #tpu.memory_space<hbm>>
      %dma_wait3A_43 = tpu.memref_squeeze %dma_wait3A_42 : memref<1x128x128xf32, #tpu.memory_space<hbm>> -> memref<128x128xf32, #tpu.memory_space<hbm>>
      %dma_wait3A_44 = arith.constant 0 : i32
      %dma_wait3A_45 = tpu.memref_slice %arg5[%arg0, %add3A_32, %dma_wait3A_44] : memref<2x10240x128xf32, #tpu.memory_space<hbm>> -> memref<1x128x128xf32, #tpu.memory_space<hbm>>
      %dma_wait3A_46 = tpu.memref_squeeze %dma_wait3A_45 : memref<1x128x128xf32, #tpu.memory_space<hbm>> -> memref<128x128xf32, #tpu.memory_space<hbm>>
      tpu.wait_dma2 semaphore(%run_scoped3A : memref<!tpu.dma_semaphore, #tpu.memory_space<semaphore_mem>>) src(%arg8 : memref<128x128xf32, #tpu.memory_space<vmem>>) dst(%dma_wait3A_46 : memref<128x128xf32, #tpu.memory_space<hbm>>)
      tpu.yield
    }) : () -> ()
    %add3A_33 = arith.constant 384 : i32
    %add3A_34 = arith.addi %mul3A_8, %add3A_33 : i32
    "tpu.region"() ({
      %run_scoped3A = tpu.sem_alloc : memref<!tpu.dma_semaphore, #tpu.memory_space<semaphore_mem>>
      %dma_start3A = arith.constant 0 : i32
      %dma_start3A_37 = tpu.memref_slice %arg9[%add3A_34, %dma_start3A] : memref<10240x128xf32, #tpu.memory_space<vmem_shared>> -> memref<128x128xf32, #tpu.memory_space<vmem_shared>>
      %dma_start3A_38 = arith.constant 0 : i32
      %dma_start3A_39 = tpu.memref_slice %arg9[%add3A_34, %dma_start3A_38] : memref<10240x128xf32, #tpu.memory_space<vmem_shared>> -> memref<128x128xf32, #tpu.memory_space<vmem_shared>>
      tpu.enqueue_dma source(%dma_start3A_39 : memref<128x128xf32, #tpu.memory_space<vmem_shared>>) target(%arg8 : memref<128x128xf32, #tpu.memory_space<vmem>>) target_semaphore(%run_scoped3A : memref<!tpu.dma_semaphore, #tpu.memory_space<semaphore_mem>>)
      %dma_wait3A = arith.constant 0 : i32
      %dma_wait3A_40 = tpu.memref_slice %arg9[%add3A_34, %dma_wait3A] : memref<10240x128xf32, #tpu.memory_space<vmem_shared>> -> memref<128x128xf32, #tpu.memory_space<vmem_shared>>
      %dma_wait3A_41 = arith.constant 0 : i32
      %dma_wait3A_42 = tpu.memref_slice %arg9[%add3A_34, %dma_wait3A_41] : memref<10240x128xf32, #tpu.memory_space<vmem_shared>> -> memref<128x128xf32, #tpu.memory_space<vmem_shared>>
      tpu.wait_dma2 semaphore(%run_scoped3A : memref<!tpu.dma_semaphore, #tpu.memory_space<semaphore_mem>>) src(%dma_wait3A_42 : memref<128x128xf32, #tpu.memory_space<vmem_shared>>) dst(%arg8 : memref<128x128xf32, #tpu.memory_space<vmem>>)
      tpu.yield
    }) : () -> ()
    "tpu.region"() ({
      %run_scoped3A = tpu.sem_alloc : memref<!tpu.dma_semaphore, #tpu.memory_space<semaphore_mem>>
      %dma_start3A = arith.constant 0 : i32
      %dma_start3A_37 = tpu.memref_slice %arg5[%arg0, %add3A_34, %dma_start3A] : memref<2x10240x128xf32, #tpu.memory_space<hbm>> -> memref<1x128x128xf32, #tpu.memory_space<hbm>>
      %dma_start3A_38 = tpu.memref_squeeze %dma_start3A_37 : memref<1x128x128xf32, #tpu.memory_space<hbm>> -> memref<128x128xf32, #tpu.memory_space<hbm>>
      %dma_start3A_39 = arith.constant 0 : i32
      %dma_start3A_40 = tpu.memref_slice %arg5[%arg0, %add3A_34, %dma_start3A_39] : memref<2x10240x128xf32, #tpu.memory_space<hbm>> -> memref<1x128x128xf32, #tpu.memory_space<hbm>>
      %dma_start3A_41 = tpu.memref_squeeze %dma_start3A_40 : memref<1x128x128xf32, #tpu.memory_space<hbm>> -> memref<128x128xf32, #tpu.memory_space<hbm>>
      tpu.enqueue_dma source(%arg8 : memref<128x128xf32, #tpu.memory_space<vmem>>) target(%dma_start3A_41 : memref<128x128xf32, #tpu.memory_space<hbm>>) target_semaphore(%run_scoped3A : memref<!tpu.dma_semaphore, #tpu.memory_space<semaphore_mem>>)
      %dma_wait3A = arith.constant 0 : i32
      %dma_wait3A_42 = tpu.memref_slice %arg5[%arg0, %add3A_34, %dma_wait3A] : memref<2x10240x128xf32, #tpu.memory_space<hbm>> -> memref<1x128x128xf32, #tpu.memory_space<hbm>>
      %dma_wait3A_43 = tpu.memref_squeeze %dma_wait3A_42 : memref<1x128x128xf32, #tpu.memory_space<hbm>> -> memref<128x128xf32, #tpu.memory_space<hbm>>
      %dma_wait3A_44 = arith.constant 0 : i32
      %dma_wait3A_45 = tpu.memref_slice %arg5[%arg0, %add3A_34, %dma_wait3A_44] : memref<2x10240x128xf32, #tpu.memory_space<hbm>> -> memref<1x128x128xf32, #tpu.memory_space<hbm>>
      %dma_wait3A_46 = tpu.memref_squeeze %dma_wait3A_45 : memref<1x128x128xf32, #tpu.memory_space<hbm>> -> memref<128x128xf32, #tpu.memory_space<hbm>>
      tpu.wait_dma2 semaphore(%run_scoped3A : memref<!tpu.dma_semaphore, #tpu.memory_space<semaphore_mem>>) src(%arg8 : memref<128x128xf32, #tpu.memory_space<vmem>>) dst(%dma_wait3A_46 : memref<128x128xf32, #tpu.memory_space<hbm>>)
      tpu.yield
    }) : () -> ()
    %add3A_35 = arith.constant 512 : i32
    %add3A_36 = arith.addi %mul3A_8, %add3A_35 : i32
    "tpu.region"() ({
      %run_scoped3A = tpu.sem_alloc : memref<!tpu.dma_semaphore, #tpu.memory_space<semaphore_mem>>
      %dma_start3A = arith.constant 0 : i32
      %dma_start3A_37 = tpu.memref_slice %arg9[%add3A_36, %dma_start3A] : memref<10240x128xf32, #tpu.memory_space<vmem_shared>> -> memref<128x128xf32, #tpu.memory_space<vmem_shared>>
      %dma_start3A_38 = arith.constant 0 : i32
      %dma_start3A_39 = tpu.memref_slice %arg9[%add3A_36, %dma_start3A_38] : memref<10240x128xf32, #tpu.memory_space<vmem_shared>> -> memref<128x128xf32, #tpu.memory_space<vmem_shared>>
      tpu.enqueue_dma source(%dma_start3A_39 : memref<128x128xf32, #tpu.memory_space<vmem_shared>>) target(%arg8 : memref<128x128xf32, #tpu.memory_space<vmem>>) target_semaphore(%run_scoped3A : memref<!tpu.dma_semaphore, #tpu.memory_space<semaphore_mem>>)
      %dma_wait3A = arith.constant 0 : i32
      %dma_wait3A_40 = tpu.memref_slice %arg9[%add3A_36, %dma_wait3A] : memref<10240x128xf32, #tpu.memory_space<vmem_shared>> -> memref<128x128xf32, #tpu.memory_space<vmem_shared>>
      %dma_wait3A_41 = arith.constant 0 : i32
      %dma_wait3A_42 = tpu.memref_slice %arg9[%add3A_36, %dma_wait3A_41] : memref<10240x128xf32, #tpu.memory_space<vmem_shared>> -> memref<128x128xf32, #tpu.memory_space<vmem_shared>>
      tpu.wait_dma2 semaphore(%run_scoped3A : memref<!tpu.dma_semaphore, #tpu.memory_space<semaphore_mem>>) src(%dma_wait3A_42 : memref<128x128xf32, #tpu.memory_space<vmem_shared>>) dst(%arg8 : memref<128x128xf32, #tpu.memory_space<vmem>>)
      tpu.yield
    }) : () -> ()
    "tpu.region"() ({
      %run_scoped3A = tpu.sem_alloc : memref<!tpu.dma_semaphore, #tpu.memory_space<semaphore_mem>>
      %dma_start3A = arith.constant 0 : i32
      %dma_start3A_37 = tpu.memref_slice %arg5[%arg0, %add3A_36, %dma_start3A] : memref<2x10240x128xf32, #tpu.memory_space<hbm>> -> memref<1x128x128xf32, #tpu.memory_space<hbm>>
      %dma_start3A_38 = tpu.memref_squeeze %dma_start3A_37 : memref<1x128x128xf32, #tpu.memory_space<hbm>> -> memref<128x128xf32, #tpu.memory_space<hbm>>
      %dma_start3A_39 = arith.constant 0 : i32
      %dma_start3A_40 = tpu.memref_slice %arg5[%arg0, %add3A_36, %dma_start3A_39] : memref<2x10240x128xf32, #tpu.memory_space<hbm>> -> memref<1x128x128xf32, #tpu.memory_space<hbm>>
      %dma_start3A_41 = tpu.memref_squeeze %dma_start3A_40 : memref<1x128x128xf32, #tpu.memory_space<hbm>> -> memref<128x128xf32, #tpu.memory_space<hbm>>
      tpu.enqueue_dma source(%arg8 : memref<128x128xf32, #tpu.memory_space<vmem>>) target(%dma_start3A_41 : memref<128x128xf32, #tpu.memory_space<hbm>>) target_semaphore(%run_scoped3A : memref<!tpu.dma_semaphore, #tpu.memory_space<semaphore_mem>>)
      %dma_wait3A = arith.constant 0 : i32
      %dma_wait3A_42 = tpu.memref_slice %arg5[%arg0, %add3A_36, %dma_wait3A] : memref<2x10240x128xf32, #tpu.memory_space<hbm>> -> memref<1x128x128xf32, #tpu.memory_space<hbm>>
      %dma_wait3A_43 = tpu.memref_squeeze %dma_wait3A_42 : memref<1x128x128xf32, #tpu.memory_space<hbm>> -> memref<128x128xf32, #tpu.memory_space<hbm>>
      %dma_wait3A_44 = arith.constant 0 : i32
      %dma_wait3A_45 = tpu.memref_slice %arg5[%arg0, %add3A_36, %dma_wait3A_44] : memref<2x10240x128xf32, #tpu.memory_space<hbm>> -> memref<1x128x128xf32, #tpu.memory_space<hbm>>
      %dma_wait3A_46 = tpu.memref_squeeze %dma_wait3A_45 : memref<1x128x128xf32, #tpu.memory_space<hbm>> -> memref<128x128xf32, #tpu.memory_space<hbm>>
      tpu.wait_dma2 semaphore(%run_scoped3A : memref<!tpu.dma_semaphore, #tpu.memory_space<semaphore_mem>>) src(%arg8 : memref<128x128xf32, #tpu.memory_space<vmem>>) dst(%dma_wait3A_46 : memref<128x128xf32, #tpu.memory_space<hbm>>)
      tpu.yield
    }) : () -> ()
    return
  }
}

#map = affine_map<(d0, d1) -> (0, 0)>
#map1 = affine_map<(d0, d1) -> (0, 0, 0)>
module attributes {stable_mosaic.version = 14 : i64} {
  func.func @sc_adj_accumulate(%arg0: i32, %arg1: i32, %arg2: memref<10000x128xf32, #tpu.memory_space<hbm>>, %arg3: memref<32x79x128xi32, #tpu.memory_space<hbm>>, %arg4: memref<32x79x128xi32, #tpu.memory_space<hbm>>, %arg5: memref<2x10240x128xf32, #tpu.memory_space<hbm>>, %arg6: memref<79x128xi32, #tpu.memory_space<vmem>>, %arg7: memref<79x128xi32, #tpu.memory_space<vmem>>, %arg8: memref<128x128xf32, #tpu.memory_space<vmem>>, %arg9: memref<10240x128xf32, #tpu.memory_space<vmem_shared>>, %arg10: memref<!tpu.dma_semaphore, #tpu.memory_space<semaphore_mem>>) attributes {dimension_semantics = [#tpu.dimension_semantics<core_parallel>, #tpu.dimension_semantics<subcore_parallel>], iteration_bounds = array<i64: 2, 16>, scalar_prefetch = 0 : i64, scratch_operands = 5 : i64, tpu.core_type = #tpu.core_type<sc_vector_subcore>, window_params = [{transform_indices = #map}, {transform_indices = #map1}, {transform_indices = #map1}, {transform_indices = #map1}]} {
    %mul3A = arith.constant 16 : i32
    %mul3A_0 = arith.muli %arg0, %mul3A : i32
    %add3A = arith.addi %mul3A_0, %arg1 : i32
    %scan3A = arith.constant 0 : i32
    %scan3A_1 = arith.constant 0 : i32
    %scan3A_2 = arith.constant 128 : i32
    %scan3A_3 = arith.addi %scan3A_1, %scan3A_2 : i32
    %scan3A_4 = arith.constant 1 : i32
    %scan3A_5 = scf.for %scan3A_37 = %scan3A_1 to %scan3A_3 step %scan3A_4 iter_args(%scan3A_38 = %scan3A) -> (i32)  : i32 {
      %broadcast_in_dim3A = arith.constant 0.000000e+00 : f32
      %broadcast_in_dim3A_39 = vector.broadcast %broadcast_in_dim3A : f32 to vector<16xf32>
      %swap3A = arith.index_cast %scan3A_37 : i32 to index
      %swap3A_40 = arith.constant 0 : index
      %swap3A_41 = tpu.vector_load %arg8[%swap3A, %swap3A_40] {strides = array<i32>} : memref<128x128xf32, #tpu.memory_space<vmem>>, vector<1x16xf32>,
      %swap3A_42 = vector.shape_cast %swap3A_41 : vector<1x16xf32> to vector<16xf32>
      %swap3A_43 = vector.shape_cast %broadcast_in_dim3A_39 : vector<16xf32> to vector<1x16xf32>
      tpu.vector_store %arg8[%swap3A, %swap3A_40], %swap3A_43 {strides = array<i32>} : memref<128x128xf32, #tpu.memory_space<vmem>>, vector<1x16xf32>,
      %broadcast_in_dim3A_44 = arith.constant 0.000000e+00 : f32
      %broadcast_in_dim3A_45 = vector.broadcast %broadcast_in_dim3A_44 : f32 to vector<16xf32>
      %swap3A_46 = arith.index_cast %scan3A_37 : i32 to index
      %swap3A_47 = arith.constant 16 : index
      %swap3A_48 = tpu.vector_load %arg8[%swap3A_46, %swap3A_47] {strides = array<i32>} : memref<128x128xf32, #tpu.memory_space<vmem>>, vector<1x16xf32>,
      %swap3A_49 = vector.shape_cast %swap3A_48 : vector<1x16xf32> to vector<16xf32>
      %swap3A_50 = vector.shape_cast %broadcast_in_dim3A_45 : vector<16xf32> to vector<1x16xf32>
      tpu.vector_store %arg8[%swap3A_46, %swap3A_47], %swap3A_50 {strides = array<i32>} : memref<128x128xf32, #tpu.memory_space<vmem>>, vector<1x16xf32>,
      %broadcast_in_dim3A_51 = arith.constant 0.000000e+00 : f32
      %broadcast_in_dim3A_52 = vector.broadcast %broadcast_in_dim3A_51 : f32 to vector<16xf32>
      %swap3A_53 = arith.index_cast %scan3A_37 : i32 to index
      %swap3A_54 = arith.constant 32 : index
      %swap3A_55 = tpu.vector_load %arg8[%swap3A_53, %swap3A_54] {strides = array<i32>} : memref<128x128xf32, #tpu.memory_space<vmem>>, vector<1x16xf32>,
      %swap3A_56 = vector.shape_cast %swap3A_55 : vector<1x16xf32> to vector<16xf32>
      %swap3A_57 = vector.shape_cast %broadcast_in_dim3A_52 : vector<16xf32> to vector<1x16xf32>
      tpu.vector_store %arg8[%swap3A_53, %swap3A_54], %swap3A_57 {strides = array<i32>} : memref<128x128xf32, #tpu.memory_space<vmem>>, vector<1x16xf32>,
      %broadcast_in_dim3A_58 = arith.constant 0.000000e+00 : f32
      %broadcast_in_dim3A_59 = vector.broadcast %broadcast_in_dim3A_58 : f32 to vector<16xf32>
      %swap3A_60 = arith.index_cast %scan3A_37 : i32 to index
      %swap3A_61 = arith.constant 48 : index
      %swap3A_62 = tpu.vector_load %arg8[%swap3A_60, %swap3A_61] {strides = array<i32>} : memref<128x128xf32, #tpu.memory_space<vmem>>, vector<1x16xf32>,
      %swap3A_63 = vector.shape_cast %swap3A_62 : vector<1x16xf32> to vector<16xf32>
      %swap3A_64 = vector.shape_cast %broadcast_in_dim3A_59 : vector<16xf32> to vector<1x16xf32>
      tpu.vector_store %arg8[%swap3A_60, %swap3A_61], %swap3A_64 {strides = array<i32>} : memref<128x128xf32, #tpu.memory_space<vmem>>, vector<1x16xf32>,
      %broadcast_in_dim3A_65 = arith.constant 0.000000e+00 : f32
      %broadcast_in_dim3A_66 = vector.broadcast %broadcast_in_dim3A_65 : f32 to vector<16xf32>
      %swap3A_67 = arith.index_cast %scan3A_37 : i32 to index
      %swap3A_68 = arith.constant 64 : index
      %swap3A_69 = tpu.vector_load %arg8[%swap3A_67, %swap3A_68] {strides = array<i32>} : memref<128x128xf32, #tpu.memory_space<vmem>>, vector<1x16xf32>,
      %swap3A_70 = vector.shape_cast %swap3A_69 : vector<1x16xf32> to vector<16xf32>
      %swap3A_71 = vector.shape_cast %broadcast_in_dim3A_66 : vector<16xf32> to vector<1x16xf32>
      tpu.vector_store %arg8[%swap3A_67, %swap3A_68], %swap3A_71 {strides = array<i32>} : memref<128x128xf32, #tpu.memory_space<vmem>>, vector<1x16xf32>,
      %broadcast_in_dim3A_72 = arith.constant 0.000000e+00 : f32
      %broadcast_in_dim3A_73 = vector.broadcast %broadcast_in_dim3A_72 : f32 to vector<16xf32>
      %swap3A_74 = arith.index_cast %scan3A_37 : i32 to index
      %swap3A_75 = arith.constant 80 : index
      %swap3A_76 = tpu.vector_load %arg8[%swap3A_74, %swap3A_75] {strides = array<i32>} : memref<128x128xf32, #tpu.memory_space<vmem>>, vector<1x16xf32>,
      %swap3A_77 = vector.shape_cast %swap3A_76 : vector<1x16xf32> to vector<16xf32>
      %swap3A_78 = vector.shape_cast %broadcast_in_dim3A_73 : vector<16xf32> to vector<1x16xf32>
      tpu.vector_store %arg8[%swap3A_74, %swap3A_75], %swap3A_78 {strides = array<i32>} : memref<128x128xf32, #tpu.memory_space<vmem>>, vector<1x16xf32>,
      %broadcast_in_dim3A_79 = arith.constant 0.000000e+00 : f32
      %broadcast_in_dim3A_80 = vector.broadcast %broadcast_in_dim3A_79 : f32 to vector<16xf32>
      %swap3A_81 = arith.index_cast %scan3A_37 : i32 to index
      %swap3A_82 = arith.constant 96 : index
      %swap3A_83 = tpu.vector_load %arg8[%swap3A_81, %swap3A_82] {strides = array<i32>} : memref<128x128xf32, #tpu.memory_space<vmem>>, vector<1x16xf32>,
      %swap3A_84 = vector.shape_cast %swap3A_83 : vector<1x16xf32> to vector<16xf32>
      %swap3A_85 = vector.shape_cast %broadcast_in_dim3A_80 : vector<16xf32> to vector<1x16xf32>
      tpu.vector_store %arg8[%swap3A_81, %swap3A_82], %swap3A_85 {strides = array<i32>} : memref<128x128xf32, #tpu.memory_space<vmem>>, vector<1x16xf32>,
      %broadcast_in_dim3A_86 = arith.constant 0.000000e+00 : f32
      %broadcast_in_dim3A_87 = vector.broadcast %broadcast_in_dim3A_86 : f32 to vector<16xf32>
      %swap3A_88 = arith.index_cast %scan3A_37 : i32 to index
      %swap3A_89 = arith.constant 112 : index
      %swap3A_90 = tpu.vector_load %arg8[%swap3A_88, %swap3A_89] {strides = array<i32>} : memref<128x128xf32, #tpu.memory_space<vmem>>, vector<1x16xf32>,
      %swap3A_91 = vector.shape_cast %swap3A_90 : vector<1x16xf32> to vector<16xf32>
      %swap3A_92 = vector.shape_cast %broadcast_in_dim3A_87 : vector<16xf32> to vector<1x16xf32>
      tpu.vector_store %arg8[%swap3A_88, %swap3A_89], %swap3A_92 {strides = array<i32>} : memref<128x128xf32, #tpu.memory_space<vmem>>, vector<1x16xf32>,
      %scan3A_93 = arith.constant 0 : i32
      scf.yield %scan3A_93 : i32
    }
    %scan3A_6 = arith.constant 128 : i32
    %mul3A_7 = arith.constant 640 : i32
    %mul3A_8 = arith.muli %arg1, %mul3A_7 : i32
    %add3A_9 = arith.constant 0 : i32
    %add3A_10 = arith.addi %mul3A_8, %add3A_9 : i32
    "tpu.region"() ({
      %run_scoped3A = tpu.sem_alloc : memref<!tpu.dma_semaphore, #tpu.memory_space<semaphore_mem>>
      %dma_start3A = arith.constant 0 : i32
      %dma_start3A_37 = tpu.memref_slice %arg9[%add3A_10, %dma_start3A] : memref<10240x128xf32, #tpu.memory_space<vmem_shared>> -> memref<128x128xf32, #tpu.memory_space<vmem_shared>>
      %dma_start3A_38 = arith.constant 0 : i32
      %dma_start3A_39 = tpu.memref_slice %arg9[%add3A_10, %dma_start3A_38] : memref<10240x128xf32, #tpu.memory_space<vmem_shared>> -> memref<128x128xf32, #tpu.memory_space<vmem_shared>>
      tpu.enqueue_dma source(%arg8 : memref<128x128xf32, #tpu.memory_space<vmem>>) target(%dma_start3A_39 : memref<128x128xf32, #tpu.memory_space<vmem_shared>>) target_semaphore(%run_scoped3A : memref<!tpu.dma_semaphore, #tpu.memory_space<semaphore_mem>>)
      %dma_wait3A = arith.constant 0 : i32
      %dma_wait3A_40 = tpu.memref_slice %arg9[%add3A_10, %dma_wait3A] : memref<10240x128xf32, #tpu.memory_space<vmem_shared>> -> memref<128x128xf32, #tpu.memory_space<vmem_shared>>
      %dma_wait3A_41 = arith.constant 0 : i32
      %dma_wait3A_42 = tpu.memref_slice %arg9[%add3A_10, %dma_wait3A_41] : memref<10240x128xf32, #tpu.memory_space<vmem_shared>> -> memref<128x128xf32, #tpu.memory_space<vmem_shared>>
      tpu.wait_dma2 semaphore(%run_scoped3A : memref<!tpu.dma_semaphore, #tpu.memory_space<semaphore_mem>>) src(%arg8 : memref<128x128xf32, #tpu.memory_space<vmem>>) dst(%dma_wait3A_42 : memref<128x128xf32, #tpu.memory_space<vmem_shared>>)
      tpu.yield
    }) : () -> ()
    %add3A_11 = arith.constant 128 : i32
    %add3A_12 = arith.addi %mul3A_8, %add3A_11 : i32
    "tpu.region"() ({
      %run_scoped3A = tpu.sem_alloc : memref<!tpu.dma_semaphore, #tpu.memory_space<semaphore_mem>>
      %dma_start3A = arith.constant 0 : i32
      %dma_start3A_37 = tpu.memref_slice %arg9[%add3A_12, %dma_start3A] : memref<10240x128xf32, #tpu.memory_space<vmem_shared>> -> memref<128x128xf32, #tpu.memory_space<vmem_shared>>
      %dma_start3A_38 = arith.constant 0 : i32
      %dma_start3A_39 = tpu.memref_slice %arg9[%add3A_12, %dma_start3A_38] : memref<10240x128xf32, #tpu.memory_space<vmem_shared>> -> memref<128x128xf32, #tpu.memory_space<vmem_shared>>
      tpu.enqueue_dma source(%arg8 : memref<128x128xf32, #tpu.memory_space<vmem>>) target(%dma_start3A_39 : memref<128x128xf32, #tpu.memory_space<vmem_shared>>) target_semaphore(%run_scoped3A : memref<!tpu.dma_semaphore, #tpu.memory_space<semaphore_mem>>)
      %dma_wait3A = arith.constant 0 : i32
      %dma_wait3A_40 = tpu.memref_slice %arg9[%add3A_12, %dma_wait3A] : memref<10240x128xf32, #tpu.memory_space<vmem_shared>> -> memref<128x128xf32, #tpu.memory_space<vmem_shared>>
      %dma_wait3A_41 = arith.constant 0 : i32
      %dma_wait3A_42 = tpu.memref_slice %arg9[%add3A_12, %dma_wait3A_41] : memref<10240x128xf32, #tpu.memory_space<vmem_shared>> -> memref<128x128xf32, #tpu.memory_space<vmem_shared>>
      tpu.wait_dma2 semaphore(%run_scoped3A : memref<!tpu.dma_semaphore, #tpu.memory_space<semaphore_mem>>) src(%arg8 : memref<128x128xf32, #tpu.memory_space<vmem>>) dst(%dma_wait3A_42 : memref<128x128xf32, #tpu.memory_space<vmem_shared>>)
      tpu.yield
    }) : () -> ()
    %add3A_13 = arith.constant 256 : i32
    %add3A_14 = arith.addi %mul3A_8, %add3A_13 : i32
    "tpu.region"() ({
      %run_scoped3A = tpu.sem_alloc : memref<!tpu.dma_semaphore, #tpu.memory_space<semaphore_mem>>
      %dma_start3A = arith.constant 0 : i32
      %dma_start3A_37 = tpu.memref_slice %arg9[%add3A_14, %dma_start3A] : memref<10240x128xf32, #tpu.memory_space<vmem_shared>> -> memref<128x128xf32, #tpu.memory_space<vmem_shared>>
      %dma_start3A_38 = arith.constant 0 : i32
      %dma_start3A_39 = tpu.memref_slice %arg9[%add3A_14, %dma_start3A_38] : memref<10240x128xf32, #tpu.memory_space<vmem_shared>> -> memref<128x128xf32, #tpu.memory_space<vmem_shared>>
      tpu.enqueue_dma source(%arg8 : memref<128x128xf32, #tpu.memory_space<vmem>>) target(%dma_start3A_39 : memref<128x128xf32, #tpu.memory_space<vmem_shared>>) target_semaphore(%run_scoped3A : memref<!tpu.dma_semaphore, #tpu.memory_space<semaphore_mem>>)
      %dma_wait3A = arith.constant 0 : i32
      %dma_wait3A_40 = tpu.memref_slice %arg9[%add3A_14, %dma_wait3A] : memref<10240x128xf32, #tpu.memory_space<vmem_shared>> -> memref<128x128xf32, #tpu.memory_space<vmem_shared>>
      %dma_wait3A_41 = arith.constant 0 : i32
      %dma_wait3A_42 = tpu.memref_slice %arg9[%add3A_14, %dma_wait3A_41] : memref<10240x128xf32, #tpu.memory_space<vmem_shared>> -> memref<128x128xf32, #tpu.memory_space<vmem_shared>>
      tpu.wait_dma2 semaphore(%run_scoped3A : memref<!tpu.dma_semaphore, #tpu.memory_space<semaphore_mem>>) src(%arg8 : memref<128x128xf32, #tpu.memory_space<vmem>>) dst(%dma_wait3A_42 : memref<128x128xf32, #tpu.memory_space<vmem_shared>>)
      tpu.yield
    }) : () -> ()
    %add3A_15 = arith.constant 384 : i32
    %add3A_16 = arith.addi %mul3A_8, %add3A_15 : i32
    "tpu.region"() ({
      %run_scoped3A = tpu.sem_alloc : memref<!tpu.dma_semaphore, #tpu.memory_space<semaphore_mem>>
      %dma_start3A = arith.constant 0 : i32
      %dma_start3A_37 = tpu.memref_slice %arg9[%add3A_16, %dma_start3A] : memref<10240x128xf32, #tpu.memory_space<vmem_shared>> -> memref<128x128xf32, #tpu.memory_space<vmem_shared>>
      %dma_start3A_38 = arith.constant 0 : i32
      %dma_start3A_39 = tpu.memref_slice %arg9[%add3A_16, %dma_start3A_38] : memref<10240x128xf32, #tpu.memory_space<vmem_shared>> -> memref<128x128xf32, #tpu.memory_space<vmem_shared>>
      tpu.enqueue_dma source(%arg8 : memref<128x128xf32, #tpu.memory_space<vmem>>) target(%dma_start3A_39 : memref<128x128xf32, #tpu.memory_space<vmem_shared>>) target_semaphore(%run_scoped3A : memref<!tpu.dma_semaphore, #tpu.memory_space<semaphore_mem>>)
      %dma_wait3A = arith.constant 0 : i32
      %dma_wait3A_40 = tpu.memref_slice %arg9[%add3A_16, %dma_wait3A] : memref<10240x128xf32, #tpu.memory_space<vmem_shared>> -> memref<128x128xf32, #tpu.memory_space<vmem_shared>>
      %dma_wait3A_41 = arith.constant 0 : i32
      %dma_wait3A_42 = tpu.memref_slice %arg9[%add3A_16, %dma_wait3A_41] : memref<10240x128xf32, #tpu.memory_space<vmem_shared>> -> memref<128x128xf32, #tpu.memory_space<vmem_shared>>
      tpu.wait_dma2 semaphore(%run_scoped3A : memref<!tpu.dma_semaphore, #tpu.memory_space<semaphore_mem>>) src(%arg8 : memref<128x128xf32, #tpu.memory_space<vmem>>) dst(%dma_wait3A_42 : memref<128x128xf32, #tpu.memory_space<vmem_shared>>)
      tpu.yield
    }) : () -> ()
    %add3A_17 = arith.constant 512 : i32
    %add3A_18 = arith.addi %mul3A_8, %add3A_17 : i32
    "tpu.region"() ({
      %run_scoped3A = tpu.sem_alloc : memref<!tpu.dma_semaphore, #tpu.memory_space<semaphore_mem>>
      %dma_start3A = arith.constant 0 : i32
      %dma_start3A_37 = tpu.memref_slice %arg9[%add3A_18, %dma_start3A] : memref<10240x128xf32, #tpu.memory_space<vmem_shared>> -> memref<128x128xf32, #tpu.memory_space<vmem_shared>>
      %dma_start3A_38 = arith.constant 0 : i32
      %dma_start3A_39 = tpu.memref_slice %arg9[%add3A_18, %dma_start3A_38] : memref<10240x128xf32, #tpu.memory_space<vmem_shared>> -> memref<128x128xf32, #tpu.memory_space<vmem_shared>>
      tpu.enqueue_dma source(%arg8 : memref<128x128xf32, #tpu.memory_space<vmem>>) target(%dma_start3A_39 : memref<128x128xf32, #tpu.memory_space<vmem_shared>>) target_semaphore(%run_scoped3A : memref<!tpu.dma_semaphore, #tpu.memory_space<semaphore_mem>>)
      %dma_wait3A = arith.constant 0 : i32
      %dma_wait3A_40 = tpu.memref_slice %arg9[%add3A_18, %dma_wait3A] : memref<10240x128xf32, #tpu.memory_space<vmem_shared>> -> memref<128x128xf32, #tpu.memory_space<vmem_shared>>
      %dma_wait3A_41 = arith.constant 0 : i32
      %dma_wait3A_42 = tpu.memref_slice %arg9[%add3A_18, %dma_wait3A_41] : memref<10240x128xf32, #tpu.memory_space<vmem_shared>> -> memref<128x128xf32, #tpu.memory_space<vmem_shared>>
      tpu.wait_dma2 semaphore(%run_scoped3A : memref<!tpu.dma_semaphore, #tpu.memory_space<semaphore_mem>>) src(%arg8 : memref<128x128xf32, #tpu.memory_space<vmem>>) dst(%dma_wait3A_42 : memref<128x128xf32, #tpu.memory_space<vmem_shared>>)
      tpu.yield
    }) : () -> ()
    "tpu.region"() ({
      %run_scoped3A = tpu.sem_alloc : memref<!tpu.dma_semaphore, #tpu.memory_space<semaphore_mem>>
      %dma_start3A = arith.constant 0 : i32
      %dma_start3A_37 = arith.constant 0 : i32
      %dma_start3A_38 = tpu.memref_slice %arg3[%add3A, %dma_start3A, %dma_start3A_37] : memref<32x79x128xi32, #tpu.memory_space<hbm>> -> memref<1x79x128xi32, #tpu.memory_space<hbm>>
      %dma_start3A_39 = tpu.memref_squeeze %dma_start3A_38 : memref<1x79x128xi32, #tpu.memory_space<hbm>> -> memref<79x128xi32, #tpu.memory_space<hbm>>
      %dma_start3A_40 = arith.constant 0 : i32
      %dma_start3A_41 = arith.constant 0 : i32
      %dma_start3A_42 = tpu.memref_slice %arg3[%add3A, %dma_start3A_40, %dma_start3A_41] : memref<32x79x128xi32, #tpu.memory_space<hbm>> -> memref<1x79x128xi32, #tpu.memory_space<hbm>>
      %dma_start3A_43 = tpu.memref_squeeze %dma_start3A_42 : memref<1x79x128xi32, #tpu.memory_space<hbm>> -> memref<79x128xi32, #tpu.memory_space<hbm>>
      tpu.enqueue_dma source(%dma_start3A_43 : memref<79x128xi32, #tpu.memory_space<hbm>>) target(%arg6 : memref<79x128xi32, #tpu.memory_space<vmem>>) target_semaphore(%run_scoped3A : memref<!tpu.dma_semaphore, #tpu.memory_space<semaphore_mem>>)
      %dma_wait3A = arith.constant 0 : i32
      %dma_wait3A_44 = arith.constant 0 : i32
      %dma_wait3A_45 = tpu.memref_slice %arg3[%add3A, %dma_wait3A, %dma_wait3A_44] : memref<32x79x128xi32, #tpu.memory_space<hbm>> -> memref<1x79x128xi32, #tpu.memory_space<hbm>>
      %dma_wait3A_46 = tpu.memref_squeeze %dma_wait3A_45 : memref<1x79x128xi32, #tpu.memory_space<hbm>> -> memref<79x128xi32, #tpu.memory_space<hbm>>
      %dma_wait3A_47 = arith.constant 0 : i32
      %dma_wait3A_48 = arith.constant 0 : i32
      %dma_wait3A_49 = tpu.memref_slice %arg3[%add3A, %dma_wait3A_47, %dma_wait3A_48] : memref<32x79x128xi32, #tpu.memory_space<hbm>> -> memref<1x79x128xi32, #tpu.memory_space<hbm>>
      %dma_wait3A_50 = tpu.memref_squeeze %dma_wait3A_49 : memref<1x79x128xi32, #tpu.memory_space<hbm>> -> memref<79x128xi32, #tpu.memory_space<hbm>>
      tpu.wait_dma2 semaphore(%run_scoped3A : memref<!tpu.dma_semaphore, #tpu.memory_space<semaphore_mem>>) src(%dma_wait3A_50 : memref<79x128xi32, #tpu.memory_space<hbm>>) dst(%arg6 : memref<79x128xi32, #tpu.memory_space<vmem>>)
      tpu.yield
    }) : () -> ()
    "tpu.region"() ({
      %run_scoped3A = tpu.sem_alloc : memref<!tpu.dma_semaphore, #tpu.memory_space<semaphore_mem>>
      %dma_start3A = arith.constant 0 : i32
      %dma_start3A_37 = arith.constant 0 : i32
      %dma_start3A_38 = tpu.memref_slice %arg4[%add3A, %dma_start3A, %dma_start3A_37] : memref<32x79x128xi32, #tpu.memory_space<hbm>> -> memref<1x79x128xi32, #tpu.memory_space<hbm>>
      %dma_start3A_39 = tpu.memref_squeeze %dma_start3A_38 : memref<1x79x128xi32, #tpu.memory_space<hbm>> -> memref<79x128xi32, #tpu.memory_space<hbm>>
      %dma_start3A_40 = arith.constant 0 : i32
      %dma_start3A_41 = arith.constant 0 : i32
      %dma_start3A_42 = tpu.memref_slice %arg4[%add3A, %dma_start3A_40, %dma_start3A_41] : memref<32x79x128xi32, #tpu.memory_space<hbm>> -> memref<1x79x128xi32, #tpu.memory_space<hbm>>
      %dma_start3A_43 = tpu.memref_squeeze %dma_start3A_42 : memref<1x79x128xi32, #tpu.memory_space<hbm>> -> memref<79x128xi32, #tpu.memory_space<hbm>>
      tpu.enqueue_dma source(%dma_start3A_43 : memref<79x128xi32, #tpu.memory_space<hbm>>) target(%arg7 : memref<79x128xi32, #tpu.memory_space<vmem>>) target_semaphore(%run_scoped3A : memref<!tpu.dma_semaphore, #tpu.memory_space<semaphore_mem>>)
      %dma_wait3A = arith.constant 0 : i32
      %dma_wait3A_44 = arith.constant 0 : i32
      %dma_wait3A_45 = tpu.memref_slice %arg4[%add3A, %dma_wait3A, %dma_wait3A_44] : memref<32x79x128xi32, #tpu.memory_space<hbm>> -> memref<1x79x128xi32, #tpu.memory_space<hbm>>
      %dma_wait3A_46 = tpu.memref_squeeze %dma_wait3A_45 : memref<1x79x128xi32, #tpu.memory_space<hbm>> -> memref<79x128xi32, #tpu.memory_space<hbm>>
      %dma_wait3A_47 = arith.constant 0 : i32
      %dma_wait3A_48 = arith.constant 0 : i32
      %dma_wait3A_49 = tpu.memref_slice %arg4[%add3A, %dma_wait3A_47, %dma_wait3A_48] : memref<32x79x128xi32, #tpu.memory_space<hbm>> -> memref<1x79x128xi32, #tpu.memory_space<hbm>>
      %dma_wait3A_50 = tpu.memref_squeeze %dma_wait3A_49 : memref<1x79x128xi32, #tpu.memory_space<hbm>> -> memref<79x128xi32, #tpu.memory_space<hbm>>
      tpu.wait_dma2 semaphore(%run_scoped3A : memref<!tpu.dma_semaphore, #tpu.memory_space<semaphore_mem>>) src(%dma_wait3A_50 : memref<79x128xi32, #tpu.memory_space<hbm>>) dst(%arg7 : memref<79x128xi32, #tpu.memory_space<vmem>>)
      tpu.yield
    }) : () -> ()
    %barrier3A = arith.constant 0 : index
    tpu.barrier barrier_id(%barrier3A)
    %scan3A_19 = arith.constant 0 : i32
    %scan3A_20 = arith.constant 0 : i32
    %scan3A_21 = arith.constant 79 : i32
    %scan3A_22 = arith.addi %scan3A_20, %scan3A_21 : i32
    %scan3A_23 = arith.constant 1 : i32
    %scan3A_24 = scf.for %scan3A_37 = %scan3A_20 to %scan3A_22 step %scan3A_23 iter_args(%scan3A_38 = %scan3A_19) -> (i32)  : i32 {
      %dma_start3A = arith.constant 0 : i32
      %dma_start3A_39 = tpu.memref_slice %arg6[%scan3A_37, %dma_start3A] : memref<79x128xi32, #tpu.memory_space<vmem>> -> memref<1x128xi32, #tpu.memory_space<vmem>>
      %dma_start3A_40 = tpu.memref_squeeze %dma_start3A_39 : memref<1x128xi32, #tpu.memory_space<vmem>> -> memref<128xi32, #tpu.memory_space<vmem>>
      %dma_start3A_41 = arith.constant 0 : i32
      %dma_start3A_42 = arith.constant 0 : i32
      %dma_start3A_43 = tpu.memref_slice %arg2[%dma_start3A_41, %dma_start3A_42] : memref<10000x128xf32, #tpu.memory_space<hbm>> -> memref<10000x128xf32, #tpu.memory_space<hbm>>
      tpu.enqueue_indirect_dma source(%dma_start3A_43 : memref<10000x128xf32, #tpu.memory_space<hbm>>) target(%arg8 : memref<128x128xf32, #tpu.memory_space<vmem>>) offsets(%dma_start3A_40 : memref<128xi32, #tpu.memory_space<vmem>>) semaphore(%arg10 : memref<!tpu.dma_semaphore, #tpu.memory_space<semaphore_mem>>)
      %dma_wait3A = arith.constant 0 : i32
      %dma_wait3A_44 = tpu.memref_slice %arg6[%scan3A_37, %dma_wait3A] : memref<79x128xi32, #tpu.memory_space<vmem>> -> memref<1x128xi32, #tpu.memory_space<vmem>>
      %dma_wait3A_45 = tpu.memref_squeeze %dma_wait3A_44 : memref<1x128xi32, #tpu.memory_space<vmem>> -> memref<128xi32, #tpu.memory_space<vmem>>
      %dma_wait3A_46 = arith.constant 0 : i32
      %dma_wait3A_47 = arith.constant 0 : i32
      %dma_wait3A_48 = tpu.memref_slice %arg2[%dma_wait3A_46, %dma_wait3A_47] : memref<10000x128xf32, #tpu.memory_space<hbm>> -> memref<10000x128xf32, #tpu.memory_space<hbm>>
      tpu.wait_indirect_dma semaphore(%arg10 : memref<!tpu.dma_semaphore, #tpu.memory_space<semaphore_mem>>) src(%dma_wait3A_48 : memref<10000x128xf32, #tpu.memory_space<hbm>>) dst(%arg8 : memref<128x128xf32, #tpu.memory_space<vmem>>)
      "tpu.region"() ({
        %run_scoped3A = tpu.sem_alloc : memref<!tpu.dma_semaphore, #tpu.memory_space<semaphore_mem>>
        %dma_start3A_50 = arith.constant 0 : i32
        %dma_start3A_51 = tpu.memref_slice %arg7[%scan3A_37, %dma_start3A_50] : memref<79x128xi32, #tpu.memory_space<vmem>> -> memref<1x128xi32, #tpu.memory_space<vmem>>
        %dma_start3A_52 = tpu.memref_squeeze %dma_start3A_51 : memref<1x128xi32, #tpu.memory_space<vmem>> -> memref<128xi32, #tpu.memory_space<vmem>>
        %dma_start3A_53 = arith.constant 0 : i32
        %dma_start3A_54 = arith.constant 0 : i32
        %dma_start3A_55 = tpu.memref_slice %arg9[%dma_start3A_53, %dma_start3A_54] : memref<10240x128xf32, #tpu.memory_space<vmem_shared>> -> memref<10240x128xf32, #tpu.memory_space<vmem_shared>>
        tpu.enqueue_indirect_dma source(%arg8 : memref<128x128xf32, #tpu.memory_space<vmem>>) target(%dma_start3A_55 : memref<10240x128xf32, #tpu.memory_space<vmem_shared>>) offsets(%dma_start3A_52 : memref<128xi32, #tpu.memory_space<vmem>>) semaphore(%run_scoped3A : memref<!tpu.dma_semaphore, #tpu.memory_space<semaphore_mem>>) {add = true}
        %dma_wait3A_56 = arith.constant 0 : i32
        %dma_wait3A_57 = tpu.memref_slice %arg7[%scan3A_37, %dma_wait3A_56] : memref<79x128xi32, #tpu.memory_space<vmem>> -> memref<1x128xi32, #tpu.memory_space<vmem>>
        %dma_wait3A_58 = tpu.memref_squeeze %dma_wait3A_57 : memref<1x128xi32, #tpu.memory_space<vmem>> -> memref<128xi32, #tpu.memory_space<vmem>>
        %dma_wait3A_59 = arith.constant 0 : i32
        %dma_wait3A_60 = arith.constant 0 : i32
        %dma_wait3A_61 = tpu.memref_slice %arg9[%dma_wait3A_59, %dma_wait3A_60] : memref<10240x128xf32, #tpu.memory_space<vmem_shared>> -> memref<10240x128xf32, #tpu.memory_space<vmem_shared>>
        tpu.wait_indirect_dma semaphore(%run_scoped3A : memref<!tpu.dma_semaphore, #tpu.memory_space<semaphore_mem>>) src(%arg8 : memref<128x128xf32, #tpu.memory_space<vmem>>) dst(%dma_wait3A_61 : memref<10240x128xf32, #tpu.memory_space<vmem_shared>>)
        tpu.yield
      }) : () -> ()
      %scan3A_49 = arith.constant 0 : i32
      scf.yield %scan3A_49 : i32
    }
    %scan3A_25 = arith.constant 79 : i32
    %barrier3A_26 = arith.constant 0 : index
    tpu.barrier barrier_id(%barrier3A_26)
    %add3A_27 = arith.constant 0 : i32
    %add3A_28 = arith.addi %mul3A_8, %add3A_27 : i32
    "tpu.region"() ({
      %run_scoped3A = tpu.sem_alloc : memref<!tpu.dma_semaphore, #tpu.memory_space<semaphore_mem>>
      %dma_start3A = arith.constant 0 : i32
      %dma_start3A_37 = tpu.memref_slice %arg9[%add3A_28, %dma_start3A] : memref<10240x128xf32, #tpu.memory_space<vmem_shared>> -> memref<128x128xf32, #tpu.memory_space<vmem_shared>>
      %dma_start3A_38 = arith.constant 0 : i32
      %dma_start3A_39 = tpu.memref_slice %arg9[%add3A_28, %dma_start3A_38] : memref<10240x128xf32, #tpu.memory_space<vmem_shared>> -> memref<128x128xf32, #tpu.memory_space<vmem_shared>>
      tpu.enqueue_dma source(%dma_start3A_39 : memref<128x128xf32, #tpu.memory_space<vmem_shared>>) target(%arg8 : memref<128x128xf32, #tpu.memory_space<vmem>>) target_semaphore(%run_scoped3A : memref<!tpu.dma_semaphore, #tpu.memory_space<semaphore_mem>>)
      %dma_wait3A = arith.constant 0 : i32
      %dma_wait3A_40 = tpu.memref_slice %arg9[%add3A_28, %dma_wait3A] : memref<10240x128xf32, #tpu.memory_space<vmem_shared>> -> memref<128x128xf32, #tpu.memory_space<vmem_shared>>
      %dma_wait3A_41 = arith.constant 0 : i32
      %dma_wait3A_42 = tpu.memref_slice %arg9[%add3A_28, %dma_wait3A_41] : memref<10240x128xf32, #tpu.memory_space<vmem_shared>> -> memref<128x128xf32, #tpu.memory_space<vmem_shared>>
      tpu.wait_dma2 semaphore(%run_scoped3A : memref<!tpu.dma_semaphore, #tpu.memory_space<semaphore_mem>>) src(%dma_wait3A_42 : memref<128x128xf32, #tpu.memory_space<vmem_shared>>) dst(%arg8 : memref<128x128xf32, #tpu.memory_space<vmem>>)
      tpu.yield
    }) : () -> ()
    "tpu.region"() ({
      %run_scoped3A = tpu.sem_alloc : memref<!tpu.dma_semaphore, #tpu.memory_space<semaphore_mem>>
      %dma_start3A = arith.constant 0 : i32
      %dma_start3A_37 = tpu.memref_slice %arg5[%arg0, %add3A_28, %dma_start3A] : memref<2x10240x128xf32, #tpu.memory_space<hbm>> -> memref<1x128x128xf32, #tpu.memory_space<hbm>>
      %dma_start3A_38 = tpu.memref_squeeze %dma_start3A_37 : memref<1x128x128xf32, #tpu.memory_space<hbm>> -> memref<128x128xf32, #tpu.memory_space<hbm>>
      %dma_start3A_39 = arith.constant 0 : i32
      %dma_start3A_40 = tpu.memref_slice %arg5[%arg0, %add3A_28, %dma_start3A_39] : memref<2x10240x128xf32, #tpu.memory_space<hbm>> -> memref<1x128x128xf32, #tpu.memory_space<hbm>>
      %dma_start3A_41 = tpu.memref_squeeze %dma_start3A_40 : memref<1x128x128xf32, #tpu.memory_space<hbm>> -> memref<128x128xf32, #tpu.memory_space<hbm>>
      tpu.enqueue_dma source(%arg8 : memref<128x128xf32, #tpu.memory_space<vmem>>) target(%dma_start3A_41 : memref<128x128xf32, #tpu.memory_space<hbm>>) target_semaphore(%run_scoped3A : memref<!tpu.dma_semaphore, #tpu.memory_space<semaphore_mem>>)
      %dma_wait3A = arith.constant 0 : i32
      %dma_wait3A_42 = tpu.memref_slice %arg5[%arg0, %add3A_28, %dma_wait3A] : memref<2x10240x128xf32, #tpu.memory_space<hbm>> -> memref<1x128x128xf32, #tpu.memory_space<hbm>>
      %dma_wait3A_43 = tpu.memref_squeeze %dma_wait3A_42 : memref<1x128x128xf32, #tpu.memory_space<hbm>> -> memref<128x128xf32, #tpu.memory_space<hbm>>
      %dma_wait3A_44 = arith.constant 0 : i32
      %dma_wait3A_45 = tpu.memref_slice %arg5[%arg0, %add3A_28, %dma_wait3A_44] : memref<2x10240x128xf32, #tpu.memory_space<hbm>> -> memref<1x128x128xf32, #tpu.memory_space<hbm>>
      %dma_wait3A_46 = tpu.memref_squeeze %dma_wait3A_45 : memref<1x128x128xf32, #tpu.memory_space<hbm>> -> memref<128x128xf32, #tpu.memory_space<hbm>>
      tpu.wait_dma2 semaphore(%run_scoped3A : memref<!tpu.dma_semaphore, #tpu.memory_space<semaphore_mem>>) src(%arg8 : memref<128x128xf32, #tpu.memory_space<vmem>>) dst(%dma_wait3A_46 : memref<128x128xf32, #tpu.memory_space<hbm>>)
      tpu.yield
    }) : () -> ()
    %add3A_29 = arith.constant 128 : i32
    %add3A_30 = arith.addi %mul3A_8, %add3A_29 : i32
    "tpu.region"() ({
      %run_scoped3A = tpu.sem_alloc : memref<!tpu.dma_semaphore, #tpu.memory_space<semaphore_mem>>
      %dma_start3A = arith.constant 0 : i32
      %dma_start3A_37 = tpu.memref_slice %arg9[%add3A_30, %dma_start3A] : memref<10240x128xf32, #tpu.memory_space<vmem_shared>> -> memref<128x128xf32, #tpu.memory_space<vmem_shared>>
      %dma_start3A_38 = arith.constant 0 : i32
      %dma_start3A_39 = tpu.memref_slice %arg9[%add3A_30, %dma_start3A_38] : memref<10240x128xf32, #tpu.memory_space<vmem_shared>> -> memref<128x128xf32, #tpu.memory_space<vmem_shared>>
      tpu.enqueue_dma source(%dma_start3A_39 : memref<128x128xf32, #tpu.memory_space<vmem_shared>>) target(%arg8 : memref<128x128xf32, #tpu.memory_space<vmem>>) target_semaphore(%run_scoped3A : memref<!tpu.dma_semaphore, #tpu.memory_space<semaphore_mem>>)
      %dma_wait3A = arith.constant 0 : i32
      %dma_wait3A_40 = tpu.memref_slice %arg9[%add3A_30, %dma_wait3A] : memref<10240x128xf32, #tpu.memory_space<vmem_shared>> -> memref<128x128xf32, #tpu.memory_space<vmem_shared>>
      %dma_wait3A_41 = arith.constant 0 : i32
      %dma_wait3A_42 = tpu.memref_slice %arg9[%add3A_30, %dma_wait3A_41] : memref<10240x128xf32, #tpu.memory_space<vmem_shared>> -> memref<128x128xf32, #tpu.memory_space<vmem_shared>>
      tpu.wait_dma2 semaphore(%run_scoped3A : memref<!tpu.dma_semaphore, #tpu.memory_space<semaphore_mem>>) src(%dma_wait3A_42 : memref<128x128xf32, #tpu.memory_space<vmem_shared>>) dst(%arg8 : memref<128x128xf32, #tpu.memory_space<vmem>>)
      tpu.yield
    }) : () -> ()
    "tpu.region"() ({
      %run_scoped3A = tpu.sem_alloc : memref<!tpu.dma_semaphore, #tpu.memory_space<semaphore_mem>>
      %dma_start3A = arith.constant 0 : i32
      %dma_start3A_37 = tpu.memref_slice %arg5[%arg0, %add3A_30, %dma_start3A] : memref<2x10240x128xf32, #tpu.memory_space<hbm>> -> memref<1x128x128xf32, #tpu.memory_space<hbm>>
      %dma_start3A_38 = tpu.memref_squeeze %dma_start3A_37 : memref<1x128x128xf32, #tpu.memory_space<hbm>> -> memref<128x128xf32, #tpu.memory_space<hbm>>
      %dma_start3A_39 = arith.constant 0 : i32
      %dma_start3A_40 = tpu.memref_slice %arg5[%arg0, %add3A_30, %dma_start3A_39] : memref<2x10240x128xf32, #tpu.memory_space<hbm>> -> memref<1x128x128xf32, #tpu.memory_space<hbm>>
      %dma_start3A_41 = tpu.memref_squeeze %dma_start3A_40 : memref<1x128x128xf32, #tpu.memory_space<hbm>> -> memref<128x128xf32, #tpu.memory_space<hbm>>
      tpu.enqueue_dma source(%arg8 : memref<128x128xf32, #tpu.memory_space<vmem>>) target(%dma_start3A_41 : memref<128x128xf32, #tpu.memory_space<hbm>>) target_semaphore(%run_scoped3A : memref<!tpu.dma_semaphore, #tpu.memory_space<semaphore_mem>>)
      %dma_wait3A = arith.constant 0 : i32
      %dma_wait3A_42 = tpu.memref_slice %arg5[%arg0, %add3A_30, %dma_wait3A] : memref<2x10240x128xf32, #tpu.memory_space<hbm>> -> memref<1x128x128xf32, #tpu.memory_space<hbm>>
      %dma_wait3A_43 = tpu.memref_squeeze %dma_wait3A_42 : memref<1x128x128xf32, #tpu.memory_space<hbm>> -> memref<128x128xf32, #tpu.memory_space<hbm>>
      %dma_wait3A_44 = arith.constant 0 : i32
      %dma_wait3A_45 = tpu.memref_slice %arg5[%arg0, %add3A_30, %dma_wait3A_44] : memref<2x10240x128xf32, #tpu.memory_space<hbm>> -> memref<1x128x128xf32, #tpu.memory_space<hbm>>
      %dma_wait3A_46 = tpu.memref_squeeze %dma_wait3A_45 : memref<1x128x128xf32, #tpu.memory_space<hbm>> -> memref<128x128xf32, #tpu.memory_space<hbm>>
      tpu.wait_dma2 semaphore(%run_scoped3A : memref<!tpu.dma_semaphore, #tpu.memory_space<semaphore_mem>>) src(%arg8 : memref<128x128xf32, #tpu.memory_space<vmem>>) dst(%dma_wait3A_46 : memref<128x128xf32, #tpu.memory_space<hbm>>)
      tpu.yield
    }) : () -> ()
    %add3A_31 = arith.constant 256 : i32
    %add3A_32 = arith.addi %mul3A_8, %add3A_31 : i32
    "tpu.region"() ({
      %run_scoped3A = tpu.sem_alloc : memref<!tpu.dma_semaphore, #tpu.memory_space<semaphore_mem>>
      %dma_start3A = arith.constant 0 : i32
      %dma_start3A_37 = tpu.memref_slice %arg9[%add3A_32, %dma_start3A] : memref<10240x128xf32, #tpu.memory_space<vmem_shared>> -> memref<128x128xf32, #tpu.memory_space<vmem_shared>>
      %dma_start3A_38 = arith.constant 0 : i32
      %dma_start3A_39 = tpu.memref_slice %arg9[%add3A_32, %dma_start3A_38] : memref<10240x128xf32, #tpu.memory_space<vmem_shared>> -> memref<128x128xf32, #tpu.memory_space<vmem_shared>>
      tpu.enqueue_dma source(%dma_start3A_39 : memref<128x128xf32, #tpu.memory_space<vmem_shared>>) target(%arg8 : memref<128x128xf32, #tpu.memory_space<vmem>>) target_semaphore(%run_scoped3A : memref<!tpu.dma_semaphore, #tpu.memory_space<semaphore_mem>>)
      %dma_wait3A = arith.constant 0 : i32
      %dma_wait3A_40 = tpu.memref_slice %arg9[%add3A_32, %dma_wait3A] : memref<10240x128xf32, #tpu.memory_space<vmem_shared>> -> memref<128x128xf32, #tpu.memory_space<vmem_shared>>
      %dma_wait3A_41 = arith.constant 0 : i32
      %dma_wait3A_42 = tpu.memref_slice %arg9[%add3A_32, %dma_wait3A_41] : memref<10240x128xf32, #tpu.memory_space<vmem_shared>> -> memref<128x128xf32, #tpu.memory_space<vmem_shared>>
      tpu.wait_dma2 semaphore(%run_scoped3A : memref<!tpu.dma_semaphore, #tpu.memory_space<semaphore_mem>>) src(%dma_wait3A_42 : memref<128x128xf32, #tpu.memory_space<vmem_shared>>) dst(%arg8 : memref<128x128xf32, #tpu.memory_space<vmem>>)
      tpu.yield
    }) : () -> ()
    "tpu.region"() ({
      %run_scoped3A = tpu.sem_alloc : memref<!tpu.dma_semaphore, #tpu.memory_space<semaphore_mem>>
      %dma_start3A = arith.constant 0 : i32
      %dma_start3A_37 = tpu.memref_slice %arg5[%arg0, %add3A_32, %dma_start3A] : memref<2x10240x128xf32, #tpu.memory_space<hbm>> -> memref<1x128x128xf32, #tpu.memory_space<hbm>>
      %dma_start3A_38 = tpu.memref_squeeze %dma_start3A_37 : memref<1x128x128xf32, #tpu.memory_space<hbm>> -> memref<128x128xf32, #tpu.memory_space<hbm>>
      %dma_start3A_39 = arith.constant 0 : i32
      %dma_start3A_40 = tpu.memref_slice %arg5[%arg0, %add3A_32, %dma_start3A_39] : memref<2x10240x128xf32, #tpu.memory_space<hbm>> -> memref<1x128x128xf32, #tpu.memory_space<hbm>>
      %dma_start3A_41 = tpu.memref_squeeze %dma_start3A_40 : memref<1x128x128xf32, #tpu.memory_space<hbm>> -> memref<128x128xf32, #tpu.memory_space<hbm>>
      tpu.enqueue_dma source(%arg8 : memref<128x128xf32, #tpu.memory_space<vmem>>) target(%dma_start3A_41 : memref<128x128xf32, #tpu.memory_space<hbm>>) target_semaphore(%run_scoped3A : memref<!tpu.dma_semaphore, #tpu.memory_space<semaphore_mem>>)
      %dma_wait3A = arith.constant 0 : i32
      %dma_wait3A_42 = tpu.memref_slice %arg5[%arg0, %add3A_32, %dma_wait3A] : memref<2x10240x128xf32, #tpu.memory_space<hbm>> -> memref<1x128x128xf32, #tpu.memory_space<hbm>>
      %dma_wait3A_43 = tpu.memref_squeeze %dma_wait3A_42 : memref<1x128x128xf32, #tpu.memory_space<hbm>> -> memref<128x128xf32, #tpu.memory_space<hbm>>
      %dma_wait3A_44 = arith.constant 0 : i32
      %dma_wait3A_45 = tpu.memref_slice %arg5[%arg0, %add3A_32, %dma_wait3A_44] : memref<2x10240x128xf32, #tpu.memory_space<hbm>> -> memref<1x128x128xf32, #tpu.memory_space<hbm>>
      %dma_wait3A_46 = tpu.memref_squeeze %dma_wait3A_45 : memref<1x128x128xf32, #tpu.memory_space<hbm>> -> memref<128x128xf32, #tpu.memory_space<hbm>>
      tpu.wait_dma2 semaphore(%run_scoped3A : memref<!tpu.dma_semaphore, #tpu.memory_space<semaphore_mem>>) src(%arg8 : memref<128x128xf32, #tpu.memory_space<vmem>>) dst(%dma_wait3A_46 : memref<128x128xf32, #tpu.memory_space<hbm>>)
      tpu.yield
    }) : () -> ()
    %add3A_33 = arith.constant 384 : i32
    %add3A_34 = arith.addi %mul3A_8, %add3A_33 : i32
    "tpu.region"() ({
      %run_scoped3A = tpu.sem_alloc : memref<!tpu.dma_semaphore, #tpu.memory_space<semaphore_mem>>
      %dma_start3A = arith.constant 0 : i32
      %dma_start3A_37 = tpu.memref_slice %arg9[%add3A_34, %dma_start3A] : memref<10240x128xf32, #tpu.memory_space<vmem_shared>> -> memref<128x128xf32, #tpu.memory_space<vmem_shared>>
      %dma_start3A_38 = arith.constant 0 : i32
      %dma_start3A_39 = tpu.memref_slice %arg9[%add3A_34, %dma_start3A_38] : memref<10240x128xf32, #tpu.memory_space<vmem_shared>> -> memref<128x128xf32, #tpu.memory_space<vmem_shared>>
      tpu.enqueue_dma source(%dma_start3A_39 : memref<128x128xf32, #tpu.memory_space<vmem_shared>>) target(%arg8 : memref<128x128xf32, #tpu.memory_space<vmem>>) target_semaphore(%run_scoped3A : memref<!tpu.dma_semaphore, #tpu.memory_space<semaphore_mem>>)
      %dma_wait3A = arith.constant 0 : i32
      %dma_wait3A_40 = tpu.memref_slice %arg9[%add3A_34, %dma_wait3A] : memref<10240x128xf32, #tpu.memory_space<vmem_shared>> -> memref<128x128xf32, #tpu.memory_space<vmem_shared>>
      %dma_wait3A_41 = arith.constant 0 : i32
      %dma_wait3A_42 = tpu.memref_slice %arg9[%add3A_34, %dma_wait3A_41] : memref<10240x128xf32, #tpu.memory_space<vmem_shared>> -> memref<128x128xf32, #tpu.memory_space<vmem_shared>>
      tpu.wait_dma2 semaphore(%run_scoped3A : memref<!tpu.dma_semaphore, #tpu.memory_space<semaphore_mem>>) src(%dma_wait3A_42 : memref<128x128xf32, #tpu.memory_space<vmem_shared>>) dst(%arg8 : memref<128x128xf32, #tpu.memory_space<vmem>>)
      tpu.yield
    }) : () -> ()
    "tpu.region"() ({
      %run_scoped3A = tpu.sem_alloc : memref<!tpu.dma_semaphore, #tpu.memory_space<semaphore_mem>>
      %dma_start3A = arith.constant 0 : i32
      %dma_start3A_37 = tpu.memref_slice %arg5[%arg0, %add3A_34, %dma_start3A] : memref<2x10240x128xf32, #tpu.memory_space<hbm>> -> memref<1x128x128xf32, #tpu.memory_space<hbm>>
      %dma_start3A_38 = tpu.memref_squeeze %dma_start3A_37 : memref<1x128x128xf32, #tpu.memory_space<hbm>> -> memref<128x128xf32, #tpu.memory_space<hbm>>
      %dma_start3A_39 = arith.constant 0 : i32
      %dma_start3A_40 = tpu.memref_slice %arg5[%arg0, %add3A_34, %dma_start3A_39] : memref<2x10240x128xf32, #tpu.memory_space<hbm>> -> memref<1x128x128xf32, #tpu.memory_space<hbm>>
      %dma_start3A_41 = tpu.memref_squeeze %dma_start3A_40 : memref<1x128x128xf32, #tpu.memory_space<hbm>> -> memref<128x128xf32, #tpu.memory_space<hbm>>
      tpu.enqueue_dma source(%arg8 : memref<128x128xf32, #tpu.memory_space<vmem>>) target(%dma_start3A_41 : memref<128x128xf32, #tpu.memory_space<hbm>>) target_semaphore(%run_scoped3A : memref<!tpu.dma_semaphore, #tpu.memory_space<semaphore_mem>>)
      %dma_wait3A = arith.constant 0 : i32
      %dma_wait3A_42 = tpu.memref_slice %arg5[%arg0, %add3A_34, %dma_wait3A] : memref<2x10240x128xf32, #tpu.memory_space<hbm>> -> memref<1x128x128xf32, #tpu.memory_space<hbm>>
      %dma_wait3A_43 = tpu.memref_squeeze %dma_wait3A_42 : memref<1x128x128xf32, #tpu.memory_space<hbm>> -> memref<128x128xf32, #tpu.memory_space<hbm>>
      %dma_wait3A_44 = arith.constant 0 : i32
      %dma_wait3A_45 = tpu.memref_slice %arg5[%arg0, %add3A_34, %dma_wait3A_44] : memref<2x10240x128xf32, #tpu.memory_space<hbm>> -> memref<1x128x128xf32, #tpu.memory_space<hbm>>
      %dma_wait3A_46 = tpu.memref_squeeze %dma_wait3A_45 : memref<1x128x128xf32, #tpu.memory_space<hbm>> -> memref<128x128xf32, #tpu.memory_space<hbm>>
      tpu.wait_dma2 semaphore(%run_scoped3A : memref<!tpu.dma_semaphore, #tpu.memory_space<semaphore_mem>>) src(%arg8 : memref<128x128xf32, #tpu.memory_space<vmem>>) dst(%dma_wait3A_46 : memref<128x128xf32, #tpu.memory_space<hbm>>)
      tpu.yield
    }) : () -> ()
    %add3A_35 = arith.constant 512 : i32
    %add3A_36 = arith.addi %mul3A_8, %add3A_35 : i32
    "tpu.region"() ({
      %run_scoped3A = tpu.sem_alloc : memref<!tpu.dma_semaphore, #tpu.memory_space<semaphore_mem>>
      %dma_start3A = arith.constant 0 : i32
      %dma_start3A_37 = tpu.memref_slice %arg9[%add3A_36, %dma_start3A] : memref<10240x128xf32, #tpu.memory_space<vmem_shared>> -> memref<128x128xf32, #tpu.memory_space<vmem_shared>>
      %dma_start3A_38 = arith.constant 0 : i32
      %dma_start3A_39 = tpu.memref_slice %arg9[%add3A_36, %dma_start3A_38] : memref<10240x128xf32, #tpu.memory_space<vmem_shared>> -> memref<128x128xf32, #tpu.memory_space<vmem_shared>>
      tpu.enqueue_dma source(%dma_start3A_39 : memref<128x128xf32, #tpu.memory_space<vmem_shared>>) target(%arg8 : memref<128x128xf32, #tpu.memory_space<vmem>>) target_semaphore(%run_scoped3A : memref<!tpu.dma_semaphore, #tpu.memory_space<semaphore_mem>>)
      %dma_wait3A = arith.constant 0 : i32
      %dma_wait3A_40 = tpu.memref_slice %arg9[%add3A_36, %dma_wait3A] : memref<10240x128xf32, #tpu.memory_space<vmem_shared>> -> memref<128x128xf32, #tpu.memory_space<vmem_shared>>
      %dma_wait3A_41 = arith.constant 0 : i32
      %dma_wait3A_42 = tpu.memref_slice %arg9[%add3A_36, %dma_wait3A_41] : memref<10240x128xf32, #tpu.memory_space<vmem_shared>> -> memref<128x128xf32, #tpu.memory_space<vmem_shared>>
      tpu.wait_dma2 semaphore(%run_scoped3A : memref<!tpu.dma_semaphore, #tpu.memory_space<semaphore_mem>>) src(%dma_wait3A_42 : memref<128x128xf32, #tpu.memory_space<vmem_shared>>) dst(%arg8 : memref<128x128xf32, #tpu.memory_space<vmem>>)
      tpu.yield
    }) : () -> ()
    "tpu.region"() ({
      %run_scoped3A = tpu.sem_alloc : memref<!tpu.dma_semaphore, #tpu.memory_space<semaphore_mem>>
      %dma_start3A = arith.constant 0 : i32
      %dma_start3A_37 = tpu.memref_slice %arg5[%arg0, %add3A_36, %dma_start3A] : memref<2x10240x128xf32, #tpu.memory_space<hbm>> -> memref<1x128x128xf32, #tpu.memory_space<hbm>>
      %dma_start3A_38 = tpu.memref_squeeze %dma_start3A_37 : memref<1x128x128xf32, #tpu.memory_space<hbm>> -> memref<128x128xf32, #tpu.memory_space<hbm>>
      %dma_start3A_39 = arith.constant 0 : i32
      %dma_start3A_40 = tpu.memref_slice %arg5[%arg0, %add3A_36, %dma_start3A_39] : memref<2x10240x128xf32, #tpu.memory_space<hbm>> -> memref<1x128x128xf32, #tpu.memory_space<hbm>>
      %dma_start3A_41 = tpu.memref_squeeze %dma_start3A_40 : memref<1x128x128xf32, #tpu.memory_space<hbm>> -> memref<128x128xf32, #tpu.memory_space<hbm>>
      tpu.enqueue_dma source(%arg8 : memref<128x128xf32, #tpu.memory_space<vmem>>) target(%dma_start3A_41 : memref<128x128xf32, #tpu.memory_space<hbm>>) target_semaphore(%run_scoped3A : memref<!tpu.dma_semaphore, #tpu.memory_space<semaphore_mem>>)
      %dma_wait3A = arith.constant 0 : i32
      %dma_wait3A_42 = tpu.memref_slice %arg5[%arg0, %add3A_36, %dma_wait3A] : memref<2x10240x128xf32, #tpu.memory_space<hbm>> -> memref<1x128x128xf32, #tpu.memory_space<hbm>>
      %dma_wait3A_43 = tpu.memref_squeeze %dma_wait3A_42 : memref<1x128x128xf32, #tpu.memory_space<hbm>> -> memref<128x128xf32, #tpu.memory_space<hbm>>
      %dma_wait3A_44 = arith.constant 0 : i32
      %dma_wait3A_45 = tpu.memref_slice %arg5[%arg0, %add3A_36, %dma_wait3A_44] : memref<2x10240x128xf32, #tpu.memory_space<hbm>> -> memref<1x128x128xf32, #tpu.memory_space<hbm>>
      %dma_wait3A_46 = tpu.memref_squeeze %dma_wait3A_45 : memref<1x128x128xf32, #tpu.memory_space<hbm>> -> memref<128x128xf32, #tpu.memory_space<hbm>>
      tpu.wait_dma2 semaphore(%run_scoped3A : memref<!tpu.dma_semaphore, #tpu.memory_space<semaphore_mem>>) src(%arg8 : memref<128x128xf32, #tpu.memory_space<vmem>>) dst(%dma_wait3A_46 : memref<128x128xf32, #tpu.memory_space<hbm>>)
      tpu.yield
    }) : () -> ()
    return
  }
}

module attributes {stable_mosaic.version = 14 : i64} {
  func.func @_dis_body(%arg0: i32, %arg1: memref<2x10240xf32, #tpu.memory_space<vmem>>, %arg2: memref<10000x1xf32, #tpu.memory_space<vmem>>) attributes {dimension_semantics = [#tpu.dimension_semantics<arbitrary>], iteration_bounds = array<i64: 1>, scalar_prefetch = 0 : i64, scratch_operands = 0 : i64, tpu.core_type = #tpu.core_type<tc>, window_params = [{pipeline_mode = #tpu.pipeline_mode<synchronous>, transform_indices = @transform_0, window_bounds = array<i64: 2, 10240>}, {pipeline_mode = #tpu.pipeline_mode<synchronous>, transform_indices = @transform_1, window_bounds = array<i64: 10000, 1>}]} {
    %get3A = arith.constant 0 : index
    %get3A_0 = arith.constant 0 : index
    %get3A_1 = vector.load %arg1[%get3A, %get3A_0] : memref<2x10240xf32, #tpu.memory_space<vmem>>, vector<1x10240xf32>
    %get3A_2 = vector.shape_cast %get3A_1 : vector<1x10240xf32> to vector<10240xf32>
    %get3A_3 = arith.constant 1 : index
    %get3A_4 = arith.constant 0 : index
    %get3A_5 = vector.load %arg1[%get3A_3, %get3A_4] : memref<2x10240xf32, #tpu.memory_space<vmem>>, vector<1x10240xf32>
    %get3A_6 = vector.shape_cast %get3A_5 : vector<1x10240xf32> to vector<10240xf32>
    %add3A = arith.addf %get3A_2, %get3A_6 : vector<10240xf32>
    %gt3A = arith.constant 0.000000e+00 : f32
    %gt3A_7 = vector.broadcast %gt3A : f32 to vector<10240xf32>
    %gt3A_8 = arith.cmpf ogt, %add3A, %gt3A_7 : vector<10240xf32>
    %rsqrt3A = math.rsqrt %add3A : vector<10240xf32>
    %jit3A = arith.constant 0.000000e+00 : f32
    %broadcast_in_dim3A = vector.broadcast %jit3A : f32 to vector<10240xf32>
    %select_n3A = arith.select %gt3A_8, %rsqrt3A, %broadcast_in_dim3A : vector<10240xi1>, vector<10240xf32>
    %slice3A = vector.extract_strided_slice %select_n3A {offsets = [0], sizes = [10000], strides = [1]} : vector<10240xf32> to vector<10000xf32>
    %broadcast_in_dim3A_9 = vector.shape_cast %slice3A : vector<10000xf32> to vector<10000x1xf32>
    %swap3A = arith.constant 0 : index
    %swap3A_10 = arith.constant 0 : index
    %swap3A_11 = vector.load %arg2[%swap3A, %swap3A_10] : memref<10000x1xf32, #tpu.memory_space<vmem>>, vector<10000x1xf32>
    tpu.vector_store %arg2[%swap3A, %swap3A_10], %broadcast_in_dim3A_9 {strides = array<i32>} : memref<10000x1xf32, #tpu.memory_space<vmem>>, vector<10000x1xf32>,
    return
  }
  func.func @transform_0(%arg0: i32) -> (i32, i32) {
    %c0_i32 = arith.constant 0 : i32
    %c0_i32_0 = arith.constant 0 : i32
    %c0_i32_1 = arith.constant 0 : i32
    return %c0_i32, %c0_i32_0 : i32, i32
  }
  func.func @transform_1(%arg0: i32) -> (i32, i32) {
    %c0_i32 = arith.constant 0 : i32
    %c0_i32_0 = arith.constant 0 : i32
    %c0_i32_1 = arith.constant 0 : i32
    return %c0_i32, %c0_i32_0 : i32, i32
  }
}

module attributes {stable_mosaic.version = 14 : i64} {
  func.func @_in_body(%arg0: i32, %arg1: memref<2000x128xf32, #tpu.memory_space<vmem>>, %arg2: memref<128x128xf32, #tpu.memory_space<vmem>>, %arg3: memref<1x128xf32, #tpu.memory_space<vmem>>, %arg4: memref<2000x1xf32, #tpu.memory_space<vmem>>, %arg5: memref<2000x128xf32, #tpu.memory_space<vmem>>, %arg6: memref<2000x128xf32, #tpu.memory_space<vmem>>) attributes {dimension_semantics = [#tpu.dimension_semantics<arbitrary>], iteration_bounds = array<i64: 5>, scalar_prefetch = 0 : i64, scratch_operands = 0 : i64, tpu.core_type = #tpu.core_type<tc>, window_params = [{transform_indices = @transform_0, window_bounds = array<i64: 2000, 128>}, {pipeline_mode = #tpu.pipeline_mode<synchronous>, transform_indices = @transform_1, window_bounds = array<i64: 128, 128>}, {pipeline_mode = #tpu.pipeline_mode<synchronous>, transform_indices = @transform_2, window_bounds = array<i64: 1, 128>}, {transform_indices = @transform_3, window_bounds = array<i64: 2000, 1>}, {transform_indices = @transform_4, window_bounds = array<i64: 2000, 128>}, {transform_indices = @transform_5, window_bounds = array<i64: 2000, 128>}]} {
    %get3A = arith.constant 0 : index
    %get3A_0 = arith.constant 0 : index
    %get3A_1 = vector.load %arg1[%get3A, %get3A_0] : memref<2000x128xf32, #tpu.memory_space<vmem>>, vector<2000x128xf32>
    %get3A_2 = arith.constant 0 : index
    %get3A_3 = arith.constant 0 : index
    %get3A_4 = vector.load %arg2[%get3A_2, %get3A_3] : memref<128x128xf32, #tpu.memory_space<vmem>>, vector<128x128xf32>
    %dot_general3A = arith.constant dense<0.000000e+00> : vector<2000x128xf32>
    %dot_general3A_5 = tpu.matmul %get3A_1, %get3A_4, %dot_general3A {dimension_numbers = #tpu.dot_dimension_numbers<[1], [0], [0], [1], [0, 0, 1, 1], [], []>, precision = #tpu.contract_precision<fp32>, transpose_lhs_hint = false} : vector<2000x128xf32>, vector<128x128xf32>, vector<2000x128xf32> -> vector<2000x128xf32>
    %get3A_6 = arith.constant 0 : index
    %get3A_7 = arith.constant 0 : index
    %get3A_8 = vector.load %arg3[%get3A_6, %get3A_7] : memref<1x128xf32, #tpu.memory_space<vmem>>, vector<1x128xf32>
    %add3A = vector.broadcast %get3A_8 : vector<1x128xf32> to vector<2000x128xf32>
    %add3A_9 = arith.addf %dot_general3A_5, %add3A : vector<2000x128xf32>
    %swap3A = arith.constant 0 : index
    %swap3A_10 = arith.constant 0 : index
    %swap3A_11 = vector.load %arg5[%swap3A, %swap3A_10] : memref<2000x128xf32, #tpu.memory_space<vmem>>, vector<2000x128xf32>
    tpu.vector_store %arg5[%swap3A, %swap3A_10], %add3A_9 {strides = array<i32>} : memref<2000x128xf32, #tpu.memory_space<vmem>>, vector<2000x128xf32>,
    %get3A_12 = arith.constant 0 : index
    %get3A_13 = arith.constant 0 : index
    %get3A_14 = vector.load %arg4[%get3A_12, %get3A_13] : memref<2000x1xf32, #tpu.memory_space<vmem>>, vector<2000x1xf32>
    %mul3A = vector.broadcast %get3A_14 : vector<2000x1xf32> to vector<2000x128xf32>
    %mul3A_15 = arith.mulf %mul3A, %add3A_9 : vector<2000x128xf32>
    %swap3A_16 = arith.constant 0 : index
    %swap3A_17 = arith.constant 0 : index
    %swap3A_18 = vector.load %arg6[%swap3A_16, %swap3A_17] : memref<2000x128xf32, #tpu.memory_space<vmem>>, vector<2000x128xf32>
    tpu.vector_store %arg6[%swap3A_16, %swap3A_17], %mul3A_15 {strides = array<i32>} : memref<2000x128xf32, #tpu.memory_space<vmem>>, vector<2000x128xf32>,
    return
  }
  func.func @transform_0(%arg0: i32) -> (i32, i32) {
    %c0_i32 = arith.constant 0 : i32
    %c0_i32_0 = arith.constant 0 : i32
    return %arg0, %c0_i32 : i32, i32
  }
  func.func @transform_1(%arg0: i32) -> (i32, i32) {
    %c0_i32 = arith.constant 0 : i32
    %c0_i32_0 = arith.constant 0 : i32
    %c0_i32_1 = arith.constant 0 : i32
    return %c0_i32, %c0_i32_0 : i32, i32
  }
  func.func @transform_2(%arg0: i32) -> (i32, i32) {
    %c0_i32 = arith.constant 0 : i32
    %c0_i32_0 = arith.constant 0 : i32
    %c0_i32_1 = arith.constant 0 : i32
    return %c0_i32, %c0_i32_0 : i32, i32
  }
  func.func @transform_3(%arg0: i32) -> (i32, i32) {
    %c0_i32 = arith.constant 0 : i32
    %c0_i32_0 = arith.constant 0 : i32
    return %arg0, %c0_i32 : i32, i32
  }
  func.func @transform_4(%arg0: i32) -> (i32, i32) {
    %c0_i32 = arith.constant 0 : i32
    %c0_i32_0 = arith.constant 0 : i32
    return %arg0, %c0_i32 : i32, i32
  }
  func.func @transform_5(%arg0: i32) -> (i32, i32) {
    %c0_i32 = arith.constant 0 : i32
    %c0_i32_0 = arith.constant 0 : i32
    return %arg0, %c0_i32 : i32, i32
  }
}

module attributes {stable_mosaic.version = 14 : i64} {
  func.func @_mid_body(%arg0: i32, %arg1: memref<2x2000x128xf32, #tpu.memory_space<vmem>>, %arg2: memref<2000x1xf32, #tpu.memory_space<vmem>>, %arg3: memref<2000x128xf32, #tpu.memory_space<vmem>>) attributes {dimension_semantics = [#tpu.dimension_semantics<arbitrary>], iteration_bounds = array<i64: 5>, scalar_prefetch = 0 : i64, scratch_operands = 0 : i64, tpu.core_type = #tpu.core_type<tc>, window_params = [{transform_indices = @transform_0, window_bounds = array<i64: 2, 2000, 128>}, {transform_indices = @transform_1, window_bounds = array<i64: 2000, 1>}, {transform_indices = @transform_2, window_bounds = array<i64: 2000, 128>}]} {
    %get3A = arith.constant 0 : index
    %get3A_0 = arith.constant 0 : index
    %get3A_1 = vector.load %arg2[%get3A, %get3A_0] : memref<2000x1xf32, #tpu.memory_space<vmem>>, vector<2000x1xf32>
    %mul3A = arith.mulf %get3A_1, %get3A_1 : vector<2000x1xf32>
    %neg3A = arith.constant 0.000000e+00 : f32
    %neg3A_2 = vector.broadcast %neg3A : f32 to vector<2000x1xf32>
    %neg3A_3 = arith.subf %neg3A_2, %mul3A : vector<2000x1xf32>
    %get3A_4 = arith.constant 0 : index
    %get3A_5 = arith.constant 0 : index
    %get3A_6 = arith.constant 0 : index
    %get3A_7 = vector.load %arg1[%get3A_4, %get3A_5, %get3A_6] : memref<2x2000x128xf32, #tpu.memory_space<vmem>>, vector<1x2000x128xf32>
    %get3A_8 = vector.shape_cast %get3A_7 : vector<1x2000x128xf32> to vector<2000x128xf32>
    %get3A_9 = arith.constant 1 : index
    %get3A_10 = arith.constant 0 : index
    %get3A_11 = arith.constant 0 : index
    %get3A_12 = vector.load %arg1[%get3A_9, %get3A_10, %get3A_11] : memref<2x2000x128xf32, #tpu.memory_space<vmem>>, vector<1x2000x128xf32>
    %get3A_13 = vector.shape_cast %get3A_12 : vector<1x2000x128xf32> to vector<2000x128xf32>
    %add3A = arith.addf %get3A_8, %get3A_13 : vector<2000x128xf32>
    %mul3A_14 = vector.broadcast %neg3A_3 : vector<2000x1xf32> to vector<2000x128xf32>
    %mul3A_15 = arith.mulf %mul3A_14, %add3A : vector<2000x128xf32>
    %swap3A = arith.constant 0 : index
    %swap3A_16 = arith.constant 0 : index
    %swap3A_17 = vector.load %arg3[%swap3A, %swap3A_16] : memref<2000x128xf32, #tpu.memory_space<vmem>>, vector<2000x128xf32>
    tpu.vector_store %arg3[%swap3A, %swap3A_16], %mul3A_15 {strides = array<i32>} : memref<2000x128xf32, #tpu.memory_space<vmem>>, vector<2000x128xf32>,
    return
  }
  func.func @transform_0(%arg0: i32) -> (i32, i32, i32) {
    %c0_i32 = arith.constant 0 : i32
    %c0_i32_0 = arith.constant 0 : i32
    %c0_i32_1 = arith.constant 0 : i32
    return %c0_i32, %arg0, %c0_i32_0 : i32, i32, i32
  }
  func.func @transform_1(%arg0: i32) -> (i32, i32) {
    %c0_i32 = arith.constant 0 : i32
    %c0_i32_0 = arith.constant 0 : i32
    return %arg0, %c0_i32 : i32, i32
  }
  func.func @transform_2(%arg0: i32) -> (i32, i32) {
    %c0_i32 = arith.constant 0 : i32
    %c0_i32_0 = arith.constant 0 : i32
    return %arg0, %c0_i32 : i32, i32
  }
}

module attributes {stable_mosaic.version = 14 : i64} {
  func.func @_comb_body(%arg0: i32, %arg1: memref<2000x128xf32, #tpu.memory_space<vmem>>, %arg2: memref<2x2000x128xf32, #tpu.memory_space<vmem>>, %arg3: memref<2x2000x128xf32, #tpu.memory_space<vmem>>, %arg4: memref<2000x1xf32, #tpu.memory_space<vmem>>, %arg5: memref<3x128x128xf32, #tpu.memory_space<vmem>>, %arg6: memref<1x128xf32, #tpu.memory_space<vmem>>, %arg7: memref<1x128xf32, #tpu.memory_space<vmem>>, %arg8: memref<1x128xf32, #tpu.memory_space<vmem>>, %arg9: memref<2000x128xf32, #tpu.memory_space<vmem>>, %arg10: memref<2000x128xf32, #tpu.memory_space<vmem>>) attributes {dimension_semantics = [#tpu.dimension_semantics<arbitrary>], iteration_bounds = array<i64: 5>, scalar_prefetch = 0 : i64, scratch_operands = 0 : i64, tpu.core_type = #tpu.core_type<tc>, window_params = [{transform_indices = @transform_0, window_bounds = array<i64: 2000, 128>}, {transform_indices = @transform_1, window_bounds = array<i64: 2, 2000, 128>}, {transform_indices = @transform_2, window_bounds = array<i64: 2, 2000, 128>}, {transform_indices = @transform_3, window_bounds = array<i64: 2000, 1>}, {pipeline_mode = #tpu.pipeline_mode<synchronous>, transform_indices = @transform_4, window_bounds = array<i64: 3, 128, 128>}, {pipeline_mode = #tpu.pipeline_mode<synchronous>, transform_indices = @transform_5, window_bounds = array<i64: 1, 128>}, {pipeline_mode = #tpu.pipeline_mode<synchronous>, transform_indices = @transform_6, window_bounds = array<i64: 1, 128>}, {pipeline_mode = #tpu.pipeline_mode<synchronous>, transform_indices = @transform_7, window_bounds = array<i64: 1, 128>}, {transform_indices = @transform_8, window_bounds = array<i64: 2000, 128>}, {transform_indices = @transform_9, window_bounds = array<i64: 2000, 128>}]} {
    %get3A = arith.constant 0 : index
    %get3A_0 = arith.constant 0 : index
    %get3A_1 = vector.load %arg1[%get3A, %get3A_0] : memref<2000x128xf32, #tpu.memory_space<vmem>>, vector<2000x128xf32>
    %get3A_2 = arith.constant 0 : index
    %get3A_3 = arith.constant 0 : index
    %get3A_4 = vector.load %arg4[%get3A_2, %get3A_3] : memref<2000x1xf32, #tpu.memory_space<vmem>>, vector<2000x1xf32>
    %neg3A = arith.constant 0.000000e+00 : f32
    %neg3A_5 = vector.broadcast %neg3A : f32 to vector<2000x1xf32>
    %neg3A_6 = arith.subf %neg3A_5, %get3A_4 : vector<2000x1xf32>
    %get3A_7 = arith.constant 0 : index
    %get3A_8 = arith.constant 0 : index
    %get3A_9 = arith.constant 0 : index
    %get3A_10 = vector.load %arg2[%get3A_7, %get3A_8, %get3A_9] : memref<2x2000x128xf32, #tpu.memory_space<vmem>>, vector<1x2000x128xf32>
    %get3A_11 = vector.shape_cast %get3A_10 : vector<1x2000x128xf32> to vector<2000x128xf32>
    %get3A_12 = arith.constant 1 : index
    %get3A_13 = arith.constant 0 : index
    %get3A_14 = arith.constant 0 : index
    %get3A_15 = vector.load %arg2[%get3A_12, %get3A_13, %get3A_14] : memref<2x2000x128xf32, #tpu.memory_space<vmem>>, vector<1x2000x128xf32>
    %get3A_16 = vector.shape_cast %get3A_15 : vector<1x2000x128xf32> to vector<2000x128xf32>
    %add3A = arith.addf %get3A_11, %get3A_16 : vector<2000x128xf32>
    %mul3A = vector.broadcast %neg3A_6 : vector<2000x1xf32> to vector<2000x128xf32>
    %mul3A_17 = arith.mulf %mul3A, %add3A : vector<2000x128xf32>
    %mul3A_18 = arith.constant -2.000000e+00 : f32
    %mul3A_19 = vector.broadcast %mul3A_18 : f32 to vector<2000x1xf32>
    %mul3A_20 = arith.mulf %mul3A_19, %get3A_4 : vector<2000x1xf32>
    %get3A_21 = arith.constant 0 : index
    %get3A_22 = arith.constant 0 : index
    %get3A_23 = arith.constant 0 : index
    %get3A_24 = vector.load %arg3[%get3A_21, %get3A_22, %get3A_23] : memref<2x2000x128xf32, #tpu.memory_space<vmem>>, vector<1x2000x128xf32>
    %get3A_25 = vector.shape_cast %get3A_24 : vector<1x2000x128xf32> to vector<2000x128xf32>
    %get3A_26 = arith.constant 1 : index
    %get3A_27 = arith.constant 0 : index
    %get3A_28 = arith.constant 0 : index
    %get3A_29 = vector.load %arg3[%get3A_26, %get3A_27, %get3A_28] : memref<2x2000x128xf32, #tpu.memory_space<vmem>>, vector<1x2000x128xf32>
    %get3A_30 = vector.shape_cast %get3A_29 : vector<1x2000x128xf32> to vector<2000x128xf32>
    %add3A_31 = arith.addf %get3A_25, %get3A_30 : vector<2000x128xf32>
    %mul3A_32 = vector.broadcast %mul3A_20 : vector<2000x1xf32> to vector<2000x128xf32>
    %mul3A_33 = arith.mulf %mul3A_32, %add3A_31 : vector<2000x128xf32>
    %sub3A = arith.subf %mul3A_33, %get3A_1 : vector<2000x128xf32>
    %get3A_34 = arith.constant 0 : index
    %get3A_35 = arith.constant 0 : index
    %get3A_36 = arith.constant 0 : index
    %get3A_37 = vector.load %arg5[%get3A_34, %get3A_35, %get3A_36] : memref<3x128x128xf32, #tpu.memory_space<vmem>>, vector<3x128x128xf32>
    %slice3A = vector.extract_strided_slice %get3A_37 {offsets = [0, 0, 0], sizes = [1, 128, 128], strides = [1, 1, 1]} : vector<3x128x128xf32> to vector<1x128x128xf32>
    %squeeze3A = vector.shape_cast %slice3A : vector<1x128x128xf32> to vector<128x128xf32>
    %dot_general3A = arith.constant dense<0.000000e+00> : vector<2000x128xf32>
    %dot_general3A_38 = tpu.matmul %get3A_1, %squeeze3A, %dot_general3A {dimension_numbers = #tpu.dot_dimension_numbers<[1], [0], [0], [1], [0, 0, 1, 1], [], []>, precision = #tpu.contract_precision<fp32>, transpose_lhs_hint = false} : vector<2000x128xf32>, vector<128x128xf32>, vector<2000x128xf32> -> vector<2000x128xf32>
    %slice3A_39 = vector.extract_strided_slice %get3A_37 {offsets = [1, 0, 0], sizes = [1, 128, 128], strides = [1, 1, 1]} : vector<3x128x128xf32> to vector<1x128x128xf32>
    %squeeze3A_40 = vector.shape_cast %slice3A_39 : vector<1x128x128xf32> to vector<128x128xf32>
    %dot_general3A_41 = arith.constant dense<0.000000e+00> : vector<2000x128xf32>
    %dot_general3A_42 = tpu.matmul %mul3A_17, %squeeze3A_40, %dot_general3A_41 {dimension_numbers = #tpu.dot_dimension_numbers<[1], [0], [0], [1], [0, 0, 1, 1], [], []>, precision = #tpu.contract_precision<fp32>, transpose_lhs_hint = false} : vector<2000x128xf32>, vector<128x128xf32>, vector<2000x128xf32> -> vector<2000x128xf32>
    %add3A_43 = arith.addf %dot_general3A_38, %dot_general3A_42 : vector<2000x128xf32>
    %slice3A_44 = vector.extract_strided_slice %get3A_37 {offsets = [2, 0, 0], sizes = [1, 128, 128], strides = [1, 1, 1]} : vector<3x128x128xf32> to vector<1x128x128xf32>
    %squeeze3A_45 = vector.shape_cast %slice3A_44 : vector<1x128x128xf32> to vector<128x128xf32>
    %dot_general3A_46 = arith.constant dense<0.000000e+00> : vector<2000x128xf32>
    %dot_general3A_47 = tpu.matmul %sub3A, %squeeze3A_45, %dot_general3A_46 {dimension_numbers = #tpu.dot_dimension_numbers<[1], [0], [0], [1], [0, 0, 1, 1], [], []>, precision = #tpu.contract_precision<fp32>, transpose_lhs_hint = false} : vector<2000x128xf32>, vector<128x128xf32>, vector<2000x128xf32> -> vector<2000x128xf32>
    %add3A_48 = arith.addf %add3A_43, %dot_general3A_47 : vector<2000x128xf32>
    %get3A_49 = arith.constant 0 : index
    %get3A_50 = arith.constant 0 : index
    %get3A_51 = vector.load %arg6[%get3A_49, %get3A_50] : memref<1x128xf32, #tpu.memory_space<vmem>>, vector<1x128xf32>
    %add3A_52 = vector.broadcast %get3A_51 : vector<1x128xf32> to vector<2000x128xf32>
    %add3A_53 = arith.addf %add3A_48, %add3A_52 : vector<2000x128xf32>
    %max3A = arith.constant 0.000000e+00 : f32
    %max3A_54 = vector.broadcast %max3A : f32 to vector<2000x128xf32>
    %max3A_55 = arith.maximumf %add3A_53, %max3A_54 : vector<2000x128xf32>
    %add3A_56 = arith.addf %max3A_55, %get3A_1 : vector<2000x128xf32>
    %reduce_sum3A = arith.constant dense<0.000000e+00> : vector<2000xf32>
    %reduce_sum3A_57 = vector.multi_reduction <add>, %add3A_56, %reduce_sum3A [1] : vector<2000x128xf32> to vector<2000xf32>
    %broadcast_in_dim3A = vector.shape_cast %reduce_sum3A_57 : vector<2000xf32> to vector<2000x1xf32>
    %div3A = arith.constant 1.280000e+02 : f32
    %div3A_58 = vector.broadcast %div3A : f32 to vector<2000x1xf32>
    %div3A_59 = arith.divf %broadcast_in_dim3A, %div3A_58 : vector<2000x1xf32>
    %sub3A_60 = vector.broadcast %div3A_59 : vector<2000x1xf32> to vector<2000x128xf32>
    %sub3A_61 = arith.subf %add3A_56, %sub3A_60 : vector<2000x128xf32>
    %integer_pow3A = arith.mulf %sub3A_61, %sub3A_61 : vector<2000x128xf32>
    %reduce_sum3A_62 = arith.constant dense<0.000000e+00> : vector<2000xf32>
    %reduce_sum3A_63 = vector.multi_reduction <add>, %integer_pow3A, %reduce_sum3A_62 [1] : vector<2000x128xf32> to vector<2000xf32>
    %broadcast_in_dim3A_64 = vector.shape_cast %reduce_sum3A_63 : vector<2000xf32> to vector<2000x1xf32>
    %div3A_65 = arith.constant 1.280000e+02 : f32
    %div3A_66 = vector.broadcast %div3A_65 : f32 to vector<2000x1xf32>
    %div3A_67 = arith.divf %broadcast_in_dim3A_64, %div3A_66 : vector<2000x1xf32>
    %sub3A_68 = vector.broadcast %div3A_59 : vector<2000x1xf32> to vector<2000x128xf32>
    %sub3A_69 = arith.subf %add3A_56, %sub3A_68 : vector<2000x128xf32>
    %add3A_70 = arith.constant 9.99999974E-6 : f32
    %add3A_71 = vector.broadcast %add3A_70 : f32 to vector<2000x1xf32>
    %add3A_72 = arith.addf %div3A_67, %add3A_71 : vector<2000x1xf32>
    %rsqrt3A = math.rsqrt %add3A_72 : vector<2000x1xf32>
    %mul3A_73 = vector.broadcast %rsqrt3A : vector<2000x1xf32> to vector<2000x128xf32>
    %mul3A_74 = arith.mulf %sub3A_69, %mul3A_73 : vector<2000x128xf32>
    %get3A_75 = arith.constant 0 : index
    %get3A_76 = arith.constant 0 : index
    %get3A_77 = vector.load %arg7[%get3A_75, %get3A_76] : memref<1x128xf32, #tpu.memory_space<vmem>>, vector<1x128xf32>
    %mul3A_78 = vector.broadcast %get3A_77 : vector<1x128xf32> to vector<2000x128xf32>
    %mul3A_79 = arith.mulf %mul3A_74, %mul3A_78 : vector<2000x128xf32>
    %get3A_80 = arith.constant 0 : index
    %get3A_81 = arith.constant 0 : index
    %get3A_82 = vector.load %arg8[%get3A_80, %get3A_81] : memref<1x128xf32, #tpu.memory_space<vmem>>, vector<1x128xf32>
    %add3A_83 = vector.broadcast %get3A_82 : vector<1x128xf32> to vector<2000x128xf32>
    %add3A_84 = arith.addf %mul3A_79, %add3A_83 : vector<2000x128xf32>
    %swap3A = arith.constant 0 : index
    %swap3A_85 = arith.constant 0 : index
    %swap3A_86 = vector.load %arg9[%swap3A, %swap3A_85] : memref<2000x128xf32, #tpu.memory_space<vmem>>, vector<2000x128xf32>
    tpu.vector_store %arg9[%swap3A, %swap3A_85], %add3A_84 {strides = array<i32>} : memref<2000x128xf32, #tpu.memory_space<vmem>>, vector<2000x128xf32>,
    %mul3A_87 = vector.broadcast %get3A_4 : vector<2000x1xf32> to vector<2000x128xf32>
    %mul3A_88 = arith.mulf %mul3A_87, %add3A_84 : vector<2000x128xf32>
    %swap3A_89 = arith.constant 0 : index
    %swap3A_90 = arith.constant 0 : index
    %swap3A_91 = vector.load %arg10[%swap3A_89, %swap3A_90] : memref<2000x128xf32, #tpu.memory_space<vmem>>, vector<2000x128xf32>
    tpu.vector_store %arg10[%swap3A_89, %swap3A_90], %mul3A_88 {strides = array<i32>} : memref<2000x128xf32, #tpu.memory_space<vmem>>, vector<2000x128xf32>,
    return
  }
  func.func @transform_0(%arg0: i32) -> (i32, i32) {
    %c0_i32 = arith.constant 0 : i32
    %c0_i32_0 = arith.constant 0 : i32
    return %arg0, %c0_i32 : i32, i32
  }
  func.func @transform_1(%arg0: i32) -> (i32, i32, i32) {
    %c0_i32 = arith.constant 0 : i32
    %c0_i32_0 = arith.constant 0 : i32
    %c0_i32_1 = arith.constant 0 : i32
    return %c0_i32, %arg0, %c0_i32_0 : i32, i32, i32
  }
  func.func @transform_2(%arg0: i32) -> (i32, i32, i32) {
    %c0_i32 = arith.constant 0 : i32
    %c0_i32_0 = arith.constant 0 : i32
    %c0_i32_1 = arith.constant 0 : i32
    return %c0_i32, %arg0, %c0_i32_0 : i32, i32, i32
  }
  func.func @transform_3(%arg0: i32) -> (i32, i32) {
    %c0_i32 = arith.constant 0 : i32
    %c0_i32_0 = arith.constant 0 : i32
    return %arg0, %c0_i32 : i32, i32
  }
  func.func @transform_4(%arg0: i32) -> (i32, i32, i32) {
    %c0_i32 = arith.constant 0 : i32
    %c0_i32_0 = arith.constant 0 : i32
    %c0_i32_1 = arith.constant 0 : i32
    %c0_i32_2 = arith.constant 0 : i32
    return %c0_i32, %c0_i32_0, %c0_i32_1 : i32, i32, i32
  }
  func.func @transform_5(%arg0: i32) -> (i32, i32) {
    %c0_i32 = arith.constant 0 : i32
    %c0_i32_0 = arith.constant 0 : i32
    %c0_i32_1 = arith.constant 0 : i32
    return %c0_i32, %c0_i32_0 : i32, i32
  }
  func.func @transform_6(%arg0: i32) -> (i32, i32) {
    %c0_i32 = arith.constant 0 : i32
    %c0_i32_0 = arith.constant 0 : i32
    %c0_i32_1 = arith.constant 0 : i32
    return %c0_i32, %c0_i32_0 : i32, i32
  }
  func.func @transform_7(%arg0: i32) -> (i32, i32) {
    %c0_i32 = arith.constant 0 : i32
    %c0_i32_0 = arith.constant 0 : i32
    %c0_i32_1 = arith.constant 0 : i32
    return %c0_i32, %c0_i32_0 : i32, i32
  }
  func.func @transform_8(%arg0: i32) -> (i32, i32) {
    %c0_i32 = arith.constant 0 : i32
    %c0_i32_0 = arith.constant 0 : i32
    return %arg0, %c0_i32 : i32, i32
  }
  func.func @transform_9(%arg0: i32) -> (i32, i32) {
    %c0_i32 = arith.constant 0 : i32
    %c0_i32_0 = arith.constant 0 : i32
    return %arg0, %c0_i32 : i32, i32
  }
}

module attributes {stable_mosaic.version = 14 : i64} {
  func.func @_comb_body(%arg0: i32, %arg1: memref<2000x128xf32, #tpu.memory_space<vmem>>, %arg2: memref<2x2000x128xf32, #tpu.memory_space<vmem>>, %arg3: memref<2x2000x128xf32, #tpu.memory_space<vmem>>, %arg4: memref<2000x1xf32, #tpu.memory_space<vmem>>, %arg5: memref<3x128x128xf32, #tpu.memory_space<vmem>>, %arg6: memref<1x128xf32, #tpu.memory_space<vmem>>, %arg7: memref<1x128xf32, #tpu.memory_space<vmem>>, %arg8: memref<1x128xf32, #tpu.memory_space<vmem>>, %arg9: memref<2000x128xf32, #tpu.memory_space<vmem>>, %arg10: memref<2000x128xf32, #tpu.memory_space<vmem>>) attributes {dimension_semantics = [#tpu.dimension_semantics<arbitrary>], iteration_bounds = array<i64: 5>, scalar_prefetch = 0 : i64, scratch_operands = 0 : i64, tpu.core_type = #tpu.core_type<tc>, window_params = [{transform_indices = @transform_0, window_bounds = array<i64: 2000, 128>}, {transform_indices = @transform_1, window_bounds = array<i64: 2, 2000, 128>}, {transform_indices = @transform_2, window_bounds = array<i64: 2, 2000, 128>}, {transform_indices = @transform_3, window_bounds = array<i64: 2000, 1>}, {pipeline_mode = #tpu.pipeline_mode<synchronous>, transform_indices = @transform_4, window_bounds = array<i64: 3, 128, 128>}, {pipeline_mode = #tpu.pipeline_mode<synchronous>, transform_indices = @transform_5, window_bounds = array<i64: 1, 128>}, {pipeline_mode = #tpu.pipeline_mode<synchronous>, transform_indices = @transform_6, window_bounds = array<i64: 1, 128>}, {pipeline_mode = #tpu.pipeline_mode<synchronous>, transform_indices = @transform_7, window_bounds = array<i64: 1, 128>}, {transform_indices = @transform_8, window_bounds = array<i64: 2000, 128>}, {transform_indices = @transform_9, window_bounds = array<i64: 2000, 128>}]} {
    %get3A = arith.constant 0 : index
    %get3A_0 = arith.constant 0 : index
    %get3A_1 = vector.load %arg1[%get3A, %get3A_0] : memref<2000x128xf32, #tpu.memory_space<vmem>>, vector<2000x128xf32>
    %get3A_2 = arith.constant 0 : index
    %get3A_3 = arith.constant 0 : index
    %get3A_4 = vector.load %arg4[%get3A_2, %get3A_3] : memref<2000x1xf32, #tpu.memory_space<vmem>>, vector<2000x1xf32>
    %neg3A = arith.constant 0.000000e+00 : f32
    %neg3A_5 = vector.broadcast %neg3A : f32 to vector<2000x1xf32>
    %neg3A_6 = arith.subf %neg3A_5, %get3A_4 : vector<2000x1xf32>
    %get3A_7 = arith.constant 0 : index
    %get3A_8 = arith.constant 0 : index
    %get3A_9 = arith.constant 0 : index
    %get3A_10 = vector.load %arg2[%get3A_7, %get3A_8, %get3A_9] : memref<2x2000x128xf32, #tpu.memory_space<vmem>>, vector<1x2000x128xf32>
    %get3A_11 = vector.shape_cast %get3A_10 : vector<1x2000x128xf32> to vector<2000x128xf32>
    %get3A_12 = arith.constant 1 : index
    %get3A_13 = arith.constant 0 : index
    %get3A_14 = arith.constant 0 : index
    %get3A_15 = vector.load %arg2[%get3A_12, %get3A_13, %get3A_14] : memref<2x2000x128xf32, #tpu.memory_space<vmem>>, vector<1x2000x128xf32>
    %get3A_16 = vector.shape_cast %get3A_15 : vector<1x2000x128xf32> to vector<2000x128xf32>
    %add3A = arith.addf %get3A_11, %get3A_16 : vector<2000x128xf32>
    %mul3A = vector.broadcast %neg3A_6 : vector<2000x1xf32> to vector<2000x128xf32>
    %mul3A_17 = arith.mulf %mul3A, %add3A : vector<2000x128xf32>
    %mul3A_18 = arith.constant -2.000000e+00 : f32
    %mul3A_19 = vector.broadcast %mul3A_18 : f32 to vector<2000x1xf32>
    %mul3A_20 = arith.mulf %mul3A_19, %get3A_4 : vector<2000x1xf32>
    %get3A_21 = arith.constant 0 : index
    %get3A_22 = arith.constant 0 : index
    %get3A_23 = arith.constant 0 : index
    %get3A_24 = vector.load %arg3[%get3A_21, %get3A_22, %get3A_23] : memref<2x2000x128xf32, #tpu.memory_space<vmem>>, vector<1x2000x128xf32>
    %get3A_25 = vector.shape_cast %get3A_24 : vector<1x2000x128xf32> to vector<2000x128xf32>
    %get3A_26 = arith.constant 1 : index
    %get3A_27 = arith.constant 0 : index
    %get3A_28 = arith.constant 0 : index
    %get3A_29 = vector.load %arg3[%get3A_26, %get3A_27, %get3A_28] : memref<2x2000x128xf32, #tpu.memory_space<vmem>>, vector<1x2000x128xf32>
    %get3A_30 = vector.shape_cast %get3A_29 : vector<1x2000x128xf32> to vector<2000x128xf32>
    %add3A_31 = arith.addf %get3A_25, %get3A_30 : vector<2000x128xf32>
    %mul3A_32 = vector.broadcast %mul3A_20 : vector<2000x1xf32> to vector<2000x128xf32>
    %mul3A_33 = arith.mulf %mul3A_32, %add3A_31 : vector<2000x128xf32>
    %sub3A = arith.subf %mul3A_33, %get3A_1 : vector<2000x128xf32>
    %get3A_34 = arith.constant 0 : index
    %get3A_35 = arith.constant 0 : index
    %get3A_36 = arith.constant 0 : index
    %get3A_37 = vector.load %arg5[%get3A_34, %get3A_35, %get3A_36] : memref<3x128x128xf32, #tpu.memory_space<vmem>>, vector<3x128x128xf32>
    %slice3A = vector.extract_strided_slice %get3A_37 {offsets = [0, 0, 0], sizes = [1, 128, 128], strides = [1, 1, 1]} : vector<3x128x128xf32> to vector<1x128x128xf32>
    %squeeze3A = vector.shape_cast %slice3A : vector<1x128x128xf32> to vector<128x128xf32>
    %dot_general3A = arith.constant dense<0.000000e+00> : vector<2000x128xf32>
    %dot_general3A_38 = tpu.matmul %get3A_1, %squeeze3A, %dot_general3A {dimension_numbers = #tpu.dot_dimension_numbers<[1], [0], [0], [1], [0, 0, 1, 1], [], []>, precision = #tpu.contract_precision<fp32>, transpose_lhs_hint = false} : vector<2000x128xf32>, vector<128x128xf32>, vector<2000x128xf32> -> vector<2000x128xf32>
    %slice3A_39 = vector.extract_strided_slice %get3A_37 {offsets = [1, 0, 0], sizes = [1, 128, 128], strides = [1, 1, 1]} : vector<3x128x128xf32> to vector<1x128x128xf32>
    %squeeze3A_40 = vector.shape_cast %slice3A_39 : vector<1x128x128xf32> to vector<128x128xf32>
    %dot_general3A_41 = arith.constant dense<0.000000e+00> : vector<2000x128xf32>
    %dot_general3A_42 = tpu.matmul %mul3A_17, %squeeze3A_40, %dot_general3A_41 {dimension_numbers = #tpu.dot_dimension_numbers<[1], [0], [0], [1], [0, 0, 1, 1], [], []>, precision = #tpu.contract_precision<fp32>, transpose_lhs_hint = false} : vector<2000x128xf32>, vector<128x128xf32>, vector<2000x128xf32> -> vector<2000x128xf32>
    %add3A_43 = arith.addf %dot_general3A_38, %dot_general3A_42 : vector<2000x128xf32>
    %slice3A_44 = vector.extract_strided_slice %get3A_37 {offsets = [2, 0, 0], sizes = [1, 128, 128], strides = [1, 1, 1]} : vector<3x128x128xf32> to vector<1x128x128xf32>
    %squeeze3A_45 = vector.shape_cast %slice3A_44 : vector<1x128x128xf32> to vector<128x128xf32>
    %dot_general3A_46 = arith.constant dense<0.000000e+00> : vector<2000x128xf32>
    %dot_general3A_47 = tpu.matmul %sub3A, %squeeze3A_45, %dot_general3A_46 {dimension_numbers = #tpu.dot_dimension_numbers<[1], [0], [0], [1], [0, 0, 1, 1], [], []>, precision = #tpu.contract_precision<fp32>, transpose_lhs_hint = false} : vector<2000x128xf32>, vector<128x128xf32>, vector<2000x128xf32> -> vector<2000x128xf32>
    %add3A_48 = arith.addf %add3A_43, %dot_general3A_47 : vector<2000x128xf32>
    %get3A_49 = arith.constant 0 : index
    %get3A_50 = arith.constant 0 : index
    %get3A_51 = vector.load %arg6[%get3A_49, %get3A_50] : memref<1x128xf32, #tpu.memory_space<vmem>>, vector<1x128xf32>
    %add3A_52 = vector.broadcast %get3A_51 : vector<1x128xf32> to vector<2000x128xf32>
    %add3A_53 = arith.addf %add3A_48, %add3A_52 : vector<2000x128xf32>
    %max3A = arith.constant 0.000000e+00 : f32
    %max3A_54 = vector.broadcast %max3A : f32 to vector<2000x128xf32>
    %max3A_55 = arith.maximumf %add3A_53, %max3A_54 : vector<2000x128xf32>
    %add3A_56 = arith.addf %max3A_55, %get3A_1 : vector<2000x128xf32>
    %reduce_sum3A = arith.constant dense<0.000000e+00> : vector<2000xf32>
    %reduce_sum3A_57 = vector.multi_reduction <add>, %add3A_56, %reduce_sum3A [1] : vector<2000x128xf32> to vector<2000xf32>
    %broadcast_in_dim3A = vector.shape_cast %reduce_sum3A_57 : vector<2000xf32> to vector<2000x1xf32>
    %div3A = arith.constant 1.280000e+02 : f32
    %div3A_58 = vector.broadcast %div3A : f32 to vector<2000x1xf32>
    %div3A_59 = arith.divf %broadcast_in_dim3A, %div3A_58 : vector<2000x1xf32>
    %sub3A_60 = vector.broadcast %div3A_59 : vector<2000x1xf32> to vector<2000x128xf32>
    %sub3A_61 = arith.subf %add3A_56, %sub3A_60 : vector<2000x128xf32>
    %integer_pow3A = arith.mulf %sub3A_61, %sub3A_61 : vector<2000x128xf32>
    %reduce_sum3A_62 = arith.constant dense<0.000000e+00> : vector<2000xf32>
    %reduce_sum3A_63 = vector.multi_reduction <add>, %integer_pow3A, %reduce_sum3A_62 [1] : vector<2000x128xf32> to vector<2000xf32>
    %broadcast_in_dim3A_64 = vector.shape_cast %reduce_sum3A_63 : vector<2000xf32> to vector<2000x1xf32>
    %div3A_65 = arith.constant 1.280000e+02 : f32
    %div3A_66 = vector.broadcast %div3A_65 : f32 to vector<2000x1xf32>
    %div3A_67 = arith.divf %broadcast_in_dim3A_64, %div3A_66 : vector<2000x1xf32>
    %sub3A_68 = vector.broadcast %div3A_59 : vector<2000x1xf32> to vector<2000x128xf32>
    %sub3A_69 = arith.subf %add3A_56, %sub3A_68 : vector<2000x128xf32>
    %add3A_70 = arith.constant 9.99999974E-6 : f32
    %add3A_71 = vector.broadcast %add3A_70 : f32 to vector<2000x1xf32>
    %add3A_72 = arith.addf %div3A_67, %add3A_71 : vector<2000x1xf32>
    %rsqrt3A = math.rsqrt %add3A_72 : vector<2000x1xf32>
    %mul3A_73 = vector.broadcast %rsqrt3A : vector<2000x1xf32> to vector<2000x128xf32>
    %mul3A_74 = arith.mulf %sub3A_69, %mul3A_73 : vector<2000x128xf32>
    %get3A_75 = arith.constant 0 : index
    %get3A_76 = arith.constant 0 : index
    %get3A_77 = vector.load %arg7[%get3A_75, %get3A_76] : memref<1x128xf32, #tpu.memory_space<vmem>>, vector<1x128xf32>
    %mul3A_78 = vector.broadcast %get3A_77 : vector<1x128xf32> to vector<2000x128xf32>
    %mul3A_79 = arith.mulf %mul3A_74, %mul3A_78 : vector<2000x128xf32>
    %get3A_80 = arith.constant 0 : index
    %get3A_81 = arith.constant 0 : index
    %get3A_82 = vector.load %arg8[%get3A_80, %get3A_81] : memref<1x128xf32, #tpu.memory_space<vmem>>, vector<1x128xf32>
    %add3A_83 = vector.broadcast %get3A_82 : vector<1x128xf32> to vector<2000x128xf32>
    %add3A_84 = arith.addf %mul3A_79, %add3A_83 : vector<2000x128xf32>
    %swap3A = arith.constant 0 : index
    %swap3A_85 = arith.constant 0 : index
    %swap3A_86 = vector.load %arg9[%swap3A, %swap3A_85] : memref<2000x128xf32, #tpu.memory_space<vmem>>, vector<2000x128xf32>
    tpu.vector_store %arg9[%swap3A, %swap3A_85], %add3A_84 {strides = array<i32>} : memref<2000x128xf32, #tpu.memory_space<vmem>>, vector<2000x128xf32>,
    %mul3A_87 = vector.broadcast %get3A_4 : vector<2000x1xf32> to vector<2000x128xf32>
    %mul3A_88 = arith.mulf %mul3A_87, %add3A_84 : vector<2000x128xf32>
    %swap3A_89 = arith.constant 0 : index
    %swap3A_90 = arith.constant 0 : index
    %swap3A_91 = vector.load %arg10[%swap3A_89, %swap3A_90] : memref<2000x128xf32, #tpu.memory_space<vmem>>, vector<2000x128xf32>
    tpu.vector_store %arg10[%swap3A_89, %swap3A_90], %mul3A_88 {strides = array<i32>} : memref<2000x128xf32, #tpu.memory_space<vmem>>, vector<2000x128xf32>,
    return
  }
  func.func @transform_0(%arg0: i32) -> (i32, i32) {
    %c0_i32 = arith.constant 0 : i32
    %c0_i32_0 = arith.constant 0 : i32
    return %arg0, %c0_i32 : i32, i32
  }
  func.func @transform_1(%arg0: i32) -> (i32, i32, i32) {
    %c0_i32 = arith.constant 0 : i32
    %c0_i32_0 = arith.constant 0 : i32
    %c0_i32_1 = arith.constant 0 : i32
    return %c0_i32, %arg0, %c0_i32_0 : i32, i32, i32
  }
  func.func @transform_2(%arg0: i32) -> (i32, i32, i32) {
    %c0_i32 = arith.constant 0 : i32
    %c0_i32_0 = arith.constant 0 : i32
    %c0_i32_1 = arith.constant 0 : i32
    return %c0_i32, %arg0, %c0_i32_0 : i32, i32, i32
  }
  func.func @transform_3(%arg0: i32) -> (i32, i32) {
    %c0_i32 = arith.constant 0 : i32
    %c0_i32_0 = arith.constant 0 : i32
    return %arg0, %c0_i32 : i32, i32
  }
  func.func @transform_4(%arg0: i32) -> (i32, i32, i32) {
    %c0_i32 = arith.constant 0 : i32
    %c0_i32_0 = arith.constant 0 : i32
    %c0_i32_1 = arith.constant 0 : i32
    %c0_i32_2 = arith.constant 0 : i32
    return %c0_i32, %c0_i32_0, %c0_i32_1 : i32, i32, i32
  }
  func.func @transform_5(%arg0: i32) -> (i32, i32) {
    %c0_i32 = arith.constant 0 : i32
    %c0_i32_0 = arith.constant 0 : i32
    %c0_i32_1 = arith.constant 0 : i32
    return %c0_i32, %c0_i32_0 : i32, i32
  }
  func.func @transform_6(%arg0: i32) -> (i32, i32) {
    %c0_i32 = arith.constant 0 : i32
    %c0_i32_0 = arith.constant 0 : i32
    %c0_i32_1 = arith.constant 0 : i32
    return %c0_i32, %c0_i32_0 : i32, i32
  }
  func.func @transform_7(%arg0: i32) -> (i32, i32) {
    %c0_i32 = arith.constant 0 : i32
    %c0_i32_0 = arith.constant 0 : i32
    %c0_i32_1 = arith.constant 0 : i32
    return %c0_i32, %c0_i32_0 : i32, i32
  }
  func.func @transform_8(%arg0: i32) -> (i32, i32) {
    %c0_i32 = arith.constant 0 : i32
    %c0_i32_0 = arith.constant 0 : i32
    return %arg0, %c0_i32 : i32, i32
  }
  func.func @transform_9(%arg0: i32) -> (i32, i32) {
    %c0_i32 = arith.constant 0 : i32
    %c0_i32_0 = arith.constant 0 : i32
    return %arg0, %c0_i32 : i32, i32
  }
}

module attributes {stable_mosaic.version = 14 : i64} {
  func.func @_out_body(%arg0: i32, %arg1: memref<2000x128xf32, #tpu.memory_space<vmem>>, %arg2: memref<128x128xf32, #tpu.memory_space<vmem>>, %arg3: memref<1x128xf32, #tpu.memory_space<vmem>>, %arg4: memref<2000x128xf32, #tpu.memory_space<vmem>>) attributes {dimension_semantics = [#tpu.dimension_semantics<arbitrary>], iteration_bounds = array<i64: 5>, scalar_prefetch = 0 : i64, scratch_operands = 0 : i64, tpu.core_type = #tpu.core_type<tc>, window_params = [{transform_indices = @transform_0, window_bounds = array<i64: 2000, 128>}, {pipeline_mode = #tpu.pipeline_mode<synchronous>, transform_indices = @transform_1, window_bounds = array<i64: 128, 128>}, {pipeline_mode = #tpu.pipeline_mode<synchronous>, transform_indices = @transform_2, window_bounds = array<i64: 1, 128>}, {transform_indices = @transform_3, window_bounds = array<i64: 2000, 128>}]} {
    %get3A = arith.constant 0 : index
    %get3A_0 = arith.constant 0 : index
    %get3A_1 = vector.load %arg1[%get3A, %get3A_0] : memref<2000x128xf32, #tpu.memory_space<vmem>>, vector<2000x128xf32>
    %get3A_2 = arith.constant 0 : index
    %get3A_3 = arith.constant 0 : index
    %get3A_4 = vector.load %arg2[%get3A_2, %get3A_3] : memref<128x128xf32, #tpu.memory_space<vmem>>, vector<128x128xf32>
    %dot_general3A = arith.constant dense<0.000000e+00> : vector<2000x128xf32>
    %dot_general3A_5 = tpu.matmul %get3A_1, %get3A_4, %dot_general3A {dimension_numbers = #tpu.dot_dimension_numbers<[1], [0], [0], [1], [0, 0, 1, 1], [], []>, precision = #tpu.contract_precision<fp32>, transpose_lhs_hint = false} : vector<2000x128xf32>, vector<128x128xf32>, vector<2000x128xf32> -> vector<2000x128xf32>
    %get3A_6 = arith.constant 0 : index
    %get3A_7 = arith.constant 0 : index
    %get3A_8 = vector.load %arg3[%get3A_6, %get3A_7] : memref<1x128xf32, #tpu.memory_space<vmem>>, vector<1x128xf32>
    %add3A = vector.broadcast %get3A_8 : vector<1x128xf32> to vector<2000x128xf32>
    %add3A_9 = arith.addf %dot_general3A_5, %add3A : vector<2000x128xf32>
    %swap3A = arith.constant 0 : index
    %swap3A_10 = arith.constant 0 : index
    %swap3A_11 = vector.load %arg4[%swap3A, %swap3A_10] : memref<2000x128xf32, #tpu.memory_space<vmem>>, vector<2000x128xf32>
    tpu.vector_store %arg4[%swap3A, %swap3A_10], %add3A_9 {strides = array<i32>} : memref<2000x128xf32, #tpu.memory_space<vmem>>, vector<2000x128xf32>,
    return
  }
  func.func @transform_0(%arg0: i32) -> (i32, i32) {
    %c0_i32 = arith.constant 0 : i32
    %c0_i32_0 = arith.constant 0 : i32
    return %arg0, %c0_i32 : i32, i32
  }
  func.func @transform_1(%arg0: i32) -> (i32, i32) {
    %c0_i32 = arith.constant 0 : i32
    %c0_i32_0 = arith.constant 0 : i32
    %c0_i32_1 = arith.constant 0 : i32
    return %c0_i32, %c0_i32_0 : i32, i32
  }
  func.func @transform_2(%arg0: i32) -> (i32, i32) {
    %c0_i32 = arith.constant 0 : i32
    %c0_i32_0 = arith.constant 0 : i32
    %c0_i32_1 = arith.constant 0 : i32
    return %c0_i32, %c0_i32_0 : i32, i32
  }
  func.func @transform_3(%arg0: i32) -> (i32, i32) {
    %c0_i32 = arith.constant 0 : i32
    %c0_i32_0 = arith.constant 0 : i32
    return %arg0, %c0_i32 : i32, i32
  }
}

</mosaic_0001>

<sc_bundles>
// kernel: sc_adj_accumulate.11.cloned.1.call-start
scs
__scs_entry_jumppad:
0x0: {  	(pc) =	sbr.rel $0x88, $3  }
0x1: {  	(tag) =	ssettag $0x0;
	lr =	simm.s32 $0x1  }
0x2: {  	[smem:$0x3F97] =	sst lr;
	_ =	strace $0xD0000000  }
0x3: {  	_ = 	snop  }
0x4: {  	_ = 	snop  }
0x5: {  	_ = 	snop  }
0x6: {  	_ = 	snop  }
0x7: {  	_ = 	snop  }
__scs_overlays_trampoline_lowered:
0x8: {  	[smem:$0x3FA6] =	sst s0  }
0x9: {  	[smem:$0x3FA7] =	sst s1  }
0xa: {  	[smem:$0x3FA8] =	sst s2  }
0xb: {  	[smem:$0x3FA9] =	sst s3  }
0xc: {  	[smem:$0x3FAA] =	sst s4  }
0xd: {  	[smem:$0x3FAB] =	sst s5  }
0xe: {  	[smem:$0x3FAC] =	sst s6  }
0xf: {  	[smem:$0x3FAD] =	sst s7  }
0x10: {  	[smem:$0x3FAE] =	sst s8  }
0x11: {  	[smem:$0x3FAF] =	sst s9;
	s0 =	simm.s32 @!p0 $0x0  }
0x12: {  	s1 =	sld [smem:$0x3F95];
	s0 =	simm.s32 @p0 $0x1  }
0x13: {  	[smem:$0x3FB0] =	sst s0;
	s0 =	simm.s32 @!p1 $0x0  }
0x14: {  	s2 =	sld [smem:$0x3F94];
	s0 =	simm.s32 @p1 $0x1  }
0x15: {  	[smem:$0x3FB1] =	sst s0;
	s0 =	simm.s32 @!p2 $0x0  }
0x16: {  	s3 =	sld [smem:$0x3FDB];
	s0 =	simm.s32 @p2 $0x1  }
0x17: {  	s4 =	simm.s32 $0x1BF5;
	[smem:$0x3FB3] =	sst s0  }
0x18: {  	s0 =	sld [smem:$0x3F96];
	_ =	swait.ge [sflag:s4], $0x0  }
0x19: {  	s7 =	sld [smem:$0x3F97]  }
0x1a: {  	s8 =	sadd.s32 $0xFFFFE003, lr  }
0x1b: {  	s9 =	sadd.s32 $0xFFFFFEF7, lr;
	s5 =	simm.s32 $0xFFFFFFFF;
	p2 =	slt.u32 s8, $0xFFFFF086  }
0x1c: {  	p1 =	slt.u32 s9, $0xF7A;
	s5 =	simm.s32 @!p2 $0x0  }
0x1d: {  	s5 =	simm.s32 @p1 $0x1;
	p0 =	seq.s32 s7, s2  }
0x1e: {  	s7 =	smul.u32 @!p0 $0xF7A, s2;
	p2 =	seq.s32 @!p0 s5, $0x0  }
0x1f: {  	s9 =	smul.u32 $0xF7A, s1;
	s8 =	simm.s32 @!p0 $0x1BF5;
	p2 =	por !p2, p0  }
0x20: {  	[sflag:s8] =	ssyncset.s32 @!p0 $0xFFFFF086;
	s6 =	sadd.s32 @!p0 s3, s7;
	s7 =	simm.s32 @!p0 $0x108  }
0x21: {  	s3 =	sadd.s32 s3, s9;
	s6 =	sadd.s32 @!p0 $0x88, s6;
	s7 =	simm.s32 @p2 $0x1082  }
0x22: {  	[simem:s7], [sflag:s8] =	dma.local @!p0 [hbm:s6], $0xF7A  }
0x23: {  	s9 =	sor.u32 $0xD0000000, s2;
	s6 =	simm.s32 $0x108;
	_ =	swait.ge @!p0 [sflag:s8], $0x0  }
0x24: {  	s3 =	sadd.s32 $0x88, s3;
	s6 =	simm.s32 @!p1 $0x1082;
	[sflag:s4] =	ssyncset.s32 $0xFFFFF086  }
0x25: {  	[simem:s6], [sflag:s4] =	dma.local [hbm:s3], $0xF7A  }
0x26: {  	[smem:$0x3F97] =	sst s1;
	(tag) =	ssettag s2;
	_ =	strace s9  }
0x27: {  	s1 =	sld [smem:$0x3FA7]  }
0x28: {  	s2 =	sld [smem:$0x3FA8]  }
0x29: {  	s4 =	sld [smem:$0x3FAA]  }
0x2a: {  	p0 =	seq.s32 s5, $0x0;
	s5 =	sld [smem:$0x3FAB]  }
0x2b: {  	s6 =	sld [smem:$0x3FAC]  }
0x2c: {  	s7 =	sld [smem:$0x3FAD]  }
0x2d: {  	s3 =	simm.s32 $0x108;
	s8 =	sld [smem:$0x3FAE]  }
0x2e: {  	s3 =	simm.s32 @!p0 $0x1082;
	s9 =	sld [smem:$0x3FAF]  }
0x2f: {  	lr =	sadd.s32 s0, s3;
	s0 =	sld [smem:$0x3FA6]  }
0x30: {  	s3 =	sld [smem:$0x3FA9]  }
0x31: {  	[smem:$0x3FB2] =	sst s10  }
0x32: {  	s10 =	sld [smem:$0x3FB0];
	_ =	sdelay $0x3  }
0x33: {  	p0 =	seq.s32 s10, $0x1;
	s10 =	sld [smem:$0x3FB2];
	_ =	sdelay $0x3  }
0x34: {  	[smem:$0x3FB2] =	sst s10  }
0x35: {  	s10 =	sld [smem:$0x3FB1];
	_ =	sdelay $0x3  }
0x36: {  	p1 =	seq.s32 s10, $0x1;
	s10 =	sld [smem:$0x3FB2];
	_ =	sdelay $0x3  }
0x37: {  	[smem:$0x3FB2] =	sst s10  }
0x38: {  	s10 =	sld [smem:$0x3FB3]  }
0x39: {  	_ = 	snop;
	(pc) =	sbr.ind lr, $3  }
0x3a: {  	_ = 	snop  }
0x3b: {  	_ = 	snop  }
0x3c: {  	p2 =	seq.s32 s10, $0x1;
	s10 =	sld [smem:$0x3FB2]  }
0x3d: {  	_ =	shalt  }
0x3e: {  	_ =	shalt  }
0x3f: {  	_ =	shalt  }
0x40: {  	_ =	shalt  }
0x41: {  	_ =	shalt  }
0x42: {  	_ =	shalt  }
0x43: {  	_ =	shalt  }
0x44: {  	_ =	shalt  }
0x45: {  	_ =	shalt  }
0x46: {  	_ =	shalt  }
0x47: {  	_ =	shalt  }
0x48: {  	_ =	shalt  }
0x49: {  	_ =	shalt  }
0x4a: {  	_ =	shalt  }
0x4b: {  	_ =	shalt  }
0x4c: {  	_ =	shalt  }
0x4d: {  	_ =	shalt  }
0x4e: {  	_ =	shalt  }
0x4f: {  	_ =	shalt  }
0x50: {  	_ =	shalt  }
0x51: {  	_ =	shalt  }
0x52: {  	_ =	shalt  }
0x53: {  	_ =	shalt  }
0x54: {  	_ =	shalt  }
0x55: {  	_ =	shalt  }
0x56: {  	_ =	shalt  }
0x57: {  	_ =	shalt  }
0x58: {  	_ =	shalt  }
0x59: {  	_ =	shalt  }
0x5a: {  	_ =	shalt  }
0x5b: {  	_ =	shalt  }
0x5c: {  	_ =	shalt  }
0x5d: {  	_ =	shalt  }
0x5e: {  	_ =	shalt  }
0x5f: {  	_ =	shalt  }
0x60: {  	_ =	shalt  }
0x61: {  	_ =	shalt  }
0x62: {  	_ =	shalt  }
0x63: {  	_ =	shalt  }
0x64: {  	_ =	shalt  }
0x65: {  	_ =	shalt  }
0x66: {  	_ =	shalt  }
0x67: {  	_ =	shalt  }
0x68: {  	_ =	shalt  }
0x69: {  	_ =	shalt  }
0x6a: {  	_ =	shalt  }
0x6b: {  	_ =	shalt  }
0x6c: {  	_ =	shalt  }
0x6d: {  	_ =	shalt  }
0x6e: {  	_ =	shalt  }
0x6f: {  	_ =	shalt  }
0x70: {  	_ =	shalt  }
0x71: {  	_ =	shalt  }
0x72: {  	_ =	shalt  }
0x73: {  	_ =	shalt  }
0x74: {  	_ =	shalt  }
0x75: {  	_ =	shalt  }
0x76: {  	_ =	shalt  }
0x77: {  	_ =	shalt  }
0x78: {  	_ =	shalt  }
0x79: {  	_ =	shalt  }
0x7a: {  	_ =	shalt  }
0x7b: {  	_ =	shalt  }
0x7c: {  	_ =	shalt  }
0x7d: {  	_ =	shalt  }
0x7e: {  	_ =	shalt  }
0x7f: {  	_ =	shalt  }
0x80: {  	_ =	shalt  }
0x81: {  	_ =	shalt  }
0x82: {  	_ =	shalt  }
0x83: {  	_ =	shalt  }
0x84: {  	_ =	shalt  }
0x85: {  	_ =	shalt  }
0x86: {  	_ =	shalt  }
0x87: {  	_ =	shalt  }
.Lfunc_end0:
.L_simem_size_0:
called_computation.2_lowered:
.L_overlay_start_0:
0x88: {  	s2 =	sld [smem:$0x3FD9]  }
0x89: {  	s3 =	sld [smem:$0x3FFE];
	_ =	sdelay $0x1  }
0x8a: {  	s1 =	srdreg.scid  }
0x8b: {  	s0 =	sand.u32 $0x1, s1  }
0x8c: {  	s17 =	sshll.u32 s0, $0xA;
	s2 =	sadd.s32 s3, s2  }
0x8d: {  	s2 =	sadd.s32 s2, s17  }
0x8e: {  	[smem:$0x3FBE] =	sst s2  }
0x8f: {  	_ = 	snop  }
0x90: {  	s2 =	sld [smem:$0x3FD0];
	(tm) =	ssettm $0x1  }
0x91: {  	s18 =	sld [smem:$0x3FFB];
	_ =	sdelay $0x3  }
0x92: {  	_ =	strace s18  }
0x93: {  	s3 =	sld [smem:$0x3FFC];
	_ =	sdelay $0x3  }
0x94: {  	_ =	strace s3  }
0x95: {  	s3 =	sld [smem:$0x3FFD];
	_ =	sdelay $0x3  }
0x96: {  	_ =	strace s3  }
0x97: {  	_ =	strace $0x8FFFFFFF  }
0x98: {  	s19 =	sld [smem:$0x3FDB];
	_ =	sdelay $0x1  }
0x99: {  	s4 =	simm.s32 $_scs_section_size  }
0x9a: {  	s5 =	simm.s32 $_size__tile_overlayer_lowered;
	s6 =	simm.s32 $_tile_overlayer_lowered  }
0x9b: {  	s22 =	simm.s32 $0x1BFF;
	s21 =	sshll.u32 s6, $0x1;
	s3 =	sadd.s32 s4, s19  }
0x9c: {  	s7 =	simm.s32 $0x0;
	s20 =	sshll.u32 s5, $0x1;
	s5 =	sadd.s32 s21, s3  }
0x9d: {  	[timem:s7], [sflag:s22] =	dma.local [hbm:s5], s20  }
0x9e: {  	_ =	swait.ge [sflag:s22], s20  }
0x9f: {  	s4 =	ssub.s32 $0x0, s20;
	[sflag:s22] =	ssyncset.done $0x0  }
0xa0: {  	[sflag:s22] =	ssyncadd.s32 s4;
	_ =	sdelay $0x1  }
0xa1: {  	s23 =	simm.s32 $0x1B8B  }
0xa2: {  	_ =	swait.ge [sflag:s23], $0x1  }
0xa3: {  	[sflag:s23] =	ssyncset.done $0x0  }
0xa4: {  	s25 =	simm.s32 $0x1B8E;
	s24 =	sld [smem:$0x3FFE];
	[sflag:s23] =	ssyncadd.s32 $0xFFFFFFFF  }
0xa5: {  	s26 =	simm.s32 $execute0_lowered;
	[smem:$0x3FD2] =	sst s25  }
0xa6: {  	s5 =	sshll.u32 s26, $0x1;
	_ =	strace $0x8000004C;
	[dreg:$0x1] =	wrdreg $0xFFFFFFFF  }
0xa7: {  	s28 =	simm.s32 $_size_execute0_lowered;
	s3 =	sadd.s32 s3, s5;
	[dreg:$0x0] =	wrdreg $0x0  }
0xa8: {  	s5 =	sshll.u32 s28, $0x1;
	[dreg:$0x2] =	wrdreg s3  }
0xa9: {  	[dreg:$0x3] =	wrdreg s5  }
0xaa: {  	[dreg:$0x4] =	wrdreg $0xC0  }
0xab: {  	_ =	task [dreg:s7], $0x5FFFF  }
0xac: {  	[dreg:$0x1] =	wrdreg $0xFFFFFFFF  }
0xad: {  	[dreg:$0x0] =	wrdreg $0x60  }
0xae: {  	[dreg:$0x2] =	wrdreg s2  }
0xaf: {  	[dreg:$0x3] =	wrdreg s24  }
0xb0: {  	[dreg:$0x4] =	wrdreg $0x90000  }
0xb1: {  	[dreg:$0x5] =	wrdreg $0x9  }
0xb2: {  	_ =	task.clear_ibuf [dreg:s7], $0x6FFFF;
	_ =	strace $0x9000004C  }
0xb3: {  	s29 =	simm.s32 $0x9;
	_ =	strace $0x8000004E  }
0xb4: {  	_ =	swait.ge [sflag:s29], $0x1  }
0xb5: {  	[sflag:s29] =	ssyncadd.s32 $0xFFFFFFFF  }
0xb6: {  	_ =	strace $0x9000004E  }
0xb7: {  	_ =	sfence  }
0xb8: {  	s30 =	sld [smem:$0x0];
	_ =	sdelay $0x2  }
0xb9: {  	s31 =	sshll.u32 s1, $0xD;
	s1 =	sshrl.u32 s1, $0x2  }
0xba: {  	s3 =	sand.u32 $0x4000, s31;
	s1 =	sadd.s32 s1, s30  }
0xbb: {  	s0 =	sor.u32 s3, s0;
	s1 =	sshll.u32 s1, $0x11  }
0xbc: {  	s0 =	sor.u32 s1, s0  }
0xbd: {  	s0 =	sadd.s32 $0x8F2B, s0  }
0xbe: {  	[sflag:s0] =	ssyncadd.remote.s32 $0x1  }
0xbf: {  	_ =	sfence.sel $0xFFFF  }
0xc0: {  	[dreg:$0x0] =	wrdreg $0xFFFFFFFF;
	(pc) =	sbr.abs _section_cstart, $3  }
0xc1: {  	[dreg:$0x1] =	wrdreg $0xFFFFFFFF  }
0xc2: {  	_ =	task.clear_ibuf [dreg:s7], $0x2FFFF;
	_ =	strace $0x9FFFFFFF  }
0xc3: {  	(tm) =	ssettm $0x7FFFFFFF  }
tec
execute0_lowered:
.L_overlay_start_1:
0x0: {  	(tag) =	ssettag $0x1  }
0x1: {  	s1 =	rddreg [dreg:$0x0]  }
0x2: {  	s5 =	rddreg [dreg:$0x1]  }
0x3: {  	s0 =	srdreg.scid;
	s3 =	rddreg [dreg:$0x2]  }
0x4: {  	s4 =	simm.s32 $0x0;
	s21 =	simm.s32 $0x80;
	s22 =	simm.s32 $0x1  }
0x5: {  	s23 =	simm.s32 $0x0;
	s7 =	sand.u32 $0x1, s0;
	s0 =	stileid.u32  }
0x6: {  	[smem:$0x7FF] =	sst s4;
	s16 =	sadd.s32 $0x69A00, s5;
	s8 =	smul.u32 $0x50000, s0  }
0x7: {  	s2 =	sshll.u32 s7, $0x4;
	s9 =	ssub.s32 $0x2, s7;
	s11 =	smul.u32 $0x14000, s0  }
0x8: {  	s19 =	smul.u32 $0x140000, s7;
	s6 =	sor.u32 s0, s2;
	s2 =	rddreg [dreg:$0x3]  }
0x9: {  	_ =	strace $0x8000004D;
	s29 =	sshrl.u32 s9, $0x1;
	s6 =	smul.u32 $0x500, s6  }
0xa: {  	s17 =	ssub.s32 s9, s29;
	s30 =	sshrl.u32 s8, $0x2;
	s13 =	sadd.s32 $0x4000, s11  }
0xb: {  	s14 =	sadd.s32 $0x8000, s11;
	s15 =	sadd.s32 $0xC000, s11;
	s18 =	sadd.s32 $0x10000, s11  }
0xc: {  	s20 =	sadd.s32 s11, s19;
	s7 =	sadd.s32 s14, s3;
	s8 =	sadd.s32 s15, s3  }
0xd: {  	s9 =	sadd.s32 s18, s3;
	s31 =	sshrl.u32 s20, $0x3;
	s14 =	sadd.s32 s19, s14  }
0xe: {  	s15 =	sadd.s32 s19, s15;
	s18 =	sadd.s32 s19, s18;
	s17 =	smax.u32 s17, $0x1  }
0xf: {  	s20 =	simm.s32 $0x2800;
	s12 =	sadd.s32 s6, s5;
	s5 =	sadd.s32 s30, s3  }
0x10: {  	s6 =	sadd.s32 s13, s3;
	s13 =	sadd.s32 s19, s13;
	s14 =	sshrl.u32 s14, $0x3  }
0x11: {  	s15 =	sshrl.u32 s15, $0x3;
	s18 =	sshrl.u32 s18, $0x3;
	s19 =	simm.s32 $0x2  }
0x12: {  	s10 =	sadd.s32 $0xFA00, s12;
	s11 =	sadd.s32 $0x5A00, s12;
	s13 =	sshrl.u32 s13, $0x3  }
0x13: {  	s12 =	sadd.s32 s16, s31;
	s14 =	sadd.s32 s16, s14;
	s15 =	sadd.s32 s16, s15  }
0x14: {  	v0 =	vimm.f32 $0.0e+00;
	s13 =	sadd.s32 s16, s13;
	s16 =	sadd.s32 s16, s18;
	s18 =	simm.s32 $0x5000  }
.LBB2_1:
0x15: {  	s24 =	simm.s32 $0x0;
	s25 =	simm.s32 $0x200  }
.LBB2_2:
0x16: {  	p0 =	sne.s32 s25, $0xFE00;
	[tilespmem:s24+$0x5070] =	vst v0  }
0x17: {  	[tilespmem:s24+$0x5000] =	vst v0  }
0x18: {  	[tilespmem:s24+$0x5010] =	vst v0  }
.Ltmp0:
0x19: {  	[tilespmem:s24+$0x5020] =	vst v0;
	(pc) =	sbr.rel @p0 .LBB2_2-.Ltmp0, $4  }
0x1a: {  	[tilespmem:s24+$0x5030] =	vst v0  }
0x1b: {  	[tilespmem:s24+$0x5040] =	vst v0  }
0x1c: {  	[tilespmem:s24+$0x5050] =	vst v0  }
0x1d: {  	[tilespmem:s24+$0x5060] =	vst v0;
	s24 =	sshra.s32 s25, $0x2;
	s25 =	sadd.s32 $0x200, s25  }
0x1e: {  	[tilespmem:s24+$0x5070] =	vst v0  }
0x1f: {  	[tilespmem:s24+$0x5000] =	vst v0  }
0x20: {  	[tilespmem:s24+$0x5010] =	vst v0  }
0x21: {  	[tilespmem:s24+$0x5020] =	vst v0  }
0x22: {  	[tilespmem:s24+$0x5030] =	vst v0  }
0x23: {  	[tilespmem:s24+$0x5040] =	vst v0  }
0x24: {  	[tilespmem:s24+$0x5050] =	vst v0  }
0x25: {  	[tilespmem:s24+$0x5060] =	vst v0  }
0x26: {  	[spmem:s5] =	stream.linear.scatter [tilespmem:s18], [sflag:$0x2], $0x4000, $0x38;
	[tilespmem:$0x1D000] =	vst v63  }
0x27: {  	_ =	swait.ge [sflag:s19], $0x4000  }
0x28: {  	[sflag:s19] =	ssyncset.done $0x0  }
0x29: {  	[sflag:s19] =	ssyncadd.s32 $0xFFFFC000  }
0x2a: {  	[spmem:s6] =	stream.linear.scatter [tilespmem:s18], [sflag:$0x2], $0x4000, $0x38;
	[tilespmem:$0x1D000] =	vst v63  }
0x2b: {  	_ =	swait.ge [sflag:s19], $0x4000  }
0x2c: {  	[sflag:s19] =	ssyncset.done $0x0  }
0x2d: {  	[sflag:s19] =	ssyncadd.s32 $0xFFFFC000  }
0x2e: {  	[spmem:s7] =	stream.linear.scatter [tilespmem:s18], [sflag:$0x2], $0x4000, $0x38;
	[tilespmem:$0x1D000] =	vst v63  }
0x2f: {  	_ =	swait.ge [sflag:s19], $0x4000  }
0x30: {  	[sflag:s19] =	ssyncset.done $0x0  }
0x31: {  	[sflag:s19] =	ssyncadd.s32 $0xFFFFC000  }
0x32: {  	[spmem:s8] =	stream.linear.scatter [tilespmem:s18], [sflag:$0x2], $0x4000, $0x38;
	[tilespmem:$0x1D000] =	vst v63  }
0x33: {  	_ =	swait.ge [sflag:s19], $0x4000  }
0x34: {  	[sflag:s19] =	ssyncset.done $0x0  }
0x35: {  	[sflag:s19] =	ssyncadd.s32 $0xFFFFC000  }
0x36: {  	[spmem:s9] =	stream.linear.scatter [tilespmem:s18], [sflag:$0x2], $0x4000, $0x38;
	[tilespmem:$0x1D000] =	vst v63  }
0x37: {  	_ =	swait.ge [sflag:s19], $0x4000  }
0x38: {  	[sflag:s19] =	ssyncset.done $0x0  }
0x39: {  	s29 =	simm.s32 $0x0;
	[sflag:s19] =	ssyncadd.s32 $0xFFFFC000  }
0x3a: {  	[tilespmem:s29], [sflag:$0x2] =	stream.linear.gather [hbm4b:s10+s29], $0x2780, $0x38;
	[tilespmem:$0x1D000] =	vst v63  }
0x3b: {  	_ =	swait.ge [sflag:s19], $0x2780  }
0x3c: {  	[sflag:s19] =	ssyncset.done $0x0  }
0x3d: {  	[sflag:s19] =	ssyncadd.s32 $0xFFFFD880  }
0x3e: {  	[tilespmem:s20], [sflag:$0x2] =	stream.linear.gather [hbm4b:s11+s29], $0x2780, $0x38;
	[tilespmem:$0x1D000] =	vst v63  }
0x3f: {  	_ =	swait.ge [sflag:s19], $0x2780  }
0x40: {  	[sflag:s19] =	ssyncset.done $0x0  }
0x41: {  	[sflag:s19] =	ssyncadd.s32 $0xFFFFD880  }
0x42: {  	s30 =	simm.s32 $0x0;
	[bflag:$0x0] =	sbarrier.arrive $0xFFFF  }
0x43: {  	[tilespmem:s18], [sflag:$0x1] =	stream.indirect.gather [hbm4b:s1+s21], $0x80, s30, s21, $0xb8;
	[tilespmem:$0x1D000] =	vst v63  }
0x44: {  	_ =	swait.ge [sflag:s22], $0x4000  }
0x45: {  	[sflag:s22] =	ssyncset.done $0x0  }
0x46: {  	s31 =	simm.s32 $0x2800;
	[sflag:s22] =	ssyncadd.s32 $0xFFFFC000  }
0x47: {  	[spmem:s3] =	stream.indirect.scatter.add.f32 [tilespmem:s18], [sflag:$0x2], $0x80, s31, s21, $0xb8;
	[tilespmem:$0x1D000] =	vst v63  }
0x48: {  	_ =	swait.ge [sflag:s19], $0x4000  }
0x49: {  	s24 =	simm.s32 $0x200;
	s25 =	simm.s32 $0x400;
	[sflag:s19] =	ssyncset.done $0x0  }
.LBB2_4:
0x4a: {  	s26 =	sshra.s32 s24, $0x2  }
0x4b: {  	[sflag:s19] =	ssyncadd.s32 $0xFFFFC000;
	s24 =	smov.u32 s25;
	s28 =	sadd.s32 $0x200, s25  }
0x4c: {  	[tilespmem:s18], [sflag:$0x1] =	stream.indirect.gather [hbm4b:s1+s21], $0x80, s26, s21, $0xb8;
	[tilespmem:$0x1D000] =	vst v63  }
0x4d: {  	p0 =	sne.s32 s25, $0x9C00;
	_ =	swait.ge [sflag:s22], $0x4000  }
.Ltmp1:
0x4e: {  	[sflag:s22] =	ssyncset.done $0x0;
	(pc) =	sbr.rel @p0 .LBB2_4-.Ltmp1, $4  }
0x4f: {  	s25 =	sadd.s32 $0x2800, s26;
	[sflag:s22] =	ssyncadd.s32 $0xFFFFC000  }
0x50: {  	[spmem:s3] =	stream.indirect.scatter.add.f32 [tilespmem:s18], [sflag:$0x2], $0x80, s25, s21, $0xb8;
	[tilespmem:$0x1D000] =	vst v63  }
0x51: {  	_ =	swait.ge [sflag:s19], $0x4000  }
0x52: {  	s25 =	smov.u32 s28;
	[sflag:s19] =	ssyncset.done $0x0  }
0x53: {  	s24 =	sshra.s32 s24, $0x2;
	[sflag:s19] =	ssyncadd.s32 $0xFFFFC000  }
0x54: {  	[tilespmem:s18], [sflag:$0x1] =	stream.indirect.gather [hbm4b:s1+s21], $0x80, s24, s21, $0xb8;
	[tilespmem:$0x1D000] =	vst v63  }
0x55: {  	_ =	swait.ge [sflag:s22], $0x4000  }
0x56: {  	[sflag:s22] =	ssyncset.done $0x0  }
0x57: {  	s24 =	sadd.s32 $0x2800, s24;
	[sflag:s22] =	ssyncadd.s32 $0xFFFFC000  }
0x58: {  	[spmem:s3] =	stream.indirect.scatter.add.f32 [tilespmem:s18], [sflag:$0x2], $0x80, s24, s21, $0xb8;
	[tilespmem:$0x1D000] =	vst v63  }
0x59: {  	_ =	swait.ge [sflag:s19], $0x4000  }
0x5a: {  	[sflag:s19] =	ssyncset.done $0x0  }
0x5b: {  	[sflag:s19] =	ssyncadd.s32 $0xFFFFC000  }
0x5c: {  	[bflag:$0x0] =	sbarrier.arrive $0xFFFF  }
0x5d: {  	[tilespmem:s18], [sflag:$0x2] =	stream.linear.gather [spmem:s5], $0x4000, $0x38;
	[tilespmem:$0x1D000] =	vst v63  }
0x5e: {  	_ =	swait.ge [sflag:s19], $0x4000  }
0x5f: {  	[sflag:s19] =	ssyncset.done $0x0  }
0x60: {  	[sflag:s19] =	ssyncadd.s32 $0xFFFFC000  }
0x61: {  	[hbm4b:s12+s4] =	stream.linear.scatter [tilespmem:s18], [sflag:$0x2], $0x4000, $0x38;
	[tilespmem:$0x1D000] =	vst v63  }
0x62: {  	_ =	swait.ge [sflag:s19], $0x4000  }
0x63: {  	[sflag:s19] =	ssyncset.done $0x0  }
0x64: {  	[sflag:s19] =	ssyncadd.s32 $0xFFFFC000  }
0x65: {  	[tilespmem:s18], [sflag:$0x2] =	stream.linear.gather [spmem:s6], $0x4000, $0x38;
	[tilespmem:$0x1D000] =	vst v63  }
0x66: {  	_ =	swait.ge [sflag:s19], $0x4000  }
0x67: {  	[sflag:s19] =	ssyncset.done $0x0  }
0x68: {  	[sflag:s19] =	ssyncadd.s32 $0xFFFFC000  }
0x69: {  	[hbm4b:s13+s4] =	stream.linear.scatter [tilespmem:s18], [sflag:$0x2], $0x4000, $0x38;
	[tilespmem:$0x1D000] =	vst v63  }
0x6a: {  	_ =	swait.ge [sflag:s19], $0x4000  }
0x6b: {  	[sflag:s19] =	ssyncset.done $0x0  }
0x6c: {  	[sflag:s19] =	ssyncadd.s32 $0xFFFFC000  }
0x6d: {  	[tilespmem:s18], [sflag:$0x2] =	stream.linear.gather [spmem:s7], $0x4000, $0x38;
	[tilespmem:$0x1D000] =	vst v63  }
0x6e: {  	_ =	swait.ge [sflag:s19], $0x4000  }
0x6f: {  	[sflag:s19] =	ssyncset.done $0x0  }
0x70: {  	[sflag:s19] =	ssyncadd.s32 $0xFFFFC000  }
0x71: {  	[hbm4b:s14+s4] =	stream.linear.scatter [tilespmem:s18], [sflag:$0x2], $0x4000, $0x38;
	[tilespmem:$0x1D000] =	vst v63  }
0x72: {  	_ =	swait.ge [sflag:s19], $0x4000  }
0x73: {  	[sflag:s19] =	ssyncset.done $0x0  }
0x74: {  	[sflag:s19] =	ssyncadd.s32 $0xFFFFC000  }
0x75: {  	[tilespmem:s18], [sflag:$0x2] =	stream.linear.gather [spmem:s8], $0x4000, $0x38;
	[tilespmem:$0x1D000] =	vst v63  }
0x76: {  	_ =	swait.ge [sflag:s19], $0x4000  }
0x77: {  	[sflag:s19] =	ssyncset.done $0x0  }
0x78: {  	[sflag:s19] =	ssyncadd.s32 $0xFFFFC000  }
0x79: {  	[hbm4b:s15+s4] =	stream.linear.scatter [tilespmem:s18], [sflag:$0x2], $0x4000, $0x38;
	[tilespmem:$0x1D000] =	vst v63  }
0x7a: {  	_ =	swait.ge [sflag:s19], $0x4000  }
0x7b: {  	[sflag:s19] =	ssyncset.done $0x0  }
0x7c: {  	[sflag:s19] =	ssyncadd.s32 $0xFFFFC000  }
0x7d: {  	[tilespmem:s18], [sflag:$0x2] =	stream.linear.gather [spmem:s9], $0x4000, $0x38;
	[tilespmem:$0x1D000] =	vst v63  }
0x7e: {  	s23 =	sadd.s32 $0x1, s23;
	_ =	swait.ge [sflag:s19], $0x4000  }
0x7f: {  	p0 =	sne.s32 s23, s17;
	[sflag:s19] =	ssyncset.done $0x0  }
.Ltmp2:
0x80: {  	[sflag:s19] =	ssyncadd.s32 $0xFFFFC000;
	(pc) =	sbr.rel @p0 .LBB2_1-.Ltmp2, $4  }
0x81: {  	[hbm4b:s16+s4] =	stream.linear.scatter [tilespmem:s18], [sflag:$0x2], $0x4000, $0x38;
	[tilespmem:$0x1D000] =	vst v63  }
0x82: {  	_ =	swait.ge [sflag:s19], $0x4000  }
0x83: {  	[sflag:s19] =	ssyncset.done $0x0  }
0x84: {  	[sflag:s19] =	ssyncadd.s32 $0xFFFFC000  }
0x85: {  	_ =	sfence.sel $0x180000  }
0x86: {  	[bflag:$0x0] =	sbarrier.arrive $0xFFFF  }
0x87: {  	p0 =	sne.s32 s0, $0x0;
	_ =	strace $0x9000004D  }
0x88: {  	s0 =	sadd.s32 @!p0 $0x100000, s2;
	[bflag:$0x2] =	sbarrier.arrive $0xFFFF  }
0x89: {  	[sflag:s0] =	ssyncadd.tile.s32 @!p0 $0x1;
	_ =	shalt  }
.Lfunc_end2:
_tile_overlayer_lowered:
.L_overlay_start_2:
0x8a: {  	(tag) =	ssettag $0x2  }
0x8b: {  	s0 =	rddreg [dreg:$0x0];
	s2 =	stileid.u32  }
0x8c: {  	s1 =	rddreg [dreg:$0x1];
	p0 =	sne.s32 s2, $0x0  }
0x8d: {  	s3 =	rddreg [dreg:$0x2];
	[bflag:$0x3] =	sbarrier.arrive $0xFFFF;
	s2 =	simm.s32 @!p0 $0x1C02  }
0x8e: {  	[timem:s3], [sflag:s2] =	dma.local @!p0 [hbm:s0], s1  }
0x8f: {  	s0 =	simm.s32 @!p0 $0x2  }
0x90: {  	_ =	swait.ge @!p0 [sflag:s0], s1  }
0x91: {  	s1 =	ssub.s32 @!p0 $0x0, s1;
	[sflag:s0] =	ssyncset.done @!p0 $0x0  }
0x92: {  	[sflag:s0] =	ssyncadd.s32 @!p0 s1  }
0x93: {  	[bflag:$0x3] =	sbarrier.arrive $0xFFFF  }
0x94: {  	_ =	shalt  }

// kernel: sc_adj_accumulate.14.cloned.1.call-start
scs
__scs_entry_jumppad:
0x0: {  	(pc) =	sbr.rel $0x88, $3  }
0x1: {  	(tag) =	ssettag $0x0;
	lr =	simm.s32 $0x1  }
0x2: {  	[smem:$0x3F97] =	sst lr;
	_ =	strace $0xD0000000  }
0x3: {  	_ = 	snop  }
0x4: {  	_ = 	snop  }
0x5: {  	_ = 	snop  }
0x6: {  	_ = 	snop  }
0x7: {  	_ = 	snop  }
__scs_overlays_trampoline_lowered:
0x8: {  	[smem:$0x3FA6] =	sst s0  }
0x9: {  	[smem:$0x3FA7] =	sst s1  }
0xa: {  	[smem:$0x3FA8] =	sst s2  }
0xb: {  	[smem:$0x3FA9] =	sst s3  }
0xc: {  	[smem:$0x3FAA] =	sst s4  }
0xd: {  	[smem:$0x3FAB] =	sst s5  }
0xe: {  	[smem:$0x3FAC] =	sst s6  }
0xf: {  	[smem:$0x3FAD] =	sst s7  }
0x10: {  	[smem:$0x3FAE] =	sst s8  }
0x11: {  	[smem:$0x3FAF] =	sst s9;
	s0 =	simm.s32 @!p0 $0x0  }
0x12: {  	s1 =	sld [smem:$0x3F95];
	s0 =	simm.s32 @p0 $0x1  }
0x13: {  	[smem:$0x3FB0] =	sst s0;
	s0 =	simm.s32 @!p1 $0x0  }
0x14: {  	s2 =	sld [smem:$0x3F94];
	s0 =	simm.s32 @p1 $0x1  }
0x15: {  	[smem:$0x3FB1] =	sst s0;
	s0 =	simm.s32 @!p2 $0x0  }
0x16: {  	s3 =	sld [smem:$0x3FDB];
	s0 =	simm.s32 @p2 $0x1  }
0x17: {  	s4 =	simm.s32 $0x1BF5;
	[smem:$0x3FB3] =	sst s0  }
0x18: {  	s0 =	sld [smem:$0x3F96];
	_ =	swait.ge [sflag:s4], $0x0  }
0x19: {  	s7 =	sld [smem:$0x3F97]  }
0x1a: {  	s8 =	sadd.s32 $0xFFFFE003, lr  }
0x1b: {  	s9 =	sadd.s32 $0xFFFFFEF7, lr;
	s5 =	simm.s32 $0xFFFFFFFF;
	p2 =	slt.u32 s8, $0xFFFFF086  }
0x1c: {  	p1 =	slt.u32 s9, $0xF7A;
	s5 =	simm.s32 @!p2 $0x0  }
0x1d: {  	s5 =	simm.s32 @p1 $0x1;
	p0 =	seq.s32 s7, s2  }
0x1e: {  	s7 =	smul.u32 @!p0 $0xF7A, s2;
	p2 =	seq.s32 @!p0 s5, $0x0  }
0x1f: {  	s9 =	smul.u32 $0xF7A, s1;
	s8 =	simm.s32 @!p0 $0x1BF5;
	p2 =	por !p2, p0  }
0x20: {  	[sflag:s8] =	ssyncset.s32 @!p0 $0xFFFFF086;
	s6 =	sadd.s32 @!p0 s3, s7;
	s7 =	simm.s32 @!p0 $0x108  }
0x21: {  	s3 =	sadd.s32 s3, s9;
	s6 =	sadd.s32 @!p0 $0x88, s6;
	s7 =	simm.s32 @p2 $0x1082  }
0x22: {  	[simem:s7], [sflag:s8] =	dma.local @!p0 [hbm:s6], $0xF7A  }
0x23: {  	s9 =	sor.u32 $0xD0000000, s2;
	s6 =	simm.s32 $0x108;
	_ =	swait.ge @!p0 [sflag:s8], $0x0  }
0x24: {  	s3 =	sadd.s32 $0x88, s3;
	s6 =	simm.s32 @!p1 $0x1082;
	[sflag:s4] =	ssyncset.s32 $0xFFFFF086  }
0x25: {  	[simem:s6], [sflag:s4] =	dma.local [hbm:s3], $0xF7A  }
0x26: {  	[smem:$0x3F97] =	sst s1;
	(tag) =	ssettag s2;
	_ =	strace s9  }
0x27: {  	s1 =	sld [smem:$0x3FA7]  }
0x28: {  	s2 =	sld [smem:$0x3FA8]  }
0x29: {  	s4 =	sld [smem:$0x3FAA]  }
0x2a: {  	p0 =	seq.s32 s5, $0x0;
	s5 =	sld [smem:$0x3FAB]  }
0x2b: {  	s6 =	sld [smem:$0x3FAC]  }
0x2c: {  	s7 =	sld [smem:$0x3FAD]  }
0x2d: {  	s3 =	simm.s32 $0x108;
	s8 =	sld [smem:$0x3FAE]  }
0x2e: {  	s3 =	simm.s32 @!p0 $0x1082;
	s9 =	sld [smem:$0x3FAF]  }
0x2f: {  	lr =	sadd.s32 s0, s3;
	s0 =	sld [smem:$0x3FA6]  }
0x30: {  	s3 =	sld [smem:$0x3FA9]  }
0x31: {  	[smem:$0x3FB2] =	sst s10  }
0x32: {  	s10 =	sld [smem:$0x3FB0];
	_ =	sdelay $0x3  }
0x33: {  	p0 =	seq.s32 s10, $0x1;
	s10 =	sld [smem:$0x3FB2];
	_ =	sdelay $0x3  }
0x34: {  	[smem:$0x3FB2] =	sst s10  }
0x35: {  	s10 =	sld [smem:$0x3FB1];
	_ =	sdelay $0x3  }
0x36: {  	p1 =	seq.s32 s10, $0x1;
	s10 =	sld [smem:$0x3FB2];
	_ =	sdelay $0x3  }
0x37: {  	[smem:$0x3FB2] =	sst s10  }
0x38: {  	s10 =	sld [smem:$0x3FB3]  }
0x39: {  	_ = 	snop;
	(pc) =	sbr.ind lr, $3  }
0x3a: {  	_ = 	snop  }
0x3b: {  	_ = 	snop  }
0x3c: {  	p2 =	seq.s32 s10, $0x1;
	s10 =	sld [smem:$0x3FB2]  }
0x3d: {  	_ =	shalt  }
0x3e: {  	_ =	shalt  }
0x3f: {  	_ =	shalt  }
0x40: {  	_ =	shalt  }
0x41: {  	_ =	shalt  }
0x42: {  	_ =	shalt  }
0x43: {  	_ =	shalt  }
0x44: {  	_ =	shalt  }
0x45: {  	_ =	shalt  }
0x46: {  	_ =	shalt  }
0x47: {  	_ =	shalt  }
0x48: {  	_ =	shalt  }
0x49: {  	_ =	shalt  }
0x4a: {  	_ =	shalt  }
0x4b: {  	_ =	shalt  }
0x4c: {  	_ =	shalt  }
0x4d: {  	_ =	shalt  }
0x4e: {  	_ =	shalt  }
0x4f: {  	_ =	shalt  }
0x50: {  	_ =	shalt  }
0x51: {  	_ =	shalt  }
0x52: {  	_ =	shalt  }
0x53: {  	_ =	shalt  }
0x54: {  	_ =	shalt  }
0x55: {  	_ =	shalt  }
0x56: {  	_ =	shalt  }
0x57: {  	_ =	shalt  }
0x58: {  	_ =	shalt  }
0x59: {  	_ =	shalt  }
0x5a: {  	_ =	shalt  }
0x5b: {  	_ =	shalt  }
0x5c: {  	_ =	shalt  }
0x5d: {  	_ =	shalt  }
0x5e: {  	_ =	shalt  }
0x5f: {  	_ =	shalt  }
0x60: {  	_ =	shalt  }
0x61: {  	_ =	shalt  }
0x62: {  	_ =	shalt  }
0x63: {  	_ =	shalt  }
0x64: {  	_ =	shalt  }
0x65: {  	_ =	shalt  }
0x66: {  	_ =	shalt  }
0x67: {  	_ =	shalt  }
0x68: {  	_ =	shalt  }
0x69: {  	_ =	shalt  }
0x6a: {  	_ =	shalt  }
0x6b: {  	_ =	shalt  }
0x6c: {  	_ =	shalt  }
0x6d: {  	_ =	shalt  }
0x6e: {  	_ =	shalt  }
0x6f: {  	_ =	shalt  }
0x70: {  	_ =	shalt  }
0x71: {  	_ =	shalt  }
0x72: {  	_ =	shalt  }
0x73: {  	_ =	shalt  }
0x74: {  	_ =	shalt  }
0x75: {  	_ =	shalt  }
0x76: {  	_ =	shalt  }
0x77: {  	_ =	shalt  }
0x78: {  	_ =	shalt  }
0x79: {  	_ =	shalt  }
0x7a: {  	_ =	shalt  }
0x7b: {  	_ =	shalt  }
0x7c: {  	_ =	shalt  }
0x7d: {  	_ =	shalt  }
0x7e: {  	_ =	shalt  }
0x7f: {  	_ =	shalt  }
0x80: {  	_ =	shalt  }
0x81: {  	_ =	shalt  }
0x82: {  	_ =	shalt  }
0x83: {  	_ =	shalt  }
0x84: {  	_ =	shalt  }
0x85: {  	_ =	shalt  }
0x86: {  	_ =	shalt  }
0x87: {  	_ =	shalt  }
.Lfunc_end0:
.L_simem_size_0:
called_computation.3_lowered:
.L_overlay_start_0:
0x88: {  	s2 =	sld [smem:$0x3FD9]  }
0x89: {  	s3 =	sld [smem:$0x3FFE];
	_ =	sdelay $0x1  }
0x8a: {  	s1 =	srdreg.scid  }
0x8b: {  	s0 =	sand.u32 $0x1, s1  }
0x8c: {  	s17 =	sshll.u32 s0, $0xA;
	s2 =	sadd.s32 s3, s2  }
0x8d: {  	s2 =	sadd.s32 s2, s17  }
0x8e: {  	[smem:$0x3FBE] =	sst s2  }
0x8f: {  	_ = 	snop  }
0x90: {  	s2 =	sld [smem:$0x3FD0];
	(tm) =	ssettm $0x1  }
0x91: {  	s18 =	sld [smem:$0x3FFB];
	_ =	sdelay $0x3  }
0x92: {  	_ =	strace s18  }
0x93: {  	s3 =	sld [smem:$0x3FFC];
	_ =	sdelay $0x3  }
0x94: {  	_ =	strace s3  }
0x95: {  	s3 =	sld [smem:$0x3FFD];
	_ =	sdelay $0x3  }
0x96: {  	_ =	strace s3  }
0x97: {  	_ =	strace $0x8FFFFFFF  }
0x98: {  	s19 =	sld [smem:$0x3FDB];
	_ =	sdelay $0x1  }
0x99: {  	s4 =	simm.s32 $_scs_section_size  }
0x9a: {  	s5 =	simm.s32 $_size__tile_overlayer_lowered;
	s6 =	simm.s32 $_tile_overlayer_lowered  }
0x9b: {  	s22 =	simm.s32 $0x1BFF;
	s21 =	sshll.u32 s6, $0x1;
	s3 =	sadd.s32 s4, s19  }
0x9c: {  	s7 =	simm.s32 $0x0;
	s20 =	sshll.u32 s5, $0x1;
	s5 =	sadd.s32 s21, s3  }
0x9d: {  	[timem:s7], [sflag:s22] =	dma.local [hbm:s5], s20  }
0x9e: {  	_ =	swait.ge [sflag:s22], s20  }
0x9f: {  	s4 =	ssub.s32 $0x0, s20;
	[sflag:s22] =	ssyncset.done $0x0  }
0xa0: {  	[sflag:s22] =	ssyncadd.s32 s4;
	_ =	sdelay $0x1  }
0xa1: {  	s23 =	simm.s32 $0x1B8B  }
0xa2: {  	_ =	swait.ge [sflag:s23], $0x1  }
0xa3: {  	[sflag:s23] =	ssyncset.done $0x0  }
0xa4: {  	s25 =	simm.s32 $0x1B8E;
	s24 =	sld [smem:$0x3FFE];
	[sflag:s23] =	ssyncadd.s32 $0xFFFFFFFF  }
0xa5: {  	s26 =	simm.s32 $execute0_lowered;
	[smem:$0x3FD2] =	sst s25  }
0xa6: {  	s5 =	sshll.u32 s26, $0x1;
	_ =	strace $0x8000004F;
	[dreg:$0x1] =	wrdreg $0xFFFFFFFF  }
0xa7: {  	s28 =	simm.s32 $_size_execute0_lowered;
	s3 =	sadd.s32 s3, s5;
	[dreg:$0x0] =	wrdreg $0x0  }
0xa8: {  	s5 =	sshll.u32 s28, $0x1;
	[dreg:$0x2] =	wrdreg s3  }
0xa9: {  	[dreg:$0x3] =	wrdreg s5  }
0xaa: {  	[dreg:$0x4] =	wrdreg $0xC0  }
0xab: {  	_ =	task [dreg:s7], $0x5FFFF  }
0xac: {  	[dreg:$0x1] =	wrdreg $0xFFFFFFFF  }
0xad: {  	[dreg:$0x0] =	wrdreg $0x60  }
0xae: {  	[dreg:$0x2] =	wrdreg s2  }
0xaf: {  	[dreg:$0x3] =	wrdreg s24  }
0xb0: {  	[dreg:$0x4] =	wrdreg $0x90000  }
0xb1: {  	[dreg:$0x5] =	wrdreg $0x9  }
0xb2: {  	_ =	task.clear_ibuf [dreg:s7], $0x6FFFF;
	_ =	strace $0x9000004F  }
0xb3: {  	s29 =	simm.s32 $0x9;
	_ =	strace $0x80000051  }
0xb4: {  	_ =	swait.ge [sflag:s29], $0x1  }
0xb5: {  	[sflag:s29] =	ssyncadd.s32 $0xFFFFFFFF  }
0xb6: {  	_ =	strace $0x90000051  }
0xb7: {  	_ =	sfence  }
0xb8: {  	s30 =	sld [smem:$0x0];
	_ =	sdelay $0x2  }
0xb9: {  	s31 =	sshll.u32 s1, $0xD;
	s1 =	sshrl.u32 s1, $0x2  }
0xba: {  	s3 =	sand.u32 $0x4000, s31;
	s1 =	sadd.s32 s1, s30  }
0xbb: {  	s0 =	sor.u32 s3, s0;
	s1 =	sshll.u32 s1, $0x11  }
0xbc: {  	s0 =	sor.u32 s1, s0  }
0xbd: {  	s0 =	sadd.s32 $0x8F2B, s0  }
0xbe: {  	[sflag:s0] =	ssyncadd.remote.s32 $0x1  }
0xbf: {  	_ =	sfence.sel $0xFFFF  }
0xc0: {  	[dreg:$0x0] =	wrdreg $0xFFFFFFFF;
	(pc) =	sbr.abs _section_cstart, $3  }
0xc1: {  	[dreg:$0x1] =	wrdreg $0xFFFFFFFF  }
0xc2: {  	_ =	task.clear_ibuf [dreg:s7], $0x2FFFF;
	_ =	strace $0x9FFFFFFF  }
0xc3: {  	(tm) =	ssettm $0x7FFFFFFF  }
tec
execute0_lowered:
.L_overlay_start_1:
0x0: {  	(tag) =	ssettag $0x1  }
0x1: {  	s1 =	rddreg [dreg:$0x0]  }
0x2: {  	s5 =	rddreg [dreg:$0x1]  }
0x3: {  	s0 =	srdreg.scid;
	s3 =	rddreg [dreg:$0x2]  }
0x4: {  	s4 =	simm.s32 $0x0;
	s21 =	simm.s32 $0x80;
	s22 =	simm.s32 $0x1  }
0x5: {  	s23 =	simm.s32 $0x0;
	s7 =	sand.u32 $0x1, s0;
	s0 =	stileid.u32  }
0x6: {  	[smem:$0x7FF] =	sst s4;
	s16 =	sadd.s32 $0x19A00, s5;
	s8 =	smul.u32 $0x50000, s0  }
0x7: {  	s2 =	sshll.u32 s7, $0x4;
	s9 =	ssub.s32 $0x2, s7;
	s11 =	smul.u32 $0x14000, s0  }
0x8: {  	s19 =	smul.u32 $0x140000, s7;
	s6 =	sor.u32 s0, s2;
	s2 =	rddreg [dreg:$0x3]  }
0x9: {  	_ =	strace $0x80000050;
	s29 =	sshrl.u32 s9, $0x1;
	s6 =	smul.u32 $0x500, s6  }
0xa: {  	s17 =	ssub.s32 s9, s29;
	s30 =	sshrl.u32 s8, $0x2;
	s13 =	sadd.s32 $0x4000, s11  }
0xb: {  	s14 =	sadd.s32 $0x8000, s11;
	s15 =	sadd.s32 $0xC000, s11;
	s18 =	sadd.s32 $0x10000, s11  }
0xc: {  	s20 =	sadd.s32 s11, s19;
	s7 =	sadd.s32 s14, s3;
	s8 =	sadd.s32 s15, s3  }
0xd: {  	s9 =	sadd.s32 s18, s3;
	s31 =	sshrl.u32 s20, $0x3;
	s14 =	sadd.s32 s19, s14  }
0xe: {  	s15 =	sadd.s32 s19, s15;
	s18 =	sadd.s32 s19, s18;
	s17 =	smax.u32 s17, $0x1  }
0xf: {  	s20 =	simm.s32 $0x2800;
	s12 =	sadd.s32 s6, s5;
	s5 =	sadd.s32 s30, s3  }
0x10: {  	s6 =	sadd.s32 s13, s3;
	s13 =	sadd.s32 s19, s13;
	s14 =	sshrl.u32 s14, $0x3  }
0x11: {  	s15 =	sshrl.u32 s15, $0x3;
	s18 =	sshrl.u32 s18, $0x3;
	s19 =	simm.s32 $0x2  }
0x12: {  	s10 =	sadd.s32 $0xFA00, s12;
	s11 =	sadd.s32 $0x5A00, s12;
	s13 =	sshrl.u32 s13, $0x3  }
0x13: {  	s12 =	sadd.s32 s16, s31;
	s14 =	sadd.s32 s16, s14;
	s15 =	sadd.s32 s16, s15  }
0x14: {  	v0 =	vimm.f32 $0.0e+00;
	s13 =	sadd.s32 s16, s13;
	s16 =	sadd.s32 s16, s18;
	s18 =	simm.s32 $0x5000  }
.LBB2_1:
0x15: {  	s24 =	simm.s32 $0x0;
	s25 =	simm.s32 $0x200  }
.LBB2_2:
0x16: {  	p0 =	sne.s32 s25, $0xFE00;
	[tilespmem:s24+$0x5070] =	vst v0  }
0x17: {  	[tilespmem:s24+$0x5000] =	vst v0  }
0x18: {  	[tilespmem:s24+$0x5010] =	vst v0  }
.Ltmp0:
0x19: {  	[tilespmem:s24+$0x5020] =	vst v0;
	(pc) =	sbr.rel @p0 .LBB2_2-.Ltmp0, $4  }
0x1a: {  	[tilespmem:s24+$0x5030] =	vst v0  }
0x1b: {  	[tilespmem:s24+$0x5040] =	vst v0  }
0x1c: {  	[tilespmem:s24+$0x5050] =	vst v0  }
0x1d: {  	[tilespmem:s24+$0x5060] =	vst v0;
	s24 =	sshra.s32 s25, $0x2;
	s25 =	sadd.s32 $0x200, s25  }
0x1e: {  	[tilespmem:s24+$0x5070] =	vst v0  }
0x1f: {  	[tilespmem:s24+$0x5000] =	vst v0  }
0x20: {  	[tilespmem:s24+$0x5010] =	vst v0  }
0x21: {  	[tilespmem:s24+$0x5020] =	vst v0  }
0x22: {  	[tilespmem:s24+$0x5030] =	vst v0  }
0x23: {  	[tilespmem:s24+$0x5040] =	vst v0  }
0x24: {  	[tilespmem:s24+$0x5050] =	vst v0  }
0x25: {  	[tilespmem:s24+$0x5060] =	vst v0  }
0x26: {  	[spmem:s5] =	stream.linear.scatter [tilespmem:s18], [sflag:$0x2], $0x4000, $0x38;
	[tilespmem:$0x1D000] =	vst v63  }
0x27: {  	_ =	swait.ge [sflag:s19], $0x4000  }
0x28: {  	[sflag:s19] =	ssyncset.done $0x0  }
0x29: {  	[sflag:s19] =	ssyncadd.s32 $0xFFFFC000  }
0x2a: {  	[spmem:s6] =	stream.linear.scatter [tilespmem:s18], [sflag:$0x2], $0x4000, $0x38;
	[tilespmem:$0x1D000] =	vst v63  }
0x2b: {  	_ =	swait.ge [sflag:s19], $0x4000  }
0x2c: {  	[sflag:s19] =	ssyncset.done $0x0  }
0x2d: {  	[sflag:s19] =	ssyncadd.s32 $0xFFFFC000  }
0x2e: {  	[spmem:s7] =	stream.linear.scatter [tilespmem:s18], [sflag:$0x2], $0x4000, $0x38;
	[tilespmem:$0x1D000] =	vst v63  }
0x2f: {  	_ =	swait.ge [sflag:s19], $0x4000  }
0x30: {  	[sflag:s19] =	ssyncset.done $0x0  }
0x31: {  	[sflag:s19] =	ssyncadd.s32 $0xFFFFC000  }
0x32: {  	[spmem:s8] =	stream.linear.scatter [tilespmem:s18], [sflag:$0x2], $0x4000, $0x38;
	[tilespmem:$0x1D000] =	vst v63  }
0x33: {  	_ =	swait.ge [sflag:s19], $0x4000  }
0x34: {  	[sflag:s19] =	ssyncset.done $0x0  }
0x35: {  	[sflag:s19] =	ssyncadd.s32 $0xFFFFC000  }
0x36: {  	[spmem:s9] =	stream.linear.scatter [tilespmem:s18], [sflag:$0x2], $0x4000, $0x38;
	[tilespmem:$0x1D000] =	vst v63  }
0x37: {  	_ =	swait.ge [sflag:s19], $0x4000  }
0x38: {  	[sflag:s19] =	ssyncset.done $0x0  }
0x39: {  	s29 =	simm.s32 $0x0;
	[sflag:s19] =	ssyncadd.s32 $0xFFFFC000  }
0x3a: {  	[tilespmem:s29], [sflag:$0x2] =	stream.linear.gather [hbm4b:s10+s29], $0x2780, $0x38;
	[tilespmem:$0x1D000] =	vst v63  }
0x3b: {  	_ =	swait.ge [sflag:s19], $0x2780  }
0x3c: {  	[sflag:s19] =	ssyncset.done $0x0  }
0x3d: {  	[sflag:s19] =	ssyncadd.s32 $0xFFFFD880  }
0x3e: {  	[tilespmem:s20], [sflag:$0x2] =	stream.linear.gather [hbm4b:s11+s29], $0x2780, $0x38;
	[tilespmem:$0x1D000] =	vst v63  }
0x3f: {  	_ =	swait.ge [sflag:s19], $0x2780  }
0x40: {  	[sflag:s19] =	ssyncset.done $0x0  }
0x41: {  	[sflag:s19] =	ssyncadd.s32 $0xFFFFD880  }
0x42: {  	s30 =	simm.s32 $0x0;
	[bflag:$0x0] =	sbarrier.arrive $0xFFFF  }
0x43: {  	[tilespmem:s18], [sflag:$0x1] =	stream.indirect.gather [hbm4b:s1+s21], $0x80, s30, s21, $0xb8;
	[tilespmem:$0x1D000] =	vst v63  }
0x44: {  	_ =	swait.ge [sflag:s22], $0x4000  }
0x45: {  	[sflag:s22] =	ssyncset.done $0x0  }
0x46: {  	s31 =	simm.s32 $0x2800;
	[sflag:s22] =	ssyncadd.s32 $0xFFFFC000  }
0x47: {  	[spmem:s3] =	stream.indirect.scatter.add.f32 [tilespmem:s18], [sflag:$0x2], $0x80, s31, s21, $0xb8;
	[tilespmem:$0x1D000] =	vst v63  }
0x48: {  	_ =	swait.ge [sflag:s19], $0x4000  }
0x49: {  	s24 =	simm.s32 $0x200;
	s25 =	simm.s32 $0x400;
	[sflag:s19] =	ssyncset.done $0x0  }
.LBB2_4:
0x4a: {  	s26 =	sshra.s32 s24, $0x2  }
0x4b: {  	[sflag:s19] =	ssyncadd.s32 $0xFFFFC000;
	s24 =	smov.u32 s25;
	s28 =	sadd.s32 $0x200, s25  }
0x4c: {  	[tilespmem:s18], [sflag:$0x1] =	stream.indirect.gather [hbm4b:s1+s21], $0x80, s26, s21, $0xb8;
	[tilespmem:$0x1D000] =	vst v63  }
0x4d: {  	p0 =	sne.s32 s25, $0x9C00;
	_ =	swait.ge [sflag:s22], $0x4000  }
.Ltmp1:
0x4e: {  	[sflag:s22] =	ssyncset.done $0x0;
	(pc) =	sbr.rel @p0 .LBB2_4-.Ltmp1, $4  }
0x4f: {  	s25 =	sadd.s32 $0x2800, s26;
	[sflag:s22] =	ssyncadd.s32 $0xFFFFC000  }
0x50: {  	[spmem:s3] =	stream.indirect.scatter.add.f32 [tilespmem:s18], [sflag:$0x2], $0x80, s25, s21, $0xb8;
	[tilespmem:$0x1D000] =	vst v63  }
0x51: {  	_ =	swait.ge [sflag:s19], $0x4000  }
0x52: {  	s25 =	smov.u32 s28;
	[sflag:s19] =	ssyncset.done $0x0  }
0x53: {  	s24 =	sshra.s32 s24, $0x2;
	[sflag:s19] =	ssyncadd.s32 $0xFFFFC000  }
0x54: {  	[tilespmem:s18], [sflag:$0x1] =	stream.indirect.gather [hbm4b:s1+s21], $0x80, s24, s21, $0xb8;
	[tilespmem:$0x1D000] =	vst v63  }
0x55: {  	_ =	swait.ge [sflag:s22], $0x4000  }
0x56: {  	[sflag:s22] =	ssyncset.done $0x0  }
0x57: {  	s24 =	sadd.s32 $0x2800, s24;
	[sflag:s22] =	ssyncadd.s32 $0xFFFFC000  }
0x58: {  	[spmem:s3] =	stream.indirect.scatter.add.f32 [tilespmem:s18], [sflag:$0x2], $0x80, s24, s21, $0xb8;
	[tilespmem:$0x1D000] =	vst v63  }
0x59: {  	_ =	swait.ge [sflag:s19], $0x4000  }
0x5a: {  	[sflag:s19] =	ssyncset.done $0x0  }
0x5b: {  	[sflag:s19] =	ssyncadd.s32 $0xFFFFC000  }
0x5c: {  	[bflag:$0x0] =	sbarrier.arrive $0xFFFF  }
0x5d: {  	[tilespmem:s18], [sflag:$0x2] =	stream.linear.gather [spmem:s5], $0x4000, $0x38;
	[tilespmem:$0x1D000] =	vst v63  }
0x5e: {  	_ =	swait.ge [sflag:s19], $0x4000  }
0x5f: {  	[sflag:s19] =	ssyncset.done $0x0  }
0x60: {  	[sflag:s19] =	ssyncadd.s32 $0xFFFFC000  }
0x61: {  	[hbm4b:s12+s4] =	stream.linear.scatter [tilespmem:s18], [sflag:$0x2], $0x4000, $0x38;
	[tilespmem:$0x1D000] =	vst v63  }
0x62: {  	_ =	swait.ge [sflag:s19], $0x4000  }
0x63: {  	[sflag:s19] =	ssyncset.done $0x0  }
0x64: {  	[sflag:s19] =	ssyncadd.s32 $0xFFFFC000  }
0x65: {  	[tilespmem:s18], [sflag:$0x2] =	stream.linear.gather [spmem:s6], $0x4000, $0x38;
	[tilespmem:$0x1D000] =	vst v63  }
0x66: {  	_ =	swait.ge [sflag:s19], $0x4000  }
0x67: {  	[sflag:s19] =	ssyncset.done $0x0  }
0x68: {  	[sflag:s19] =	ssyncadd.s32 $0xFFFFC000  }
0x69: {  	[hbm4b:s13+s4] =	stream.linear.scatter [tilespmem:s18], [sflag:$0x2], $0x4000, $0x38;
	[tilespmem:$0x1D000] =	vst v63  }
0x6a: {  	_ =	swait.ge [sflag:s19], $0x4000  }
0x6b: {  	[sflag:s19] =	ssyncset.done $0x0  }
0x6c: {  	[sflag:s19] =	ssyncadd.s32 $0xFFFFC000  }
0x6d: {  	[tilespmem:s18], [sflag:$0x2] =	stream.linear.gather [spmem:s7], $0x4000, $0x38;
	[tilespmem:$0x1D000] =	vst v63  }
0x6e: {  	_ =	swait.ge [sflag:s19], $0x4000  }
0x6f: {  	[sflag:s19] =	ssyncset.done $0x0  }
0x70: {  	[sflag:s19] =	ssyncadd.s32 $0xFFFFC000  }
0x71: {  	[hbm4b:s14+s4] =	stream.linear.scatter [tilespmem:s18], [sflag:$0x2], $0x4000, $0x38;
	[tilespmem:$0x1D000] =	vst v63  }
0x72: {  	_ =	swait.ge [sflag:s19], $0x4000  }
0x73: {  	[sflag:s19] =	ssyncset.done $0x0  }
0x74: {  	[sflag:s19] =	ssyncadd.s32 $0xFFFFC000  }
0x75: {  	[tilespmem:s18], [sflag:$0x2] =	stream.linear.gather [spmem:s8], $0x4000, $0x38;
	[tilespmem:$0x1D000] =	vst v63  }
0x76: {  	_ =	swait.ge [sflag:s19], $0x4000  }
0x77: {  	[sflag:s19] =	ssyncset.done $0x0  }
0x78: {  	[sflag:s19] =	ssyncadd.s32 $0xFFFFC000  }
0x79: {  	[hbm4b:s15+s4] =	stream.linear.scatter [tilespmem:s18], [sflag:$0x2], $0x4000, $0x38;
	[tilespmem:$0x1D000] =	vst v63  }
0x7a: {  	_ =	swait.ge [sflag:s19], $0x4000  }
0x7b: {  	[sflag:s19] =	ssyncset.done $0x0  }
0x7c: {  	[sflag:s19] =	ssyncadd.s32 $0xFFFFC000  }
0x7d: {  	[tilespmem:s18], [sflag:$0x2] =	stream.linear.gather [spmem:s9], $0x4000, $0x38;
	[tilespmem:$0x1D000] =	vst v63  }
0x7e: {  	s23 =	sadd.s32 $0x1, s23;
	_ =	swait.ge [sflag:s19], $0x4000  }
0x7f: {  	p0 =	sne.s32 s23, s17;
	[sflag:s19] =	ssyncset.done $0x0  }
.Ltmp2:
0x80: {  	[sflag:s19] =	ssyncadd.s32 $0xFFFFC000;
	(pc) =	sbr.rel @p0 .LBB2_1-.Ltmp2, $4  }
0x81: {  	[hbm4b:s16+s4] =	stream.linear.scatter [tilespmem:s18], [sflag:$0x2], $0x4000, $0x38;
	[tilespmem:$0x1D000] =	vst v63  }
0x82: {  	_ =	swait.ge [sflag:s19], $0x4000  }
0x83: {  	[sflag:s19] =	ssyncset.done $0x0  }
0x84: {  	[sflag:s19] =	ssyncadd.s32 $0xFFFFC000  }
0x85: {  	_ =	sfence.sel $0x180000  }
0x86: {  	[bflag:$0x0] =	sbarrier.arrive $0xFFFF  }
0x87: {  	p0 =	sne.s32 s0, $0x0;
	_ =	strace $0x90000050  }
0x88: {  	s0 =	sadd.s32 @!p0 $0x100000, s2;
	[bflag:$0x2] =	sbarrier.arrive $0xFFFF  }
0x89: {  	[sflag:s0] =	ssyncadd.tile.s32 @!p0 $0x1;
	_ =	shalt  }
.Lfunc_end2:
_tile_overlayer_lowered:
.L_overlay_start_2:
0x8a: {  	(tag) =	ssettag $0x2  }
0x8b: {  	s0 =	rddreg [dreg:$0x0];
	s2 =	stileid.u32  }
0x8c: {  	s1 =	rddreg [dreg:$0x1];
	p0 =	sne.s32 s2, $0x0  }
0x8d: {  	s3 =	rddreg [dreg:$0x2];
	[bflag:$0x3] =	sbarrier.arrive $0xFFFF;
	s2 =	simm.s32 @!p0 $0x1C02  }
0x8e: {  	[timem:s3], [sflag:s2] =	dma.local @!p0 [hbm:s0], s1  }
0x8f: {  	s0 =	simm.s32 @!p0 $0x2  }
0x90: {  	_ =	swait.ge @!p0 [sflag:s0], s1  }
0x91: {  	s1 =	ssub.s32 @!p0 $0x0, s1;
	[sflag:s0] =	ssyncset.done @!p0 $0x0  }
0x92: {  	[sflag:s0] =	ssyncadd.s32 @!p0 s1  }
0x93: {  	[bflag:$0x3] =	sbarrier.arrive $0xFFFF  }
0x94: {  	_ =	shalt  }

// kernel: sc_adj_accumulate.17.cloned.1.call-start
scs
__scs_entry_jumppad:
0x0: {  	(pc) =	sbr.rel $0x88, $3  }
0x1: {  	(tag) =	ssettag $0x0;
	lr =	simm.s32 $0x1  }
0x2: {  	[smem:$0x3F97] =	sst lr;
	_ =	strace $0xD0000000  }
0x3: {  	_ = 	snop  }
0x4: {  	_ = 	snop  }
0x5: {  	_ = 	snop  }
0x6: {  	_ = 	snop  }
0x7: {  	_ = 	snop  }
__scs_overlays_trampoline_lowered:
0x8: {  	[smem:$0x3FA6] =	sst s0  }
0x9: {  	[smem:$0x3FA7] =	sst s1  }
0xa: {  	[smem:$0x3FA8] =	sst s2  }
0xb: {  	[smem:$0x3FA9] =	sst s3  }
0xc: {  	[smem:$0x3FAA] =	sst s4  }
0xd: {  	[smem:$0x3FAB] =	sst s5  }
0xe: {  	[smem:$0x3FAC] =	sst s6  }
0xf: {  	[smem:$0x3FAD] =	sst s7  }
0x10: {  	[smem:$0x3FAE] =	sst s8  }
0x11: {  	[smem:$0x3FAF] =	sst s9;
	s0 =	simm.s32 @!p0 $0x0  }
0x12: {  	s1 =	sld [smem:$0x3F95];
	s0 =	simm.s32 @p0 $0x1  }
0x13: {  	[smem:$0x3FB0] =	sst s0;
	s0 =	simm.s32 @!p1 $0x0  }
0x14: {  	s2 =	sld [smem:$0x3F94];
	s0 =	simm.s32 @p1 $0x1  }
0x15: {  	[smem:$0x3FB1] =	sst s0;
	s0 =	simm.s32 @!p2 $0x0  }
0x16: {  	s3 =	sld [smem:$0x3FDB];
	s0 =	simm.s32 @p2 $0x1  }
0x17: {  	s4 =	simm.s32 $0x1BF5;
	[smem:$0x3FB3] =	sst s0  }
0x18: {  	s0 =	sld [smem:$0x3F96];
	_ =	swait.ge [sflag:s4], $0x0  }
0x19: {  	s7 =	sld [smem:$0x3F97]  }
0x1a: {  	s8 =	sadd.s32 $0xFFFFE003, lr  }
0x1b: {  	s9 =	sadd.s32 $0xFFFFFEF7, lr;
	s5 =	simm.s32 $0xFFFFFFFF;
	p2 =	slt.u32 s8, $0xFFFFF086  }
0x1c: {  	p1 =	slt.u32 s9, $0xF7A;
	s5 =	simm.s32 @!p2 $0x0  }
0x1d: {  	s5 =	simm.s32 @p1 $0x1;
	p0 =	seq.s32 s7, s2  }
0x1e: {  	s7 =	smul.u32 @!p0 $0xF7A, s2;
	p2 =	seq.s32 @!p0 s5, $0x0  }
0x1f: {  	s9 =	smul.u32 $0xF7A, s1;
	s8 =	simm.s32 @!p0 $0x1BF5;
	p2 =	por !p2, p0  }
0x20: {  	[sflag:s8] =	ssyncset.s32 @!p0 $0xFFFFF086;
	s6 =	sadd.s32 @!p0 s3, s7;
	s7 =	simm.s32 @!p0 $0x108  }
0x21: {  	s3 =	sadd.s32 s3, s9;
	s6 =	sadd.s32 @!p0 $0x88, s6;
	s7 =	simm.s32 @p2 $0x1082  }
0x22: {  	[simem:s7], [sflag:s8] =	dma.local @!p0 [hbm:s6], $0xF7A  }
0x23: {  	s9 =	sor.u32 $0xD0000000, s2;
	s6 =	simm.s32 $0x108;
	_ =	swait.ge @!p0 [sflag:s8], $0x0  }
0x24: {  	s3 =	sadd.s32 $0x88, s3;
	s6 =	simm.s32 @!p1 $0x1082;
	[sflag:s4] =	ssyncset.s32 $0xFFFFF086  }
0x25: {  	[simem:s6], [sflag:s4] =	dma.local [hbm:s3], $0xF7A  }
0x26: {  	[smem:$0x3F97] =	sst s1;
	(tag) =	ssettag s2;
	_ =	strace s9  }
0x27: {  	s1 =	sld [smem:$0x3FA7]  }
0x28: {  	s2 =	sld [smem:$0x3FA8]  }
0x29: {  	s4 =	sld [smem:$0x3FAA]  }
0x2a: {  	p0 =	seq.s32 s5, $0x0;
	s5 =	sld [smem:$0x3FAB]  }
0x2b: {  	s6 =	sld [smem:$0x3FAC]  }
0x2c: {  	s7 =	sld [smem:$0x3FAD]  }
0x2d: {  	s3 =	simm.s32 $0x108;
	s8 =	sld [smem:$0x3FAE]  }
0x2e: {  	s3 =	simm.s32 @!p0 $0x1082;
	s9 =	sld [smem:$0x3FAF]  }
0x2f: {  	lr =	sadd.s32 s0, s3;
	s0 =	sld [smem:$0x3FA6]  }
0x30: {  	s3 =	sld [smem:$0x3FA9]  }
0x31: {  	[smem:$0x3FB2] =	sst s10  }
0x32: {  	s10 =	sld [smem:$0x3FB0];
	_ =	sdelay $0x3  }
0x33: {  	p0 =	seq.s32 s10, $0x1;
	s10 =	sld [smem:$0x3FB2];
	_ =	sdelay $0x3  }
0x34: {  	[smem:$0x3FB2] =	sst s10  }
0x35: {  	s10 =	sld [smem:$0x3FB1];
	_ =	sdelay $0x3  }
0x36: {  	p1 =	seq.s32 s10, $0x1;
	s10 =	sld [smem:$0x3FB2];
	_ =	sdelay $0x3  }
0x37: {  	[smem:$0x3FB2] =	sst s10  }
0x38: {  	s10 =	sld [smem:$0x3FB3]  }
0x39: {  	_ = 	snop;
	(pc) =	sbr.ind lr, $3  }
0x3a: {  	_ = 	snop  }
0x3b: {  	_ = 	snop  }
0x3c: {  	p2 =	seq.s32 s10, $0x1;
	s10 =	sld [smem:$0x3FB2]  }
0x3d: {  	_ =	shalt  }
0x3e: {  	_ =	shalt  }
0x3f: {  	_ =	shalt  }
0x40: {  	_ =	shalt  }
0x41: {  	_ =	shalt  }
0x42: {  	_ =	shalt  }
0x43: {  	_ =	shalt  }
0x44: {  	_ =	shalt  }
0x45: {  	_ =	shalt  }
0x46: {  	_ =	shalt  }
0x47: {  	_ =	shalt  }
0x48: {  	_ =	shalt  }
0x49: {  	_ =	shalt  }
0x4a: {  	_ =	shalt  }
0x4b: {  	_ =	shalt  }
0x4c: {  	_ =	shalt  }
0x4d: {  	_ =	shalt  }
0x4e: {  	_ =	shalt  }
0x4f: {  	_ =	shalt  }
0x50: {  	_ =	shalt  }
0x51: {  	_ =	shalt  }
0x52: {  	_ =	shalt  }
0x53: {  	_ =	shalt  }
0x54: {  	_ =	shalt  }
0x55: {  	_ =	shalt  }
0x56: {  	_ =	shalt  }
0x57: {  	_ =	shalt  }
0x58: {  	_ =	shalt  }
0x59: {  	_ =	shalt  }
0x5a: {  	_ =	shalt  }
0x5b: {  	_ =	shalt  }
0x5c: {  	_ =	shalt  }
0x5d: {  	_ =	shalt  }
0x5e: {  	_ =	shalt  }
0x5f: {  	_ =	shalt  }
0x60: {  	_ =	shalt  }
0x61: {  	_ =	shalt  }
0x62: {  	_ =	shalt  }
0x63: {  	_ =	shalt  }
0x64: {  	_ =	shalt  }
0x65: {  	_ =	shalt  }
0x66: {  	_ =	shalt  }
0x67: {  	_ =	shalt  }
0x68: {  	_ =	shalt  }
0x69: {  	_ =	shalt  }
0x6a: {  	_ =	shalt  }
0x6b: {  	_ =	shalt  }
0x6c: {  	_ =	shalt  }
0x6d: {  	_ =	shalt  }
0x6e: {  	_ =	shalt  }
0x6f: {  	_ =	shalt  }
0x70: {  	_ =	shalt  }
0x71: {  	_ =	shalt  }
0x72: {  	_ =	shalt  }
0x73: {  	_ =	shalt  }
0x74: {  	_ =	shalt  }
0x75: {  	_ =	shalt  }
0x76: {  	_ =	shalt  }
0x77: {  	_ =	shalt  }
0x78: {  	_ =	shalt  }
0x79: {  	_ =	shalt  }
0x7a: {  	_ =	shalt  }
0x7b: {  	_ =	shalt  }
0x7c: {  	_ =	shalt  }
0x7d: {  	_ =	shalt  }
0x7e: {  	_ =	shalt  }
0x7f: {  	_ =	shalt  }
0x80: {  	_ =	shalt  }
0x81: {  	_ =	shalt  }
0x82: {  	_ =	shalt  }
0x83: {  	_ =	shalt  }
0x84: {  	_ =	shalt  }
0x85: {  	_ =	shalt  }
0x86: {  	_ =	shalt  }
0x87: {  	_ =	shalt  }
.Lfunc_end0:
.L_simem_size_0:
called_computation.4_lowered:
.L_overlay_start_0:
0x88: {  	s2 =	sld [smem:$0x3FD9]  }
0x89: {  	s3 =	sld [smem:$0x3FFE];
	_ =	sdelay $0x1  }
0x8a: {  	s1 =	srdreg.scid  }
0x8b: {  	s0 =	sand.u32 $0x1, s1  }
0x8c: {  	s17 =	sshll.u32 s0, $0xA;
	s2 =	sadd.s32 s3, s2  }
0x8d: {  	s2 =	sadd.s32 s2, s17  }
0x8e: {  	[smem:$0x3FBE] =	sst s2  }
0x8f: {  	_ = 	snop  }
0x90: {  	s2 =	sld [smem:$0x3FD0];
	(tm) =	ssettm $0x1  }
0x91: {  	s18 =	sld [smem:$0x3FFB];
	_ =	sdelay $0x3  }
0x92: {  	_ =	strace s18  }
0x93: {  	s3 =	sld [smem:$0x3FFC];
	_ =	sdelay $0x3  }
0x94: {  	_ =	strace s3  }
0x95: {  	s3 =	sld [smem:$0x3FFD];
	_ =	sdelay $0x3  }
0x96: {  	_ =	strace s3  }
0x97: {  	_ =	strace $0x8FFFFFFF  }
0x98: {  	s19 =	sld [smem:$0x3FDB];
	_ =	sdelay $0x1  }
0x99: {  	s4 =	simm.s32 $_scs_section_size  }
0x9a: {  	s5 =	simm.s32 $_size__tile_overlayer_lowered;
	s6 =	simm.s32 $_tile_overlayer_lowered  }
0x9b: {  	s22 =	simm.s32 $0x1BFF;
	s21 =	sshll.u32 s6, $0x1;
	s3 =	sadd.s32 s4, s19  }
0x9c: {  	s7 =	simm.s32 $0x0;
	s20 =	sshll.u32 s5, $0x1;
	s5 =	sadd.s32 s21, s3  }
0x9d: {  	[timem:s7], [sflag:s22] =	dma.local [hbm:s5], s20  }
0x9e: {  	_ =	swait.ge [sflag:s22], s20  }
0x9f: {  	s4 =	ssub.s32 $0x0, s20;
	[sflag:s22] =	ssyncset.done $0x0  }
0xa0: {  	[sflag:s22] =	ssyncadd.s32 s4;
	_ =	sdelay $0x1  }
0xa1: {  	s23 =	simm.s32 $0x1B8B  }
0xa2: {  	_ =	swait.ge [sflag:s23], $0x1  }
0xa3: {  	[sflag:s23] =	ssyncset.done $0x0  }
0xa4: {  	s25 =	simm.s32 $0x1B8E;
	s24 =	sld [smem:$0x3FFE];
	[sflag:s23] =	ssyncadd.s32 $0xFFFFFFFF  }
0xa5: {  	s26 =	simm.s32 $execute0_lowered;
	[smem:$0x3FD2] =	sst s25  }
0xa6: {  	s5 =	sshll.u32 s26, $0x1;
	_ =	strace $0x80000052;
	[dreg:$0x1] =	wrdreg $0xFFFFFFFF  }
0xa7: {  	s28 =	simm.s32 $_size_execute0_lowered;
	s3 =	sadd.s32 s3, s5;
	[dreg:$0x0] =	wrdreg $0x0  }
0xa8: {  	s5 =	sshll.u32 s28, $0x1;
	[dreg:$0x2] =	wrdreg s3  }
0xa9: {  	[dreg:$0x3] =	wrdreg s5  }
0xaa: {  	[dreg:$0x4] =	wrdreg $0xC0  }
0xab: {  	_ =	task [dreg:s7], $0x5FFFF  }
0xac: {  	[dreg:$0x1] =	wrdreg $0xFFFFFFFF  }
0xad: {  	[dreg:$0x0] =	wrdreg $0x60  }
0xae: {  	[dreg:$0x2] =	wrdreg s2  }
0xaf: {  	[dreg:$0x3] =	wrdreg s24  }
0xb0: {  	[dreg:$0x4] =	wrdreg $0x90000  }
0xb1: {  	[dreg:$0x5] =	wrdreg $0x9  }
0xb2: {  	_ =	task.clear_ibuf [dreg:s7], $0x6FFFF;
	_ =	strace $0x90000052  }
0xb3: {  	s29 =	simm.s32 $0x9;
	_ =	strace $0x80000054  }
0xb4: {  	_ =	swait.ge [sflag:s29], $0x1  }
0xb5: {  	[sflag:s29] =	ssyncadd.s32 $0xFFFFFFFF  }
0xb6: {  	_ =	strace $0x90000054  }
0xb7: {  	_ =	sfence  }
0xb8: {  	s30 =	sld [smem:$0x0];
	_ =	sdelay $0x2  }
0xb9: {  	s31 =	sshll.u32 s1, $0xD;
	s1 =	sshrl.u32 s1, $0x2  }
0xba: {  	s3 =	sand.u32 $0x4000, s31;
	s1 =	sadd.s32 s1, s30  }
0xbb: {  	s0 =	sor.u32 s3, s0;
	s1 =	sshll.u32 s1, $0x11  }
0xbc: {  	s0 =	sor.u32 s1, s0  }
0xbd: {  	s0 =	sadd.s32 $0x8F2B, s0  }
0xbe: {  	[sflag:s0] =	ssyncadd.remote.s32 $0x1  }
0xbf: {  	_ =	sfence.sel $0xFFFF  }
0xc0: {  	[dreg:$0x0] =	wrdreg $0xFFFFFFFF;
	(pc) =	sbr.abs _section_cstart, $3  }
0xc1: {  	[dreg:$0x1] =	wrdreg $0xFFFFFFFF  }
0xc2: {  	_ =	task.clear_ibuf [dreg:s7], $0x2FFFF;
	_ =	strace $0x9FFFFFFF  }
0xc3: {  	(tm) =	ssettm $0x7FFFFFFF  }
tec
execute0_lowered:
.L_overlay_start_1:
0x0: {  	(tag) =	ssettag $0x1  }
0x1: {  	s1 =	rddreg [dreg:$0x0]  }
0x2: {  	s5 =	rddreg [dreg:$0x1]  }
0x3: {  	s0 =	srdreg.scid;
	s3 =	rddreg [dreg:$0x2]  }
0x4: {  	s4 =	simm.s32 $0x0;
	s21 =	simm.s32 $0x80;
	s22 =	simm.s32 $0x1  }
0x5: {  	s23 =	simm.s32 $0x0;
	s7 =	sand.u32 $0x1, s0;
	s0 =	stileid.u32  }
0x6: {  	[smem:$0x7FF] =	sst s4;
	s16 =	sadd.s32 $0x69A00, s5;
	s8 =	smul.u32 $0x50000, s0  }
0x7: {  	s2 =	sshll.u32 s7, $0x4;
	s9 =	ssub.s32 $0x2, s7;
	s11 =	smul.u32 $0x14000, s0  }
0x8: {  	s19 =	smul.u32 $0x140000, s7;
	s6 =	sor.u32 s0, s2;
	s2 =	rddreg [dreg:$0x3]  }
0x9: {  	_ =	strace $0x80000053;
	s29 =	sshrl.u32 s9, $0x1;
	s6 =	smul.u32 $0x500, s6  }
0xa: {  	s17 =	ssub.s32 s9, s29;
	s30 =	sshrl.u32 s8, $0x2;
	s13 =	sadd.s32 $0x4000, s11  }
0xb: {  	s14 =	sadd.s32 $0x8000, s11;
	s15 =	sadd.s32 $0xC000, s11;
	s18 =	sadd.s32 $0x10000, s11  }
0xc: {  	s20 =	sadd.s32 s11, s19;
	s7 =	sadd.s32 s14, s3;
	s8 =	sadd.s32 s15, s3  }
0xd: {  	s9 =	sadd.s32 s18, s3;
	s31 =	sshrl.u32 s20, $0x3;
	s14 =	sadd.s32 s19, s14  }
0xe: {  	s15 =	sadd.s32 s19, s15;
	s18 =	sadd.s32 s19, s18;
	s17 =	smax.u32 s17, $0x1  }
0xf: {  	s20 =	simm.s32 $0x2800;
	s12 =	sadd.s32 s6, s5;
	s5 =	sadd.s32 s30, s3  }
0x10: {  	s6 =	sadd.s32 s13, s3;
	s13 =	sadd.s32 s19, s13;
	s14 =	sshrl.u32 s14, $0x3  }
0x11: {  	s15 =	sshrl.u32 s15, $0x3;
	s18 =	sshrl.u32 s18, $0x3;
	s19 =	simm.s32 $0x2  }
0x12: {  	s10 =	sadd.s32 $0xFA00, s12;
	s11 =	sadd.s32 $0x5A00, s12;
	s13 =	sshrl.u32 s13, $0x3  }
0x13: {  	s12 =	sadd.s32 s16, s31;
	s14 =	sadd.s32 s16, s14;
	s15 =	sadd.s32 s16, s15  }
0x14: {  	v0 =	vimm.f32 $0.0e+00;
	s13 =	sadd.s32 s16, s13;
	s16 =	sadd.s32 s16, s18;
	s18 =	simm.s32 $0x5000  }
.LBB2_1:
0x15: {  	s24 =	simm.s32 $0x0;
	s25 =	simm.s32 $0x200  }
.LBB2_2:
0x16: {  	p0 =	sne.s32 s25, $0xFE00;
	[tilespmem:s24+$0x5070] =	vst v0  }
0x17: {  	[tilespmem:s24+$0x5000] =	vst v0  }
0x18: {  	[tilespmem:s24+$0x5010] =	vst v0  }
.Ltmp0:
0x19: {  	[tilespmem:s24+$0x5020] =	vst v0;
	(pc) =	sbr.rel @p0 .LBB2_2-.Ltmp0, $4  }
0x1a: {  	[tilespmem:s24+$0x5030] =	vst v0  }
0x1b: {  	[tilespmem:s24+$0x5040] =	vst v0  }
0x1c: {  	[tilespmem:s24+$0x5050] =	vst v0  }
0x1d: {  	[tilespmem:s24+$0x5060] =	vst v0;
	s24 =	sshra.s32 s25, $0x2;
	s25 =	sadd.s32 $0x200, s25  }
0x1e: {  	[tilespmem:s24+$0x5070] =	vst v0  }
0x1f: {  	[tilespmem:s24+$0x5000] =	vst v0  }
0x20: {  	[tilespmem:s24+$0x5010] =	vst v0  }
0x21: {  	[tilespmem:s24+$0x5020] =	vst v0  }
0x22: {  	[tilespmem:s24+$0x5030] =	vst v0  }
0x23: {  	[tilespmem:s24+$0x5040] =	vst v0  }
0x24: {  	[tilespmem:s24+$0x5050] =	vst v0  }
0x25: {  	[tilespmem:s24+$0x5060] =	vst v0  }
0x26: {  	[spmem:s5] =	stream.linear.scatter [tilespmem:s18], [sflag:$0x2], $0x4000, $0x38;
	[tilespmem:$0x1D000] =	vst v63  }
0x27: {  	_ =	swait.ge [sflag:s19], $0x4000  }
0x28: {  	[sflag:s19] =	ssyncset.done $0x0  }
0x29: {  	[sflag:s19] =	ssyncadd.s32 $0xFFFFC000  }
0x2a: {  	[spmem:s6] =	stream.linear.scatter [tilespmem:s18], [sflag:$0x2], $0x4000, $0x38;
	[tilespmem:$0x1D000] =	vst v63  }
0x2b: {  	_ =	swait.ge [sflag:s19], $0x4000  }
0x2c: {  	[sflag:s19] =	ssyncset.done $0x0  }
0x2d: {  	[sflag:s19] =	ssyncadd.s32 $0xFFFFC000  }
0x2e: {  	[spmem:s7] =	stream.linear.scatter [tilespmem:s18], [sflag:$0x2], $0x4000, $0x38;
	[tilespmem:$0x1D000] =	vst v63  }
0x2f: {  	_ =	swait.ge [sflag:s19], $0x4000  }
0x30: {  	[sflag:s19] =	ssyncset.done $0x0  }
0x31: {  	[sflag:s19] =	ssyncadd.s32 $0xFFFFC000  }
0x32: {  	[spmem:s8] =	stream.linear.scatter [tilespmem:s18], [sflag:$0x2], $0x4000, $0x38;
	[tilespmem:$0x1D000] =	vst v63  }
0x33: {  	_ =	swait.ge [sflag:s19], $0x4000  }
0x34: {  	[sflag:s19] =	ssyncset.done $0x0  }
0x35: {  	[sflag:s19] =	ssyncadd.s32 $0xFFFFC000  }
0x36: {  	[spmem:s9] =	stream.linear.scatter [tilespmem:s18], [sflag:$0x2], $0x4000, $0x38;
	[tilespmem:$0x1D000] =	vst v63  }
0x37: {  	_ =	swait.ge [sflag:s19], $0x4000  }
0x38: {  	[sflag:s19] =	ssyncset.done $0x0  }
0x39: {  	s29 =	simm.s32 $0x0;
	[sflag:s19] =	ssyncadd.s32 $0xFFFFC000  }
0x3a: {  	[tilespmem:s29], [sflag:$0x2] =	stream.linear.gather [hbm4b:s10+s29], $0x2780, $0x38;
	[tilespmem:$0x1D000] =	vst v63  }
0x3b: {  	_ =	swait.ge [sflag:s19], $0x2780  }
0x3c: {  	[sflag:s19] =	ssyncset.done $0x0  }
0x3d: {  	[sflag:s19] =	ssyncadd.s32 $0xFFFFD880  }
0x3e: {  	[tilespmem:s20], [sflag:$0x2] =	stream.linear.gather [hbm4b:s11+s29], $0x2780, $0x38;
	[tilespmem:$0x1D000] =	vst v63  }
0x3f: {  	_ =	swait.ge [sflag:s19], $0x2780  }
0x40: {  	[sflag:s19] =	ssyncset.done $0x0  }
0x41: {  	[sflag:s19] =	ssyncadd.s32 $0xFFFFD880  }
0x42: {  	s30 =	simm.s32 $0x0;
	[bflag:$0x0] =	sbarrier.arrive $0xFFFF  }
0x43: {  	[tilespmem:s18], [sflag:$0x1] =	stream.indirect.gather [hbm4b:s1+s21], $0x80, s30, s21, $0xb8;
	[tilespmem:$0x1D000] =	vst v63  }
0x44: {  	_ =	swait.ge [sflag:s22], $0x4000  }
0x45: {  	[sflag:s22] =	ssyncset.done $0x0  }
0x46: {  	s31 =	simm.s32 $0x2800;
	[sflag:s22] =	ssyncadd.s32 $0xFFFFC000  }
0x47: {  	[spmem:s3] =	stream.indirect.scatter.add.f32 [tilespmem:s18], [sflag:$0x2], $0x80, s31, s21, $0xb8;
	[tilespmem:$0x1D000] =	vst v63  }
0x48: {  	_ =	swait.ge [sflag:s19], $0x4000  }
0x49: {  	s24 =	simm.s32 $0x200;
	s25 =	simm.s32 $0x400;
	[sflag:s19] =	ssyncset.done $0x0  }
.LBB2_4:
0x4a: {  	s26 =	sshra.s32 s24, $0x2  }
0x4b: {  	[sflag:s19] =	ssyncadd.s32 $0xFFFFC000;
	s24 =	smov.u32 s25;
	s28 =	sadd.s32 $0x200, s25  }
0x4c: {  	[tilespmem:s18], [sflag:$0x1] =	stream.indirect.gather [hbm4b:s1+s21], $0x80, s26, s21, $0xb8;
	[tilespmem:$0x1D000] =	vst v63  }
0x4d: {  	p0 =	sne.s32 s25, $0x9C00;
	_ =	swait.ge [sflag:s22], $0x4000  }
.Ltmp1:
0x4e: {  	[sflag:s22] =	ssyncset.done $0x0;
	(pc) =	sbr.rel @p0 .LBB2_4-.Ltmp1, $4  }
0x4f: {  	s25 =	sadd.s32 $0x2800, s26;
	[sflag:s22] =	ssyncadd.s32 $0xFFFFC000  }
0x50: {  	[spmem:s3] =	stream.indirect.scatter.add.f32 [tilespmem:s18], [sflag:$0x2], $0x80, s25, s21, $0xb8;
	[tilespmem:$0x1D000] =	vst v63  }
0x51: {  	_ =	swait.ge [sflag:s19], $0x4000  }
0x52: {  	s25 =	smov.u32 s28;
	[sflag:s19] =	ssyncset.done $0x0  }
0x53: {  	s24 =	sshra.s32 s24, $0x2;
	[sflag:s19] =	ssyncadd.s32 $0xFFFFC000  }
0x54: {  	[tilespmem:s18], [sflag:$0x1] =	stream.indirect.gather [hbm4b:s1+s21], $0x80, s24, s21, $0xb8;
	[tilespmem:$0x1D000] =	vst v63  }
0x55: {  	_ =	swait.ge [sflag:s22], $0x4000  }
0x56: {  	[sflag:s22] =	ssyncset.done $0x0  }
0x57: {  	s24 =	sadd.s32 $0x2800, s24;
	[sflag:s22] =	ssyncadd.s32 $0xFFFFC000  }
0x58: {  	[spmem:s3] =	stream.indirect.scatter.add.f32 [tilespmem:s18], [sflag:$0x2], $0x80, s24, s21, $0xb8;
	[tilespmem:$0x1D000] =	vst v63  }
0x59: {  	_ =	swait.ge [sflag:s19], $0x4000  }
0x5a: {  	[sflag:s19] =	ssyncset.done $0x0  }
0x5b: {  	[sflag:s19] =	ssyncadd.s32 $0xFFFFC000  }
0x5c: {  	[bflag:$0x0] =	sbarrier.arrive $0xFFFF  }
0x5d: {  	[tilespmem:s18], [sflag:$0x2] =	stream.linear.gather [spmem:s5], $0x4000, $0x38;
	[tilespmem:$0x1D000] =	vst v63  }
0x5e: {  	_ =	swait.ge [sflag:s19], $0x4000  }
0x5f: {  	[sflag:s19] =	ssyncset.done $0x0  }
0x60: {  	[sflag:s19] =	ssyncadd.s32 $0xFFFFC000  }
0x61: {  	[hbm4b:s12+s4] =	stream.linear.scatter [tilespmem:s18], [sflag:$0x2], $0x4000, $0x38;
	[tilespmem:$0x1D000] =	vst v63  }
0x62: {  	_ =	swait.ge [sflag:s19], $0x4000  }
0x63: {  	[sflag:s19] =	ssyncset.done $0x0  }
0x64: {  	[sflag:s19] =	ssyncadd.s32 $0xFFFFC000  }
0x65: {  	[tilespmem:s18], [sflag:$0x2] =	stream.linear.gather [spmem:s6], $0x4000, $0x38;
	[tilespmem:$0x1D000] =	vst v63  }
0x66: {  	_ =	swait.ge [sflag:s19], $0x4000  }
0x67: {  	[sflag:s19] =	ssyncset.done $0x0  }
0x68: {  	[sflag:s19] =	ssyncadd.s32 $0xFFFFC000  }
0x69: {  	[hbm4b:s13+s4] =	stream.linear.scatter [tilespmem:s18], [sflag:$0x2], $0x4000, $0x38;
	[tilespmem:$0x1D000] =	vst v63  }
0x6a: {  	_ =	swait.ge [sflag:s19], $0x4000  }
0x6b: {  	[sflag:s19] =	ssyncset.done $0x0  }
0x6c: {  	[sflag:s19] =	ssyncadd.s32 $0xFFFFC000  }
0x6d: {  	[tilespmem:s18], [sflag:$0x2] =	stream.linear.gather [spmem:s7], $0x4000, $0x38;
	[tilespmem:$0x1D000] =	vst v63  }
0x6e: {  	_ =	swait.ge [sflag:s19], $0x4000  }
0x6f: {  	[sflag:s19] =	ssyncset.done $0x0  }
0x70: {  	[sflag:s19] =	ssyncadd.s32 $0xFFFFC000  }
0x71: {  	[hbm4b:s14+s4] =	stream.linear.scatter [tilespmem:s18], [sflag:$0x2], $0x4000, $0x38;
	[tilespmem:$0x1D000] =	vst v63  }
0x72: {  	_ =	swait.ge [sflag:s19], $0x4000  }
0x73: {  	[sflag:s19] =	ssyncset.done $0x0  }
0x74: {  	[sflag:s19] =	ssyncadd.s32 $0xFFFFC000  }
0x75: {  	[tilespmem:s18], [sflag:$0x2] =	stream.linear.gather [spmem:s8], $0x4000, $0x38;
	[tilespmem:$0x1D000] =	vst v63  }
0x76: {  	_ =	swait.ge [sflag:s19], $0x4000  }
0x77: {  	[sflag:s19] =	ssyncset.done $0x0  }
0x78: {  	[sflag:s19] =	ssyncadd.s32 $0xFFFFC000  }
0x79: {  	[hbm4b:s15+s4] =	stream.linear.scatter [tilespmem:s18], [sflag:$0x2], $0x4000, $0x38;
	[tilespmem:$0x1D000] =	vst v63  }
0x7a: {  	_ =	swait.ge [sflag:s19], $0x4000  }
0x7b: {  	[sflag:s19] =	ssyncset.done $0x0  }
0x7c: {  	[sflag:s19] =	ssyncadd.s32 $0xFFFFC000  }
0x7d: {  	[tilespmem:s18], [sflag:$0x2] =	stream.linear.gather [spmem:s9], $0x4000, $0x38;
	[tilespmem:$0x1D000] =	vst v63  }
0x7e: {  	s23 =	sadd.s32 $0x1, s23;
	_ =	swait.ge [sflag:s19], $0x4000  }
0x7f: {  	p0 =	sne.s32 s23, s17;
	[sflag:s19] =	ssyncset.done $0x0  }
.Ltmp2:
0x80: {  	[sflag:s19] =	ssyncadd.s32 $0xFFFFC000;
	(pc) =	sbr.rel @p0 .LBB2_1-.Ltmp2, $4  }
0x81: {  	[hbm4b:s16+s4] =	stream.linear.scatter [tilespmem:s18], [sflag:$0x2], $0x4000, $0x38;
	[tilespmem:$0x1D000] =	vst v63  }
0x82: {  	_ =	swait.ge [sflag:s19], $0x4000  }
0x83: {  	[sflag:s19] =	ssyncset.done $0x0  }
0x84: {  	[sflag:s19] =	ssyncadd.s32 $0xFFFFC000  }
0x85: {  	_ =	sfence.sel $0x180000  }
0x86: {  	[bflag:$0x0] =	sbarrier.arrive $0xFFFF  }
0x87: {  	p0 =	sne.s32 s0, $0x0;
	_ =	strace $0x90000053  }
0x88: {  	s0 =	sadd.s32 @!p0 $0x100000, s2;
	[bflag:$0x2] =	sbarrier.arrive $0xFFFF  }
0x89: {  	[sflag:s0] =	ssyncadd.tile.s32 @!p0 $0x1;
	_ =	shalt  }
.Lfunc_end2:
_tile_overlayer_lowered:
.L_overlay_start_2:
0x8a: {  	(tag) =	ssettag $0x2  }
0x8b: {  	s0 =	rddreg [dreg:$0x0];
	s2 =	stileid.u32  }
0x8c: {  	s1 =	rddreg [dreg:$0x1];
	p0 =	sne.s32 s2, $0x0  }
0x8d: {  	s3 =	rddreg [dreg:$0x2];
	[bflag:$0x3] =	sbarrier.arrive $0xFFFF;
	s2 =	simm.s32 @!p0 $0x1C02  }
0x8e: {  	[timem:s3], [sflag:s2] =	dma.local @!p0 [hbm:s0], s1  }
0x8f: {  	s0 =	simm.s32 @!p0 $0x2  }
0x90: {  	_ =	swait.ge @!p0 [sflag:s0], s1  }
0x91: {  	s1 =	ssub.s32 @!p0 $0x0, s1;
	[sflag:s0] =	ssyncset.done @!p0 $0x0  }
0x92: {  	[sflag:s0] =	ssyncadd.s32 @!p0 s1  }
0x93: {  	[bflag:$0x3] =	sbarrier.arrive $0xFFFF  }
0x94: {  	_ =	shalt  }

// kernel: sc_adj_accumulate.20.cloned.1.call-start
scs
__scs_entry_jumppad:
0x0: {  	(pc) =	sbr.rel $0x88, $3  }
0x1: {  	(tag) =	ssettag $0x0;
	lr =	simm.s32 $0x1  }
0x2: {  	[smem:$0x3F97] =	sst lr;
	_ =	strace $0xD0000000  }
0x3: {  	_ = 	snop  }
0x4: {  	_ = 	snop  }
0x5: {  	_ = 	snop  }
0x6: {  	_ = 	snop  }
0x7: {  	_ = 	snop  }
__scs_overlays_trampoline_lowered:
0x8: {  	[smem:$0x3FA6] =	sst s0  }
0x9: {  	[smem:$0x3FA7] =	sst s1  }
0xa: {  	[smem:$0x3FA8] =	sst s2  }
0xb: {  	[smem:$0x3FA9] =	sst s3  }
0xc: {  	[smem:$0x3FAA] =	sst s4  }
0xd: {  	[smem:$0x3FAB] =	sst s5  }
0xe: {  	[smem:$0x3FAC] =	sst s6  }
0xf: {  	[smem:$0x3FAD] =	sst s7  }
0x10: {  	[smem:$0x3FAE] =	sst s8  }
0x11: {  	[smem:$0x3FAF] =	sst s9;
	s0 =	simm.s32 @!p0 $0x0  }
0x12: {  	s1 =	sld [smem:$0x3F95];
	s0 =	simm.s32 @p0 $0x1  }
0x13: {  	[smem:$0x3FB0] =	sst s0;
	s0 =	simm.s32 @!p1 $0x0  }
0x14: {  	s2 =	sld [smem:$0x3F94];
	s0 =	simm.s32 @p1 $0x1  }
0x15: {  	[smem:$0x3FB1] =	sst s0;
	s0 =	simm.s32 @!p2 $0x0  }
0x16: {  	s3 =	sld [smem:$0x3FDB];
	s0 =	simm.s32 @p2 $0x1  }
0x17: {  	s4 =	simm.s32 $0x1BF5;
	[smem:$0x3FB3] =	sst s0  }
0x18: {  	s0 =	sld [smem:$0x3F96];
	_ =	swait.ge [sflag:s4], $0x0  }
0x19: {  	s7 =	sld [smem:$0x3F97]  }
0x1a: {  	s8 =	sadd.s32 $0xFFFFE003, lr  }
0x1b: {  	s9 =	sadd.s32 $0xFFFFFEF7, lr;
	s5 =	simm.s32 $0xFFFFFFFF;
	p2 =	slt.u32 s8, $0xFFFFF086  }
0x1c: {  	p1 =	slt.u32 s9, $0xF7A;
	s5 =	simm.s32 @!p2 $0x0  }
0x1d: {  	s5 =	simm.s32 @p1 $0x1;
	p0 =	seq.s32 s7, s2  }
0x1e: {  	s7 =	smul.u32 @!p0 $0xF7A, s2;
	p2 =	seq.s32 @!p0 s5, $0x0  }
0x1f: {  	s9 =	smul.u32 $0xF7A, s1;
	s8 =	simm.s32 @!p0 $0x1BF5;
	p2 =	por !p2, p0  }
0x20: {  	[sflag:s8] =	ssyncset.s32 @!p0 $0xFFFFF086;
	s6 =	sadd.s32 @!p0 s3, s7;
	s7 =	simm.s32 @!p0 $0x108  }
0x21: {  	s3 =	sadd.s32 s3, s9;
	s6 =	sadd.s32 @!p0 $0x88, s6;
	s7 =	simm.s32 @p2 $0x1082  }
0x22: {  	[simem:s7], [sflag:s8] =	dma.local @!p0 [hbm:s6], $0xF7A  }
0x23: {  	s9 =	sor.u32 $0xD0000000, s2;
	s6 =	simm.s32 $0x108;
	_ =	swait.ge @!p0 [sflag:s8], $0x0  }
0x24: {  	s3 =	sadd.s32 $0x88, s3;
	s6 =	simm.s32 @!p1 $0x1082;
	[sflag:s4] =	ssyncset.s32 $0xFFFFF086  }
0x25: {  	[simem:s6], [sflag:s4] =	dma.local [hbm:s3], $0xF7A  }
0x26: {  	[smem:$0x3F97] =	sst s1;
	(tag) =	ssettag s2;
	_ =	strace s9  }
0x27: {  	s1 =	sld [smem:$0x3FA7]  }
0x28: {  	s2 =	sld [smem:$0x3FA8]  }
0x29: {  	s4 =	sld [smem:$0x3FAA]  }
0x2a: {  	p0 =	seq.s32 s5, $0x0;
	s5 =	sld [smem:$0x3FAB]  }
0x2b: {  	s6 =	sld [smem:$0x3FAC]  }
0x2c: {  	s7 =	sld [smem:$0x3FAD]  }
0x2d: {  	s3 =	simm.s32 $0x108;
	s8 =	sld [smem:$0x3FAE]  }
0x2e: {  	s3 =	simm.s32 @!p0 $0x1082;
	s9 =	sld [smem:$0x3FAF]  }
0x2f: {  	lr =	sadd.s32 s0, s3;
	s0 =	sld [smem:$0x3FA6]  }
0x30: {  	s3 =	sld [smem:$0x3FA9]  }
0x31: {  	[smem:$0x3FB2] =	sst s10  }
0x32: {  	s10 =	sld [smem:$0x3FB0];
	_ =	sdelay $0x3  }
0x33: {  	p0 =	seq.s32 s10, $0x1;
	s10 =	sld [smem:$0x3FB2];
	_ =	sdelay $0x3  }
0x34: {  	[smem:$0x3FB2] =	sst s10  }
0x35: {  	s10 =	sld [smem:$0x3FB1];
	_ =	sdelay $0x3  }
0x36: {  	p1 =	seq.s32 s10, $0x1;
	s10 =	sld [smem:$0x3FB2];
	_ =	sdelay $0x3  }
0x37: {  	[smem:$0x3FB2] =	sst s10  }
0x38: {  	s10 =	sld [smem:$0x3FB3]  }
0x39: {  	_ = 	snop;
	(pc) =	sbr.ind lr, $3  }
0x3a: {  	_ = 	snop  }
0x3b: {  	_ = 	snop  }
0x3c: {  	p2 =	seq.s32 s10, $0x1;
	s10 =	sld [smem:$0x3FB2]  }
0x3d: {  	_ =	shalt  }
0x3e: {  	_ =	shalt  }
0x3f: {  	_ =	shalt  }
0x40: {  	_ =	shalt  }
0x41: {  	_ =	shalt  }
0x42: {  	_ =	shalt  }
0x43: {  	_ =	shalt  }
0x44: {  	_ =	shalt  }
0x45: {  	_ =	shalt  }
0x46: {  	_ =	shalt  }
0x47: {  	_ =	shalt  }
0x48: {  	_ =	shalt  }
0x49: {  	_ =	shalt  }
0x4a: {  	_ =	shalt  }
0x4b: {  	_ =	shalt  }
0x4c: {  	_ =	shalt  }
0x4d: {  	_ =	shalt  }
0x4e: {  	_ =	shalt  }
0x4f: {  	_ =	shalt  }
0x50: {  	_ =	shalt  }
0x51: {  	_ =	shalt  }
0x52: {  	_ =	shalt  }
0x53: {  	_ =	shalt  }
0x54: {  	_ =	shalt  }
0x55: {  	_ =	shalt  }
0x56: {  	_ =	shalt  }
0x57: {  	_ =	shalt  }
0x58: {  	_ =	shalt  }
0x59: {  	_ =	shalt  }
0x5a: {  	_ =	shalt  }
0x5b: {  	_ =	shalt  }
0x5c: {  	_ =	shalt  }
0x5d: {  	_ =	shalt  }
0x5e: {  	_ =	shalt  }
0x5f: {  	_ =	shalt  }
0x60: {  	_ =	shalt  }
0x61: {  	_ =	shalt  }
0x62: {  	_ =	shalt  }
0x63: {  	_ =	shalt  }
0x64: {  	_ =	shalt  }
0x65: {  	_ =	shalt  }
0x66: {  	_ =	shalt  }
0x67: {  	_ =	shalt  }
0x68: {  	_ =	shalt  }
0x69: {  	_ =	shalt  }
0x6a: {  	_ =	shalt  }
0x6b: {  	_ =	shalt  }
0x6c: {  	_ =	shalt  }
0x6d: {  	_ =	shalt  }
0x6e: {  	_ =	shalt  }
0x6f: {  	_ =	shalt  }
0x70: {  	_ =	shalt  }
0x71: {  	_ =	shalt  }
0x72: {  	_ =	shalt  }
0x73: {  	_ =	shalt  }
0x74: {  	_ =	shalt  }
0x75: {  	_ =	shalt  }
0x76: {  	_ =	shalt  }
0x77: {  	_ =	shalt  }
0x78: {  	_ =	shalt  }
0x79: {  	_ =	shalt  }
0x7a: {  	_ =	shalt  }
0x7b: {  	_ =	shalt  }
0x7c: {  	_ =	shalt  }
0x7d: {  	_ =	shalt  }
0x7e: {  	_ =	shalt  }
0x7f: {  	_ =	shalt  }
0x80: {  	_ =	shalt  }
0x81: {  	_ =	shalt  }
0x82: {  	_ =	shalt  }
0x83: {  	_ =	shalt  }
0x84: {  	_ =	shalt  }
0x85: {  	_ =	shalt  }
0x86: {  	_ =	shalt  }
0x87: {  	_ =	shalt  }
.Lfunc_end0:
.L_simem_size_0:
called_computation.5_lowered:
.L_overlay_start_0:
0x88: {  	s2 =	sld [smem:$0x3FD9]  }
0x89: {  	s3 =	sld [smem:$0x3FFE];
	_ =	sdelay $0x1  }
0x8a: {  	s1 =	srdreg.scid  }
0x8b: {  	s0 =	sand.u32 $0x1, s1  }
0x8c: {  	s17 =	sshll.u32 s0, $0xA;
	s2 =	sadd.s32 s3, s2  }
0x8d: {  	s2 =	sadd.s32 s2, s17  }
0x8e: {  	[smem:$0x3FBE] =	sst s2  }
0x8f: {  	_ = 	snop  }
0x90: {  	s2 =	sld [smem:$0x3FD0];
	(tm) =	ssettm $0x1  }
0x91: {  	s18 =	sld [smem:$0x3FFB];
	_ =	sdelay $0x3  }
0x92: {  	_ =	strace s18  }
0x93: {  	s3 =	sld [smem:$0x3FFC];
	_ =	sdelay $0x3  }
0x94: {  	_ =	strace s3  }
0x95: {  	s3 =	sld [smem:$0x3FFD];
	_ =	sdelay $0x3  }
0x96: {  	_ =	strace s3  }
0x97: {  	_ =	strace $0x8FFFFFFF  }
0x98: {  	s19 =	sld [smem:$0x3FDB];
	_ =	sdelay $0x1  }
0x99: {  	s4 =	simm.s32 $_scs_section_size  }
0x9a: {  	s5 =	simm.s32 $_size__tile_overlayer_lowered;
	s6 =	simm.s32 $_tile_overlayer_lowered  }
0x9b: {  	s22 =	simm.s32 $0x1BFF;
	s21 =	sshll.u32 s6, $0x1;
	s3 =	sadd.s32 s4, s19  }
0x9c: {  	s7 =	simm.s32 $0x0;
	s20 =	sshll.u32 s5, $0x1;
	s5 =	sadd.s32 s21, s3  }
0x9d: {  	[timem:s7], [sflag:s22] =	dma.local [hbm:s5], s20  }
0x9e: {  	_ =	swait.ge [sflag:s22], s20  }
0x9f: {  	s4 =	ssub.s32 $0x0, s20;
	[sflag:s22] =	ssyncset.done $0x0  }
0xa0: {  	[sflag:s22] =	ssyncadd.s32 s4;
	_ =	sdelay $0x1  }
0xa1: {  	s23 =	simm.s32 $0x1B8B  }
0xa2: {  	_ =	swait.ge [sflag:s23], $0x1  }
0xa3: {  	[sflag:s23] =	ssyncset.done $0x0  }
0xa4: {  	s25 =	simm.s32 $0x1B8E;
	s24 =	sld [smem:$0x3FFE];
	[sflag:s23] =	ssyncadd.s32 $0xFFFFFFFF  }
0xa5: {  	s26 =	simm.s32 $execute0_lowered;
	[smem:$0x3FD2] =	sst s25  }
0xa6: {  	s5 =	sshll.u32 s26, $0x1;
	_ =	strace $0x80000055;
	[dreg:$0x1] =	wrdreg $0xFFFFFFFF  }
0xa7: {  	s28 =	simm.s32 $_size_execute0_lowered;
	s3 =	sadd.s32 s3, s5;
	[dreg:$0x0] =	wrdreg $0x0  }
0xa8: {  	s5 =	sshll.u32 s28, $0x1;
	[dreg:$0x2] =	wrdreg s3  }
0xa9: {  	[dreg:$0x3] =	wrdreg s5  }
0xaa: {  	[dreg:$0x4] =	wrdreg $0xC0  }
0xab: {  	_ =	task [dreg:s7], $0x5FFFF  }
0xac: {  	[dreg:$0x1] =	wrdreg $0xFFFFFFFF  }
0xad: {  	[dreg:$0x0] =	wrdreg $0x60  }
0xae: {  	[dreg:$0x2] =	wrdreg s2  }
0xaf: {  	[dreg:$0x3] =	wrdreg s24  }
0xb0: {  	[dreg:$0x4] =	wrdreg $0x90000  }
0xb1: {  	[dreg:$0x5] =	wrdreg $0x9  }
0xb2: {  	_ =	task.clear_ibuf [dreg:s7], $0x6FFFF;
	_ =	strace $0x90000055  }
0xb3: {  	s29 =	simm.s32 $0x9;
	_ =	strace $0x80000057  }
0xb4: {  	_ =	swait.ge [sflag:s29], $0x1  }
0xb5: {  	[sflag:s29] =	ssyncadd.s32 $0xFFFFFFFF  }
0xb6: {  	_ =	strace $0x90000057  }
0xb7: {  	_ =	sfence  }
0xb8: {  	s30 =	sld [smem:$0x0];
	_ =	sdelay $0x2  }
0xb9: {  	s31 =	sshll.u32 s1, $0xD;
	s1 =	sshrl.u32 s1, $0x2  }
0xba: {  	s3 =	sand.u32 $0x4000, s31;
	s1 =	sadd.s32 s1, s30  }
0xbb: {  	s0 =	sor.u32 s3, s0;
	s1 =	sshll.u32 s1, $0x11  }
0xbc: {  	s0 =	sor.u32 s1, s0  }
0xbd: {  	s0 =	sadd.s32 $0x8F2B, s0  }
0xbe: {  	[sflag:s0] =	ssyncadd.remote.s32 $0x1  }
0xbf: {  	_ =	sfence.sel $0xFFFF  }
0xc0: {  	[dreg:$0x0] =	wrdreg $0xFFFFFFFF;
	(pc) =	sbr.abs _section_cstart, $3  }
0xc1: {  	[dreg:$0x1] =	wrdreg $0xFFFFFFFF  }
0xc2: {  	_ =	task.clear_ibuf [dreg:s7], $0x2FFFF;
	_ =	strace $0x9FFFFFFF  }
0xc3: {  	(tm) =	ssettm $0x7FFFFFFF  }
tec
execute0_lowered:
.L_overlay_start_1:
0x0: {  	(tag) =	ssettag $0x1  }
0x1: {  	s1 =	rddreg [dreg:$0x0]  }
0x2: {  	s5 =	rddreg [dreg:$0x1]  }
0x3: {  	s0 =	srdreg.scid;
	s3 =	rddreg [dreg:$0x2]  }
0x4: {  	s4 =	simm.s32 $0x0;
	s21 =	simm.s32 $0x80;
	s22 =	simm.s32 $0x1  }
0x5: {  	s23 =	simm.s32 $0x0;
	s7 =	sand.u32 $0x1, s0;
	s0 =	stileid.u32  }
0x6: {  	[smem:$0x7FF] =	sst s4;
	s16 =	sadd.s32 $0x19A00, s5;
	s8 =	smul.u32 $0x50000, s0  }
0x7: {  	s2 =	sshll.u32 s7, $0x4;
	s9 =	ssub.s32 $0x2, s7;
	s11 =	smul.u32 $0x14000, s0  }
0x8: {  	s19 =	smul.u32 $0x140000, s7;
	s6 =	sor.u32 s0, s2;
	s2 =	rddreg [dreg:$0x3]  }
0x9: {  	_ =	strace $0x80000056;
	s29 =	sshrl.u32 s9, $0x1;
	s6 =	smul.u32 $0x500, s6  }
0xa: {  	s17 =	ssub.s32 s9, s29;
	s30 =	sshrl.u32 s8, $0x2;
	s13 =	sadd.s32 $0x4000, s11  }
0xb: {  	s14 =	sadd.s32 $0x8000, s11;
	s15 =	sadd.s32 $0xC000, s11;
	s18 =	sadd.s32 $0x10000, s11  }
0xc: {  	s20 =	sadd.s32 s11, s19;
	s7 =	sadd.s32 s14, s3;
	s8 =	sadd.s32 s15, s3  }
0xd: {  	s9 =	sadd.s32 s18, s3;
	s31 =	sshrl.u32 s20, $0x3;
	s14 =	sadd.s32 s19, s14  }
0xe: {  	s15 =	sadd.s32 s19, s15;
	s18 =	sadd.s32 s19, s18;
	s17 =	smax.u32 s17, $0x1  }
0xf: {  	s20 =	simm.s32 $0x2800;
	s12 =	sadd.s32 s6, s5;
	s5 =	sadd.s32 s30, s3  }
0x10: {  	s6 =	sadd.s32 s13, s3;
	s13 =	sadd.s32 s19, s13;
	s14 =	sshrl.u32 s14, $0x3  }
0x11: {  	s15 =	sshrl.u32 s15, $0x3;
	s18 =	sshrl.u32 s18, $0x3;
	s19 =	simm.s32 $0x2  }
0x12: {  	s10 =	sadd.s32 $0xFA00, s12;
	s11 =	sadd.s32 $0x5A00, s12;
	s13 =	sshrl.u32 s13, $0x3  }
0x13: {  	s12 =	sadd.s32 s16, s31;
	s14 =	sadd.s32 s16, s14;
	s15 =	sadd.s32 s16, s15  }
0x14: {  	v0 =	vimm.f32 $0.0e+00;
	s13 =	sadd.s32 s16, s13;
	s16 =	sadd.s32 s16, s18;
	s18 =	simm.s32 $0x5000  }
.LBB2_1:
0x15: {  	s24 =	simm.s32 $0x0;
	s25 =	simm.s32 $0x200  }
.LBB2_2:
0x16: {  	p0 =	sne.s32 s25, $0xFE00;
	[tilespmem:s24+$0x5070] =	vst v0  }
0x17: {  	[tilespmem:s24+$0x5000] =	vst v0  }
0x18: {  	[tilespmem:s24+$0x5010] =	vst v0  }
.Ltmp0:
0x19: {  	[tilespmem:s24+$0x5020] =	vst v0;
	(pc) =	sbr.rel @p0 .LBB2_2-.Ltmp0, $4  }
0x1a: {  	[tilespmem:s24+$0x5030] =	vst v0  }
0x1b: {  	[tilespmem:s24+$0x5040] =	vst v0  }
0x1c: {  	[tilespmem:s24+$0x5050] =	vst v0  }
0x1d: {  	[tilespmem:s24+$0x5060] =	vst v0;
	s24 =	sshra.s32 s25, $0x2;
	s25 =	sadd.s32 $0x200, s25  }
0x1e: {  	[tilespmem:s24+$0x5070] =	vst v0  }
0x1f: {  	[tilespmem:s24+$0x5000] =	vst v0  }
0x20: {  	[tilespmem:s24+$0x5010] =	vst v0  }
0x21: {  	[tilespmem:s24+$0x5020] =	vst v0  }
0x22: {  	[tilespmem:s24+$0x5030] =	vst v0  }
0x23: {  	[tilespmem:s24+$0x5040] =	vst v0  }
0x24: {  	[tilespmem:s24+$0x5050] =	vst v0  }
0x25: {  	[tilespmem:s24+$0x5060] =	vst v0  }
0x26: {  	[spmem:s5] =	stream.linear.scatter [tilespmem:s18], [sflag:$0x2], $0x4000, $0x38;
	[tilespmem:$0x1D000] =	vst v63  }
0x27: {  	_ =	swait.ge [sflag:s19], $0x4000  }
0x28: {  	[sflag:s19] =	ssyncset.done $0x0  }
0x29: {  	[sflag:s19] =	ssyncadd.s32 $0xFFFFC000  }
0x2a: {  	[spmem:s6] =	stream.linear.scatter [tilespmem:s18], [sflag:$0x2], $0x4000, $0x38;
	[tilespmem:$0x1D000] =	vst v63  }
0x2b: {  	_ =	swait.ge [sflag:s19], $0x4000  }
0x2c: {  	[sflag:s19] =	ssyncset.done $0x0  }
0x2d: {  	[sflag:s19] =	ssyncadd.s32 $0xFFFFC000  }
0x2e: {  	[spmem:s7] =	stream.linear.scatter [tilespmem:s18], [sflag:$0x2], $0x4000, $0x38;
	[tilespmem:$0x1D000] =	vst v63  }
0x2f: {  	_ =	swait.ge [sflag:s19], $0x4000  }
0x30: {  	[sflag:s19] =	ssyncset.done $0x0  }
0x31: {  	[sflag:s19] =	ssyncadd.s32 $0xFFFFC000  }
0x32: {  	[spmem:s8] =	stream.linear.scatter [tilespmem:s18], [sflag:$0x2], $0x4000, $0x38;
	[tilespmem:$0x1D000] =	vst v63  }
0x33: {  	_ =	swait.ge [sflag:s19], $0x4000  }
0x34: {  	[sflag:s19] =	ssyncset.done $0x0  }
0x35: {  	[sflag:s19] =	ssyncadd.s32 $0xFFFFC000  }
0x36: {  	[spmem:s9] =	stream.linear.scatter [tilespmem:s18], [sflag:$0x2], $0x4000, $0x38;
	[tilespmem:$0x1D000] =	vst v63  }
0x37: {  	_ =	swait.ge [sflag:s19], $0x4000  }
0x38: {  	[sflag:s19] =	ssyncset.done $0x0  }
0x39: {  	s29 =	simm.s32 $0x0;
	[sflag:s19] =	ssyncadd.s32 $0xFFFFC000  }
0x3a: {  	[tilespmem:s29], [sflag:$0x2] =	stream.linear.gather [hbm4b:s10+s29], $0x2780, $0x38;
	[tilespmem:$0x1D000] =	vst v63  }
0x3b: {  	_ =	swait.ge [sflag:s19], $0x2780  }
0x3c: {  	[sflag:s19] =	ssyncset.done $0x0  }
0x3d: {  	[sflag:s19] =	ssyncadd.s32 $0xFFFFD880  }
0x3e: {  	[tilespmem:s20], [sflag:$0x2] =	stream.linear.gather [hbm4b:s11+s29], $0x2780, $0x38;
	[tilespmem:$0x1D000] =	vst v63  }
0x3f: {  	_ =	swait.ge [sflag:s19], $0x2780  }
0x40: {  	[sflag:s19] =	ssyncset.done $0x0  }
0x41: {  	[sflag:s19] =	ssyncadd.s32 $0xFFFFD880  }
0x42: {  	s30 =	simm.s32 $0x0;
	[bflag:$0x0] =	sbarrier.arrive $0xFFFF  }
0x43: {  	[tilespmem:s18], [sflag:$0x1] =	stream.indirect.gather [hbm4b:s1+s21], $0x80, s30, s21, $0xb8;
	[tilespmem:$0x1D000] =	vst v63  }
0x44: {  	_ =	swait.ge [sflag:s22], $0x4000  }
0x45: {  	[sflag:s22] =	ssyncset.done $0x0  }
0x46: {  	s31 =	simm.s32 $0x2800;
	[sflag:s22] =	ssyncadd.s32 $0xFFFFC000  }
0x47: {  	[spmem:s3] =	stream.indirect.scatter.add.f32 [tilespmem:s18], [sflag:$0x2], $0x80, s31, s21, $0xb8;
	[tilespmem:$0x1D000] =	vst v63  }
0x48: {  	_ =	swait.ge [sflag:s19], $0x4000  }
0x49: {  	s24 =	simm.s32 $0x200;
	s25 =	simm.s32 $0x400;
	[sflag:s19] =	ssyncset.done $0x0  }
.LBB2_4:
0x4a: {  	s26 =	sshra.s32 s24, $0x2  }
0x4b: {  	[sflag:s19] =	ssyncadd.s32 $0xFFFFC000;
	s24 =	smov.u32 s25;
	s28 =	sadd.s32 $0x200, s25  }
0x4c: {  	[tilespmem:s18], [sflag:$0x1] =	stream.indirect.gather [hbm4b:s1+s21], $0x80, s26, s21, $0xb8;
	[tilespmem:$0x1D000] =	vst v63  }
0x4d: {  	p0 =	sne.s32 s25, $0x9C00;
	_ =	swait.ge [sflag:s22], $0x4000  }
.Ltmp1:
0x4e: {  	[sflag:s22] =	ssyncset.done $0x0;
	(pc) =	sbr.rel @p0 .LBB2_4-.Ltmp1, $4  }
0x4f: {  	s25 =	sadd.s32 $0x2800, s26;
	[sflag:s22] =	ssyncadd.s32 $0xFFFFC000  }
0x50: {  	[spmem:s3] =	stream.indirect.scatter.add.f32 [tilespmem:s18], [sflag:$0x2], $0x80, s25, s21, $0xb8;
	[tilespmem:$0x1D000] =	vst v63  }
0x51: {  	_ =	swait.ge [sflag:s19], $0x4000  }
0x52: {  	s25 =	smov.u32 s28;
	[sflag:s19] =	ssyncset.done $0x0  }
0x53: {  	s24 =	sshra.s32 s24, $0x2;
	[sflag:s19] =	ssyncadd.s32 $0xFFFFC000  }
0x54: {  	[tilespmem:s18], [sflag:$0x1] =	stream.indirect.gather [hbm4b:s1+s21], $0x80, s24, s21, $0xb8;
	[tilespmem:$0x1D000] =	vst v63  }
0x55: {  	_ =	swait.ge [sflag:s22], $0x4000  }
0x56: {  	[sflag:s22] =	ssyncset.done $0x0  }
0x57: {  	s24 =	sadd.s32 $0x2800, s24;
	[sflag:s22] =	ssyncadd.s32 $0xFFFFC000  }
0x58: {  	[spmem:s3] =	stream.indirect.scatter.add.f32 [tilespmem:s18], [sflag:$0x2], $0x80, s24, s21, $0xb8;
	[tilespmem:$0x1D000] =	vst v63  }
0x59: {  	_ =	swait.ge [sflag:s19], $0x4000  }
0x5a: {  	[sflag:s19] =	ssyncset.done $0x0  }
0x5b: {  	[sflag:s19] =	ssyncadd.s32 $0xFFFFC000  }
0x5c: {  	[bflag:$0x0] =	sbarrier.arrive $0xFFFF  }
0x5d: {  	[tilespmem:s18], [sflag:$0x2] =	stream.linear.gather [spmem:s5], $0x4000, $0x38;
	[tilespmem:$0x1D000] =	vst v63  }
0x5e: {  	_ =	swait.ge [sflag:s19], $0x4000  }
0x5f: {  	[sflag:s19] =	ssyncset.done $0x0  }
0x60: {  	[sflag:s19] =	ssyncadd.s32 $0xFFFFC000  }
0x61: {  	[hbm4b:s12+s4] =	stream.linear.scatter [tilespmem:s18], [sflag:$0x2], $0x4000, $0x38;
	[tilespmem:$0x1D000] =	vst v63  }
0x62: {  	_ =	swait.ge [sflag:s19], $0x4000  }
0x63: {  	[sflag:s19] =	ssyncset.done $0x0  }
0x64: {  	[sflag:s19] =	ssyncadd.s32 $0xFFFFC000  }
0x65: {  	[tilespmem:s18], [sflag:$0x2] =	stream.linear.gather [spmem:s6], $0x4000, $0x38;
	[tilespmem:$0x1D000] =	vst v63  }
0x66: {  	_ =	swait.ge [sflag:s19], $0x4000  }
0x67: {  	[sflag:s19] =	ssyncset.done $0x0  }
0x68: {  	[sflag:s19] =	ssyncadd.s32 $0xFFFFC000  }
0x69: {  	[hbm4b:s13+s4] =	stream.linear.scatter [tilespmem:s18], [sflag:$0x2], $0x4000, $0x38;
	[tilespmem:$0x1D000] =	vst v63  }
0x6a: {  	_ =	swait.ge [sflag:s19], $0x4000  }
0x6b: {  	[sflag:s19] =	ssyncset.done $0x0  }
0x6c: {  	[sflag:s19] =	ssyncadd.s32 $0xFFFFC000  }
0x6d: {  	[tilespmem:s18], [sflag:$0x2] =	stream.linear.gather [spmem:s7], $0x4000, $0x38;
	[tilespmem:$0x1D000] =	vst v63  }
0x6e: {  	_ =	swait.ge [sflag:s19], $0x4000  }
0x6f: {  	[sflag:s19] =	ssyncset.done $0x0  }
0x70: {  	[sflag:s19] =	ssyncadd.s32 $0xFFFFC000  }
0x71: {  	[hbm4b:s14+s4] =	stream.linear.scatter [tilespmem:s18], [sflag:$0x2], $0x4000, $0x38;
	[tilespmem:$0x1D000] =	vst v63  }
0x72: {  	_ =	swait.ge [sflag:s19], $0x4000  }
0x73: {  	[sflag:s19] =	ssyncset.done $0x0  }
0x74: {  	[sflag:s19] =	ssyncadd.s32 $0xFFFFC000  }
0x75: {  	[tilespmem:s18], [sflag:$0x2] =	stream.linear.gather [spmem:s8], $0x4000, $0x38;
	[tilespmem:$0x1D000] =	vst v63  }
0x76: {  	_ =	swait.ge [sflag:s19], $0x4000  }
0x77: {  	[sflag:s19] =	ssyncset.done $0x0  }
0x78: {  	[sflag:s19] =	ssyncadd.s32 $0xFFFFC000  }
0x79: {  	[hbm4b:s15+s4] =	stream.linear.scatter [tilespmem:s18], [sflag:$0x2], $0x4000, $0x38;
	[tilespmem:$0x1D000] =	vst v63  }
0x7a: {  	_ =	swait.ge [sflag:s19], $0x4000  }
0x7b: {  	[sflag:s19] =	ssyncset.done $0x0  }
0x7c: {  	[sflag:s19] =	ssyncadd.s32 $0xFFFFC000  }
0x7d: {  	[tilespmem:s18], [sflag:$0x2] =	stream.linear.gather [spmem:s9], $0x4000, $0x38;
	[tilespmem:$0x1D000] =	vst v63  }
0x7e: {  	s23 =	sadd.s32 $0x1, s23;
	_ =	swait.ge [sflag:s19], $0x4000  }
0x7f: {  	p0 =	sne.s32 s23, s17;
	[sflag:s19] =	ssyncset.done $0x0  }
.Ltmp2:
0x80: {  	[sflag:s19] =	ssyncadd.s32 $0xFFFFC000;
	(pc) =	sbr.rel @p0 .LBB2_1-.Ltmp2, $4  }
0x81: {  	[hbm4b:s16+s4] =	stream.linear.scatter [tilespmem:s18], [sflag:$0x2], $0x4000, $0x38;
	[tilespmem:$0x1D000] =	vst v63  }
0x82: {  	_ =	swait.ge [sflag:s19], $0x4000  }
0x83: {  	[sflag:s19] =	ssyncset.done $0x0  }
0x84: {  	[sflag:s19] =	ssyncadd.s32 $0xFFFFC000  }
0x85: {  	_ =	sfence.sel $0x180000  }
0x86: {  	[bflag:$0x0] =	sbarrier.arrive $0xFFFF  }
0x87: {  	p0 =	sne.s32 s0, $0x0;
	_ =	strace $0x90000056  }
0x88: {  	s0 =	sadd.s32 @!p0 $0x100000, s2;
	[bflag:$0x2] =	sbarrier.arrive $0xFFFF  }
0x89: {  	[sflag:s0] =	ssyncadd.tile.s32 @!p0 $0x1;
	_ =	shalt  }
.Lfunc_end2:
_tile_overlayer_lowered:
.L_overlay_start_2:
0x8a: {  	(tag) =	ssettag $0x2  }
0x8b: {  	s0 =	rddreg [dreg:$0x0];
	s2 =	stileid.u32  }
0x8c: {  	s1 =	rddreg [dreg:$0x1];
	p0 =	sne.s32 s2, $0x0  }
0x8d: {  	s3 =	rddreg [dreg:$0x2];
	[bflag:$0x3] =	sbarrier.arrive $0xFFFF;
	s2 =	simm.s32 @!p0 $0x1C02  }
0x8e: {  	[timem:s3], [sflag:s2] =	dma.local @!p0 [hbm:s0], s1  }
0x8f: {  	s0 =	simm.s32 @!p0 $0x2  }
0x90: {  	_ =	swait.ge @!p0 [sflag:s0], s1  }
0x91: {  	s1 =	ssub.s32 @!p0 $0x0, s1;
	[sflag:s0] =	ssyncset.done @!p0 $0x0  }
0x92: {  	[sflag:s0] =	ssyncadd.s32 @!p0 s1  }
0x93: {  	[bflag:$0x3] =	sbarrier.arrive $0xFFFF  }
0x94: {  	_ =	shalt  }

// kernel: sc_adj_accumulate.23.cloned.1.call-start
scs
__scs_entry_jumppad:
0x0: {  	(pc) =	sbr.rel $0x88, $3  }
0x1: {  	(tag) =	ssettag $0x0;
	lr =	simm.s32 $0x1  }
0x2: {  	[smem:$0x3F97] =	sst lr;
	_ =	strace $0xD0000000  }
0x3: {  	_ = 	snop  }
0x4: {  	_ = 	snop  }
0x5: {  	_ = 	snop  }
0x6: {  	_ = 	snop  }
0x7: {  	_ = 	snop  }
__scs_overlays_trampoline_lowered:
0x8: {  	[smem:$0x3FA6] =	sst s0  }
0x9: {  	[smem:$0x3FA7] =	sst s1  }
0xa: {  	[smem:$0x3FA8] =	sst s2  }
0xb: {  	[smem:$0x3FA9] =	sst s3  }
0xc: {  	[smem:$0x3FAA] =	sst s4  }
0xd: {  	[smem:$0x3FAB] =	sst s5  }
0xe: {  	[smem:$0x3FAC] =	sst s6  }
0xf: {  	[smem:$0x3FAD] =	sst s7  }
0x10: {  	[smem:$0x3FAE] =	sst s8  }
0x11: {  	[smem:$0x3FAF] =	sst s9;
	s0 =	simm.s32 @!p0 $0x0  }
0x12: {  	s1 =	sld [smem:$0x3F95];
	s0 =	simm.s32 @p0 $0x1  }
0x13: {  	[smem:$0x3FB0] =	sst s0;
	s0 =	simm.s32 @!p1 $0x0  }
0x14: {  	s2 =	sld [smem:$0x3F94];
	s0 =	simm.s32 @p1 $0x1  }
0x15: {  	[smem:$0x3FB1] =	sst s0;
	s0 =	simm.s32 @!p2 $0x0  }
0x16: {  	s3 =	sld [smem:$0x3FDB];
	s0 =	simm.s32 @p2 $0x1  }
0x17: {  	s4 =	simm.s32 $0x1BF5;
	[smem:$0x3FB3] =	sst s0  }
0x18: {  	s0 =	sld [smem:$0x3F96];
	_ =	swait.ge [sflag:s4], $0x0  }
0x19: {  	s7 =	sld [smem:$0x3F97]  }
0x1a: {  	s8 =	sadd.s32 $0xFFFFE003, lr  }
0x1b: {  	s9 =	sadd.s32 $0xFFFFFEF7, lr;
	s5 =	simm.s32 $0xFFFFFFFF;
	p2 =	slt.u32 s8, $0xFFFFF086  }
0x1c: {  	p1 =	slt.u32 s9, $0xF7A;
	s5 =	simm.s32 @!p2 $0x0  }
0x1d: {  	s5 =	simm.s32 @p1 $0x1;
	p0 =	seq.s32 s7, s2  }
0x1e: {  	s7 =	smul.u32 @!p0 $0xF7A, s2;
	p2 =	seq.s32 @!p0 s5, $0x0  }
0x1f: {  	s9 =	smul.u32 $0xF7A, s1;
	s8 =	simm.s32 @!p0 $0x1BF5;
	p2 =	por !p2, p0  }
0x20: {  	[sflag:s8] =	ssyncset.s32 @!p0 $0xFFFFF086;
	s6 =	sadd.s32 @!p0 s3, s7;
	s7 =	simm.s32 @!p0 $0x108  }
0x21: {  	s3 =	sadd.s32 s3, s9;
	s6 =	sadd.s32 @!p0 $0x88, s6;
	s7 =	simm.s32 @p2 $0x1082  }
0x22: {  	[simem:s7], [sflag:s8] =	dma.local @!p0 [hbm:s6], $0xF7A  }
0x23: {  	s9 =	sor.u32 $0xD0000000, s2;
	s6 =	simm.s32 $0x108;
	_ =	swait.ge @!p0 [sflag:s8], $0x0  }
0x24: {  	s3 =	sadd.s32 $0x88, s3;
	s6 =	simm.s32 @!p1 $0x1082;
	[sflag:s4] =	ssyncset.s32 $0xFFFFF086  }
0x25: {  	[simem:s6], [sflag:s4] =	dma.local [hbm:s3], $0xF7A  }
0x26: {  	[smem:$0x3F97] =	sst s1;
	(tag) =	ssettag s2;
	_ =	strace s9  }
0x27: {  	s1 =	sld [smem:$0x3FA7]  }
0x28: {  	s2 =	sld [smem:$0x3FA8]  }
0x29: {  	s4 =	sld [smem:$0x3FAA]  }
0x2a: {  	p0 =	seq.s32 s5, $0x0;
	s5 =	sld [smem:$0x3FAB]  }
0x2b: {  	s6 =	sld [smem:$0x3FAC]  }
0x2c: {  	s7 =	sld [smem:$0x3FAD]  }
0x2d: {  	s3 =	simm.s32 $0x108;
	s8 =	sld [smem:$0x3FAE]  }
0x2e: {  	s3 =	simm.s32 @!p0 $0x1082;
	s9 =	sld [smem:$0x3FAF]  }
0x2f: {  	lr =	sadd.s32 s0, s3;
	s0 =	sld [smem:$0x3FA6]  }
0x30: {  	s3 =	sld [smem:$0x3FA9]  }
0x31: {  	[smem:$0x3FB2] =	sst s10  }
0x32: {  	s10 =	sld [smem:$0x3FB0];
	_ =	sdelay $0x3  }
0x33: {  	p0 =	seq.s32 s10, $0x1;
	s10 =	sld [smem:$0x3FB2];
	_ =	sdelay $0x3  }
0x34: {  	[smem:$0x3FB2] =	sst s10  }
0x35: {  	s10 =	sld [smem:$0x3FB1];
	_ =	sdelay $0x3  }
0x36: {  	p1 =	seq.s32 s10, $0x1;
	s10 =	sld [smem:$0x3FB2];
	_ =	sdelay $0x3  }
0x37: {  	[smem:$0x3FB2] =	sst s10  }
0x38: {  	s10 =	sld [smem:$0x3FB3]  }
0x39: {  	_ = 	snop;
	(pc) =	sbr.ind lr, $3  }
0x3a: {  	_ = 	snop  }
0x3b: {  	_ = 	snop  }
0x3c: {  	p2 =	seq.s32 s10, $0x1;
	s10 =	sld [smem:$0x3FB2]  }
0x3d: {  	_ =	shalt  }
0x3e: {  	_ =	shalt  }
0x3f: {  	_ =	shalt  }
0x40: {  	_ =	shalt  }
0x41: {  	_ =	shalt  }
0x42: {  	_ =	shalt  }
0x43: {  	_ =	shalt  }
0x44: {  	_ =	shalt  }
0x45: {  	_ =	shalt  }
0x46: {  	_ =	shalt  }
0x47: {  	_ =	shalt  }
0x48: {  	_ =	shalt  }
0x49: {  	_ =	shalt  }
0x4a: {  	_ =	shalt  }
0x4b: {  	_ =	shalt  }
0x4c: {  	_ =	shalt  }
0x4d: {  	_ =	shalt  }
0x4e: {  	_ =	shalt  }
0x4f: {  	_ =	shalt  }
0x50: {  	_ =	shalt  }
0x51: {  	_ =	shalt  }
0x52: {  	_ =	shalt  }
0x53: {  	_ =	shalt  }
0x54: {  	_ =	shalt  }
0x55: {  	_ =	shalt  }
0x56: {  	_ =	shalt  }
0x57: {  	_ =	shalt  }
0x58: {  	_ =	shalt  }
0x59: {  	_ =	shalt  }
0x5a: {  	_ =	shalt  }
0x5b: {  	_ =	shalt  }
0x5c: {  	_ =	shalt  }
0x5d: {  	_ =	shalt  }
0x5e: {  	_ =	shalt  }
0x5f: {  	_ =	shalt  }
0x60: {  	_ =	shalt  }
0x61: {  	_ =	shalt  }
0x62: {  	_ =	shalt  }
0x63: {  	_ =	shalt  }
0x64: {  	_ =	shalt  }
0x65: {  	_ =	shalt  }
0x66: {  	_ =	shalt  }
0x67: {  	_ =	shalt  }
0x68: {  	_ =	shalt  }
0x69: {  	_ =	shalt  }
0x6a: {  	_ =	shalt  }
0x6b: {  	_ =	shalt  }
0x6c: {  	_ =	shalt  }
0x6d: {  	_ =	shalt  }
0x6e: {  	_ =	shalt  }
0x6f: {  	_ =	shalt  }
0x70: {  	_ =	shalt  }
0x71: {  	_ =	shalt  }
0x72: {  	_ =	shalt  }
0x73: {  	_ =	shalt  }
0x74: {  	_ =	shalt  }
0x75: {  	_ =	shalt  }
0x76: {  	_ =	shalt  }
0x77: {  	_ =	shalt  }
0x78: {  	_ =	shalt  }
0x79: {  	_ =	shalt  }
0x7a: {  	_ =	shalt  }
0x7b: {  	_ =	shalt  }
0x7c: {  	_ =	shalt  }
0x7d: {  	_ =	shalt  }
0x7e: {  	_ =	shalt  }
0x7f: {  	_ =	shalt  }
0x80: {  	_ =	shalt  }
0x81: {  	_ =	shalt  }
0x82: {  	_ =	shalt  }
0x83: {  	_ =	shalt  }
0x84: {  	_ =	shalt  }
0x85: {  	_ =	shalt  }
0x86: {  	_ =	shalt  }
0x87: {  	_ =	shalt  }
.Lfunc_end0:
.L_simem_size_0:
called_computation.6_lowered:
.L_overlay_start_0:
0x88: {  	s2 =	sld [smem:$0x3FD9]  }
0x89: {  	s3 =	sld [smem:$0x3FFE];
	_ =	sdelay $0x1  }
0x8a: {  	s1 =	srdreg.scid  }
0x8b: {  	s0 =	sand.u32 $0x1, s1  }
0x8c: {  	s17 =	sshll.u32 s0, $0xA;
	s2 =	sadd.s32 s3, s2  }
0x8d: {  	s2 =	sadd.s32 s2, s17  }
0x8e: {  	[smem:$0x3FBE] =	sst s2  }
0x8f: {  	_ = 	snop  }
0x90: {  	s2 =	sld [smem:$0x3FD0];
	(tm) =	ssettm $0x1  }
0x91: {  	s18 =	sld [smem:$0x3FFB];
	_ =	sdelay $0x3  }
0x92: {  	_ =	strace s18  }
0x93: {  	s3 =	sld [smem:$0x3FFC];
	_ =	sdelay $0x3  }
0x94: {  	_ =	strace s3  }
0x95: {  	s3 =	sld [smem:$0x3FFD];
	_ =	sdelay $0x3  }
0x96: {  	_ =	strace s3  }
0x97: {  	_ =	strace $0x8FFFFFFF  }
0x98: {  	s19 =	sld [smem:$0x3FDB];
	_ =	sdelay $0x1  }
0x99: {  	s4 =	simm.s32 $_scs_section_size  }
0x9a: {  	s5 =	simm.s32 $_size__tile_overlayer_lowered;
	s6 =	simm.s32 $_tile_overlayer_lowered  }
0x9b: {  	s22 =	simm.s32 $0x1BFF;
	s21 =	sshll.u32 s6, $0x1;
	s3 =	sadd.s32 s4, s19  }
0x9c: {  	s7 =	simm.s32 $0x0;
	s20 =	sshll.u32 s5, $0x1;
	s5 =	sadd.s32 s21, s3  }
0x9d: {  	[timem:s7], [sflag:s22] =	dma.local [hbm:s5], s20  }
0x9e: {  	_ =	swait.ge [sflag:s22], s20  }
0x9f: {  	s4 =	ssub.s32 $0x0, s20;
	[sflag:s22] =	ssyncset.done $0x0  }
0xa0: {  	[sflag:s22] =	ssyncadd.s32 s4;
	_ =	sdelay $0x1  }
0xa1: {  	s23 =	simm.s32 $0x1B8B  }
0xa2: {  	_ =	swait.ge [sflag:s23], $0x1  }
0xa3: {  	[sflag:s23] =	ssyncset.done $0x0  }
0xa4: {  	s25 =	simm.s32 $0x1B8E;
	s24 =	sld [smem:$0x3FFE];
	[sflag:s23] =	ssyncadd.s32 $0xFFFFFFFF  }
0xa5: {  	s26 =	simm.s32 $execute0_lowered;
	[smem:$0x3FD2] =	sst s25  }
0xa6: {  	s5 =	sshll.u32 s26, $0x1;
	_ =	strace $0x80000058;
	[dreg:$0x1] =	wrdreg $0xFFFFFFFF  }
0xa7: {  	s28 =	simm.s32 $_size_execute0_lowered;
	s3 =	sadd.s32 s3, s5;
	[dreg:$0x0] =	wrdreg $0x0  }
0xa8: {  	s5 =	sshll.u32 s28, $0x1;
	[dreg:$0x2] =	wrdreg s3  }
0xa9: {  	[dreg:$0x3] =	wrdreg s5  }
0xaa: {  	[dreg:$0x4] =	wrdreg $0xC0  }
0xab: {  	_ =	task [dreg:s7], $0x5FFFF  }
0xac: {  	[dreg:$0x1] =	wrdreg $0xFFFFFFFF  }
0xad: {  	[dreg:$0x0] =	wrdreg $0x60  }
0xae: {  	[dreg:$0x2] =	wrdreg s2  }
0xaf: {  	[dreg:$0x3] =	wrdreg s24  }
0xb0: {  	[dreg:$0x4] =	wrdreg $0x90000  }
0xb1: {  	[dreg:$0x5] =	wrdreg $0x9  }
0xb2: {  	_ =	task.clear_ibuf [dreg:s7], $0x6FFFF;
	_ =	strace $0x90000058  }
0xb3: {  	s29 =	simm.s32 $0x9;
	_ =	strace $0x8000005A  }
0xb4: {  	_ =	swait.ge [sflag:s29], $0x1  }
0xb5: {  	[sflag:s29] =	ssyncadd.s32 $0xFFFFFFFF  }
0xb6: {  	_ =	strace $0x9000005A  }
0xb7: {  	_ =	sfence  }
0xb8: {  	s30 =	sld [smem:$0x0];
	_ =	sdelay $0x2  }
0xb9: {  	s31 =	sshll.u32 s1, $0xD;
	s1 =	sshrl.u32 s1, $0x2  }
0xba: {  	s3 =	sand.u32 $0x4000, s31;
	s1 =	sadd.s32 s1, s30  }
0xbb: {  	s0 =	sor.u32 s3, s0;
	s1 =	sshll.u32 s1, $0x11  }
0xbc: {  	s0 =	sor.u32 s1, s0  }
0xbd: {  	s0 =	sadd.s32 $0x8F2B, s0  }
0xbe: {  	[sflag:s0] =	ssyncadd.remote.s32 $0x1  }
0xbf: {  	_ =	sfence.sel $0xFFFF  }
0xc0: {  	[dreg:$0x0] =	wrdreg $0xFFFFFFFF;
	(pc) =	sbr.abs _section_cstart, $3  }
0xc1: {  	[dreg:$0x1] =	wrdreg $0xFFFFFFFF  }
0xc2: {  	_ =	task.clear_ibuf [dreg:s7], $0x2FFFF;
	_ =	strace $0x9FFFFFFF  }
0xc3: {  	(tm) =	ssettm $0x7FFFFFFF  }
tec
execute0_lowered:
.L_overlay_start_1:
0x0: {  	(tag) =	ssettag $0x1  }
0x1: {  	s1 =	rddreg [dreg:$0x0]  }
0x2: {  	s5 =	rddreg [dreg:$0x1]  }
0x3: {  	s0 =	srdreg.scid;
	s3 =	rddreg [dreg:$0x2]  }
0x4: {  	s4 =	simm.s32 $0x0;
	s21 =	simm.s32 $0x80;
	s22 =	simm.s32 $0x1  }
0x5: {  	s23 =	simm.s32 $0x0;
	s7 =	sand.u32 $0x1, s0;
	s0 =	stileid.u32  }
0x6: {  	[smem:$0x7FF] =	sst s4;
	s16 =	sadd.s32 $0x69A00, s5;
	s8 =	smul.u32 $0x50000, s0  }
0x7: {  	s2 =	sshll.u32 s7, $0x4;
	s9 =	ssub.s32 $0x2, s7;
	s11 =	smul.u32 $0x14000, s0  }
0x8: {  	s19 =	smul.u32 $0x140000, s7;
	s6 =	sor.u32 s0, s2;
	s2 =	rddreg [dreg:$0x3]  }
0x9: {  	_ =	strace $0x80000059;
	s29 =	sshrl.u32 s9, $0x1;
	s6 =	smul.u32 $0x500, s6  }
0xa: {  	s17 =	ssub.s32 s9, s29;
	s30 =	sshrl.u32 s8, $0x2;
	s13 =	sadd.s32 $0x4000, s11  }
0xb: {  	s14 =	sadd.s32 $0x8000, s11;
	s15 =	sadd.s32 $0xC000, s11;
	s18 =	sadd.s32 $0x10000, s11  }
0xc: {  	s20 =	sadd.s32 s11, s19;
	s7 =	sadd.s32 s14, s3;
	s8 =	sadd.s32 s15, s3  }
0xd: {  	s9 =	sadd.s32 s18, s3;
	s31 =	sshrl.u32 s20, $0x3;
	s14 =	sadd.s32 s19, s14  }
0xe: {  	s15 =	sadd.s32 s19, s15;
	s18 =	sadd.s32 s19, s18;
	s17 =	smax.u32 s17, $0x1  }
0xf: {  	s20 =	simm.s32 $0x2800;
	s12 =	sadd.s32 s6, s5;
	s5 =	sadd.s32 s30, s3  }
0x10: {  	s6 =	sadd.s32 s13, s3;
	s13 =	sadd.s32 s19, s13;
	s14 =	sshrl.u32 s14, $0x3  }
0x11: {  	s15 =	sshrl.u32 s15, $0x3;
	s18 =	sshrl.u32 s18, $0x3;
	s19 =	simm.s32 $0x2  }
0x12: {  	s10 =	sadd.s32 $0xFA00, s12;
	s11 =	sadd.s32 $0x5A00, s12;
	s13 =	sshrl.u32 s13, $0x3  }
0x13: {  	s12 =	sadd.s32 s16, s31;
	s14 =	sadd.s32 s16, s14;
	s15 =	sadd.s32 s16, s15  }
0x14: {  	v0 =	vimm.f32 $0.0e+00;
	s13 =	sadd.s32 s16, s13;
	s16 =	sadd.s32 s16, s18;
	s18 =	simm.s32 $0x5000  }
.LBB2_1:
0x15: {  	s24 =	simm.s32 $0x0;
	s25 =	simm.s32 $0x200  }
.LBB2_2:
0x16: {  	p0 =	sne.s32 s25, $0xFE00;
	[tilespmem:s24+$0x5070] =	vst v0  }
0x17: {  	[tilespmem:s24+$0x5000] =	vst v0  }
0x18: {  	[tilespmem:s24+$0x5010] =	vst v0  }
.Ltmp0:
0x19: {  	[tilespmem:s24+$0x5020] =	vst v0;
	(pc) =	sbr.rel @p0 .LBB2_2-.Ltmp0, $4  }
0x1a: {  	[tilespmem:s24+$0x5030] =	vst v0  }
0x1b: {  	[tilespmem:s24+$0x5040] =	vst v0  }
0x1c: {  	[tilespmem:s24+$0x5050] =	vst v0  }
0x1d: {  	[tilespmem:s24+$0x5060] =	vst v0;
	s24 =	sshra.s32 s25, $0x2;
	s25 =	sadd.s32 $0x200, s25  }
0x1e: {  	[tilespmem:s24+$0x5070] =	vst v0  }
0x1f: {  	[tilespmem:s24+$0x5000] =	vst v0  }
0x20: {  	[tilespmem:s24+$0x5010] =	vst v0  }
0x21: {  	[tilespmem:s24+$0x5020] =	vst v0  }
0x22: {  	[tilespmem:s24+$0x5030] =	vst v0  }
0x23: {  	[tilespmem:s24+$0x5040] =	vst v0  }
0x24: {  	[tilespmem:s24+$0x5050] =	vst v0  }
0x25: {  	[tilespmem:s24+$0x5060] =	vst v0  }
0x26: {  	[spmem:s5] =	stream.linear.scatter [tilespmem:s18], [sflag:$0x2], $0x4000, $0x38;
	[tilespmem:$0x1D000] =	vst v63  }
0x27: {  	_ =	swait.ge [sflag:s19], $0x4000  }
0x28: {  	[sflag:s19] =	ssyncset.done $0x0  }
0x29: {  	[sflag:s19] =	ssyncadd.s32 $0xFFFFC000  }
0x2a: {  	[spmem:s6] =	stream.linear.scatter [tilespmem:s18], [sflag:$0x2], $0x4000, $0x38;
	[tilespmem:$0x1D000] =	vst v63  }
0x2b: {  	_ =	swait.ge [sflag:s19], $0x4000  }
0x2c: {  	[sflag:s19] =	ssyncset.done $0x0  }
0x2d: {  	[sflag:s19] =	ssyncadd.s32 $0xFFFFC000  }
0x2e: {  	[spmem:s7] =	stream.linear.scatter [tilespmem:s18], [sflag:$0x2], $0x4000, $0x38;
	[tilespmem:$0x1D000] =	vst v63  }
0x2f: {  	_ =	swait.ge [sflag:s19], $0x4000  }
0x30: {  	[sflag:s19] =	ssyncset.done $0x0  }
0x31: {  	[sflag:s19] =	ssyncadd.s32 $0xFFFFC000  }
0x32: {  	[spmem:s8] =	stream.linear.scatter [tilespmem:s18], [sflag:$0x2], $0x4000, $0x38;
	[tilespmem:$0x1D000] =	vst v63  }
0x33: {  	_ =	swait.ge [sflag:s19], $0x4000  }
0x34: {  	[sflag:s19] =	ssyncset.done $0x0  }
0x35: {  	[sflag:s19] =	ssyncadd.s32 $0xFFFFC000  }
0x36: {  	[spmem:s9] =	stream.linear.scatter [tilespmem:s18], [sflag:$0x2], $0x4000, $0x38;
	[tilespmem:$0x1D000] =	vst v63  }
0x37: {  	_ =	swait.ge [sflag:s19], $0x4000  }
0x38: {  	[sflag:s19] =	ssyncset.done $0x0  }
0x39: {  	s29 =	simm.s32 $0x0;
	[sflag:s19] =	ssyncadd.s32 $0xFFFFC000  }
0x3a: {  	[tilespmem:s29], [sflag:$0x2] =	stream.linear.gather [hbm4b:s10+s29], $0x2780, $0x38;
	[tilespmem:$0x1D000] =	vst v63  }
0x3b: {  	_ =	swait.ge [sflag:s19], $0x2780  }
0x3c: {  	[sflag:s19] =	ssyncset.done $0x0  }
0x3d: {  	[sflag:s19] =	ssyncadd.s32 $0xFFFFD880  }
0x3e: {  	[tilespmem:s20], [sflag:$0x2] =	stream.linear.gather [hbm4b:s11+s29], $0x2780, $0x38;
	[tilespmem:$0x1D000] =	vst v63  }
0x3f: {  	_ =	swait.ge [sflag:s19], $0x2780  }
0x40: {  	[sflag:s19] =	ssyncset.done $0x0  }
0x41: {  	[sflag:s19] =	ssyncadd.s32 $0xFFFFD880  }
0x42: {  	s30 =	simm.s32 $0x0;
	[bflag:$0x0] =	sbarrier.arrive $0xFFFF  }
0x43: {  	[tilespmem:s18], [sflag:$0x1] =	stream.indirect.gather [hbm4b:s1+s21], $0x80, s30, s21, $0xb8;
	[tilespmem:$0x1D000] =	vst v63  }
0x44: {  	_ =	swait.ge [sflag:s22], $0x4000  }
0x45: {  	[sflag:s22] =	ssyncset.done $0x0  }
0x46: {  	s31 =	simm.s32 $0x2800;
	[sflag:s22] =	ssyncadd.s32 $0xFFFFC000  }
0x47: {  	[spmem:s3] =	stream.indirect.scatter.add.f32 [tilespmem:s18], [sflag:$0x2], $0x80, s31, s21, $0xb8;
	[tilespmem:$0x1D000] =	vst v63  }
0x48: {  	_ =	swait.ge [sflag:s19], $0x4000  }
0x49: {  	s24 =	simm.s32 $0x200;
	s25 =	simm.s32 $0x400;
	[sflag:s19] =	ssyncset.done $0x0  }
.LBB2_4:
0x4a: {  	s26 =	sshra.s32 s24, $0x2  }
0x4b: {  	[sflag:s19] =	ssyncadd.s32 $0xFFFFC000;
	s24 =	smov.u32 s25;
	s28 =	sadd.s32 $0x200, s25  }
0x4c: {  	[tilespmem:s18], [sflag:$0x1] =	stream.indirect.gather [hbm4b:s1+s21], $0x80, s26, s21, $0xb8;
	[tilespmem:$0x1D000] =	vst v63  }
0x4d: {  	p0 =	sne.s32 s25, $0x9C00;
	_ =	swait.ge [sflag:s22], $0x4000  }
.Ltmp1:
0x4e: {  	[sflag:s22] =	ssyncset.done $0x0;
	(pc) =	sbr.rel @p0 .LBB2_4-.Ltmp1, $4  }
0x4f: {  	s25 =	sadd.s32 $0x2800, s26;
	[sflag:s22] =	ssyncadd.s32 $0xFFFFC000  }
0x50: {  	[spmem:s3] =	stream.indirect.scatter.add.f32 [tilespmem:s18], [sflag:$0x2], $0x80, s25, s21, $0xb8;
	[tilespmem:$0x1D000] =	vst v63  }
0x51: {  	_ =	swait.ge [sflag:s19], $0x4000  }
0x52: {  	s25 =	smov.u32 s28;
	[sflag:s19] =	ssyncset.done $0x0  }
0x53: {  	s24 =	sshra.s32 s24, $0x2;
	[sflag:s19] =	ssyncadd.s32 $0xFFFFC000  }
0x54: {  	[tilespmem:s18], [sflag:$0x1] =	stream.indirect.gather [hbm4b:s1+s21], $0x80, s24, s21, $0xb8;
	[tilespmem:$0x1D000] =	vst v63  }
0x55: {  	_ =	swait.ge [sflag:s22], $0x4000  }
0x56: {  	[sflag:s22] =	ssyncset.done $0x0  }
0x57: {  	s24 =	sadd.s32 $0x2800, s24;
	[sflag:s22] =	ssyncadd.s32 $0xFFFFC000  }
0x58: {  	[spmem:s3] =	stream.indirect.scatter.add.f32 [tilespmem:s18], [sflag:$0x2], $0x80, s24, s21, $0xb8;
	[tilespmem:$0x1D000] =	vst v63  }
0x59: {  	_ =	swait.ge [sflag:s19], $0x4000  }
0x5a: {  	[sflag:s19] =	ssyncset.done $0x0  }
0x5b: {  	[sflag:s19] =	ssyncadd.s32 $0xFFFFC000  }
0x5c: {  	[bflag:$0x0] =	sbarrier.arrive $0xFFFF  }
0x5d: {  	[tilespmem:s18], [sflag:$0x2] =	stream.linear.gather [spmem:s5], $0x4000, $0x38;
	[tilespmem:$0x1D000] =	vst v63  }
0x5e: {  	_ =	swait.ge [sflag:s19], $0x4000  }
0x5f: {  	[sflag:s19] =	ssyncset.done $0x0  }
0x60: {  	[sflag:s19] =	ssyncadd.s32 $0xFFFFC000  }
0x61: {  	[hbm4b:s12+s4] =	stream.linear.scatter [tilespmem:s18], [sflag:$0x2], $0x4000, $0x38;
	[tilespmem:$0x1D000] =	vst v63  }
0x62: {  	_ =	swait.ge [sflag:s19], $0x4000  }
0x63: {  	[sflag:s19] =	ssyncset.done $0x0  }
0x64: {  	[sflag:s19] =	ssyncadd.s32 $0xFFFFC000  }
0x65: {  	[tilespmem:s18], [sflag:$0x2] =	stream.linear.gather [spmem:s6], $0x4000, $0x38;
	[tilespmem:$0x1D000] =	vst v63  }
0x66: {  	_ =	swait.ge [sflag:s19], $0x4000  }
0x67: {  	[sflag:s19] =	ssyncset.done $0x0  }
0x68: {  	[sflag:s19] =	ssyncadd.s32 $0xFFFFC000  }
0x69: {  	[hbm4b:s13+s4] =	stream.linear.scatter [tilespmem:s18], [sflag:$0x2], $0x4000, $0x38;
	[tilespmem:$0x1D000] =	vst v63  }
0x6a: {  	_ =	swait.ge [sflag:s19], $0x4000  }
0x6b: {  	[sflag:s19] =	ssyncset.done $0x0  }
0x6c: {  	[sflag:s19] =	ssyncadd.s32 $0xFFFFC000  }
0x6d: {  	[tilespmem:s18], [sflag:$0x2] =	stream.linear.gather [spmem:s7], $0x4000, $0x38;
	[tilespmem:$0x1D000] =	vst v63  }
0x6e: {  	_ =	swait.ge [sflag:s19], $0x4000  }
0x6f: {  	[sflag:s19] =	ssyncset.done $0x0  }
0x70: {  	[sflag:s19] =	ssyncadd.s32 $0xFFFFC000  }
0x71: {  	[hbm4b:s14+s4] =	stream.linear.scatter [tilespmem:s18], [sflag:$0x2], $0x4000, $0x38;
	[tilespmem:$0x1D000] =	vst v63  }
0x72: {  	_ =	swait.ge [sflag:s19], $0x4000  }
0x73: {  	[sflag:s19] =	ssyncset.done $0x0  }
0x74: {  	[sflag:s19] =	ssyncadd.s32 $0xFFFFC000  }
0x75: {  	[tilespmem:s18], [sflag:$0x2] =	stream.linear.gather [spmem:s8], $0x4000, $0x38;
	[tilespmem:$0x1D000] =	vst v63  }
0x76: {  	_ =	swait.ge [sflag:s19], $0x4000  }
0x77: {  	[sflag:s19] =	ssyncset.done $0x0  }
0x78: {  	[sflag:s19] =	ssyncadd.s32 $0xFFFFC000  }
0x79: {  	[hbm4b:s15+s4] =	stream.linear.scatter [tilespmem:s18], [sflag:$0x2], $0x4000, $0x38;
	[tilespmem:$0x1D000] =	vst v63  }
0x7a: {  	_ =	swait.ge [sflag:s19], $0x4000  }
0x7b: {  	[sflag:s19] =	ssyncset.done $0x0  }
0x7c: {  	[sflag:s19] =	ssyncadd.s32 $0xFFFFC000  }
0x7d: {  	[tilespmem:s18], [sflag:$0x2] =	stream.linear.gather [spmem:s9], $0x4000, $0x38;
	[tilespmem:$0x1D000] =	vst v63  }
0x7e: {  	s23 =	sadd.s32 $0x1, s23;
	_ =	swait.ge [sflag:s19], $0x4000  }
0x7f: {  	p0 =	sne.s32 s23, s17;
	[sflag:s19] =	ssyncset.done $0x0  }
.Ltmp2:
0x80: {  	[sflag:s19] =	ssyncadd.s32 $0xFFFFC000;
	(pc) =	sbr.rel @p0 .LBB2_1-.Ltmp2, $4  }
0x81: {  	[hbm4b:s16+s4] =	stream.linear.scatter [tilespmem:s18], [sflag:$0x2], $0x4000, $0x38;
	[tilespmem:$0x1D000] =	vst v63  }
0x82: {  	_ =	swait.ge [sflag:s19], $0x4000  }
0x83: {  	[sflag:s19] =	ssyncset.done $0x0  }
0x84: {  	[sflag:s19] =	ssyncadd.s32 $0xFFFFC000  }
0x85: {  	_ =	sfence.sel $0x180000  }
0x86: {  	[bflag:$0x0] =	sbarrier.arrive $0xFFFF  }
0x87: {  	p0 =	sne.s32 s0, $0x0;
	_ =	strace $0x90000059  }
0x88: {  	s0 =	sadd.s32 @!p0 $0x100000, s2;
	[bflag:$0x2] =	sbarrier.arrive $0xFFFF  }
0x89: {  	[sflag:s0] =	ssyncadd.tile.s32 @!p0 $0x1;
	_ =	shalt  }
.Lfunc_end2:
_tile_overlayer_lowered:
.L_overlay_start_2:
0x8a: {  	(tag) =	ssettag $0x2  }
0x8b: {  	s0 =	rddreg [dreg:$0x0];
	s2 =	stileid.u32  }
0x8c: {  	s1 =	rddreg [dreg:$0x1];
	p0 =	sne.s32 s2, $0x0  }
0x8d: {  	s3 =	rddreg [dreg:$0x2];
	[bflag:$0x3] =	sbarrier.arrive $0xFFFF;
	s2 =	simm.s32 @!p0 $0x1C02  }
0x8e: {  	[timem:s3], [sflag:s2] =	dma.local @!p0 [hbm:s0], s1  }
0x8f: {  	s0 =	simm.s32 @!p0 $0x2  }
0x90: {  	_ =	swait.ge @!p0 [sflag:s0], s1  }
0x91: {  	s1 =	ssub.s32 @!p0 $0x0, s1;
	[sflag:s0] =	ssyncset.done @!p0 $0x0  }
0x92: {  	[sflag:s0] =	ssyncadd.s32 @!p0 s1  }
0x93: {  	[bflag:$0x3] =	sbarrier.arrive $0xFFFF  }
0x94: {  	_ =	shalt  }

// kernel: sc_adj_accumulate.8.cloned.1.call-start
scs
__scs_entry_jumppad:
0x0: {  	(pc) =	sbr.rel $0x88, $3  }
0x1: {  	(tag) =	ssettag $0x0;
	lr =	simm.s32 $0x1  }
0x2: {  	[smem:$0x3F97] =	sst lr;
	_ =	strace $0xD0000000  }
0x3: {  	_ = 	snop  }
0x4: {  	_ = 	snop  }
0x5: {  	_ = 	snop  }
0x6: {  	_ = 	snop  }
0x7: {  	_ = 	snop  }
__scs_overlays_trampoline_lowered:
0x8: {  	[smem:$0x3FA6] =	sst s0  }
0x9: {  	[smem:$0x3FA7] =	sst s1  }
0xa: {  	[smem:$0x3FA8] =	sst s2  }
0xb: {  	[smem:$0x3FA9] =	sst s3  }
0xc: {  	[smem:$0x3FAA] =	sst s4  }
0xd: {  	[smem:$0x3FAB] =	sst s5  }
0xe: {  	[smem:$0x3FAC] =	sst s6  }
0xf: {  	[smem:$0x3FAD] =	sst s7  }
0x10: {  	[smem:$0x3FAE] =	sst s8  }
0x11: {  	[smem:$0x3FAF] =	sst s9;
	s0 =	simm.s32 @!p0 $0x0  }
0x12: {  	s1 =	sld [smem:$0x3F95];
	s0 =	simm.s32 @p0 $0x1  }
0x13: {  	[smem:$0x3FB0] =	sst s0;
	s0 =	simm.s32 @!p1 $0x0  }
0x14: {  	s2 =	sld [smem:$0x3F94];
	s0 =	simm.s32 @p1 $0x1  }
0x15: {  	[smem:$0x3FB1] =	sst s0;
	s0 =	simm.s32 @!p2 $0x0  }
0x16: {  	s3 =	sld [smem:$0x3FDB];
	s0 =	simm.s32 @p2 $0x1  }
0x17: {  	s4 =	simm.s32 $0x1BF5;
	[smem:$0x3FB3] =	sst s0  }
0x18: {  	s0 =	sld [smem:$0x3F96];
	_ =	swait.ge [sflag:s4], $0x0  }
0x19: {  	s7 =	sld [smem:$0x3F97]  }
0x1a: {  	s8 =	sadd.s32 $0xFFFFE003, lr  }
0x1b: {  	s9 =	sadd.s32 $0xFFFFFEF7, lr;
	s5 =	simm.s32 $0xFFFFFFFF;
	p2 =	slt.u32 s8, $0xFFFFF086  }
0x1c: {  	p1 =	slt.u32 s9, $0xF7A;
	s5 =	simm.s32 @!p2 $0x0  }
0x1d: {  	s5 =	simm.s32 @p1 $0x1;
	p0 =	seq.s32 s7, s2  }
0x1e: {  	s7 =	smul.u32 @!p0 $0xF7A, s2;
	p2 =	seq.s32 @!p0 s5, $0x0  }
0x1f: {  	s9 =	smul.u32 $0xF7A, s1;
	s8 =	simm.s32 @!p0 $0x1BF5;
	p2 =	por !p2, p0  }
0x20: {  	[sflag:s8] =	ssyncset.s32 @!p0 $0xFFFFF086;
	s6 =	sadd.s32 @!p0 s3, s7;
	s7 =	simm.s32 @!p0 $0x108  }
0x21: {  	s3 =	sadd.s32 s3, s9;
	s6 =	sadd.s32 @!p0 $0x88, s6;
	s7 =	simm.s32 @p2 $0x1082  }
0x22: {  	[simem:s7], [sflag:s8] =	dma.local @!p0 [hbm:s6], $0xF7A  }
0x23: {  	s9 =	sor.u32 $0xD0000000, s2;
	s6 =	simm.s32 $0x108;
	_ =	swait.ge @!p0 [sflag:s8], $0x0  }
0x24: {  	s3 =	sadd.s32 $0x88, s3;
	s6 =	simm.s32 @!p1 $0x1082;
	[sflag:s4] =	ssyncset.s32 $0xFFFFF086  }
0x25: {  	[simem:s6], [sflag:s4] =	dma.local [hbm:s3], $0xF7A  }
0x26: {  	[smem:$0x3F97] =	sst s1;
	(tag) =	ssettag s2;
	_ =	strace s9  }
0x27: {  	s1 =	sld [smem:$0x3FA7]  }
0x28: {  	s2 =	sld [smem:$0x3FA8]  }
0x29: {  	s4 =	sld [smem:$0x3FAA]  }
0x2a: {  	p0 =	seq.s32 s5, $0x0;
	s5 =	sld [smem:$0x3FAB]  }
0x2b: {  	s6 =	sld [smem:$0x3FAC]  }
0x2c: {  	s7 =	sld [smem:$0x3FAD]  }
0x2d: {  	s3 =	simm.s32 $0x108;
	s8 =	sld [smem:$0x3FAE]  }
0x2e: {  	s3 =	simm.s32 @!p0 $0x1082;
	s9 =	sld [smem:$0x3FAF]  }
0x2f: {  	lr =	sadd.s32 s0, s3;
	s0 =	sld [smem:$0x3FA6]  }
0x30: {  	s3 =	sld [smem:$0x3FA9]  }
0x31: {  	[smem:$0x3FB2] =	sst s10  }
0x32: {  	s10 =	sld [smem:$0x3FB0];
	_ =	sdelay $0x3  }
0x33: {  	p0 =	seq.s32 s10, $0x1;
	s10 =	sld [smem:$0x3FB2];
	_ =	sdelay $0x3  }
0x34: {  	[smem:$0x3FB2] =	sst s10  }
0x35: {  	s10 =	sld [smem:$0x3FB1];
	_ =	sdelay $0x3  }
0x36: {  	p1 =	seq.s32 s10, $0x1;
	s10 =	sld [smem:$0x3FB2];
	_ =	sdelay $0x3  }
0x37: {  	[smem:$0x3FB2] =	sst s10  }
0x38: {  	s10 =	sld [smem:$0x3FB3]  }
0x39: {  	_ = 	snop;
	(pc) =	sbr.ind lr, $3  }
0x3a: {  	_ = 	snop  }
0x3b: {  	_ = 	snop  }
0x3c: {  	p2 =	seq.s32 s10, $0x1;
	s10 =	sld [smem:$0x3FB2]  }
0x3d: {  	_ =	shalt  }
0x3e: {  	_ =	shalt  }
0x3f: {  	_ =	shalt  }
0x40: {  	_ =	shalt  }
0x41: {  	_ =	shalt  }
0x42: {  	_ =	shalt  }
0x43: {  	_ =	shalt  }
0x44: {  	_ =	shalt  }
0x45: {  	_ =	shalt  }
0x46: {  	_ =	shalt  }
0x47: {  	_ =	shalt  }
0x48: {  	_ =	shalt  }
0x49: {  	_ =	shalt  }
0x4a: {  	_ =	shalt  }
0x4b: {  	_ =	shalt  }
0x4c: {  	_ =	shalt  }
0x4d: {  	_ =	shalt  }
0x4e: {  	_ =	shalt  }
0x4f: {  	_ =	shalt  }
0x50: {  	_ =	shalt  }
0x51: {  	_ =	shalt  }
0x52: {  	_ =	shalt  }
0x53: {  	_ =	shalt  }
0x54: {  	_ =	shalt  }
0x55: {  	_ =	shalt  }
0x56: {  	_ =	shalt  }
0x57: {  	_ =	shalt  }
0x58: {  	_ =	shalt  }
0x59: {  	_ =	shalt  }
0x5a: {  	_ =	shalt  }
0x5b: {  	_ =	shalt  }
0x5c: {  	_ =	shalt  }
0x5d: {  	_ =	shalt  }
0x5e: {  	_ =	shalt  }
0x5f: {  	_ =	shalt  }
0x60: {  	_ =	shalt  }
0x61: {  	_ =	shalt  }
0x62: {  	_ =	shalt  }
0x63: {  	_ =	shalt  }
0x64: {  	_ =	shalt  }
0x65: {  	_ =	shalt  }
0x66: {  	_ =	shalt  }
0x67: {  	_ =	shalt  }
0x68: {  	_ =	shalt  }
0x69: {  	_ =	shalt  }
0x6a: {  	_ =	shalt  }
0x6b: {  	_ =	shalt  }
0x6c: {  	_ =	shalt  }
0x6d: {  	_ =	shalt  }
0x6e: {  	_ =	shalt  }
0x6f: {  	_ =	shalt  }
0x70: {  	_ =	shalt  }
0x71: {  	_ =	shalt  }
0x72: {  	_ =	shalt  }
0x73: {  	_ =	shalt  }
0x74: {  	_ =	shalt  }
0x75: {  	_ =	shalt  }
0x76: {  	_ =	shalt  }
0x77: {  	_ =	shalt  }
0x78: {  	_ =	shalt  }
0x79: {  	_ =	shalt  }
0x7a: {  	_ =	shalt  }
0x7b: {  	_ =	shalt  }
0x7c: {  	_ =	shalt  }
0x7d: {  	_ =	shalt  }
0x7e: {  	_ =	shalt  }
0x7f: {  	_ =	shalt  }
0x80: {  	_ =	shalt  }
0x81: {  	_ =	shalt  }
0x82: {  	_ =	shalt  }
0x83: {  	_ =	shalt  }
0x84: {  	_ =	shalt  }
0x85: {  	_ =	shalt  }
0x86: {  	_ =	shalt  }
0x87: {  	_ =	shalt  }
.Lfunc_end0:
.L_simem_size_0:
called_computation.1_lowered:
.L_overlay_start_0:
0x88: {  	s2 =	sld [smem:$0x3FD9]  }
0x89: {  	s3 =	sld [smem:$0x3FFE];
	_ =	sdelay $0x1  }
0x8a: {  	s1 =	srdreg.scid  }
0x8b: {  	s0 =	sand.u32 $0x1, s1  }
0x8c: {  	s17 =	sshll.u32 s0, $0xA;
	s2 =	sadd.s32 s3, s2  }
0x8d: {  	s2 =	sadd.s32 s2, s17  }
0x8e: {  	[smem:$0x3FBE] =	sst s2  }
0x8f: {  	_ = 	snop  }
0x90: {  	s2 =	sld [smem:$0x3FD0];
	(tm) =	ssettm $0x1  }
0x91: {  	s18 =	sld [smem:$0x3FFB];
	_ =	sdelay $0x3  }
0x92: {  	_ =	strace s18  }
0x93: {  	s3 =	sld [smem:$0x3FFC];
	_ =	sdelay $0x3  }
0x94: {  	_ =	strace s3  }
0x95: {  	s3 =	sld [smem:$0x3FFD];
	_ =	sdelay $0x3  }
0x96: {  	_ =	strace s3  }
0x97: {  	_ =	strace $0x8FFFFFFF  }
0x98: {  	s19 =	sld [smem:$0x3FDB];
	_ =	sdelay $0x1  }
0x99: {  	s4 =	simm.s32 $_scs_section_size  }
0x9a: {  	s5 =	simm.s32 $_size__tile_overlayer_lowered;
	s6 =	simm.s32 $_tile_overlayer_lowered  }
0x9b: {  	s22 =	simm.s32 $0x1BFF;
	s21 =	sshll.u32 s6, $0x1;
	s3 =	sadd.s32 s4, s19  }
0x9c: {  	s7 =	simm.s32 $0x0;
	s20 =	sshll.u32 s5, $0x1;
	s5 =	sadd.s32 s21, s3  }
0x9d: {  	[timem:s7], [sflag:s22] =	dma.local [hbm:s5], s20  }
0x9e: {  	_ =	swait.ge [sflag:s22], s20  }
0x9f: {  	s4 =	ssub.s32 $0x0, s20;
	[sflag:s22] =	ssyncset.done $0x0  }
0xa0: {  	[sflag:s22] =	ssyncadd.s32 s4;
	_ =	sdelay $0x1  }
0xa1: {  	s23 =	simm.s32 $0x1B8B  }
0xa2: {  	_ =	swait.ge [sflag:s23], $0x1  }
0xa3: {  	[sflag:s23] =	ssyncset.done $0x0  }
0xa4: {  	s25 =	simm.s32 $0x1B8E;
	s24 =	sld [smem:$0x3FFE];
	[sflag:s23] =	ssyncadd.s32 $0xFFFFFFFF  }
0xa5: {  	s26 =	simm.s32 $execute0_lowered;
	[smem:$0x3FD2] =	sst s25  }
0xa6: {  	s5 =	sshll.u32 s26, $0x1;
	_ =	strace $0x80000049;
	[dreg:$0x1] =	wrdreg $0xFFFFFFFF  }
0xa7: {  	s28 =	simm.s32 $_size_execute0_lowered;
	s3 =	sadd.s32 s3, s5;
	[dreg:$0x0] =	wrdreg $0x0  }
0xa8: {  	s5 =	sshll.u32 s28, $0x1;
	[dreg:$0x2] =	wrdreg s3  }
0xa9: {  	[dreg:$0x3] =	wrdreg s5  }
0xaa: {  	[dreg:$0x4] =	wrdreg $0xC0  }
0xab: {  	_ =	task [dreg:s7], $0x5FFFF  }
0xac: {  	[dreg:$0x1] =	wrdreg $0xFFFFFFFF  }
0xad: {  	[dreg:$0x0] =	wrdreg $0x60  }
0xae: {  	[dreg:$0x2] =	wrdreg s2  }
0xaf: {  	[dreg:$0x3] =	wrdreg s24  }
0xb0: {  	[dreg:$0x4] =	wrdreg $0x90000  }
0xb1: {  	[dreg:$0x5] =	wrdreg $0x9  }
0xb2: {  	_ =	task.clear_ibuf [dreg:s7], $0x6FFFF;
	_ =	strace $0x90000049  }
0xb3: {  	s29 =	simm.s32 $0x9;
	_ =	strace $0x8000004B  }
0xb4: {  	_ =	swait.ge [sflag:s29], $0x1  }
0xb5: {  	[sflag:s29] =	ssyncadd.s32 $0xFFFFFFFF  }
0xb6: {  	_ =	strace $0x9000004B  }
0xb7: {  	_ =	sfence  }
0xb8: {  	s30 =	sld [smem:$0x0];
	_ =	sdelay $0x2  }
0xb9: {  	s31 =	sshll.u32 s1, $0xD;
	s1 =	sshrl.u32 s1, $0x2  }
0xba: {  	s3 =	sand.u32 $0x4000, s31;
	s1 =	sadd.s32 s1, s30  }
0xbb: {  	s0 =	sor.u32 s3, s0;
	s1 =	sshll.u32 s1, $0x11  }
0xbc: {  	s0 =	sor.u32 s1, s0  }
0xbd: {  	s0 =	sadd.s32 $0x8F2B, s0  }
0xbe: {  	[sflag:s0] =	ssyncadd.remote.s32 $0x1  }
0xbf: {  	_ =	sfence.sel $0xFFFF  }
0xc0: {  	[dreg:$0x0] =	wrdreg $0xFFFFFFFF;
	(pc) =	sbr.abs _section_cstart, $3  }
0xc1: {  	[dreg:$0x1] =	wrdreg $0xFFFFFFFF  }
0xc2: {  	_ =	task.clear_ibuf [dreg:s7], $0x2FFFF;
	_ =	strace $0x9FFFFFFF  }
0xc3: {  	(tm) =	ssettm $0x7FFFFFFF  }
tec
execute0_lowered:
.L_overlay_start_1:
0x0: {  	(tag) =	ssettag $0x1  }
0x1: {  	s1 =	rddreg [dreg:$0x0]  }
0x2: {  	s5 =	rddreg [dreg:$0x1]  }
0x3: {  	s0 =	srdreg.scid;
	s3 =	rddreg [dreg:$0x2]  }
0x4: {  	s4 =	simm.s32 $0x0;
	s21 =	simm.s32 $0x80;
	s22 =	simm.s32 $0x1  }
0x5: {  	s23 =	simm.s32 $0x0;
	s7 =	sand.u32 $0x1, s0;
	s0 =	stileid.u32  }
0x6: {  	[smem:$0x7FF] =	sst s4;
	s16 =	sadd.s32 $0x19A00, s5;
	s8 =	smul.u32 $0x50000, s0  }
0x7: {  	s2 =	sshll.u32 s7, $0x4;
	s9 =	ssub.s32 $0x2, s7;
	s11 =	smul.u32 $0x14000, s0  }
0x8: {  	s19 =	smul.u32 $0x140000, s7;
	s6 =	sor.u32 s0, s2;
	s2 =	rddreg [dreg:$0x3]  }
0x9: {  	_ =	strace $0x8000004A;
	s29 =	sshrl.u32 s9, $0x1;
	s6 =	smul.u32 $0x500, s6  }
0xa: {  	s17 =	ssub.s32 s9, s29;
	s30 =	sshrl.u32 s8, $0x2;
	s13 =	sadd.s32 $0x4000, s11  }
0xb: {  	s14 =	sadd.s32 $0x8000, s11;
	s15 =	sadd.s32 $0xC000, s11;
	s18 =	sadd.s32 $0x10000, s11  }
0xc: {  	s20 =	sadd.s32 s11, s19;
	s7 =	sadd.s32 s14, s3;
	s8 =	sadd.s32 s15, s3  }
0xd: {  	s9 =	sadd.s32 s18, s3;
	s31 =	sshrl.u32 s20, $0x3;
	s14 =	sadd.s32 s19, s14  }
0xe: {  	s15 =	sadd.s32 s19, s15;
	s18 =	sadd.s32 s19, s18;
	s17 =	smax.u32 s17, $0x1  }
0xf: {  	s20 =	simm.s32 $0x2800;
	s12 =	sadd.s32 s6, s5;
	s5 =	sadd.s32 s30, s3  }
0x10: {  	s6 =	sadd.s32 s13, s3;
	s13 =	sadd.s32 s19, s13;
	s14 =	sshrl.u32 s14, $0x3  }
0x11: {  	s15 =	sshrl.u32 s15, $0x3;
	s18 =	sshrl.u32 s18, $0x3;
	s19 =	simm.s32 $0x2  }
0x12: {  	s10 =	sadd.s32 $0xFA00, s12;
	s11 =	sadd.s32 $0x5A00, s12;
	s13 =	sshrl.u32 s13, $0x3  }
0x13: {  	s12 =	sadd.s32 s16, s31;
	s14 =	sadd.s32 s16, s14;
	s15 =	sadd.s32 s16, s15  }
0x14: {  	v0 =	vimm.f32 $0.0e+00;
	s13 =	sadd.s32 s16, s13;
	s16 =	sadd.s32 s16, s18;
	s18 =	simm.s32 $0x5000  }
.LBB2_1:
0x15: {  	s24 =	simm.s32 $0x0;
	s25 =	simm.s32 $0x200  }
.LBB2_2:
0x16: {  	p0 =	sne.s32 s25, $0xFE00;
	[tilespmem:s24+$0x5070] =	vst v0  }
0x17: {  	[tilespmem:s24+$0x5000] =	vst v0  }
0x18: {  	[tilespmem:s24+$0x5010] =	vst v0  }
.Ltmp0:
0x19: {  	[tilespmem:s24+$0x5020] =	vst v0;
	(pc) =	sbr.rel @p0 .LBB2_2-.Ltmp0, $4  }
0x1a: {  	[tilespmem:s24+$0x5030] =	vst v0  }
0x1b: {  	[tilespmem:s24+$0x5040] =	vst v0  }
0x1c: {  	[tilespmem:s24+$0x5050] =	vst v0  }
0x1d: {  	[tilespmem:s24+$0x5060] =	vst v0;
	s24 =	sshra.s32 s25, $0x2;
	s25 =	sadd.s32 $0x200, s25  }
0x1e: {  	[tilespmem:s24+$0x5070] =	vst v0  }
0x1f: {  	[tilespmem:s24+$0x5000] =	vst v0  }
0x20: {  	[tilespmem:s24+$0x5010] =	vst v0  }
0x21: {  	[tilespmem:s24+$0x5020] =	vst v0  }
0x22: {  	[tilespmem:s24+$0x5030] =	vst v0  }
0x23: {  	[tilespmem:s24+$0x5040] =	vst v0  }
0x24: {  	[tilespmem:s24+$0x5050] =	vst v0  }
0x25: {  	[tilespmem:s24+$0x5060] =	vst v0  }
0x26: {  	[spmem:s5] =	stream.linear.scatter [tilespmem:s18], [sflag:$0x2], $0x4000, $0x38;
	[tilespmem:$0x1D000] =	vst v63  }
0x27: {  	_ =	swait.ge [sflag:s19], $0x4000  }
0x28: {  	[sflag:s19] =	ssyncset.done $0x0  }
0x29: {  	[sflag:s19] =	ssyncadd.s32 $0xFFFFC000  }
0x2a: {  	[spmem:s6] =	stream.linear.scatter [tilespmem:s18], [sflag:$0x2], $0x4000, $0x38;
	[tilespmem:$0x1D000] =	vst v63  }
0x2b: {  	_ =	swait.ge [sflag:s19], $0x4000  }
0x2c: {  	[sflag:s19] =	ssyncset.done $0x0  }
0x2d: {  	[sflag:s19] =	ssyncadd.s32 $0xFFFFC000  }
0x2e: {  	[spmem:s7] =	stream.linear.scatter [tilespmem:s18], [sflag:$0x2], $0x4000, $0x38;
	[tilespmem:$0x1D000] =	vst v63  }
0x2f: {  	_ =	swait.ge [sflag:s19], $0x4000  }
0x30: {  	[sflag:s19] =	ssyncset.done $0x0  }
0x31: {  	[sflag:s19] =	ssyncadd.s32 $0xFFFFC000  }
0x32: {  	[spmem:s8] =	stream.linear.scatter [tilespmem:s18], [sflag:$0x2], $0x4000, $0x38;
	[tilespmem:$0x1D000] =	vst v63  }
0x33: {  	_ =	swait.ge [sflag:s19], $0x4000  }
0x34: {  	[sflag:s19] =	ssyncset.done $0x0  }
0x35: {  	[sflag:s19] =	ssyncadd.s32 $0xFFFFC000  }
0x36: {  	[spmem:s9] =	stream.linear.scatter [tilespmem:s18], [sflag:$0x2], $0x4000, $0x38;
	[tilespmem:$0x1D000] =	vst v63  }
0x37: {  	_ =	swait.ge [sflag:s19], $0x4000  }
0x38: {  	[sflag:s19] =	ssyncset.done $0x0  }
0x39: {  	s29 =	simm.s32 $0x0;
	[sflag:s19] =	ssyncadd.s32 $0xFFFFC000  }
0x3a: {  	[tilespmem:s29], [sflag:$0x2] =	stream.linear.gather [hbm4b:s10+s29], $0x2780, $0x38;
	[tilespmem:$0x1D000] =	vst v63  }
0x3b: {  	_ =	swait.ge [sflag:s19], $0x2780  }
0x3c: {  	[sflag:s19] =	ssyncset.done $0x0  }
0x3d: {  	[sflag:s19] =	ssyncadd.s32 $0xFFFFD880  }
0x3e: {  	[tilespmem:s20], [sflag:$0x2] =	stream.linear.gather [hbm4b:s11+s29], $0x2780, $0x38;
	[tilespmem:$0x1D000] =	vst v63  }
0x3f: {  	_ =	swait.ge [sflag:s19], $0x2780  }
0x40: {  	[sflag:s19] =	ssyncset.done $0x0  }
0x41: {  	[sflag:s19] =	ssyncadd.s32 $0xFFFFD880  }
0x42: {  	s30 =	simm.s32 $0x0;
	[bflag:$0x0] =	sbarrier.arrive $0xFFFF  }
0x43: {  	[tilespmem:s18], [sflag:$0x1] =	stream.indirect.gather [hbm4b:s1+s21], $0x80, s30, s21, $0xb8;
	[tilespmem:$0x1D000] =	vst v63  }
0x44: {  	_ =	swait.ge [sflag:s22], $0x4000  }
0x45: {  	[sflag:s22] =	ssyncset.done $0x0  }
0x46: {  	s31 =	simm.s32 $0x2800;
	[sflag:s22] =	ssyncadd.s32 $0xFFFFC000  }
0x47: {  	[spmem:s3] =	stream.indirect.scatter.add.f32 [tilespmem:s18], [sflag:$0x2], $0x80, s31, s21, $0xb8;
	[tilespmem:$0x1D000] =	vst v63  }
0x48: {  	_ =	swait.ge [sflag:s19], $0x4000  }
0x49: {  	s24 =	simm.s32 $0x200;
	s25 =	simm.s32 $0x400;
	[sflag:s19] =	ssyncset.done $0x0  }
.LBB2_4:
0x4a: {  	s26 =	sshra.s32 s24, $0x2  }
0x4b: {  	[sflag:s19] =	ssyncadd.s32 $0xFFFFC000;
	s24 =	smov.u32 s25;
	s28 =	sadd.s32 $0x200, s25  }
0x4c: {  	[tilespmem:s18], [sflag:$0x1] =	stream.indirect.gather [hbm4b:s1+s21], $0x80, s26, s21, $0xb8;
	[tilespmem:$0x1D000] =	vst v63  }
0x4d: {  	p0 =	sne.s32 s25, $0x9C00;
	_ =	swait.ge [sflag:s22], $0x4000  }
.Ltmp1:
0x4e: {  	[sflag:s22] =	ssyncset.done $0x0;
	(pc) =	sbr.rel @p0 .LBB2_4-.Ltmp1, $4  }
0x4f: {  	s25 =	sadd.s32 $0x2800, s26;
	[sflag:s22] =	ssyncadd.s32 $0xFFFFC000  }
0x50: {  	[spmem:s3] =	stream.indirect.scatter.add.f32 [tilespmem:s18], [sflag:$0x2], $0x80, s25, s21, $0xb8;
	[tilespmem:$0x1D000] =	vst v63  }
0x51: {  	_ =	swait.ge [sflag:s19], $0x4000  }
0x52: {  	s25 =	smov.u32 s28;
	[sflag:s19] =	ssyncset.done $0x0  }
0x53: {  	s24 =	sshra.s32 s24, $0x2;
	[sflag:s19] =	ssyncadd.s32 $0xFFFFC000  }
0x54: {  	[tilespmem:s18], [sflag:$0x1] =	stream.indirect.gather [hbm4b:s1+s21], $0x80, s24, s21, $0xb8;
	[tilespmem:$0x1D000] =	vst v63  }
0x55: {  	_ =	swait.ge [sflag:s22], $0x4000  }
0x56: {  	[sflag:s22] =	ssyncset.done $0x0  }
0x57: {  	s24 =	sadd.s32 $0x2800, s24;
	[sflag:s22] =	ssyncadd.s32 $0xFFFFC000  }
0x58: {  	[spmem:s3] =	stream.indirect.scatter.add.f32 [tilespmem:s18], [sflag:$0x2], $0x80, s24, s21, $0xb8;
	[tilespmem:$0x1D000] =	vst v63  }
0x59: {  	_ =	swait.ge [sflag:s19], $0x4000  }
0x5a: {  	[sflag:s19] =	ssyncset.done $0x0  }
0x5b: {  	[sflag:s19] =	ssyncadd.s32 $0xFFFFC000  }
0x5c: {  	[bflag:$0x0] =	sbarrier.arrive $0xFFFF  }
0x5d: {  	[tilespmem:s18], [sflag:$0x2] =	stream.linear.gather [spmem:s5], $0x4000, $0x38;
	[tilespmem:$0x1D000] =	vst v63  }
0x5e: {  	_ =	swait.ge [sflag:s19], $0x4000  }
0x5f: {  	[sflag:s19] =	ssyncset.done $0x0  }
0x60: {  	[sflag:s19] =	ssyncadd.s32 $0xFFFFC000  }
0x61: {  	[hbm4b:s12+s4] =	stream.linear.scatter [tilespmem:s18], [sflag:$0x2], $0x4000, $0x38;
	[tilespmem:$0x1D000] =	vst v63  }
0x62: {  	_ =	swait.ge [sflag:s19], $0x4000  }
0x63: {  	[sflag:s19] =	ssyncset.done $0x0  }
0x64: {  	[sflag:s19] =	ssyncadd.s32 $0xFFFFC000  }
0x65: {  	[tilespmem:s18], [sflag:$0x2] =	stream.linear.gather [spmem:s6], $0x4000, $0x38;
	[tilespmem:$0x1D000] =	vst v63  }
0x66: {  	_ =	swait.ge [sflag:s19], $0x4000  }
0x67: {  	[sflag:s19] =	ssyncset.done $0x0  }
0x68: {  	[sflag:s19] =	ssyncadd.s32 $0xFFFFC000  }
0x69: {  	[hbm4b:s13+s4] =	stream.linear.scatter [tilespmem:s18], [sflag:$0x2], $0x4000, $0x38;
	[tilespmem:$0x1D000] =	vst v63  }
0x6a: {  	_ =	swait.ge [sflag:s19], $0x4000  }
0x6b: {  	[sflag:s19] =	ssyncset.done $0x0  }
0x6c: {  	[sflag:s19] =	ssyncadd.s32 $0xFFFFC000  }
0x6d: {  	[tilespmem:s18], [sflag:$0x2] =	stream.linear.gather [spmem:s7], $0x4000, $0x38;
	[tilespmem:$0x1D000] =	vst v63  }
0x6e: {  	_ =	swait.ge [sflag:s19], $0x4000  }
0x6f: {  	[sflag:s19] =	ssyncset.done $0x0  }
0x70: {  	[sflag:s19] =	ssyncadd.s32 $0xFFFFC000  }
0x71: {  	[hbm4b:s14+s4] =	stream.linear.scatter [tilespmem:s18], [sflag:$0x2], $0x4000, $0x38;
	[tilespmem:$0x1D000] =	vst v63  }
0x72: {  	_ =	swait.ge [sflag:s19], $0x4000  }
0x73: {  	[sflag:s19] =	ssyncset.done $0x0  }
0x74: {  	[sflag:s19] =	ssyncadd.s32 $0xFFFFC000  }
0x75: {  	[tilespmem:s18], [sflag:$0x2] =	stream.linear.gather [spmem:s8], $0x4000, $0x38;
	[tilespmem:$0x1D000] =	vst v63  }
0x76: {  	_ =	swait.ge [sflag:s19], $0x4000  }
0x77: {  	[sflag:s19] =	ssyncset.done $0x0  }
0x78: {  	[sflag:s19] =	ssyncadd.s32 $0xFFFFC000  }
0x79: {  	[hbm4b:s15+s4] =	stream.linear.scatter [tilespmem:s18], [sflag:$0x2], $0x4000, $0x38;
	[tilespmem:$0x1D000] =	vst v63  }
0x7a: {  	_ =	swait.ge [sflag:s19], $0x4000  }
0x7b: {  	[sflag:s19] =	ssyncset.done $0x0  }
0x7c: {  	[sflag:s19] =	ssyncadd.s32 $0xFFFFC000  }
0x7d: {  	[tilespmem:s18], [sflag:$0x2] =	stream.linear.gather [spmem:s9], $0x4000, $0x38;
	[tilespmem:$0x1D000] =	vst v63  }
0x7e: {  	s23 =	sadd.s32 $0x1, s23;
	_ =	swait.ge [sflag:s19], $0x4000  }
0x7f: {  	p0 =	sne.s32 s23, s17;
	[sflag:s19] =	ssyncset.done $0x0  }
.Ltmp2:
0x80: {  	[sflag:s19] =	ssyncadd.s32 $0xFFFFC000;
	(pc) =	sbr.rel @p0 .LBB2_1-.Ltmp2, $4  }
0x81: {  	[hbm4b:s16+s4] =	stream.linear.scatter [tilespmem:s18], [sflag:$0x2], $0x4000, $0x38;
	[tilespmem:$0x1D000] =	vst v63  }
0x82: {  	_ =	swait.ge [sflag:s19], $0x4000  }
0x83: {  	[sflag:s19] =	ssyncset.done $0x0  }
0x84: {  	[sflag:s19] =	ssyncadd.s32 $0xFFFFC000  }
0x85: {  	_ =	sfence.sel $0x180000  }
0x86: {  	[bflag:$0x0] =	sbarrier.arrive $0xFFFF  }
0x87: {  	p0 =	sne.s32 s0, $0x0;
	_ =	strace $0x9000004A  }
0x88: {  	s0 =	sadd.s32 @!p0 $0x100000, s2;
	[bflag:$0x2] =	sbarrier.arrive $0xFFFF  }
0x89: {  	[sflag:s0] =	ssyncadd.tile.s32 @!p0 $0x1;
	_ =	shalt  }
.Lfunc_end2:
_tile_overlayer_lowered:
.L_overlay_start_2:
0x8a: {  	(tag) =	ssettag $0x2  }
0x8b: {  	s0 =	rddreg [dreg:$0x0];
	s2 =	stileid.u32  }
0x8c: {  	s1 =	rddreg [dreg:$0x1];
	p0 =	sne.s32 s2, $0x0  }
0x8d: {  	s3 =	rddreg [dreg:$0x2];
	[bflag:$0x3] =	sbarrier.arrive $0xFFFF;
	s2 =	simm.s32 @!p0 $0x1C02  }
0x8e: {  	[timem:s3], [sflag:s2] =	dma.local @!p0 [hbm:s0], s1  }
0x8f: {  	s0 =	simm.s32 @!p0 $0x2  }
0x90: {  	_ =	swait.ge @!p0 [sflag:s0], s1  }
0x91: {  	s1 =	ssub.s32 @!p0 $0x0, s1;
	[sflag:s0] =	ssyncset.done @!p0 $0x0  }
0x92: {  	[sflag:s0] =	ssyncadd.s32 @!p0 s1  }
0x93: {  	[bflag:$0x3] =	sbarrier.arrive $0xFFFF  }
0x94: {  	_ =	shalt  }

// kernel: sc_degree.3.cloned.1.call-start
scs
__scs_entry_jumppad:
0x0: {  	(pc) =	sbr.rel $0x88, $3  }
0x1: {  	(tag) =	ssettag $0x0;
	lr =	simm.s32 $0x1  }
0x2: {  	[smem:$0x3F97] =	sst lr;
	_ =	strace $0xD0000000  }
0x3: {  	_ = 	snop  }
0x4: {  	_ = 	snop  }
0x5: {  	_ = 	snop  }
0x6: {  	_ = 	snop  }
0x7: {  	_ = 	snop  }
__scs_overlays_trampoline_lowered:
0x8: {  	[smem:$0x3FA6] =	sst s0  }
0x9: {  	[smem:$0x3FA7] =	sst s1  }
0xa: {  	[smem:$0x3FA8] =	sst s2  }
0xb: {  	[smem:$0x3FA9] =	sst s3  }
0xc: {  	[smem:$0x3FAA] =	sst s4  }
0xd: {  	[smem:$0x3FAB] =	sst s5  }
0xe: {  	[smem:$0x3FAC] =	sst s6  }
0xf: {  	[smem:$0x3FAD] =	sst s7  }
0x10: {  	[smem:$0x3FAE] =	sst s8  }
0x11: {  	[smem:$0x3FAF] =	sst s9;
	s0 =	simm.s32 @!p0 $0x0  }
0x12: {  	s1 =	sld [smem:$0x3F95];
	s0 =	simm.s32 @p0 $0x1  }
0x13: {  	[smem:$0x3FB0] =	sst s0;
	s0 =	simm.s32 @!p1 $0x0  }
0x14: {  	s2 =	sld [smem:$0x3F94];
	s0 =	simm.s32 @p1 $0x1  }
0x15: {  	[smem:$0x3FB1] =	sst s0;
	s0 =	simm.s32 @!p2 $0x0  }
0x16: {  	s3 =	sld [smem:$0x3FDB];
	s0 =	simm.s32 @p2 $0x1  }
0x17: {  	s4 =	simm.s32 $0x1BF5;
	[smem:$0x3FB3] =	sst s0  }
0x18: {  	s0 =	sld [smem:$0x3F96];
	_ =	swait.ge [sflag:s4], $0x0  }
0x19: {  	s7 =	sld [smem:$0x3F97]  }
0x1a: {  	s8 =	sadd.s32 $0xFFFFE003, lr  }
0x1b: {  	s9 =	sadd.s32 $0xFFFFFEF7, lr;
	s5 =	simm.s32 $0xFFFFFFFF;
	p2 =	slt.u32 s8, $0xFFFFF086  }
0x1c: {  	p1 =	slt.u32 s9, $0xF7A;
	s5 =	simm.s32 @!p2 $0x0  }
0x1d: {  	s5 =	simm.s32 @p1 $0x1;
	p0 =	seq.s32 s7, s2  }
0x1e: {  	s7 =	smul.u32 @!p0 $0xF7A, s2;
	p2 =	seq.s32 @!p0 s5, $0x0  }
0x1f: {  	s9 =	smul.u32 $0xF7A, s1;
	s8 =	simm.s32 @!p0 $0x1BF5;
	p2 =	por !p2, p0  }
0x20: {  	[sflag:s8] =	ssyncset.s32 @!p0 $0xFFFFF086;
	s6 =	sadd.s32 @!p0 s3, s7;
	s7 =	simm.s32 @!p0 $0x108  }
0x21: {  	s3 =	sadd.s32 s3, s9;
	s6 =	sadd.s32 @!p0 $0x88, s6;
	s7 =	simm.s32 @p2 $0x1082  }
0x22: {  	[simem:s7], [sflag:s8] =	dma.local @!p0 [hbm:s6], $0xF7A  }
0x23: {  	s9 =	sor.u32 $0xD0000000, s2;
	s6 =	simm.s32 $0x108;
	_ =	swait.ge @!p0 [sflag:s8], $0x0  }
0x24: {  	s3 =	sadd.s32 $0x88, s3;
	s6 =	simm.s32 @!p1 $0x1082;
	[sflag:s4] =	ssyncset.s32 $0xFFFFF086  }
0x25: {  	[simem:s6], [sflag:s4] =	dma.local [hbm:s3], $0xF7A  }
0x26: {  	[smem:$0x3F97] =	sst s1;
	(tag) =	ssettag s2;
	_ =	strace s9  }
0x27: {  	s1 =	sld [smem:$0x3FA7]  }
0x28: {  	s2 =	sld [smem:$0x3FA8]  }
0x29: {  	s4 =	sld [smem:$0x3FAA]  }
0x2a: {  	p0 =	seq.s32 s5, $0x0;
	s5 =	sld [smem:$0x3FAB]  }
0x2b: {  	s6 =	sld [smem:$0x3FAC]  }
0x2c: {  	s7 =	sld [smem:$0x3FAD]  }
0x2d: {  	s3 =	simm.s32 $0x108;
	s8 =	sld [smem:$0x3FAE]  }
0x2e: {  	s3 =	simm.s32 @!p0 $0x1082;
	s9 =	sld [smem:$0x3FAF]  }
0x2f: {  	lr =	sadd.s32 s0, s3;
	s0 =	sld [smem:$0x3FA6]  }
0x30: {  	s3 =	sld [smem:$0x3FA9]  }
0x31: {  	[smem:$0x3FB2] =	sst s10  }
0x32: {  	s10 =	sld [smem:$0x3FB0];
	_ =	sdelay $0x3  }
0x33: {  	p0 =	seq.s32 s10, $0x1;
	s10 =	sld [smem:$0x3FB2];
	_ =	sdelay $0x3  }
0x34: {  	[smem:$0x3FB2] =	sst s10  }
0x35: {  	s10 =	sld [smem:$0x3FB1];
	_ =	sdelay $0x3  }
0x36: {  	p1 =	seq.s32 s10, $0x1;
	s10 =	sld [smem:$0x3FB2];
	_ =	sdelay $0x3  }
0x37: {  	[smem:$0x3FB2] =	sst s10  }
0x38: {  	s10 =	sld [smem:$0x3FB3]  }
0x39: {  	_ = 	snop;
	(pc) =	sbr.ind lr, $3  }
0x3a: {  	_ = 	snop  }
0x3b: {  	_ = 	snop  }
0x3c: {  	p2 =	seq.s32 s10, $0x1;
	s10 =	sld [smem:$0x3FB2]  }
0x3d: {  	_ =	shalt  }
0x3e: {  	_ =	shalt  }
0x3f: {  	_ =	shalt  }
0x40: {  	_ =	shalt  }
0x41: {  	_ =	shalt  }
0x42: {  	_ =	shalt  }
0x43: {  	_ =	shalt  }
0x44: {  	_ =	shalt  }
0x45: {  	_ =	shalt  }
0x46: {  	_ =	shalt  }
0x47: {  	_ =	shalt  }
0x48: {  	_ =	shalt  }
0x49: {  	_ =	shalt  }
0x4a: {  	_ =	shalt  }
0x4b: {  	_ =	shalt  }
0x4c: {  	_ =	shalt  }
0x4d: {  	_ =	shalt  }
0x4e: {  	_ =	shalt  }
0x4f: {  	_ =	shalt  }
0x50: {  	_ =	shalt  }
0x51: {  	_ =	shalt  }
0x52: {  	_ =	shalt  }
0x53: {  	_ =	shalt  }
0x54: {  	_ =	shalt  }
0x55: {  	_ =	shalt  }
0x56: {  	_ =	shalt  }
0x57: {  	_ =	shalt  }
0x58: {  	_ =	shalt  }
0x59: {  	_ =	shalt  }
0x5a: {  	_ =	shalt  }
0x5b: {  	_ =	shalt  }
0x5c: {  	_ =	shalt  }
0x5d: {  	_ =	shalt  }
0x5e: {  	_ =	shalt  }
0x5f: {  	_ =	shalt  }
0x60: {  	_ =	shalt  }
0x61: {  	_ =	shalt  }
0x62: {  	_ =	shalt  }
0x63: {  	_ =	shalt  }
0x64: {  	_ =	shalt  }
0x65: {  	_ =	shalt  }
0x66: {  	_ =	shalt  }
0x67: {  	_ =	shalt  }
0x68: {  	_ =	shalt  }
0x69: {  	_ =	shalt  }
0x6a: {  	_ =	shalt  }
0x6b: {  	_ =	shalt  }
0x6c: {  	_ =	shalt  }
0x6d: {  	_ =	shalt  }
0x6e: {  	_ =	shalt  }
0x6f: {  	_ =	shalt  }
0x70: {  	_ =	shalt  }
0x71: {  	_ =	shalt  }
0x72: {  	_ =	shalt  }
0x73: {  	_ =	shalt  }
0x74: {  	_ =	shalt  }
0x75: {  	_ =	shalt  }
0x76: {  	_ =	shalt  }
0x77: {  	_ =	shalt  }
0x78: {  	_ =	shalt  }
0x79: {  	_ =	shalt  }
0x7a: {  	_ =	shalt  }
0x7b: {  	_ =	shalt  }
0x7c: {  	_ =	shalt  }
0x7d: {  	_ =	shalt  }
0x7e: {  	_ =	shalt  }
0x7f: {  	_ =	shalt  }
0x80: {  	_ =	shalt  }
0x81: {  	_ =	shalt  }
0x82: {  	_ =	shalt  }
0x83: {  	_ =	shalt  }
0x84: {  	_ =	shalt  }
0x85: {  	_ =	shalt  }
0x86: {  	_ =	shalt  }
0x87: {  	_ =	shalt  }
.Lfunc_end0:
.L_simem_size_0:
called_computation_lowered:
.L_overlay_start_0:
0x88: {  	s2 =	sld [smem:$0x3FD9]  }
0x89: {  	s3 =	sld [smem:$0x3FFE];
	_ =	sdelay $0x1  }
0x8a: {  	s1 =	srdreg.scid  }
0x8b: {  	s0 =	sand.u32 $0x1, s1  }
0x8c: {  	s17 =	sshll.u32 s0, $0xA;
	s2 =	sadd.s32 s3, s2  }
0x8d: {  	s2 =	sadd.s32 s2, s17  }
0x8e: {  	[smem:$0x3FBE] =	sst s2  }
0x8f: {  	_ = 	snop  }
0x90: {  	s2 =	sld [smem:$0x3FD0];
	(tm) =	ssettm $0x1  }
0x91: {  	s18 =	sld [smem:$0x3FFB];
	_ =	sdelay $0x3  }
0x92: {  	_ =	strace s18  }
0x93: {  	s3 =	sld [smem:$0x3FFC];
	_ =	sdelay $0x3  }
0x94: {  	_ =	strace s3  }
0x95: {  	s3 =	sld [smem:$0x3FFD];
	_ =	sdelay $0x3  }
0x96: {  	_ =	strace s3  }
0x97: {  	_ =	strace $0x8FFFFFFF  }
0x98: {  	s19 =	sld [smem:$0x3FDB];
	_ =	sdelay $0x1  }
0x99: {  	s4 =	simm.s32 $_scs_section_size  }
0x9a: {  	s5 =	simm.s32 $_size__tile_overlayer_lowered;
	s6 =	simm.s32 $_tile_overlayer_lowered  }
0x9b: {  	s22 =	simm.s32 $0x1BFF;
	s21 =	sshll.u32 s6, $0x1;
	s3 =	sadd.s32 s4, s19  }
0x9c: {  	s7 =	simm.s32 $0x0;
	s20 =	sshll.u32 s5, $0x1;
	s5 =	sadd.s32 s21, s3  }
0x9d: {  	[timem:s7], [sflag:s22] =	dma.local [hbm:s5], s20  }
0x9e: {  	_ =	swait.ge [sflag:s22], s20  }
0x9f: {  	s4 =	ssub.s32 $0x0, s20;
	[sflag:s22] =	ssyncset.done $0x0  }
0xa0: {  	[sflag:s22] =	ssyncadd.s32 s4;
	_ =	sdelay $0x1  }
0xa1: {  	s23 =	simm.s32 $0x1B8B  }
0xa2: {  	_ =	swait.ge [sflag:s23], $0x1  }
0xa3: {  	[sflag:s23] =	ssyncset.done $0x0  }
0xa4: {  	s25 =	simm.s32 $0x1B8E;
	s24 =	sld [smem:$0x3FFE];
	[sflag:s23] =	ssyncadd.s32 $0xFFFFFFFF  }
0xa5: {  	s26 =	simm.s32 $execute0_lowered;
	[smem:$0x3FD2] =	sst s25  }
0xa6: {  	s5 =	sshll.u32 s26, $0x1;
	_ =	strace $0x80000046;
	[dreg:$0x1] =	wrdreg $0xFFFFFFFF  }
0xa7: {  	s28 =	simm.s32 $_size_execute0_lowered;
	s3 =	sadd.s32 s3, s5;
	[dreg:$0x0] =	wrdreg $0x0  }
0xa8: {  	s5 =	sshll.u32 s28, $0x1;
	[dreg:$0x2] =	wrdreg s3  }
0xa9: {  	[dreg:$0x3] =	wrdreg s5  }
0xaa: {  	[dreg:$0x4] =	wrdreg $0xC0  }
0xab: {  	_ =	task [dreg:s7], $0x5FFFF  }
0xac: {  	[dreg:$0x1] =	wrdreg $0xFFFFFFFF  }
0xad: {  	[dreg:$0x0] =	wrdreg $0x60  }
0xae: {  	[dreg:$0x2] =	wrdreg s2  }
0xaf: {  	[dreg:$0x3] =	wrdreg s24  }
0xb0: {  	[dreg:$0x4] =	wrdreg $0x2B000  }
0xb1: {  	[dreg:$0x5] =	wrdreg $0x9  }
0xb2: {  	_ =	task.clear_ibuf [dreg:s7], $0x6FFFF;
	_ =	strace $0x90000046  }
0xb3: {  	s29 =	simm.s32 $0x9;
	_ =	strace $0x80000048  }
0xb4: {  	_ =	swait.ge [sflag:s29], $0x1  }
0xb5: {  	[sflag:s29] =	ssyncadd.s32 $0xFFFFFFFF  }
0xb6: {  	_ =	strace $0x90000048  }
0xb7: {  	_ =	sfence  }
0xb8: {  	s30 =	sld [smem:$0x0];
	_ =	sdelay $0x2  }
0xb9: {  	s31 =	sshll.u32 s1, $0xD;
	s1 =	sshrl.u32 s1, $0x2  }
0xba: {  	s3 =	sand.u32 $0x4000, s31;
	s1 =	sadd.s32 s1, s30  }
0xbb: {  	s0 =	sor.u32 s3, s0;
	s1 =	sshll.u32 s1, $0x11  }
0xbc: {  	s0 =	sor.u32 s1, s0  }
0xbd: {  	s0 =	sadd.s32 $0x8F2B, s0  }
0xbe: {  	[sflag:s0] =	ssyncadd.remote.s32 $0x1  }
0xbf: {  	_ =	sfence.sel $0xFFFF  }
0xc0: {  	[dreg:$0x0] =	wrdreg $0xFFFFFFFF;
	(pc) =	sbr.abs _section_cstart, $3  }
0xc1: {  	[dreg:$0x1] =	wrdreg $0xFFFFFFFF  }
0xc2: {  	_ =	task.clear_ibuf [dreg:s7], $0x2FFFF;
	_ =	strace $0x9FFFFFFF  }
0xc3: {  	(tm) =	ssettm $0x7FFFFFFF  }
tec
execute0_lowered:
.L_overlay_start_1:
0x0: {  	(tag) =	ssettag $0x1  }
0x1: {  	s5 =	rddreg [dreg:$0x0]  }
0x2: {  	s4 =	rddreg [dreg:$0x1]  }
0x3: {  	s2 =	rddreg [dreg:$0x2]  }
0x4: {  	s0 =	rddreg [dreg:$0x3];
	s3 =	simm.s32 $0x0;
	s6 =	srdreg.scid  }
0x5: {  	s1 =	stileid.u32;
	s11 =	simm.s32 $0x2800;
	s12 =	simm.s32 $0x100  }
0x6: {  	s13 =	simm.s32 $0x0;
	[smem:$0x7FF] =	sst s3;
	s7 =	smul.u32 $0x500, s1  }
0x7: {  	s6 =	sand.u32 $0x1, s6;
	s9 =	smul.u32 $0xA00, s1;
	_ =	strace $0x80000047  }
0x8: {  	s8 =	sshll.u32 s6, $0x7;
	s31 =	sshll.u32 s6, $0x4;
	s6 =	ssub.s32 $0x2, s6  }
0x9: {  	s7 =	sor.u32 s8, s7;
	s8 =	sor.u32 s1, s31;
	s10 =	sshrl.u32 s6, $0x1  }
0xa: {  	s9 =	sshrl.u32 s9, $0x2;
	s7 =	sshrl.u32 s7, $0x3;
	s8 =	smul.u32 $0x500, s8  }
0xb: {  	s10 =	ssub.s32 s6, s10;
	s7 =	sadd.s32 s7, s4;
	s4 =	sadd.s32 s9, s2  }
0xc: {  	s9 =	simm.s32 $0x1;
	s5 =	sadd.s32 s5, s8;
	s6 =	sadd.s32 $0x5000, s7  }
0xd: {  	v0 =	vimm.f32 $1.000000000e+00;
	v1 =	vimm.f32 $0.0e+00;
	s7 =	smax.u32 s10, $0x1;
	s8 =	simm.s32 $0x2880;
	s10 =	simm.s32 $0x80  }
.LBB2_1:
0xe: {  	[tilespmem:$0x2800] =	vst v0  }
0xf: {  	[tilespmem:$0x2810] =	vst v0  }
0x10: {  	[tilespmem:$0x2820] =	vst v0  }
0x11: {  	[tilespmem:$0x2830] =	vst v0  }
0x12: {  	[tilespmem:$0x2840] =	vst v0  }
0x13: {  	[tilespmem:$0x2850] =	vst v0  }
0x14: {  	[tilespmem:$0x2860] =	vst v0  }
0x15: {  	[tilespmem:$0x2870] =	vst v0  }
0x16: {  	[tilespmem:$0x2880] =	vst v1  }
0x17: {  	[tilespmem:$0x2890] =	vst v1  }
0x18: {  	[tilespmem:$0x28A0] =	vst v1  }
0x19: {  	[tilespmem:$0x28B0] =	vst v1  }
0x1a: {  	[tilespmem:$0x28C0] =	vst v1  }
0x1b: {  	[tilespmem:$0x28D0] =	vst v1  }
0x1c: {  	[tilespmem:$0x28E0] =	vst v1  }
0x1d: {  	[tilespmem:$0x28F0] =	vst v1  }
0x1e: {  	[tilespmem:$0x2900] =	vst v1  }
0x1f: {  	[tilespmem:$0x2910] =	vst v1  }
0x20: {  	[tilespmem:$0x2920] =	vst v1  }
0x21: {  	[tilespmem:$0x2930] =	vst v1  }
0x22: {  	[tilespmem:$0x2940] =	vst v1  }
0x23: {  	[tilespmem:$0x2950] =	vst v1  }
0x24: {  	[tilespmem:$0x2960] =	vst v1  }
0x25: {  	[tilespmem:$0x2970] =	vst v1  }
0x26: {  	[tilespmem:$0x2980] =	vst v1  }
0x27: {  	[tilespmem:$0x2990] =	vst v1  }
0x28: {  	[tilespmem:$0x29A0] =	vst v1  }
0x29: {  	[tilespmem:$0x29B0] =	vst v1  }
0x2a: {  	[tilespmem:$0x29C0] =	vst v1  }
0x2b: {  	[tilespmem:$0x29D0] =	vst v1  }
0x2c: {  	[tilespmem:$0x29E0] =	vst v1  }
0x2d: {  	[tilespmem:$0x29F0] =	vst v1  }
0x2e: {  	[tilespmem:$0x2A00] =	vst v1  }
0x2f: {  	[tilespmem:$0x2A10] =	vst v1  }
0x30: {  	[tilespmem:$0x2A20] =	vst v1  }
0x31: {  	[tilespmem:$0x2A30] =	vst v1  }
0x32: {  	[tilespmem:$0x2A40] =	vst v1  }
0x33: {  	[tilespmem:$0x2A50] =	vst v1  }
0x34: {  	[tilespmem:$0x2A60] =	vst v1  }
0x35: {  	[tilespmem:$0x2A70] =	vst v1  }
0x36: {  	[tilespmem:$0x2A80] =	vst v1  }
0x37: {  	[tilespmem:$0x2A90] =	vst v1  }
0x38: {  	[tilespmem:$0x2AA0] =	vst v1  }
0x39: {  	[tilespmem:$0x2AB0] =	vst v1  }
0x3a: {  	[tilespmem:$0x2AC0] =	vst v1  }
0x3b: {  	[tilespmem:$0x2AD0] =	vst v1  }
0x3c: {  	[tilespmem:$0x2AE0] =	vst v1  }
0x3d: {  	[tilespmem:$0x2AF0] =	vst v1  }
0x3e: {  	[spmem:s4] =	stream.linear.scatter [tilespmem:s8], [sflag:$0x1], $0x280, $0x38;
	[tilespmem:$0x2D80] =	vst v63  }
0x3f: {  	_ =	swait.ge [sflag:s9], $0x280  }
0x40: {  	[sflag:s9] =	ssyncset.done $0x0  }
0x41: {  	[sflag:s9] =	ssyncadd.s32 $0xFFFFFD80  }
0x42: {  	[tilespmem:s3], [sflag:$0x1] =	stream.linear.gather [hbm4b:s5+s3], $0x2780, $0x38;
	[tilespmem:$0x2D80] =	vst v63  }
0x43: {  	_ =	swait.ge [sflag:s9], $0x2780  }
0x44: {  	[sflag:s9] =	ssyncset.done $0x0  }
0x45: {  	[sflag:s9] =	ssyncadd.s32 $0xFFFFD880  }
0x46: {  	s14 =	simm.s32 $0x0;
	[bflag:$0x0] =	sbarrier.arrive $0xFFFF  }
0x47: {  	[spmem:s2] =	stream.indirect.scatter.add.f32 [tilespmem:s11], [sflag:$0x1], $0x1, s14, s10, $0xb8;
	[tilespmem:$0x2D80] =	vst v63  }
0x48: {  	_ =	swait.ge [sflag:s9], $0x80  }
0x49: {  	s14 =	simm.s32 $0x200;
	[sflag:s9] =	ssyncset.done $0x0  }
.LBB2_2:
0x4a: {  	s15 =	sshra.s32 s14, $0x2;
	[sflag:s9] =	ssyncadd.s32 $0xFFFFFF80;
	p0 =	sne.s32 s14, $0x9C00  }
0x4b: {  	[spmem:s2] =	stream.indirect.scatter.add.f32 [tilespmem:s11], [sflag:$0x1], $0x1, s15, s10, $0xb8;
	[tilespmem:$0x2D80] =	vst v63  }
.Ltmp0:
0x4c: {  	_ = 	snop;
	(pc) =	sbr.rel @p0 .LBB2_2-.Ltmp0, $4  }
0x4d: {  	_ = 	snop  }
0x4e: {  	s14 =	sadd.s32 $0x200, s14  }
0x4f: {  	_ =	swait.ge [sflag:s9], $0x80  }
0x50: {  	[sflag:s9] =	ssyncset.done $0x0  }
0x51: {  	[sflag:s9] =	ssyncadd.s32 $0xFFFFFF80  }
0x52: {  	[bflag:$0x0] =	sbarrier.arrive $0xFFFF  }
0x53: {  	[tilespmem:s8], [sflag:$0x1] =	stream.linear.gather [spmem:s4], $0x280, $0x38;
	[tilespmem:$0x2D80] =	vst v63  }
0x54: {  	s13 =	sadd.s32 $0x1, s13;
	_ =	swait.ge [sflag:s9], $0x280  }
0x55: {  	p0 =	sne.s32 s13, s7;
	[sflag:s9] =	ssyncset.done $0x0  }
.Ltmp1:
0x56: {  	[sflag:s9] =	ssyncadd.s32 $0xFFFFFD80;
	(pc) =	sbr.rel @p0 .LBB2_1-.Ltmp1, $4  }
0x57: {  	[hbm4b:s6+s10] =	stream.strided.scatter [tilespmem:s8], [sflag:$0x1], $0x280, s12, s10, $0x38;
	[tilespmem:$0x2D80] =	vst v63  }
0x58: {  	_ =	swait.ge [sflag:s9], $0x280  }
0x59: {  	[sflag:s9] =	ssyncset.done $0x0  }
0x5a: {  	[sflag:s9] =	ssyncadd.s32 $0xFFFFFD80  }
0x5b: {  	_ =	sfence.sel $0x180000  }
0x5c: {  	[bflag:$0x0] =	sbarrier.arrive $0xFFFF  }
0x5d: {  	p0 =	sne.s32 s1, $0x0;
	_ =	strace $0x90000047  }
0x5e: {  	s0 =	sadd.s32 @!p0 $0x100000, s0;
	[bflag:$0x2] =	sbarrier.arrive $0xFFFF  }
0x5f: {  	[sflag:s0] =	ssyncadd.tile.s32 @!p0 $0x1;
	_ =	shalt  }
.Lfunc_end2:
_tile_overlayer_lowered:
.L_overlay_start_2:
0x60: {  	(tag) =	ssettag $0x2  }
0x61: {  	s0 =	rddreg [dreg:$0x0];
	s2 =	stileid.u32  }
0x62: {  	s1 =	rddreg [dreg:$0x1];
	p0 =	sne.s32 s2, $0x0  }
0x63: {  	s3 =	rddreg [dreg:$0x2];
	[bflag:$0x3] =	sbarrier.arrive $0xFFFF;
	s2 =	simm.s32 @!p0 $0x1C01  }
0x64: {  	[timem:s3], [sflag:s2] =	dma.local @!p0 [hbm:s0], s1  }
0x65: {  	s0 =	simm.s32 @!p0 $0x1  }
0x66: {  	_ =	swait.ge @!p0 [sflag:s0], s1  }
0x67: {  	s1 =	ssub.s32 @!p0 $0x0, s1;
	[sflag:s0] =	ssyncset.done @!p0 $0x0  }
0x68: {  	[sflag:s0] =	ssyncadd.s32 @!p0 s1  }
0x69: {  	[bflag:$0x3] =	sbarrier.arrive $0xFFFF  }
0x6a: {  	_ =	shalt  }

</sc_bundles>
